<compile_context>
chip_gen: v7x
topology: tpu7x:2x2x1
jax: 0.10.2.dev20260603
libtpu: 0.0.44.dev20260713+nightly
codegen_flags: <defaults>
</compile_context>

<pallas_src>
import jax
import jax.numpy as jnp
from jax import lax
from jax.experimental import pallas as pl
from jax.experimental.pallas import tpu as pltpu
from jax.experimental.pallas import tpu_sc as plsc

N = 10000
E = 320000
D = 128
G = 64

NC = 2
NS = 16
NW = NC * NS
CH = 128
KJ = 80
EP = NW * KJ * CH
NACC = 10240
RPS = NACC // NS
DW = 16

_sc_mesh = plsc.VectorSubcoreMesh(core_axis_name="c", subcore_axis_name="s")


def _sc_deg_body(dst_hbm, out_hbm, acc1d, dst_buf, ones_v, tmp_v, sem):
    c = lax.axis_index("c")
    s = lax.axis_index("s")
    w = c * NS + s

    def ztmp(i, carry):
        tmp_v[pl.ds(i * 16, 16)] = jnp.zeros((16,), jnp.float32)
        return carry

    lax.fori_loop(0, RPS // 16, ztmp, 0)
    pltpu.sync_copy(tmp_v, acc1d.at[pl.ds(s * RPS, RPS)])
    pltpu.sync_copy(dst_hbm.at[pl.ds(w * KJ, KJ)], dst_buf)

    def fill_ones(i, carry):
        ones_v[pl.ds(i * 16, 16)] = jnp.ones((16,), jnp.float32)
        return carry

    lax.fori_loop(0, CH // 16, fill_ones, 0)
    plsc.subcore_barrier()

    def body(jj, carry):
        j0 = jj * 8
        for b in range(8):
            pltpu.async_copy(ones_v, acc1d.at[dst_buf.at[j0 + b]], sem, add=True)
        for b in range(8):
            pltpu.make_async_copy(ones_v, acc1d.at[dst_buf.at[j0 + b]], sem).wait()
        return carry

    lax.fori_loop(0, KJ // 8, body, 0)
    plsc.subcore_barrier()
    pltpu.sync_copy(acc1d.at[pl.ds(s * RPS, RPS)], tmp_v)
    pltpu.sync_copy(tmp_v, out_hbm.at[pl.ds(c * NACC + s * RPS, RPS)])


_deg_call = pl.kernel(
    _sc_deg_body,
    out_type=jax.ShapeDtypeStruct((NC * NACC,), jnp.float32),
    mesh=_sc_mesh,
    scratch_types=[
        pltpu.VMEM_SHARED((NACC,), jnp.float32),
        pltpu.VMEM((KJ, CH), jnp.int32),
        pltpu.VMEM((CH,), jnp.float32),
        pltpu.VMEM((RPS,), jnp.float32),
        pltpu.SemaphoreType.DMA,
    ],
)


NB = 2
CHA = 64
KJA = EP // (NW * CHA)
HK = KJA // 2


def _sc_agg_body(src_hbm, dst_hbm, g_hbm, out_hbm,
                 acc, src_buf, dst_buf, rows0, rows1,
                 sg0, sg1, ss0, ss1):
    c = lax.axis_index("c")
    s = lax.axis_index("s")
    w = c * NS + s

    def zrow(i, carry):
        rows0[i, pl.ds(0, 16)] = jnp.zeros((16,), jnp.float32)
        for b in range(1, D // 16):
            rows0[i, pl.ds(b * 16, 16)] = jnp.zeros((16,), jnp.float32)
        return carry

    lax.fori_loop(0, CHA, zrow, 0)
    for k in range(RPS // CHA):
        pltpu.sync_copy(rows0, acc.at[pl.ds(s * RPS + k * CHA, CHA)])
    rows = (rows0, rows1)
    sgs = (sg0, sg1)
    sss = (ss0, ss1)
    for phase in range(KJA // HK):
        base_j = w * KJA + phase * HK
        pltpu.sync_copy(src_hbm.at[pl.ds(base_j, HK)], src_buf)
        pltpu.sync_copy(dst_hbm.at[pl.ds(base_j, HK)], dst_buf)
        if phase == 0:
            plsc.subcore_barrier()
        for b in range(NB):
            pltpu.async_copy(g_hbm.at[src_buf.at[b]], rows[b], sgs[b])

        def body(jj, carry):
            j0 = jj * NB
            for b in range(NB):
                jb = j0 + b
                pltpu.make_async_copy(g_hbm.at[src_buf.at[jb]], rows[b], sgs[b]).wait()
                pltpu.async_copy(rows[b], acc.at[dst_buf.at[jb]], sss[b], add=True)
            for b in range(NB):
                jb = j0 + b
                pltpu.make_async_copy(rows[b], acc.at[dst_buf.at[jb]], sss[b]).wait()

                @pl.when(jb + NB < HK)
                def _():
                    pltpu.async_copy(g_hbm.at[src_buf.at[jb + NB]], rows[b], sgs[b])

            return carry

        lax.fori_loop(0, HK // NB, body, 0)
    plsc.subcore_barrier()
    for k in range(RPS // CHA):
        base = s * RPS + k * CHA
        pltpu.sync_copy(acc.at[pl.ds(base, CHA)], rows0)
        pltpu.sync_copy(rows0, out_hbm.at[c, pl.ds(base, CHA)])


_agg_call = pl.kernel(
    _sc_agg_body,
    out_type=jax.ShapeDtypeStruct((NC, NACC, D), jnp.float32),
    mesh=_sc_mesh,
    scratch_types=[
        pltpu.VMEM_SHARED((NACC, D), jnp.float32),
        pltpu.VMEM((HK, CHA), jnp.int32),
        pltpu.VMEM((HK, CHA), jnp.int32),
        pltpu.VMEM((CHA, D), jnp.float32),
        pltpu.VMEM((CHA, D), jnp.float32),
        pltpu.SemaphoreType.DMA,
        pltpu.SemaphoreType.DMA,
        pltpu.SemaphoreType.DMA,
        pltpu.SemaphoreType.DMA,
    ],
)


BLK = 1000


def _tc1_body(degp_ref, x_ref, w1_ref, g1_ref):
    deg = degp_ref[0, :, 0:1] + degp_ref[1, :, 0:1] + 1.0
    dis = lax.rsqrt(deg)
    g1_ref[...] = jnp.dot(x_ref[...], w1_ref[...],
                          preferred_element_type=jnp.float32) * dis


def _tc1(degp, x, W1):
    return pl.pallas_call(
        _tc1_body,
        grid=(N // BLK,),
        in_specs=[
            pl.BlockSpec((NC, BLK, 1), lambda i: (0, i, 0)),
            pl.BlockSpec((BLK, D), lambda i: (i, 0)),
            pl.BlockSpec((D, D), lambda i: (0, 0)),
        ],
        out_specs=pl.BlockSpec((BLK, D), lambda i: (i, 0)),
        out_shape=jax.ShapeDtypeStruct((N, D), jnp.float32),
    )(degp, x, W1)


def _tc2_body(degp_ref, ap_ref, g1_ref, w2_ref, b1_ref, g2_ref):
    deg = degp_ref[0, :, 0:1] + degp_ref[1, :, 0:1] + 1.0
    dis = lax.rsqrt(deg)
    h1 = jnp.maximum((ap_ref[0] + ap_ref[1] + g1_ref[...]) * dis + b1_ref[...], 0.0)
    g2_ref[...] = jnp.dot(h1, w2_ref[...],
                          preferred_element_type=jnp.float32) * dis


def _tc2(degp, a1, g1, W2, b1):
    return pl.pallas_call(
        _tc2_body,
        grid=(N // BLK,),
        in_specs=[
            pl.BlockSpec((NC, BLK, 1), lambda i: (0, i, 0)),
            pl.BlockSpec((NC, BLK, D), lambda i: (0, i, 0)),
            pl.BlockSpec((BLK, D), lambda i: (i, 0)),
            pl.BlockSpec((D, D), lambda i: (0, 0)),
            pl.BlockSpec((1, D), lambda i: (0, 0)),
        ],
        out_specs=pl.BlockSpec((BLK, D), lambda i: (i, 0)),
        out_shape=jax.ShapeDtypeStruct((N, D), jnp.float32),
    )(degp, a1, g1, W2, b1)


def _tc3_body(degp_ref, ap_ref, g2_ref, b2_ref, gam_ref, bet_ref, batch_ref,
              wm1_ref, bm1_ref, wm2_ref, bm2_ref, out_ref):
    deg = degp_ref[0, :N, 0:1] + degp_ref[1, :N, 0:1] + 1.0
    dis = lax.rsqrt(deg)
    h2 = (ap_ref[0, :N] + ap_ref[1, :N] + g2_ref[...]) * dis + b2_ref[...]
    mean = jnp.mean(h2, axis=0, keepdims=True)
    var = jnp.mean((h2 - mean) ** 2, axis=0, keepdims=True)
    hb = (h2 - mean) * lax.rsqrt(var + 1e-5) * gam_ref[...] + bet_ref[...]
    ohT = (jax.lax.broadcasted_iota(jnp.int32, (G, N), 0)
           == batch_ref[...]).astype(jnp.float32)
    sums = jnp.dot(ohT, hb, preferred_element_type=jnp.float32)
    counts = jnp.sum(ohT, axis=1, keepdims=True)
    pooled = sums / jnp.maximum(counts, 1.0)
    z = jnp.maximum(jnp.dot(pooled, wm1_ref[...],
                            preferred_element_type=jnp.float32) + bm1_ref[...], 0.0)
    out_ref[...] = jnp.dot(z, wm2_ref[...],
                           preferred_element_type=jnp.float32) + bm2_ref[...]


def _tc3(degp, a2, g2, b2, gamma, beta, batch_row, Wm1, bm1, Wm2, bm2):
    return pl.pallas_call(
        _tc3_body,
        in_specs=[
            pl.BlockSpec((NC, NACC, 1), lambda: (0, 0, 0)),
            pl.BlockSpec((NC, NACC, D), lambda: (0, 0, 0)),
            pl.BlockSpec((N, D), lambda: (0, 0)),
            pl.BlockSpec((1, D), lambda: (0, 0)),
            pl.BlockSpec((1, D), lambda: (0, 0)),
            pl.BlockSpec((1, D), lambda: (0, 0)),
            pl.BlockSpec((1, N), lambda: (0, 0)),
            pl.BlockSpec((D, D), lambda: (0, 0)),
            pl.BlockSpec((1, D), lambda: (0, 0)),
            pl.BlockSpec((D, 1), lambda: (0, 0)),
            pl.BlockSpec((1, 1), lambda: (0, 0)),
        ],
        out_specs=pl.BlockSpec((G, 1), lambda: (0, 0)),
        out_shape=jax.ShapeDtypeStruct((G, 1), jnp.float32),
    )(degp, a2, g2, b2, gamma, beta, batch_row, Wm1, bm1, Wm2, bm2)


def kernel(x, edge_index, batch, W1, b1, W2, b2, gamma, beta, Wm1, bm1, Wm2, bm2):
    src = edge_index[0]
    dst = edge_index[1]
    pad = EP - E
    ar = jnp.arange(pad, dtype=jnp.int32)
    pad_src = ar % N
    pad_dst = N + (ar % (NACC - N))
    srcp = jnp.concatenate([src, pad_src]).reshape(NW * KJ, CH)
    dstp = jnp.concatenate([dst, pad_dst]).reshape(NW * KJ, CH)
    srcp64 = srcp.reshape(NW * KJA, CHA)
    dstp64 = dstp.reshape(NW * KJA, CHA)
    degp = _deg_call(dstp).reshape(NC, NACC, 1)
    g1 = _tc1(degp, x, W1)
    a1 = _agg_call(srcp64, dstp64, g1)
    g2 = _tc2(degp, a1, g1, W2, b1.reshape(1, D))
    a2 = _agg_call(srcp64, dstp64, g2)
    return _tc3(degp, a2, g2, b2.reshape(1, D), gamma.reshape(1, D),
                beta.reshape(1, D), batch.reshape(1, N), Wm1,
                bm1.reshape(1, D), Wm2, bm2.reshape(1, 1))

# --- scband reference (transcript-rebuilt; emitter-appended) ---
"""Pipeline reference for scband-energy-prediction-gcn-25572235280413 (READ-ONLY COPY).

The authoritative reference and input builder live on the scoring server;
editing this copy changes nothing except your own understanding.
"""

import jax, jax.numpy as jnp
import numpy as np

N = 10000
E = 320000
D = 128
H = 128
G = 64


def setup_inputs(seed: int = 0) -> dict:
    key = jax.random.key(seed)
    ks = jax.random.split(key, 12)
    x = jax.random.normal(ks[0], (N, D), dtype=jnp.float32)
    edge_index = jax.random.randint(ks[1], (2, E), 0, N, dtype=jnp.int32)
    batch = jnp.sort(jax.random.randint(ks[2], (N,), 0, G, dtype=jnp.int32))
    s1 = (2.0 / (D + H)) ** 0.5
    s2 = (2.0 / (H + H)) ** 0.5
    s3 = (2.0 / (H + 1)) ** 0.5
    W1 = jax.random.normal(ks[3], (D, H), dtype=jnp.float32) * s1
    b1 = jnp.zeros((H,), dtype=jnp.float32)
    W2 = jax.random.normal(ks[4], (H, H), dtype=jnp.float32) * s2
    b2 = jnp.zeros((H,), dtype=jnp.float32)
    gamma = jnp.ones((H,), dtype=jnp.float32)
    beta = jnp.zeros((H,), dtype=jnp.float32)
    Wm1 = jax.random.normal(ks[5], (H, H), dtype=jnp.float32) * s2
    bm1 = jnp.zeros((H,), dtype=jnp.float32)
    Wm2 = jax.random.normal(ks[6], (H, 1), dtype=jnp.float32) * s3
    bm2 = jnp.zeros((1,), dtype=jnp.float32)
    return {"x": x, "edge_index": edge_index, "batch": batch,
            "W1": W1, "b1": b1, "W2": W2, "b2": b2,
            "gamma": gamma, "beta": beta,
            "Wm1": Wm1, "bm1": bm1, "Wm2": Wm2, "bm2": bm2}


def _gcn_conv(x, ei, W, b):
    # PyG GCNConv: add self-loops, symmetric normalization, x @ W then aggregate
    h = x @ W
    src = ei[0]
    dst = ei[1]
    ones = jnp.ones((ei.shape[1],), dtype=x.dtype)
    deg = jax.ops.segment_sum(ones, dst, num_segments=N)
    dis = jnp.where(deg > 0, jax.lax.rsqrt(jnp.maximum(deg, 1e-12)), 0.0)
    norm = dis[src] * dis[dst]
    msgs = h[src] * norm[:, None]
    out = jax.ops.segment_sum(msgs, dst, num_segments=N)
    return out + b


def reference(x, edge_index, batch, W1, b1, W2, b2, gamma, beta, Wm1, bm1, Wm2, bm2):
    ar = jnp.arange(N, dtype=edge_index.dtype)
    ei = jnp.concatenate([edge_index, jnp.stack([ar, ar])], axis=1)
    h = _gcn_conv(x, ei, W1, b1)
    h = jax.nn.relu(h)
    h = _gcn_conv(h, ei, W2, b2)
    # BatchNorm1d in training mode: biased batch statistics over node dim
    mean = jnp.mean(h, axis=0)
    var = jnp.mean((h - mean) ** 2, axis=0)
    h = (h - mean) * jax.lax.rsqrt(var + 1e-5) * gamma + beta
    # global_mean_pool over graphs
    sums = jax.ops.segment_sum(h, batch, num_segments=G)
    counts = jax.ops.segment_sum(jnp.ones((N,), dtype=h.dtype), batch, num_segments=G)
    pooled = sums / jnp.maximum(counts, 1.0)[:, None]
    z = jax.nn.relu(pooled @ Wm1 + bm1)
    energy_pred = z @ Wm2 + bm2
    return energy_pred

if __name__ == "__main__":
    import jax
    _d = setup_inputs()
    print(jax.jit(kernel)(*tuple(_d.values())))

</pallas_src>

<mosaic_0001>
#map = affine_map<(d0, d1) -> (0, 0)>
#map1 = affine_map<(d0, d1) -> (0, 0, 0)>
module attributes {stable_mosaic.version = 14 : i64} {
  func.func @_sc_agg_body(%arg0: i32, %arg1: i32, %arg2: memref<5120x64xi32, #tpu.memory_space<hbm>>, %arg3: memref<5120x64xi32, #tpu.memory_space<hbm>>, %arg4: memref<10000x128xf32, #tpu.memory_space<hbm>>, %arg5: memref<2x10240x128xf32, #tpu.memory_space<hbm>>, %arg6: memref<10240x128xf32, #tpu.memory_space<vmem_shared>>, %arg7: memref<80x64xi32, #tpu.memory_space<vmem>>, %arg8: memref<80x64xi32, #tpu.memory_space<vmem>>, %arg9: memref<64x128xf32, #tpu.memory_space<vmem>>, %arg10: memref<64x128xf32, #tpu.memory_space<vmem>>, %arg11: memref<!tpu.dma_semaphore, #tpu.memory_space<semaphore_mem>>, %arg12: memref<!tpu.dma_semaphore, #tpu.memory_space<semaphore_mem>>, %arg13: memref<!tpu.dma_semaphore, #tpu.memory_space<semaphore_mem>>, %arg14: memref<!tpu.dma_semaphore, #tpu.memory_space<semaphore_mem>>) attributes {dimension_semantics = [#tpu.dimension_semantics<core_parallel>, #tpu.dimension_semantics<subcore_parallel>], iteration_bounds = array<i64: 2, 16>, scalar_prefetch = 0 : i64, scratch_operands = 9 : i64, tpu.core_type = #tpu.core_type<sc_vector_subcore>, window_params = [{transform_indices = #map}, {transform_indices = #map}, {transform_indices = #map}, {transform_indices = #map1}]} {
    %mul3A = arith.constant 16 : i32
    %mul3A_0 = arith.muli %arg0, %mul3A : i32
    %add3A = arith.addi %mul3A_0, %arg1 : i32
    %scan3A = arith.constant 0 : i32
    %scan3A_1 = arith.constant 0 : i32
    %scan3A_2 = arith.constant 64 : i32
    %scan3A_3 = arith.addi %scan3A_1, %scan3A_2 : i32
    %scan3A_4 = arith.constant 1 : i32
    scf.for %scan3A_134 = %scan3A_1 to %scan3A_3 step %scan3A_4  : i32 {
      %broadcast_in_dim3A = arith.constant 0.000000e+00 : f32
      %broadcast_in_dim3A_135 = vector.broadcast %broadcast_in_dim3A : f32 to vector<16xf32>
      %swap3A = arith.index_cast %scan3A_134 : i32 to index
      %swap3A_136 = arith.constant 0 : index
      %swap3A_137 = tpu.vector_load %arg9[%swap3A, %swap3A_136] {strides = array<i32>} : memref<64x128xf32, #tpu.memory_space<vmem>>, vector<1x16xf32>,
      %swap3A_138 = vector.shape_cast %swap3A_137 : vector<1x16xf32> to vector<16xf32>
      %swap3A_139 = vector.shape_cast %broadcast_in_dim3A_135 : vector<16xf32> to vector<1x16xf32>
      tpu.vector_store %arg9[%swap3A, %swap3A_136], %swap3A_139 {strides = array<i32>} : memref<64x128xf32, #tpu.memory_space<vmem>>, vector<1x16xf32>,
      %broadcast_in_dim3A_140 = arith.constant 0.000000e+00 : f32
      %broadcast_in_dim3A_141 = vector.broadcast %broadcast_in_dim3A_140 : f32 to vector<16xf32>
      %swap3A_142 = arith.index_cast %scan3A_134 : i32 to index
      %swap3A_143 = arith.constant 16 : index
      %swap3A_144 = tpu.vector_load %arg9[%swap3A_142, %swap3A_143] {strides = array<i32>} : memref<64x128xf32, #tpu.memory_space<vmem>>, vector<1x16xf32>,
      %swap3A_145 = vector.shape_cast %swap3A_144 : vector<1x16xf32> to vector<16xf32>
      %swap3A_146 = vector.shape_cast %broadcast_in_dim3A_141 : vector<16xf32> to vector<1x16xf32>
      tpu.vector_store %arg9[%swap3A_142, %swap3A_143], %swap3A_146 {strides = array<i32>} : memref<64x128xf32, #tpu.memory_space<vmem>>, vector<1x16xf32>,
      %broadcast_in_dim3A_147 = arith.constant 0.000000e+00 : f32
      %broadcast_in_dim3A_148 = vector.broadcast %broadcast_in_dim3A_147 : f32 to vector<16xf32>
      %swap3A_149 = arith.index_cast %scan3A_134 : i32 to index
      %swap3A_150 = arith.constant 32 : index
      %swap3A_151 = tpu.vector_load %arg9[%swap3A_149, %swap3A_150] {strides = array<i32>} : memref<64x128xf32, #tpu.memory_space<vmem>>, vector<1x16xf32>,
      %swap3A_152 = vector.shape_cast %swap3A_151 : vector<1x16xf32> to vector<16xf32>
      %swap3A_153 = vector.shape_cast %broadcast_in_dim3A_148 : vector<16xf32> to vector<1x16xf32>
      tpu.vector_store %arg9[%swap3A_149, %swap3A_150], %swap3A_153 {strides = array<i32>} : memref<64x128xf32, #tpu.memory_space<vmem>>, vector<1x16xf32>,
      %broadcast_in_dim3A_154 = arith.constant 0.000000e+00 : f32
      %broadcast_in_dim3A_155 = vector.broadcast %broadcast_in_dim3A_154 : f32 to vector<16xf32>
      %swap3A_156 = arith.index_cast %scan3A_134 : i32 to index
      %swap3A_157 = arith.constant 48 : index
      %swap3A_158 = tpu.vector_load %arg9[%swap3A_156, %swap3A_157] {strides = array<i32>} : memref<64x128xf32, #tpu.memory_space<vmem>>, vector<1x16xf32>,
      %swap3A_159 = vector.shape_cast %swap3A_158 : vector<1x16xf32> to vector<16xf32>
      %swap3A_160 = vector.shape_cast %broadcast_in_dim3A_155 : vector<16xf32> to vector<1x16xf32>
      tpu.vector_store %arg9[%swap3A_156, %swap3A_157], %swap3A_160 {strides = array<i32>} : memref<64x128xf32, #tpu.memory_space<vmem>>, vector<1x16xf32>,
      %broadcast_in_dim3A_161 = arith.constant 0.000000e+00 : f32
      %broadcast_in_dim3A_162 = vector.broadcast %broadcast_in_dim3A_161 : f32 to vector<16xf32>
      %swap3A_163 = arith.index_cast %scan3A_134 : i32 to index
      %swap3A_164 = arith.constant 64 : index
      %swap3A_165 = tpu.vector_load %arg9[%swap3A_163, %swap3A_164] {strides = array<i32>} : memref<64x128xf32, #tpu.memory_space<vmem>>, vector<1x16xf32>,
      %swap3A_166 = vector.shape_cast %swap3A_165 : vector<1x16xf32> to vector<16xf32>
      %swap3A_167 = vector.shape_cast %broadcast_in_dim3A_162 : vector<16xf32> to vector<1x16xf32>
      tpu.vector_store %arg9[%swap3A_163, %swap3A_164], %swap3A_167 {strides = array<i32>} : memref<64x128xf32, #tpu.memory_space<vmem>>, vector<1x16xf32>,
      %broadcast_in_dim3A_168 = arith.constant 0.000000e+00 : f32
      %broadcast_in_dim3A_169 = vector.broadcast %broadcast_in_dim3A_168 : f32 to vector<16xf32>
      %swap3A_170 = arith.index_cast %scan3A_134 : i32 to index
      %swap3A_171 = arith.constant 80 : index
      %swap3A_172 = tpu.vector_load %arg9[%swap3A_170, %swap3A_171] {strides = array<i32>} : memref<64x128xf32, #tpu.memory_space<vmem>>, vector<1x16xf32>,
      %swap3A_173 = vector.shape_cast %swap3A_172 : vector<1x16xf32> to vector<16xf32>
      %swap3A_174 = vector.shape_cast %broadcast_in_dim3A_169 : vector<16xf32> to vector<1x16xf32>
      tpu.vector_store %arg9[%swap3A_170, %swap3A_171], %swap3A_174 {strides = array<i32>} : memref<64x128xf32, #tpu.memory_space<vmem>>, vector<1x16xf32>,
      %broadcast_in_dim3A_175 = arith.constant 0.000000e+00 : f32
      %broadcast_in_dim3A_176 = vector.broadcast %broadcast_in_dim3A_175 : f32 to vector<16xf32>
      %swap3A_177 = arith.index_cast %scan3A_134 : i32 to index
      %swap3A_178 = arith.constant 96 : index
      %swap3A_179 = tpu.vector_load %arg9[%swap3A_177, %swap3A_178] {strides = array<i32>} : memref<64x128xf32, #tpu.memory_space<vmem>>, vector<1x16xf32>,
      %swap3A_180 = vector.shape_cast %swap3A_179 : vector<1x16xf32> to vector<16xf32>
      %swap3A_181 = vector.shape_cast %broadcast_in_dim3A_176 : vector<16xf32> to vector<1x16xf32>
      tpu.vector_store %arg9[%swap3A_177, %swap3A_178], %swap3A_181 {strides = array<i32>} : memref<64x128xf32, #tpu.memory_space<vmem>>, vector<1x16xf32>,
      %broadcast_in_dim3A_182 = arith.constant 0.000000e+00 : f32
      %broadcast_in_dim3A_183 = vector.broadcast %broadcast_in_dim3A_182 : f32 to vector<16xf32>
      %swap3A_184 = arith.index_cast %scan3A_134 : i32 to index
      %swap3A_185 = arith.constant 112 : index
      %swap3A_186 = tpu.vector_load %arg9[%swap3A_184, %swap3A_185] {strides = array<i32>} : memref<64x128xf32, #tpu.memory_space<vmem>>, vector<1x16xf32>,
      %swap3A_187 = vector.shape_cast %swap3A_186 : vector<1x16xf32> to vector<16xf32>
      %swap3A_188 = vector.shape_cast %broadcast_in_dim3A_183 : vector<16xf32> to vector<1x16xf32>
      tpu.vector_store %arg9[%swap3A_184, %swap3A_185], %swap3A_188 {strides = array<i32>} : memref<64x128xf32, #tpu.memory_space<vmem>>, vector<1x16xf32>,
    }
    %scan3A_5 = arith.constant 64 : i32
    %mul3A_6 = arith.constant 640 : i32
    %mul3A_7 = arith.muli %arg1, %mul3A_6 : i32
    %add3A_8 = arith.constant 0 : i32
    %add3A_9 = arith.addi %mul3A_7, %add3A_8 : i32
    "tpu.region"() ({
      %run_scoped3A = tpu.sem_alloc : memref<!tpu.dma_semaphore, #tpu.memory_space<semaphore_mem>>
      %dma_start3A_134 = arith.constant 0 : i32
      %dma_start3A_135 = tpu.memref_slice %arg6[%add3A_9, %dma_start3A_134] : memref<10240x128xf32, #tpu.memory_space<vmem_shared>> -> memref<64x128xf32, #tpu.memory_space<vmem_shared>>
      %dma_start3A_136 = arith.constant 0 : i32
      %dma_start3A_137 = tpu.memref_slice %arg6[%add3A_9, %dma_start3A_136] : memref<10240x128xf32, #tpu.memory_space<vmem_shared>> -> memref<64x128xf32, #tpu.memory_space<vmem_shared>>
      tpu.enqueue_dma source(%arg9 : memref<64x128xf32, #tpu.memory_space<vmem>>) target(%dma_start3A_137 : memref<64x128xf32, #tpu.memory_space<vmem_shared>>) target_semaphore(%run_scoped3A : memref<!tpu.dma_semaphore, #tpu.memory_space<semaphore_mem>>)
      %dma_wait3A = arith.constant 0 : i32
      %dma_wait3A_138 = tpu.memref_slice %arg6[%add3A_9, %dma_wait3A] : memref<10240x128xf32, #tpu.memory_space<vmem_shared>> -> memref<64x128xf32, #tpu.memory_space<vmem_shared>>
      %dma_wait3A_139 = arith.constant 0 : i32
      %dma_wait3A_140 = tpu.memref_slice %arg6[%add3A_9, %dma_wait3A_139] : memref<10240x128xf32, #tpu.memory_space<vmem_shared>> -> memref<64x128xf32, #tpu.memory_space<vmem_shared>>
      tpu.wait_dma2 semaphore(%run_scoped3A : memref<!tpu.dma_semaphore, #tpu.memory_space<semaphore_mem>>) src(%arg9 : memref<64x128xf32, #tpu.memory_space<vmem>>) dst(%dma_wait3A_140 : memref<64x128xf32, #tpu.memory_space<vmem_shared>>)
      tpu.yield
    }) : () -> ()
    %mul3A_10 = arith.constant 640 : i32
    %mul3A_11 = arith.muli %arg1, %mul3A_10 : i32
    %add3A_12 = arith.constant 64 : i32
    %add3A_13 = arith.addi %mul3A_11, %add3A_12 : i32
    "tpu.region"() ({
      %run_scoped3A = tpu.sem_alloc : memref<!tpu.dma_semaphore, #tpu.memory_space<semaphore_mem>>
      %dma_start3A_134 = arith.constant 0 : i32
      %dma_start3A_135 = tpu.memref_slice %arg6[%add3A_13, %dma_start3A_134] : memref<10240x128xf32, #tpu.memory_space<vmem_shared>> -> memref<64x128xf32, #tpu.memory_space<vmem_shared>>
      %dma_start3A_136 = arith.constant 0 : i32
      %dma_start3A_137 = tpu.memref_slice %arg6[%add3A_13, %dma_start3A_136] : memref<10240x128xf32, #tpu.memory_space<vmem_shared>> -> memref<64x128xf32, #tpu.memory_space<vmem_shared>>
      tpu.enqueue_dma source(%arg9 : memref<64x128xf32, #tpu.memory_space<vmem>>) target(%dma_start3A_137 : memref<64x128xf32, #tpu.memory_space<vmem_shared>>) target_semaphore(%run_scoped3A : memref<!tpu.dma_semaphore, #tpu.memory_space<semaphore_mem>>)
      %dma_wait3A = arith.constant 0 : i32
      %dma_wait3A_138 = tpu.memref_slice %arg6[%add3A_13, %dma_wait3A] : memref<10240x128xf32, #tpu.memory_space<vmem_shared>> -> memref<64x128xf32, #tpu.memory_space<vmem_shared>>
      %dma_wait3A_139 = arith.constant 0 : i32
      %dma_wait3A_140 = tpu.memref_slice %arg6[%add3A_13, %dma_wait3A_139] : memref<10240x128xf32, #tpu.memory_space<vmem_shared>> -> memref<64x128xf32, #tpu.memory_space<vmem_shared>>
      tpu.wait_dma2 semaphore(%run_scoped3A : memref<!tpu.dma_semaphore, #tpu.memory_space<semaphore_mem>>) src(%arg9 : memref<64x128xf32, #tpu.memory_space<vmem>>) dst(%dma_wait3A_140 : memref<64x128xf32, #tpu.memory_space<vmem_shared>>)
      tpu.yield
    }) : () -> ()
    %mul3A_14 = arith.constant 640 : i32
    %mul3A_15 = arith.muli %arg1, %mul3A_14 : i32
    %add3A_16 = arith.constant 128 : i32
    %add3A_17 = arith.addi %mul3A_15, %add3A_16 : i32
    "tpu.region"() ({
      %run_scoped3A = tpu.sem_alloc : memref<!tpu.dma_semaphore, #tpu.memory_space<semaphore_mem>>
      %dma_start3A_134 = arith.constant 0 : i32
      %dma_start3A_135 = tpu.memref_slice %arg6[%add3A_17, %dma_start3A_134] : memref<10240x128xf32, #tpu.memory_space<vmem_shared>> -> memref<64x128xf32, #tpu.memory_space<vmem_shared>>
      %dma_start3A_136 = arith.constant 0 : i32
      %dma_start3A_137 = tpu.memref_slice %arg6[%add3A_17, %dma_start3A_136] : memref<10240x128xf32, #tpu.memory_space<vmem_shared>> -> memref<64x128xf32, #tpu.memory_space<vmem_shared>>
      tpu.enqueue_dma source(%arg9 : memref<64x128xf32, #tpu.memory_space<vmem>>) target(%dma_start3A_137 : memref<64x128xf32, #tpu.memory_space<vmem_shared>>) target_semaphore(%run_scoped3A : memref<!tpu.dma_semaphore, #tpu.memory_space<semaphore_mem>>)
      %dma_wait3A = arith.constant 0 : i32
      %dma_wait3A_138 = tpu.memref_slice %arg6[%add3A_17, %dma_wait3A] : memref<10240x128xf32, #tpu.memory_space<vmem_shared>> -> memref<64x128xf32, #tpu.memory_space<vmem_shared>>
      %dma_wait3A_139 = arith.constant 0 : i32
      %dma_wait3A_140 = tpu.memref_slice %arg6[%add3A_17, %dma_wait3A_139] : memref<10240x128xf32, #tpu.memory_space<vmem_shared>> -> memref<64x128xf32, #tpu.memory_space<vmem_shared>>
      tpu.wait_dma2 semaphore(%run_scoped3A : memref<!tpu.dma_semaphore, #tpu.memory_space<semaphore_mem>>) src(%arg9 : memref<64x128xf32, #tpu.memory_space<vmem>>) dst(%dma_wait3A_140 : memref<64x128xf32, #tpu.memory_space<vmem_shared>>)
      tpu.yield
    }) : () -> ()
    %mul3A_18 = arith.constant 640 : i32
    %mul3A_19 = arith.muli %arg1, %mul3A_18 : i32
    %add3A_20 = arith.constant 192 : i32
    %add3A_21 = arith.addi %mul3A_19, %add3A_20 : i32
    "tpu.region"() ({
      %run_scoped3A = tpu.sem_alloc : memref<!tpu.dma_semaphore, #tpu.memory_space<semaphore_mem>>
      %dma_start3A_134 = arith.constant 0 : i32
      %dma_start3A_135 = tpu.memref_slice %arg6[%add3A_21, %dma_start3A_134] : memref<10240x128xf32, #tpu.memory_space<vmem_shared>> -> memref<64x128xf32, #tpu.memory_space<vmem_shared>>
      %dma_start3A_136 = arith.constant 0 : i32
      %dma_start3A_137 = tpu.memref_slice %arg6[%add3A_21, %dma_start3A_136] : memref<10240x128xf32, #tpu.memory_space<vmem_shared>> -> memref<64x128xf32, #tpu.memory_space<vmem_shared>>
      tpu.enqueue_dma source(%arg9 : memref<64x128xf32, #tpu.memory_space<vmem>>) target(%dma_start3A_137 : memref<64x128xf32, #tpu.memory_space<vmem_shared>>) target_semaphore(%run_scoped3A : memref<!tpu.dma_semaphore, #tpu.memory_space<semaphore_mem>>)
      %dma_wait3A = arith.constant 0 : i32
      %dma_wait3A_138 = tpu.memref_slice %arg6[%add3A_21, %dma_wait3A] : memref<10240x128xf32, #tpu.memory_space<vmem_shared>> -> memref<64x128xf32, #tpu.memory_space<vmem_shared>>
      %dma_wait3A_139 = arith.constant 0 : i32
      %dma_wait3A_140 = tpu.memref_slice %arg6[%add3A_21, %dma_wait3A_139] : memref<10240x128xf32, #tpu.memory_space<vmem_shared>> -> memref<64x128xf32, #tpu.memory_space<vmem_shared>>
      tpu.wait_dma2 semaphore(%run_scoped3A : memref<!tpu.dma_semaphore, #tpu.memory_space<semaphore_mem>>) src(%arg9 : memref<64x128xf32, #tpu.memory_space<vmem>>) dst(%dma_wait3A_140 : memref<64x128xf32, #tpu.memory_space<vmem_shared>>)
      tpu.yield
    }) : () -> ()
    %mul3A_22 = arith.constant 640 : i32
    %mul3A_23 = arith.muli %arg1, %mul3A_22 : i32
    %add3A_24 = arith.constant 256 : i32
    %add3A_25 = arith.addi %mul3A_23, %add3A_24 : i32
    "tpu.region"() ({
      %run_scoped3A = tpu.sem_alloc : memref<!tpu.dma_semaphore, #tpu.memory_space<semaphore_mem>>
      %dma_start3A_134 = arith.constant 0 : i32
      %dma_start3A_135 = tpu.memref_slice %arg6[%add3A_25, %dma_start3A_134] : memref<10240x128xf32, #tpu.memory_space<vmem_shared>> -> memref<64x128xf32, #tpu.memory_space<vmem_shared>>
      %dma_start3A_136 = arith.constant 0 : i32
      %dma_start3A_137 = tpu.memref_slice %arg6[%add3A_25, %dma_start3A_136] : memref<10240x128xf32, #tpu.memory_space<vmem_shared>> -> memref<64x128xf32, #tpu.memory_space<vmem_shared>>
      tpu.enqueue_dma source(%arg9 : memref<64x128xf32, #tpu.memory_space<vmem>>) target(%dma_start3A_137 : memref<64x128xf32, #tpu.memory_space<vmem_shared>>) target_semaphore(%run_scoped3A : memref<!tpu.dma_semaphore, #tpu.memory_space<semaphore_mem>>)
      %dma_wait3A = arith.constant 0 : i32
      %dma_wait3A_138 = tpu.memref_slice %arg6[%add3A_25, %dma_wait3A] : memref<10240x128xf32, #tpu.memory_space<vmem_shared>> -> memref<64x128xf32, #tpu.memory_space<vmem_shared>>
      %dma_wait3A_139 = arith.constant 0 : i32
      %dma_wait3A_140 = tpu.memref_slice %arg6[%add3A_25, %dma_wait3A_139] : memref<10240x128xf32, #tpu.memory_space<vmem_shared>> -> memref<64x128xf32, #tpu.memory_space<vmem_shared>>
      tpu.wait_dma2 semaphore(%run_scoped3A : memref<!tpu.dma_semaphore, #tpu.memory_space<semaphore_mem>>) src(%arg9 : memref<64x128xf32, #tpu.memory_space<vmem>>) dst(%dma_wait3A_140 : memref<64x128xf32, #tpu.memory_space<vmem_shared>>)
      tpu.yield
    }) : () -> ()
    %mul3A_26 = arith.constant 640 : i32
    %mul3A_27 = arith.muli %arg1, %mul3A_26 : i32
    %add3A_28 = arith.constant 320 : i32
    %add3A_29 = arith.addi %mul3A_27, %add3A_28 : i32
    "tpu.region"() ({
      %run_scoped3A = tpu.sem_alloc : memref<!tpu.dma_semaphore, #tpu.memory_space<semaphore_mem>>
      %dma_start3A_134 = arith.constant 0 : i32
      %dma_start3A_135 = tpu.memref_slice %arg6[%add3A_29, %dma_start3A_134] : memref<10240x128xf32, #tpu.memory_space<vmem_shared>> -> memref<64x128xf32, #tpu.memory_space<vmem_shared>>
      %dma_start3A_136 = arith.constant 0 : i32
      %dma_start3A_137 = tpu.memref_slice %arg6[%add3A_29, %dma_start3A_136] : memref<10240x128xf32, #tpu.memory_space<vmem_shared>> -> memref<64x128xf32, #tpu.memory_space<vmem_shared>>
      tpu.enqueue_dma source(%arg9 : memref<64x128xf32, #tpu.memory_space<vmem>>) target(%dma_start3A_137 : memref<64x128xf32, #tpu.memory_space<vmem_shared>>) target_semaphore(%run_scoped3A : memref<!tpu.dma_semaphore, #tpu.memory_space<semaphore_mem>>)
      %dma_wait3A = arith.constant 0 : i32
      %dma_wait3A_138 = tpu.memref_slice %arg6[%add3A_29, %dma_wait3A] : memref<10240x128xf32, #tpu.memory_space<vmem_shared>> -> memref<64x128xf32, #tpu.memory_space<vmem_shared>>
      %dma_wait3A_139 = arith.constant 0 : i32
      %dma_wait3A_140 = tpu.memref_slice %arg6[%add3A_29, %dma_wait3A_139] : memref<10240x128xf32, #tpu.memory_space<vmem_shared>> -> memref<64x128xf32, #tpu.memory_space<vmem_shared>>
      tpu.wait_dma2 semaphore(%run_scoped3A : memref<!tpu.dma_semaphore, #tpu.memory_space<semaphore_mem>>) src(%arg9 : memref<64x128xf32, #tpu.memory_space<vmem>>) dst(%dma_wait3A_140 : memref<64x128xf32, #tpu.memory_space<vmem_shared>>)
      tpu.yield
    }) : () -> ()
    %mul3A_30 = arith.constant 640 : i32
    %mul3A_31 = arith.muli %arg1, %mul3A_30 : i32
    %add3A_32 = arith.constant 384 : i32
    %add3A_33 = arith.addi %mul3A_31, %add3A_32 : i32
    "tpu.region"() ({
      %run_scoped3A = tpu.sem_alloc : memref<!tpu.dma_semaphore, #tpu.memory_space<semaphore_mem>>
      %dma_start3A_134 = arith.constant 0 : i32
      %dma_start3A_135 = tpu.memref_slice %arg6[%add3A_33, %dma_start3A_134] : memref<10240x128xf32, #tpu.memory_space<vmem_shared>> -> memref<64x128xf32, #tpu.memory_space<vmem_shared>>
      %dma_start3A_136 = arith.constant 0 : i32
      %dma_start3A_137 = tpu.memref_slice %arg6[%add3A_33, %dma_start3A_136] : memref<10240x128xf32, #tpu.memory_space<vmem_shared>> -> memref<64x128xf32, #tpu.memory_space<vmem_shared>>
      tpu.enqueue_dma source(%arg9 : memref<64x128xf32, #tpu.memory_space<vmem>>) target(%dma_start3A_137 : memref<64x128xf32, #tpu.memory_space<vmem_shared>>) target_semaphore(%run_scoped3A : memref<!tpu.dma_semaphore, #tpu.memory_space<semaphore_mem>>)
      %dma_wait3A = arith.constant 0 : i32
      %dma_wait3A_138 = tpu.memref_slice %arg6[%add3A_33, %dma_wait3A] : memref<10240x128xf32, #tpu.memory_space<vmem_shared>> -> memref<64x128xf32, #tpu.memory_space<vmem_shared>>
      %dma_wait3A_139 = arith.constant 0 : i32
      %dma_wait3A_140 = tpu.memref_slice %arg6[%add3A_33, %dma_wait3A_139] : memref<10240x128xf32, #tpu.memory_space<vmem_shared>> -> memref<64x128xf32, #tpu.memory_space<vmem_shared>>
      tpu.wait_dma2 semaphore(%run_scoped3A : memref<!tpu.dma_semaphore, #tpu.memory_space<semaphore_mem>>) src(%arg9 : memref<64x128xf32, #tpu.memory_space<vmem>>) dst(%dma_wait3A_140 : memref<64x128xf32, #tpu.memory_space<vmem_shared>>)
      tpu.yield
    }) : () -> ()
    %mul3A_34 = arith.constant 640 : i32
    %mul3A_35 = arith.muli %arg1, %mul3A_34 : i32
    %add3A_36 = arith.constant 448 : i32
    %add3A_37 = arith.addi %mul3A_35, %add3A_36 : i32
    "tpu.region"() ({
      %run_scoped3A = tpu.sem_alloc : memref<!tpu.dma_semaphore, #tpu.memory_space<semaphore_mem>>
      %dma_start3A_134 = arith.constant 0 : i32
      %dma_start3A_135 = tpu.memref_slice %arg6[%add3A_37, %dma_start3A_134] : memref<10240x128xf32, #tpu.memory_space<vmem_shared>> -> memref<64x128xf32, #tpu.memory_space<vmem_shared>>
      %dma_start3A_136 = arith.constant 0 : i32
      %dma_start3A_137 = tpu.memref_slice %arg6[%add3A_37, %dma_start3A_136] : memref<10240x128xf32, #tpu.memory_space<vmem_shared>> -> memref<64x128xf32, #tpu.memory_space<vmem_shared>>
      tpu.enqueue_dma source(%arg9 : memref<64x128xf32, #tpu.memory_space<vmem>>) target(%dma_start3A_137 : memref<64x128xf32, #tpu.memory_space<vmem_shared>>) target_semaphore(%run_scoped3A : memref<!tpu.dma_semaphore, #tpu.memory_space<semaphore_mem>>)
      %dma_wait3A = arith.constant 0 : i32
      %dma_wait3A_138 = tpu.memref_slice %arg6[%add3A_37, %dma_wait3A] : memref<10240x128xf32, #tpu.memory_space<vmem_shared>> -> memref<64x128xf32, #tpu.memory_space<vmem_shared>>
      %dma_wait3A_139 = arith.constant 0 : i32
      %dma_wait3A_140 = tpu.memref_slice %arg6[%add3A_37, %dma_wait3A_139] : memref<10240x128xf32, #tpu.memory_space<vmem_shared>> -> memref<64x128xf32, #tpu.memory_space<vmem_shared>>
      tpu.wait_dma2 semaphore(%run_scoped3A : memref<!tpu.dma_semaphore, #tpu.memory_space<semaphore_mem>>) src(%arg9 : memref<64x128xf32, #tpu.memory_space<vmem>>) dst(%dma_wait3A_140 : memref<64x128xf32, #tpu.memory_space<vmem_shared>>)
      tpu.yield
    }) : () -> ()
    %mul3A_38 = arith.constant 640 : i32
    %mul3A_39 = arith.muli %arg1, %mul3A_38 : i32
    %add3A_40 = arith.constant 512 : i32
    %add3A_41 = arith.addi %mul3A_39, %add3A_40 : i32
    "tpu.region"() ({
      %run_scoped3A = tpu.sem_alloc : memref<!tpu.dma_semaphore, #tpu.memory_space<semaphore_mem>>
      %dma_start3A_134 = arith.constant 0 : i32
      %dma_start3A_135 = tpu.memref_slice %arg6[%add3A_41, %dma_start3A_134] : memref<10240x128xf32, #tpu.memory_space<vmem_shared>> -> memref<64x128xf32, #tpu.memory_space<vmem_shared>>
      %dma_start3A_136 = arith.constant 0 : i32
      %dma_start3A_137 = tpu.memref_slice %arg6[%add3A_41, %dma_start3A_136] : memref<10240x128xf32, #tpu.memory_space<vmem_shared>> -> memref<64x128xf32, #tpu.memory_space<vmem_shared>>
      tpu.enqueue_dma source(%arg9 : memref<64x128xf32, #tpu.memory_space<vmem>>) target(%dma_start3A_137 : memref<64x128xf32, #tpu.memory_space<vmem_shared>>) target_semaphore(%run_scoped3A : memref<!tpu.dma_semaphore, #tpu.memory_space<semaphore_mem>>)
      %dma_wait3A = arith.constant 0 : i32
      %dma_wait3A_138 = tpu.memref_slice %arg6[%add3A_41, %dma_wait3A] : memref<10240x128xf32, #tpu.memory_space<vmem_shared>> -> memref<64x128xf32, #tpu.memory_space<vmem_shared>>
      %dma_wait3A_139 = arith.constant 0 : i32
      %dma_wait3A_140 = tpu.memref_slice %arg6[%add3A_41, %dma_wait3A_139] : memref<10240x128xf32, #tpu.memory_space<vmem_shared>> -> memref<64x128xf32, #tpu.memory_space<vmem_shared>>
      tpu.wait_dma2 semaphore(%run_scoped3A : memref<!tpu.dma_semaphore, #tpu.memory_space<semaphore_mem>>) src(%arg9 : memref<64x128xf32, #tpu.memory_space<vmem>>) dst(%dma_wait3A_140 : memref<64x128xf32, #tpu.memory_space<vmem_shared>>)
      tpu.yield
    }) : () -> ()
    %mul3A_42 = arith.constant 640 : i32
    %mul3A_43 = arith.muli %arg1, %mul3A_42 : i32
    %add3A_44 = arith.constant 576 : i32
    %add3A_45 = arith.addi %mul3A_43, %add3A_44 : i32
    "tpu.region"() ({
      %run_scoped3A = tpu.sem_alloc : memref<!tpu.dma_semaphore, #tpu.memory_space<semaphore_mem>>
      %dma_start3A_134 = arith.constant 0 : i32
      %dma_start3A_135 = tpu.memref_slice %arg6[%add3A_45, %dma_start3A_134] : memref<10240x128xf32, #tpu.memory_space<vmem_shared>> -> memref<64x128xf32, #tpu.memory_space<vmem_shared>>
      %dma_start3A_136 = arith.constant 0 : i32
      %dma_start3A_137 = tpu.memref_slice %arg6[%add3A_45, %dma_start3A_136] : memref<10240x128xf32, #tpu.memory_space<vmem_shared>> -> memref<64x128xf32, #tpu.memory_space<vmem_shared>>
      tpu.enqueue_dma source(%arg9 : memref<64x128xf32, #tpu.memory_space<vmem>>) target(%dma_start3A_137 : memref<64x128xf32, #tpu.memory_space<vmem_shared>>) target_semaphore(%run_scoped3A : memref<!tpu.dma_semaphore, #tpu.memory_space<semaphore_mem>>)
      %dma_wait3A = arith.constant 0 : i32
      %dma_wait3A_138 = tpu.memref_slice %arg6[%add3A_45, %dma_wait3A] : memref<10240x128xf32, #tpu.memory_space<vmem_shared>> -> memref<64x128xf32, #tpu.memory_space<vmem_shared>>
      %dma_wait3A_139 = arith.constant 0 : i32
      %dma_wait3A_140 = tpu.memref_slice %arg6[%add3A_45, %dma_wait3A_139] : memref<10240x128xf32, #tpu.memory_space<vmem_shared>> -> memref<64x128xf32, #tpu.memory_space<vmem_shared>>
      tpu.wait_dma2 semaphore(%run_scoped3A : memref<!tpu.dma_semaphore, #tpu.memory_space<semaphore_mem>>) src(%arg9 : memref<64x128xf32, #tpu.memory_space<vmem>>) dst(%dma_wait3A_140 : memref<64x128xf32, #tpu.memory_space<vmem_shared>>)
      tpu.yield
    }) : () -> ()
    %mul3A_46 = arith.constant 160 : i32
    %mul3A_47 = arith.muli %add3A, %mul3A_46 : i32
    %add3A_48 = arith.constant 0 : i32
    %add3A_49 = arith.addi %mul3A_47, %add3A_48 : i32
    "tpu.region"() ({
      %run_scoped3A = tpu.sem_alloc : memref<!tpu.dma_semaphore, #tpu.memory_space<semaphore_mem>>
      %dma_start3A_134 = arith.constant 0 : i32
      %dma_start3A_135 = tpu.memref_slice %arg2[%add3A_49, %dma_start3A_134] : memref<5120x64xi32, #tpu.memory_space<hbm>> -> memref<80x64xi32, #tpu.memory_space<hbm>>
      %dma_start3A_136 = arith.constant 0 : i32
      %dma_start3A_137 = tpu.memref_slice %arg2[%add3A_49, %dma_start3A_136] : memref<5120x64xi32, #tpu.memory_space<hbm>> -> memref<80x64xi32, #tpu.memory_space<hbm>>
      tpu.enqueue_dma source(%dma_start3A_137 : memref<80x64xi32, #tpu.memory_space<hbm>>) target(%arg7 : memref<80x64xi32, #tpu.memory_space<vmem>>) target_semaphore(%run_scoped3A : memref<!tpu.dma_semaphore, #tpu.memory_space<semaphore_mem>>)
      %dma_wait3A = arith.constant 0 : i32
      %dma_wait3A_138 = tpu.memref_slice %arg2[%add3A_49, %dma_wait3A] : memref<5120x64xi32, #tpu.memory_space<hbm>> -> memref<80x64xi32, #tpu.memory_space<hbm>>
      %dma_wait3A_139 = arith.constant 0 : i32
      %dma_wait3A_140 = tpu.memref_slice %arg2[%add3A_49, %dma_wait3A_139] : memref<5120x64xi32, #tpu.memory_space<hbm>> -> memref<80x64xi32, #tpu.memory_space<hbm>>
      tpu.wait_dma2 semaphore(%run_scoped3A : memref<!tpu.dma_semaphore, #tpu.memory_space<semaphore_mem>>) src(%dma_wait3A_140 : memref<80x64xi32, #tpu.memory_space<hbm>>) dst(%arg7 : memref<80x64xi32, #tpu.memory_space<vmem>>)
      tpu.yield
    }) : () -> ()
    "tpu.region"() ({
      %run_scoped3A = tpu.sem_alloc : memref<!tpu.dma_semaphore, #tpu.memory_space<semaphore_mem>>
      %dma_start3A_134 = arith.constant 0 : i32
      %dma_start3A_135 = tpu.memref_slice %arg3[%add3A_49, %dma_start3A_134] : memref<5120x64xi32, #tpu.memory_space<hbm>> -> memref<80x64xi32, #tpu.memory_space<hbm>>
      %dma_start3A_136 = arith.constant 0 : i32
      %dma_start3A_137 = tpu.memref_slice %arg3[%add3A_49, %dma_start3A_136] : memref<5120x64xi32, #tpu.memory_space<hbm>> -> memref<80x64xi32, #tpu.memory_space<hbm>>
      tpu.enqueue_dma source(%dma_start3A_137 : memref<80x64xi32, #tpu.memory_space<hbm>>) target(%arg8 : memref<80x64xi32, #tpu.memory_space<vmem>>) target_semaphore(%run_scoped3A : memref<!tpu.dma_semaphore, #tpu.memory_space<semaphore_mem>>)
      %dma_wait3A = arith.constant 0 : i32
      %dma_wait3A_138 = tpu.memref_slice %arg3[%add3A_49, %dma_wait3A] : memref<5120x64xi32, #tpu.memory_space<hbm>> -> memref<80x64xi32, #tpu.memory_space<hbm>>
      %dma_wait3A_139 = arith.constant 0 : i32
      %dma_wait3A_140 = tpu.memref_slice %arg3[%add3A_49, %dma_wait3A_139] : memref<5120x64xi32, #tpu.memory_space<hbm>> -> memref<80x64xi32, #tpu.memory_space<hbm>>
      tpu.wait_dma2 semaphore(%run_scoped3A : memref<!tpu.dma_semaphore, #tpu.memory_space<semaphore_mem>>) src(%dma_wait3A_140 : memref<80x64xi32, #tpu.memory_space<hbm>>) dst(%arg8 : memref<80x64xi32, #tpu.memory_space<vmem>>)
      tpu.yield
    }) : () -> ()
    %barrier3A = arith.constant 0 : index
    tpu.barrier barrier_id(%barrier3A)
    %dma_start3A = arith.constant 0 : i32
    %dma_start3A_50 = arith.constant 0 : i32
    %dma_start3A_51 = tpu.memref_slice %arg7[%dma_start3A, %dma_start3A_50] : memref<80x64xi32, #tpu.memory_space<vmem>> -> memref<1x64xi32, #tpu.memory_space<vmem>>
    %dma_start3A_52 = tpu.memref_squeeze %dma_start3A_51 : memref<1x64xi32, #tpu.memory_space<vmem>> -> memref<64xi32, #tpu.memory_space<vmem>>
    %dma_start3A_53 = arith.constant 0 : i32
    %dma_start3A_54 = arith.constant 0 : i32
    %dma_start3A_55 = tpu.memref_slice %arg4[%dma_start3A_53, %dma_start3A_54] : memref<10000x128xf32, #tpu.memory_space<hbm>> -> memref<10000x128xf32, #tpu.memory_space<hbm>>
    tpu.enqueue_indirect_dma source(%dma_start3A_55 : memref<10000x128xf32, #tpu.memory_space<hbm>>) target(%arg9 : memref<64x128xf32, #tpu.memory_space<vmem>>) offsets(%dma_start3A_52 : memref<64xi32, #tpu.memory_space<vmem>>) semaphore(%arg11 : memref<!tpu.dma_semaphore, #tpu.memory_space<semaphore_mem>>)
    %dma_start3A_56 = arith.constant 1 : i32
    %dma_start3A_57 = arith.constant 0 : i32
    %dma_start3A_58 = tpu.memref_slice %arg7[%dma_start3A_56, %dma_start3A_57] : memref<80x64xi32, #tpu.memory_space<vmem>> -> memref<1x64xi32, #tpu.memory_space<vmem>>
    %dma_start3A_59 = tpu.memref_squeeze %dma_start3A_58 : memref<1x64xi32, #tpu.memory_space<vmem>> -> memref<64xi32, #tpu.memory_space<vmem>>
    %dma_start3A_60 = arith.constant 0 : i32
    %dma_start3A_61 = arith.constant 0 : i32
    %dma_start3A_62 = tpu.memref_slice %arg4[%dma_start3A_60, %dma_start3A_61] : memref<10000x128xf32, #tpu.memory_space<hbm>> -> memref<10000x128xf32, #tpu.memory_space<hbm>>
    tpu.enqueue_indirect_dma source(%dma_start3A_62 : memref<10000x128xf32, #tpu.memory_space<hbm>>) target(%arg10 : memref<64x128xf32, #tpu.memory_space<vmem>>) offsets(%dma_start3A_59 : memref<64xi32, #tpu.memory_space<vmem>>) semaphore(%arg12 : memref<!tpu.dma_semaphore, #tpu.memory_space<semaphore_mem>>)
    %scan3A_63 = arith.constant 0 : i32
    %scan3A_64 = arith.constant 0 : i32
    %scan3A_65 = arith.constant 40 : i32
    %scan3A_66 = arith.addi %scan3A_64, %scan3A_65 : i32
    %scan3A_67 = arith.constant 1 : i32
    scf.for %scan3A_134 = %scan3A_64 to %scan3A_66 step %scan3A_67  : i32 {
      %mul3A_135 = arith.constant 2 : i32
      %mul3A_136 = arith.muli %scan3A_134, %mul3A_135 : i32
      %add3A_137 = arith.constant 0 : i32
      %add3A_138 = arith.addi %mul3A_136, %add3A_137 : i32
      %dma_wait3A = arith.constant 0 : i32
      %dma_wait3A_139 = tpu.memref_slice %arg7[%add3A_138, %dma_wait3A] : memref<80x64xi32, #tpu.memory_space<vmem>> -> memref<1x64xi32, #tpu.memory_space<vmem>>
      %dma_wait3A_140 = tpu.memref_squeeze %dma_wait3A_139 : memref<1x64xi32, #tpu.memory_space<vmem>> -> memref<64xi32, #tpu.memory_space<vmem>>
      %dma_wait3A_141 = arith.constant 0 : i32
      %dma_wait3A_142 = arith.constant 0 : i32
      %dma_wait3A_143 = tpu.memref_slice %arg4[%dma_wait3A_141, %dma_wait3A_142] : memref<10000x128xf32, #tpu.memory_space<hbm>> -> memref<10000x128xf32, #tpu.memory_space<hbm>>
      tpu.wait_indirect_dma semaphore(%arg11 : memref<!tpu.dma_semaphore, #tpu.memory_space<semaphore_mem>>) src(%dma_wait3A_143 : memref<10000x128xf32, #tpu.memory_space<hbm>>) dst(%arg9 : memref<64x128xf32, #tpu.memory_space<vmem>>)
      %dma_start3A_144 = arith.constant 0 : i32
      %dma_start3A_145 = tpu.memref_slice %arg8[%add3A_138, %dma_start3A_144] : memref<80x64xi32, #tpu.memory_space<vmem>> -> memref<1x64xi32, #tpu.memory_space<vmem>>
      %dma_start3A_146 = tpu.memref_squeeze %dma_start3A_145 : memref<1x64xi32, #tpu.memory_space<vmem>> -> memref<64xi32, #tpu.memory_space<vmem>>
      %dma_start3A_147 = arith.constant 0 : i32
      %dma_start3A_148 = arith.constant 0 : i32
      %dma_start3A_149 = tpu.memref_slice %arg6[%dma_start3A_147, %dma_start3A_148] : memref<10240x128xf32, #tpu.memory_space<vmem_shared>> -> memref<10240x128xf32, #tpu.memory_space<vmem_shared>>
      tpu.enqueue_indirect_dma source(%arg9 : memref<64x128xf32, #tpu.memory_space<vmem>>) target(%dma_start3A_149 : memref<10240x128xf32, #tpu.memory_space<vmem_shared>>) offsets(%dma_start3A_146 : memref<64xi32, #tpu.memory_space<vmem>>) semaphore(%arg13 : memref<!tpu.dma_semaphore, #tpu.memory_space<semaphore_mem>>) {add = true}
      %add3A_150 = arith.constant 1 : i32
      %add3A_151 = arith.addi %mul3A_136, %add3A_150 : i32
      %dma_wait3A_152 = arith.constant 0 : i32
      %dma_wait3A_153 = tpu.memref_slice %arg7[%add3A_151, %dma_wait3A_152] : memref<80x64xi32, #tpu.memory_space<vmem>> -> memref<1x64xi32, #tpu.memory_space<vmem>>
      %dma_wait3A_154 = tpu.memref_squeeze %dma_wait3A_153 : memref<1x64xi32, #tpu.memory_space<vmem>> -> memref<64xi32, #tpu.memory_space<vmem>>
      %dma_wait3A_155 = arith.constant 0 : i32
      %dma_wait3A_156 = arith.constant 0 : i32
      %dma_wait3A_157 = tpu.memref_slice %arg4[%dma_wait3A_155, %dma_wait3A_156] : memref<10000x128xf32, #tpu.memory_space<hbm>> -> memref<10000x128xf32, #tpu.memory_space<hbm>>
      tpu.wait_indirect_dma semaphore(%arg12 : memref<!tpu.dma_semaphore, #tpu.memory_space<semaphore_mem>>) src(%dma_wait3A_157 : memref<10000x128xf32, #tpu.memory_space<hbm>>) dst(%arg10 : memref<64x128xf32, #tpu.memory_space<vmem>>)
      %dma_start3A_158 = arith.constant 0 : i32
      %dma_start3A_159 = tpu.memref_slice %arg8[%add3A_151, %dma_start3A_158] : memref<80x64xi32, #tpu.memory_space<vmem>> -> memref<1x64xi32, #tpu.memory_space<vmem>>
      %dma_start3A_160 = tpu.memref_squeeze %dma_start3A_159 : memref<1x64xi32, #tpu.memory_space<vmem>> -> memref<64xi32, #tpu.memory_space<vmem>>
      %dma_start3A_161 = arith.constant 0 : i32
      %dma_start3A_162 = arith.constant 0 : i32
      %dma_start3A_163 = tpu.memref_slice %arg6[%dma_start3A_161, %dma_start3A_162] : memref<10240x128xf32, #tpu.memory_space<vmem_shared>> -> memref<10240x128xf32, #tpu.memory_space<vmem_shared>>
      tpu.enqueue_indirect_dma source(%arg10 : memref<64x128xf32, #tpu.memory_space<vmem>>) target(%dma_start3A_163 : memref<10240x128xf32, #tpu.memory_space<vmem_shared>>) offsets(%dma_start3A_160 : memref<64xi32, #tpu.memory_space<vmem>>) semaphore(%arg14 : memref<!tpu.dma_semaphore, #tpu.memory_space<semaphore_mem>>) {add = true}
      %add3A_164 = arith.constant 0 : i32
      %add3A_165 = arith.addi %mul3A_136, %add3A_164 : i32
      %dma_wait3A_166 = arith.constant 0 : i32
      %dma_wait3A_167 = tpu.memref_slice %arg8[%add3A_165, %dma_wait3A_166] : memref<80x64xi32, #tpu.memory_space<vmem>> -> memref<1x64xi32, #tpu.memory_space<vmem>>
      %dma_wait3A_168 = tpu.memref_squeeze %dma_wait3A_167 : memref<1x64xi32, #tpu.memory_space<vmem>> -> memref<64xi32, #tpu.memory_space<vmem>>
      %dma_wait3A_169 = arith.constant 0 : i32
      %dma_wait3A_170 = arith.constant 0 : i32
      %dma_wait3A_171 = tpu.memref_slice %arg6[%dma_wait3A_169, %dma_wait3A_170] : memref<10240x128xf32, #tpu.memory_space<vmem_shared>> -> memref<10240x128xf32, #tpu.memory_space<vmem_shared>>
      tpu.wait_indirect_dma semaphore(%arg13 : memref<!tpu.dma_semaphore, #tpu.memory_space<semaphore_mem>>) src(%arg9 : memref<64x128xf32, #tpu.memory_space<vmem>>) dst(%dma_wait3A_171 : memref<10240x128xf32, #tpu.memory_space<vmem_shared>>)
      %add3A_172 = arith.constant 2 : i32
      %add3A_173 = arith.addi %add3A_165, %add3A_172 : i32
      %lt3A = arith.constant 80 : i32
      %lt3A_174 = arith.cmpi slt, %add3A_173, %lt3A : i32
      %convert_element_type3A = arith.extui %lt3A_174 : i1 to i32
      %cond3A = arith.constant 0 : i32
      %cond3A_175 = arith.cmpi ne, %convert_element_type3A, %cond3A : i32
      scf.if %cond3A_175 {
        %add3A_191 = arith.constant 2 : i32
        %add3A_192 = arith.addi %add3A_165, %add3A_191 : i32
        %dma_start3A_193 = arith.constant 0 : i32
        %dma_start3A_194 = tpu.memref_slice %arg7[%add3A_192, %dma_start3A_193] : memref<80x64xi32, #tpu.memory_space<vmem>> -> memref<1x64xi32, #tpu.memory_space<vmem>>
        %dma_start3A_195 = tpu.memref_squeeze %dma_start3A_194 : memref<1x64xi32, #tpu.memory_space<vmem>> -> memref<64xi32, #tpu.memory_space<vmem>>
        %dma_start3A_196 = arith.constant 0 : i32
        %dma_start3A_197 = arith.constant 0 : i32
        %dma_start3A_198 = tpu.memref_slice %arg4[%dma_start3A_196, %dma_start3A_197] : memref<10000x128xf32, #tpu.memory_space<hbm>> -> memref<10000x128xf32, #tpu.memory_space<hbm>>
        tpu.enqueue_indirect_dma source(%dma_start3A_198 : memref<10000x128xf32, #tpu.memory_space<hbm>>) target(%arg9 : memref<64x128xf32, #tpu.memory_space<vmem>>) offsets(%dma_start3A_195 : memref<64xi32, #tpu.memory_space<vmem>>) semaphore(%arg11 : memref<!tpu.dma_semaphore, #tpu.memory_space<semaphore_mem>>)
      } else {
      }
      %add3A_176 = arith.constant 1 : i32
      %add3A_177 = arith.addi %mul3A_136, %add3A_176 : i32
      %dma_wait3A_178 = arith.constant 0 : i32
      %dma_wait3A_179 = tpu.memref_slice %arg8[%add3A_177, %dma_wait3A_178] : memref<80x64xi32, #tpu.memory_space<vmem>> -> memref<1x64xi32, #tpu.memory_space<vmem>>
      %dma_wait3A_180 = tpu.memref_squeeze %dma_wait3A_179 : memref<1x64xi32, #tpu.memory_space<vmem>> -> memref<64xi32, #tpu.memory_space<vmem>>
      %dma_wait3A_181 = arith.constant 0 : i32
      %dma_wait3A_182 = arith.constant 0 : i32
      %dma_wait3A_183 = tpu.memref_slice %arg6[%dma_wait3A_181, %dma_wait3A_182] : memref<10240x128xf32, #tpu.memory_space<vmem_shared>> -> memref<10240x128xf32, #tpu.memory_space<vmem_shared>>
      tpu.wait_indirect_dma semaphore(%arg14 : memref<!tpu.dma_semaphore, #tpu.memory_space<semaphore_mem>>) src(%arg10 : memref<64x128xf32, #tpu.memory_space<vmem>>) dst(%dma_wait3A_183 : memref<10240x128xf32, #tpu.memory_space<vmem_shared>>)
      %add3A_184 = arith.constant 2 : i32
      %add3A_185 = arith.addi %add3A_177, %add3A_184 : i32
      %lt3A_186 = arith.constant 80 : i32
      %lt3A_187 = arith.cmpi slt, %add3A_185, %lt3A_186 : i32
      %convert_element_type3A_188 = arith.extui %lt3A_187 : i1 to i32
      %cond3A_189 = arith.constant 0 : i32
      %cond3A_190 = arith.cmpi ne, %convert_element_type3A_188, %cond3A_189 : i32
      scf.if %cond3A_190 {
        %add3A_191 = arith.constant 2 : i32
        %add3A_192 = arith.addi %add3A_177, %add3A_191 : i32
        %dma_start3A_193 = arith.constant 0 : i32
        %dma_start3A_194 = tpu.memref_slice %arg7[%add3A_192, %dma_start3A_193] : memref<80x64xi32, #tpu.memory_space<vmem>> -> memref<1x64xi32, #tpu.memory_space<vmem>>
        %dma_start3A_195 = tpu.memref_squeeze %dma_start3A_194 : memref<1x64xi32, #tpu.memory_space<vmem>> -> memref<64xi32, #tpu.memory_space<vmem>>
        %dma_start3A_196 = arith.constant 0 : i32
        %dma_start3A_197 = arith.constant 0 : i32
        %dma_start3A_198 = tpu.memref_slice %arg4[%dma_start3A_196, %dma_start3A_197] : memref<10000x128xf32, #tpu.memory_space<hbm>> -> memref<10000x128xf32, #tpu.memory_space<hbm>>
        tpu.enqueue_indirect_dma source(%dma_start3A_198 : memref<10000x128xf32, #tpu.memory_space<hbm>>) target(%arg10 : memref<64x128xf32, #tpu.memory_space<vmem>>) offsets(%dma_start3A_195 : memref<64xi32, #tpu.memory_space<vmem>>) semaphore(%arg12 : memref<!tpu.dma_semaphore, #tpu.memory_space<semaphore_mem>>)
      } else {
      }
    }
    %scan3A_68 = arith.constant 40 : i32
    %mul3A_69 = arith.constant 160 : i32
    %mul3A_70 = arith.muli %add3A, %mul3A_69 : i32
    %add3A_71 = arith.constant 80 : i32
    %add3A_72 = arith.addi %mul3A_70, %add3A_71 : i32
    "tpu.region"() ({
      %run_scoped3A = tpu.sem_alloc : memref<!tpu.dma_semaphore, #tpu.memory_space<semaphore_mem>>
      %dma_start3A_134 = arith.constant 0 : i32
      %dma_start3A_135 = tpu.memref_slice %arg2[%add3A_72, %dma_start3A_134] : memref<5120x64xi32, #tpu.memory_space<hbm>> -> memref<80x64xi32, #tpu.memory_space<hbm>>
      %dma_start3A_136 = arith.constant 0 : i32
      %dma_start3A_137 = tpu.memref_slice %arg2[%add3A_72, %dma_start3A_136] : memref<5120x64xi32, #tpu.memory_space<hbm>> -> memref<80x64xi32, #tpu.memory_space<hbm>>
      tpu.enqueue_dma source(%dma_start3A_137 : memref<80x64xi32, #tpu.memory_space<hbm>>) target(%arg7 : memref<80x64xi32, #tpu.memory_space<vmem>>) target_semaphore(%run_scoped3A : memref<!tpu.dma_semaphore, #tpu.memory_space<semaphore_mem>>)
      %dma_wait3A = arith.constant 0 : i32
      %dma_wait3A_138 = tpu.memref_slice %arg2[%add3A_72, %dma_wait3A] : memref<5120x64xi32, #tpu.memory_space<hbm>> -> memref<80x64xi32, #tpu.memory_space<hbm>>
      %dma_wait3A_139 = arith.constant 0 : i32
      %dma_wait3A_140 = tpu.memref_slice %arg2[%add3A_72, %dma_wait3A_139] : memref<5120x64xi32, #tpu.memory_space<hbm>> -> memref<80x64xi32, #tpu.memory_space<hbm>>
      tpu.wait_dma2 semaphore(%run_scoped3A : memref<!tpu.dma_semaphore, #tpu.memory_space<semaphore_mem>>) src(%dma_wait3A_140 : memref<80x64xi32, #tpu.memory_space<hbm>>) dst(%arg7 : memref<80x64xi32, #tpu.memory_space<vmem>>)
      tpu.yield
    }) : () -> ()
    "tpu.region"() ({
      %run_scoped3A = tpu.sem_alloc : memref<!tpu.dma_semaphore, #tpu.memory_space<semaphore_mem>>
      %dma_start3A_134 = arith.constant 0 : i32
      %dma_start3A_135 = tpu.memref_slice %arg3[%add3A_72, %dma_start3A_134] : memref<5120x64xi32, #tpu.memory_space<hbm>> -> memref<80x64xi32, #tpu.memory_space<hbm>>
      %dma_start3A_136 = arith.constant 0 : i32
      %dma_start3A_137 = tpu.memref_slice %arg3[%add3A_72, %dma_start3A_136] : memref<5120x64xi32, #tpu.memory_space<hbm>> -> memref<80x64xi32, #tpu.memory_space<hbm>>
      tpu.enqueue_dma source(%dma_start3A_137 : memref<80x64xi32, #tpu.memory_space<hbm>>) target(%arg8 : memref<80x64xi32, #tpu.memory_space<vmem>>) target_semaphore(%run_scoped3A : memref<!tpu.dma_semaphore, #tpu.memory_space<semaphore_mem>>)
      %dma_wait3A = arith.constant 0 : i32
      %dma_wait3A_138 = tpu.memref_slice %arg3[%add3A_72, %dma_wait3A] : memref<5120x64xi32, #tpu.memory_space<hbm>> -> memref<80x64xi32, #tpu.memory_space<hbm>>
      %dma_wait3A_139 = arith.constant 0 : i32
      %dma_wait3A_140 = tpu.memref_slice %arg3[%add3A_72, %dma_wait3A_139] : memref<5120x64xi32, #tpu.memory_space<hbm>> -> memref<80x64xi32, #tpu.memory_space<hbm>>
      tpu.wait_dma2 semaphore(%run_scoped3A : memref<!tpu.dma_semaphore, #tpu.memory_space<semaphore_mem>>) src(%dma_wait3A_140 : memref<80x64xi32, #tpu.memory_space<hbm>>) dst(%arg8 : memref<80x64xi32, #tpu.memory_space<vmem>>)
      tpu.yield
    }) : () -> ()
    %dma_start3A_73 = arith.constant 0 : i32
    %dma_start3A_74 = arith.constant 0 : i32
    %dma_start3A_75 = tpu.memref_slice %arg7[%dma_start3A_73, %dma_start3A_74] : memref<80x64xi32, #tpu.memory_space<vmem>> -> memref<1x64xi32, #tpu.memory_space<vmem>>
    %dma_start3A_76 = tpu.memref_squeeze %dma_start3A_75 : memref<1x64xi32, #tpu.memory_space<vmem>> -> memref<64xi32, #tpu.memory_space<vmem>>
    %dma_start3A_77 = arith.constant 0 : i32
    %dma_start3A_78 = arith.constant 0 : i32
    %dma_start3A_79 = tpu.memref_slice %arg4[%dma_start3A_77, %dma_start3A_78] : memref<10000x128xf32, #tpu.memory_space<hbm>> -> memref<10000x128xf32, #tpu.memory_space<hbm>>
    tpu.enqueue_indirect_dma source(%dma_start3A_79 : memref<10000x128xf32, #tpu.memory_space<hbm>>) target(%arg9 : memref<64x128xf32, #tpu.memory_space<vmem>>) offsets(%dma_start3A_76 : memref<64xi32, #tpu.memory_space<vmem>>) semaphore(%arg11 : memref<!tpu.dma_semaphore, #tpu.memory_space<semaphore_mem>>)
    %dma_start3A_80 = arith.constant 1 : i32
    %dma_start3A_81 = arith.constant 0 : i32
    %dma_start3A_82 = tpu.memref_slice %arg7[%dma_start3A_80, %dma_start3A_81] : memref<80x64xi32, #tpu.memory_space<vmem>> -> memref<1x64xi32, #tpu.memory_space<vmem>>
    %dma_start3A_83 = tpu.memref_squeeze %dma_start3A_82 : memref<1x64xi32, #tpu.memory_space<vmem>> -> memref<64xi32, #tpu.memory_space<vmem>>
    %dma_start3A_84 = arith.constant 0 : i32
    %dma_start3A_85 = arith.constant 0 : i32
    %dma_start3A_86 = tpu.memref_slice %arg4[%dma_start3A_84, %dma_start3A_85] : memref<10000x128xf32, #tpu.memory_space<hbm>> -> memref<10000x128xf32, #tpu.memory_space<hbm>>
    tpu.enqueue_indirect_dma source(%dma_start3A_86 : memref<10000x128xf32, #tpu.memory_space<hbm>>) target(%arg10 : memref<64x128xf32, #tpu.memory_space<vmem>>) offsets(%dma_start3A_83 : memref<64xi32, #tpu.memory_space<vmem>>) semaphore(%arg12 : memref<!tpu.dma_semaphore, #tpu.memory_space<semaphore_mem>>)
    %scan3A_87 = arith.constant 0 : i32
    %scan3A_88 = arith.constant 0 : i32
    %scan3A_89 = arith.constant 40 : i32
    %scan3A_90 = arith.addi %scan3A_88, %scan3A_89 : i32
    %scan3A_91 = arith.constant 1 : i32
    scf.for %scan3A_134 = %scan3A_88 to %scan3A_90 step %scan3A_91  : i32 {
      %mul3A_135 = arith.constant 2 : i32
      %mul3A_136 = arith.muli %scan3A_134, %mul3A_135 : i32
      %add3A_137 = arith.constant 0 : i32
      %add3A_138 = arith.addi %mul3A_136, %add3A_137 : i32
      %dma_wait3A = arith.constant 0 : i32
      %dma_wait3A_139 = tpu.memref_slice %arg7[%add3A_138, %dma_wait3A] : memref<80x64xi32, #tpu.memory_space<vmem>> -> memref<1x64xi32, #tpu.memory_space<vmem>>
      %dma_wait3A_140 = tpu.memref_squeeze %dma_wait3A_139 : memref<1x64xi32, #tpu.memory_space<vmem>> -> memref<64xi32, #tpu.memory_space<vmem>>
      %dma_wait3A_141 = arith.constant 0 : i32
      %dma_wait3A_142 = arith.constant 0 : i32
      %dma_wait3A_143 = tpu.memref_slice %arg4[%dma_wait3A_141, %dma_wait3A_142] : memref<10000x128xf32, #tpu.memory_space<hbm>> -> memref<10000x128xf32, #tpu.memory_space<hbm>>
      tpu.wait_indirect_dma semaphore(%arg11 : memref<!tpu.dma_semaphore, #tpu.memory_space<semaphore_mem>>) src(%dma_wait3A_143 : memref<10000x128xf32, #tpu.memory_space<hbm>>) dst(%arg9 : memref<64x128xf32, #tpu.memory_space<vmem>>)
      %dma_start3A_144 = arith.constant 0 : i32
      %dma_start3A_145 = tpu.memref_slice %arg8[%add3A_138, %dma_start3A_144] : memref<80x64xi32, #tpu.memory_space<vmem>> -> memref<1x64xi32, #tpu.memory_space<vmem>>
      %dma_start3A_146 = tpu.memref_squeeze %dma_start3A_145 : memref<1x64xi32, #tpu.memory_space<vmem>> -> memref<64xi32, #tpu.memory_space<vmem>>
      %dma_start3A_147 = arith.constant 0 : i32
      %dma_start3A_148 = arith.constant 0 : i32
      %dma_start3A_149 = tpu.memref_slice %arg6[%dma_start3A_147, %dma_start3A_148] : memref<10240x128xf32, #tpu.memory_space<vmem_shared>> -> memref<10240x128xf32, #tpu.memory_space<vmem_shared>>
      tpu.enqueue_indirect_dma source(%arg9 : memref<64x128xf32, #tpu.memory_space<vmem>>) target(%dma_start3A_149 : memref<10240x128xf32, #tpu.memory_space<vmem_shared>>) offsets(%dma_start3A_146 : memref<64xi32, #tpu.memory_space<vmem>>) semaphore(%arg13 : memref<!tpu.dma_semaphore, #tpu.memory_space<semaphore_mem>>) {add = true}
      %add3A_150 = arith.constant 1 : i32
      %add3A_151 = arith.addi %mul3A_136, %add3A_150 : i32
      %dma_wait3A_152 = arith.constant 0 : i32
      %dma_wait3A_153 = tpu.memref_slice %arg7[%add3A_151, %dma_wait3A_152] : memref<80x64xi32, #tpu.memory_space<vmem>> -> memref<1x64xi32, #tpu.memory_space<vmem>>
      %dma_wait3A_154 = tpu.memref_squeeze %dma_wait3A_153 : memref<1x64xi32, #tpu.memory_space<vmem>> -> memref<64xi32, #tpu.memory_space<vmem>>
      %dma_wait3A_155 = arith.constant 0 : i32
      %dma_wait3A_156 = arith.constant 0 : i32
      %dma_wait3A_157 = tpu.memref_slice %arg4[%dma_wait3A_155, %dma_wait3A_156] : memref<10000x128xf32, #tpu.memory_space<hbm>> -> memref<10000x128xf32, #tpu.memory_space<hbm>>
      tpu.wait_indirect_dma semaphore(%arg12 : memref<!tpu.dma_semaphore, #tpu.memory_space<semaphore_mem>>) src(%dma_wait3A_157 : memref<10000x128xf32, #tpu.memory_space<hbm>>) dst(%arg10 : memref<64x128xf32, #tpu.memory_space<vmem>>)
      %dma_start3A_158 = arith.constant 0 : i32
      %dma_start3A_159 = tpu.memref_slice %arg8[%add3A_151, %dma_start3A_158] : memref<80x64xi32, #tpu.memory_space<vmem>> -> memref<1x64xi32, #tpu.memory_space<vmem>>
      %dma_start3A_160 = tpu.memref_squeeze %dma_start3A_159 : memref<1x64xi32, #tpu.memory_space<vmem>> -> memref<64xi32, #tpu.memory_space<vmem>>
      %dma_start3A_161 = arith.constant 0 : i32
      %dma_start3A_162 = arith.constant 0 : i32
      %dma_start3A_163 = tpu.memref_slice %arg6[%dma_start3A_161, %dma_start3A_162] : memref<10240x128xf32, #tpu.memory_space<vmem_shared>> -> memref<10240x128xf32, #tpu.memory_space<vmem_shared>>
      tpu.enqueue_indirect_dma source(%arg10 : memref<64x128xf32, #tpu.memory_space<vmem>>) target(%dma_start3A_163 : memref<10240x128xf32, #tpu.memory_space<vmem_shared>>) offsets(%dma_start3A_160 : memref<64xi32, #tpu.memory_space<vmem>>) semaphore(%arg14 : memref<!tpu.dma_semaphore, #tpu.memory_space<semaphore_mem>>) {add = true}
      %add3A_164 = arith.constant 0 : i32
      %add3A_165 = arith.addi %mul3A_136, %add3A_164 : i32
      %dma_wait3A_166 = arith.constant 0 : i32
      %dma_wait3A_167 = tpu.memref_slice %arg8[%add3A_165, %dma_wait3A_166] : memref<80x64xi32, #tpu.memory_space<vmem>> -> memref<1x64xi32, #tpu.memory_space<vmem>>
      %dma_wait3A_168 = tpu.memref_squeeze %dma_wait3A_167 : memref<1x64xi32, #tpu.memory_space<vmem>> -> memref<64xi32, #tpu.memory_space<vmem>>
      %dma_wait3A_169 = arith.constant 0 : i32
      %dma_wait3A_170 = arith.constant 0 : i32
      %dma_wait3A_171 = tpu.memref_slice %arg6[%dma_wait3A_169, %dma_wait3A_170] : memref<10240x128xf32, #tpu.memory_space<vmem_shared>> -> memref<10240x128xf32, #tpu.memory_space<vmem_shared>>
      tpu.wait_indirect_dma semaphore(%arg13 : memref<!tpu.dma_semaphore, #tpu.memory_space<semaphore_mem>>) src(%arg9 : memref<64x128xf32, #tpu.memory_space<vmem>>) dst(%dma_wait3A_171 : memref<10240x128xf32, #tpu.memory_space<vmem_shared>>)
      %add3A_172 = arith.constant 2 : i32
      %add3A_173 = arith.addi %add3A_165, %add3A_172 : i32
      %lt3A = arith.constant 80 : i32
      %lt3A_174 = arith.cmpi slt, %add3A_173, %lt3A : i32
      %convert_element_type3A = arith.extui %lt3A_174 : i1 to i32
      %cond3A = arith.constant 0 : i32
      %cond3A_175 = arith.cmpi ne, %convert_element_type3A, %cond3A : i32
      scf.if %cond3A_175 {
        %add3A_191 = arith.constant 2 : i32
        %add3A_192 = arith.addi %add3A_165, %add3A_191 : i32
        %dma_start3A_193 = arith.constant 0 : i32
        %dma_start3A_194 = tpu.memref_slice %arg7[%add3A_192, %dma_start3A_193] : memref<80x64xi32, #tpu.memory_space<vmem>> -> memref<1x64xi32, #tpu.memory_space<vmem>>
        %dma_start3A_195 = tpu.memref_squeeze %dma_start3A_194 : memref<1x64xi32, #tpu.memory_space<vmem>> -> memref<64xi32, #tpu.memory_space<vmem>>
        %dma_start3A_196 = arith.constant 0 : i32
        %dma_start3A_197 = arith.constant 0 : i32
        %dma_start3A_198 = tpu.memref_slice %arg4[%dma_start3A_196, %dma_start3A_197] : memref<10000x128xf32, #tpu.memory_space<hbm>> -> memref<10000x128xf32, #tpu.memory_space<hbm>>
        tpu.enqueue_indirect_dma source(%dma_start3A_198 : memref<10000x128xf32, #tpu.memory_space<hbm>>) target(%arg9 : memref<64x128xf32, #tpu.memory_space<vmem>>) offsets(%dma_start3A_195 : memref<64xi32, #tpu.memory_space<vmem>>) semaphore(%arg11 : memref<!tpu.dma_semaphore, #tpu.memory_space<semaphore_mem>>)
      } else {
      }
      %add3A_176 = arith.constant 1 : i32
      %add3A_177 = arith.addi %mul3A_136, %add3A_176 : i32
      %dma_wait3A_178 = arith.constant 0 : i32
      %dma_wait3A_179 = tpu.memref_slice %arg8[%add3A_177, %dma_wait3A_178] : memref<80x64xi32, #tpu.memory_space<vmem>> -> memref<1x64xi32, #tpu.memory_space<vmem>>
      %dma_wait3A_180 = tpu.memref_squeeze %dma_wait3A_179 : memref<1x64xi32, #tpu.memory_space<vmem>> -> memref<64xi32, #tpu.memory_space<vmem>>
      %dma_wait3A_181 = arith.constant 0 : i32
      %dma_wait3A_182 = arith.constant 0 : i32
      %dma_wait3A_183 = tpu.memref_slice %arg6[%dma_wait3A_181, %dma_wait3A_182] : memref<10240x128xf32, #tpu.memory_space<vmem_shared>> -> memref<10240x128xf32, #tpu.memory_space<vmem_shared>>
      tpu.wait_indirect_dma semaphore(%arg14 : memref<!tpu.dma_semaphore, #tpu.memory_space<semaphore_mem>>) src(%arg10 : memref<64x128xf32, #tpu.memory_space<vmem>>) dst(%dma_wait3A_183 : memref<10240x128xf32, #tpu.memory_space<vmem_shared>>)
      %add3A_184 = arith.constant 2 : i32
      %add3A_185 = arith.addi %add3A_177, %add3A_184 : i32
      %lt3A_186 = arith.constant 80 : i32
      %lt3A_187 = arith.cmpi slt, %add3A_185, %lt3A_186 : i32
      %convert_element_type3A_188 = arith.extui %lt3A_187 : i1 to i32
      %cond3A_189 = arith.constant 0 : i32
      %cond3A_190 = arith.cmpi ne, %convert_element_type3A_188, %cond3A_189 : i32
      scf.if %cond3A_190 {
        %add3A_191 = arith.constant 2 : i32
        %add3A_192 = arith.addi %add3A_177, %add3A_191 : i32
        %dma_start3A_193 = arith.constant 0 : i32
        %dma_start3A_194 = tpu.memref_slice %arg7[%add3A_192, %dma_start3A_193] : memref<80x64xi32, #tpu.memory_space<vmem>> -> memref<1x64xi32, #tpu.memory_space<vmem>>
        %dma_start3A_195 = tpu.memref_squeeze %dma_start3A_194 : memref<1x64xi32, #tpu.memory_space<vmem>> -> memref<64xi32, #tpu.memory_space<vmem>>
        %dma_start3A_196 = arith.constant 0 : i32
        %dma_start3A_197 = arith.constant 0 : i32
        %dma_start3A_198 = tpu.memref_slice %arg4[%dma_start3A_196, %dma_start3A_197] : memref<10000x128xf32, #tpu.memory_space<hbm>> -> memref<10000x128xf32, #tpu.memory_space<hbm>>
        tpu.enqueue_indirect_dma source(%dma_start3A_198 : memref<10000x128xf32, #tpu.memory_space<hbm>>) target(%arg10 : memref<64x128xf32, #tpu.memory_space<vmem>>) offsets(%dma_start3A_195 : memref<64xi32, #tpu.memory_space<vmem>>) semaphore(%arg12 : memref<!tpu.dma_semaphore, #tpu.memory_space<semaphore_mem>>)
      } else {
      }
    }
    %scan3A_92 = arith.constant 40 : i32
    %barrier3A_93 = arith.constant 0 : index
    tpu.barrier barrier_id(%barrier3A_93)
    %mul3A_94 = arith.constant 640 : i32
    %mul3A_95 = arith.muli %arg1, %mul3A_94 : i32
    %add3A_96 = arith.constant 0 : i32
    %add3A_97 = arith.addi %mul3A_95, %add3A_96 : i32
    "tpu.region"() ({
      %run_scoped3A = tpu.sem_alloc : memref<!tpu.dma_semaphore, #tpu.memory_space<semaphore_mem>>
      %dma_start3A_134 = arith.constant 0 : i32
      %dma_start3A_135 = tpu.memref_slice %arg6[%add3A_97, %dma_start3A_134] : memref<10240x128xf32, #tpu.memory_space<vmem_shared>> -> memref<64x128xf32, #tpu.memory_space<vmem_shared>>
      %dma_start3A_136 = arith.constant 0 : i32
      %dma_start3A_137 = tpu.memref_slice %arg6[%add3A_97, %dma_start3A_136] : memref<10240x128xf32, #tpu.memory_space<vmem_shared>> -> memref<64x128xf32, #tpu.memory_space<vmem_shared>>
      tpu.enqueue_dma source(%dma_start3A_137 : memref<64x128xf32, #tpu.memory_space<vmem_shared>>) target(%arg9 : memref<64x128xf32, #tpu.memory_space<vmem>>) target_semaphore(%run_scoped3A : memref<!tpu.dma_semaphore, #tpu.memory_space<semaphore_mem>>)
      %dma_wait3A = arith.constant 0 : i32
      %dma_wait3A_138 = tpu.memref_slice %arg6[%add3A_97, %dma_wait3A] : memref<10240x128xf32, #tpu.memory_space<vmem_shared>> -> memref<64x128xf32, #tpu.memory_space<vmem_shared>>
      %dma_wait3A_139 = arith.constant 0 : i32
      %dma_wait3A_140 = tpu.memref_slice %arg6[%add3A_97, %dma_wait3A_139] : memref<10240x128xf32, #tpu.memory_space<vmem_shared>> -> memref<64x128xf32, #tpu.memory_space<vmem_shared>>
      tpu.wait_dma2 semaphore(%run_scoped3A : memref<!tpu.dma_semaphore, #tpu.memory_space<semaphore_mem>>) src(%dma_wait3A_140 : memref<64x128xf32, #tpu.memory_space<vmem_shared>>) dst(%arg9 : memref<64x128xf32, #tpu.memory_space<vmem>>)
      tpu.yield
    }) : () -> ()
    "tpu.region"() ({
      %run_scoped3A = tpu.sem_alloc : memref<!tpu.dma_semaphore, #tpu.memory_space<semaphore_mem>>
      %dma_start3A_134 = arith.constant 0 : i32
      %dma_start3A_135 = tpu.memref_slice %arg5[%arg0, %add3A_97, %dma_start3A_134] : memref<2x10240x128xf32, #tpu.memory_space<hbm>> -> memref<1x64x128xf32, #tpu.memory_space<hbm>>
      %dma_start3A_136 = tpu.memref_squeeze %dma_start3A_135 : memref<1x64x128xf32, #tpu.memory_space<hbm>> -> memref<64x128xf32, #tpu.memory_space<hbm>>
      %dma_start3A_137 = arith.constant 0 : i32
      %dma_start3A_138 = tpu.memref_slice %arg5[%arg0, %add3A_97, %dma_start3A_137] : memref<2x10240x128xf32, #tpu.memory_space<hbm>> -> memref<1x64x128xf32, #tpu.memory_space<hbm>>
      %dma_start3A_139 = tpu.memref_squeeze %dma_start3A_138 : memref<1x64x128xf32, #tpu.memory_space<hbm>> -> memref<64x128xf32, #tpu.memory_space<hbm>>
      tpu.enqueue_dma source(%arg9 : memref<64x128xf32, #tpu.memory_space<vmem>>) target(%dma_start3A_139 : memref<64x128xf32, #tpu.memory_space<hbm>>) target_semaphore(%run_scoped3A : memref<!tpu.dma_semaphore, #tpu.memory_space<semaphore_mem>>)
      %dma_wait3A = arith.constant 0 : i32
      %dma_wait3A_140 = tpu.memref_slice %arg5[%arg0, %add3A_97, %dma_wait3A] : memref<2x10240x128xf32, #tpu.memory_space<hbm>> -> memref<1x64x128xf32, #tpu.memory_space<hbm>>
      %dma_wait3A_141 = tpu.memref_squeeze %dma_wait3A_140 : memref<1x64x128xf32, #tpu.memory_space<hbm>> -> memref<64x128xf32, #tpu.memory_space<hbm>>
      %dma_wait3A_142 = arith.constant 0 : i32
      %dma_wait3A_143 = tpu.memref_slice %arg5[%arg0, %add3A_97, %dma_wait3A_142] : memref<2x10240x128xf32, #tpu.memory_space<hbm>> -> memref<1x64x128xf32, #tpu.memory_space<hbm>>
      %dma_wait3A_144 = tpu.memref_squeeze %dma_wait3A_143 : memref<1x64x128xf32, #tpu.memory_space<hbm>> -> memref<64x128xf32, #tpu.memory_space<hbm>>
      tpu.wait_dma2 semaphore(%run_scoped3A : memref<!tpu.dma_semaphore, #tpu.memory_space<semaphore_mem>>) src(%arg9 : memref<64x128xf32, #tpu.memory_space<vmem>>) dst(%dma_wait3A_144 : memref<64x128xf32, #tpu.memory_space<hbm>>)
      tpu.yield
    }) : () -> ()
    %mul3A_98 = arith.constant 640 : i32
    %mul3A_99 = arith.muli %arg1, %mul3A_98 : i32
    %add3A_100 = arith.constant 64 : i32
    %add3A_101 = arith.addi %mul3A_99, %add3A_100 : i32
    "tpu.region"() ({
      %run_scoped3A = tpu.sem_alloc : memref<!tpu.dma_semaphore, #tpu.memory_space<semaphore_mem>>
      %dma_start3A_134 = arith.constant 0 : i32
      %dma_start3A_135 = tpu.memref_slice %arg6[%add3A_101, %dma_start3A_134] : memref<10240x128xf32, #tpu.memory_space<vmem_shared>> -> memref<64x128xf32, #tpu.memory_space<vmem_shared>>
      %dma_start3A_136 = arith.constant 0 : i32
      %dma_start3A_137 = tpu.memref_slice %arg6[%add3A_101, %dma_start3A_136] : memref<10240x128xf32, #tpu.memory_space<vmem_shared>> -> memref<64x128xf32, #tpu.memory_space<vmem_shared>>
      tpu.enqueue_dma source(%dma_start3A_137 : memref<64x128xf32, #tpu.memory_space<vmem_shared>>) target(%arg9 : memref<64x128xf32, #tpu.memory_space<vmem>>) target_semaphore(%run_scoped3A : memref<!tpu.dma_semaphore, #tpu.memory_space<semaphore_mem>>)
      %dma_wait3A = arith.constant 0 : i32
      %dma_wait3A_138 = tpu.memref_slice %arg6[%add3A_101, %dma_wait3A] : memref<10240x128xf32, #tpu.memory_space<vmem_shared>> -> memref<64x128xf32, #tpu.memory_space<vmem_shared>>
      %dma_wait3A_139 = arith.constant 0 : i32
      %dma_wait3A_140 = tpu.memref_slice %arg6[%add3A_101, %dma_wait3A_139] : memref<10240x128xf32, #tpu.memory_space<vmem_shared>> -> memref<64x128xf32, #tpu.memory_space<vmem_shared>>
      tpu.wait_dma2 semaphore(%run_scoped3A : memref<!tpu.dma_semaphore, #tpu.memory_space<semaphore_mem>>) src(%dma_wait3A_140 : memref<64x128xf32, #tpu.memory_space<vmem_shared>>) dst(%arg9 : memref<64x128xf32, #tpu.memory_space<vmem>>)
      tpu.yield
    }) : () -> ()
    "tpu.region"() ({
      %run_scoped3A = tpu.sem_alloc : memref<!tpu.dma_semaphore, #tpu.memory_space<semaphore_mem>>
      %dma_start3A_134 = arith.constant 0 : i32
      %dma_start3A_135 = tpu.memref_slice %arg5[%arg0, %add3A_101, %dma_start3A_134] : memref<2x10240x128xf32, #tpu.memory_space<hbm>> -> memref<1x64x128xf32, #tpu.memory_space<hbm>>
      %dma_start3A_136 = tpu.memref_squeeze %dma_start3A_135 : memref<1x64x128xf32, #tpu.memory_space<hbm>> -> memref<64x128xf32, #tpu.memory_space<hbm>>
      %dma_start3A_137 = arith.constant 0 : i32
      %dma_start3A_138 = tpu.memref_slice %arg5[%arg0, %add3A_101, %dma_start3A_137] : memref<2x10240x128xf32, #tpu.memory_space<hbm>> -> memref<1x64x128xf32, #tpu.memory_space<hbm>>
      %dma_start3A_139 = tpu.memref_squeeze %dma_start3A_138 : memref<1x64x128xf32, #tpu.memory_space<hbm>> -> memref<64x128xf32, #tpu.memory_space<hbm>>
      tpu.enqueue_dma source(%arg9 : memref<64x128xf32, #tpu.memory_space<vmem>>) target(%dma_start3A_139 : memref<64x128xf32, #tpu.memory_space<hbm>>) target_semaphore(%run_scoped3A : memref<!tpu.dma_semaphore, #tpu.memory_space<semaphore_mem>>)
      %dma_wait3A = arith.constant 0 : i32
      %dma_wait3A_140 = tpu.memref_slice %arg5[%arg0, %add3A_101, %dma_wait3A] : memref<2x10240x128xf32, #tpu.memory_space<hbm>> -> memref<1x64x128xf32, #tpu.memory_space<hbm>>
      %dma_wait3A_141 = tpu.memref_squeeze %dma_wait3A_140 : memref<1x64x128xf32, #tpu.memory_space<hbm>> -> memref<64x128xf32, #tpu.memory_space<hbm>>
      %dma_wait3A_142 = arith.constant 0 : i32
      %dma_wait3A_143 = tpu.memref_slice %arg5[%arg0, %add3A_101, %dma_wait3A_142] : memref<2x10240x128xf32, #tpu.memory_space<hbm>> -> memref<1x64x128xf32, #tpu.memory_space<hbm>>
      %dma_wait3A_144 = tpu.memref_squeeze %dma_wait3A_143 : memref<1x64x128xf32, #tpu.memory_space<hbm>> -> memref<64x128xf32, #tpu.memory_space<hbm>>
      tpu.wait_dma2 semaphore(%run_scoped3A : memref<!tpu.dma_semaphore, #tpu.memory_space<semaphore_mem>>) src(%arg9 : memref<64x128xf32, #tpu.memory_space<vmem>>) dst(%dma_wait3A_144 : memref<64x128xf32, #tpu.memory_space<hbm>>)
      tpu.yield
    }) : () -> ()
    %mul3A_102 = arith.constant 640 : i32
    %mul3A_103 = arith.muli %arg1, %mul3A_102 : i32
    %add3A_104 = arith.constant 128 : i32
    %add3A_105 = arith.addi %mul3A_103, %add3A_104 : i32
    "tpu.region"() ({
      %run_scoped3A = tpu.sem_alloc : memref<!tpu.dma_semaphore, #tpu.memory_space<semaphore_mem>>
      %dma_start3A_134 = arith.constant 0 : i32
      %dma_start3A_135 = tpu.memref_slice %arg6[%add3A_105, %dma_start3A_134] : memref<10240x128xf32, #tpu.memory_space<vmem_shared>> -> memref<64x128xf32, #tpu.memory_space<vmem_shared>>
      %dma_start3A_136 = arith.constant 0 : i32
      %dma_start3A_137 = tpu.memref_slice %arg6[%add3A_105, %dma_start3A_136] : memref<10240x128xf32, #tpu.memory_space<vmem_shared>> -> memref<64x128xf32, #tpu.memory_space<vmem_shared>>
      tpu.enqueue_dma source(%dma_start3A_137 : memref<64x128xf32, #tpu.memory_space<vmem_shared>>) target(%arg9 : memref<64x128xf32, #tpu.memory_space<vmem>>) target_semaphore(%run_scoped3A : memref<!tpu.dma_semaphore, #tpu.memory_space<semaphore_mem>>)
      %dma_wait3A = arith.constant 0 : i32
      %dma_wait3A_138 = tpu.memref_slice %arg6[%add3A_105, %dma_wait3A] : memref<10240x128xf32, #tpu.memory_space<vmem_shared>> -> memref<64x128xf32, #tpu.memory_space<vmem_shared>>
      %dma_wait3A_139 = arith.constant 0 : i32
      %dma_wait3A_140 = tpu.memref_slice %arg6[%add3A_105, %dma_wait3A_139] : memref<10240x128xf32, #tpu.memory_space<vmem_shared>> -> memref<64x128xf32, #tpu.memory_space<vmem_shared>>
      tpu.wait_dma2 semaphore(%run_scoped3A : memref<!tpu.dma_semaphore, #tpu.memory_space<semaphore_mem>>) src(%dma_wait3A_140 : memref<64x128xf32, #tpu.memory_space<vmem_shared>>) dst(%arg9 : memref<64x128xf32, #tpu.memory_space<vmem>>)
      tpu.yield
    }) : () -> ()
    "tpu.region"() ({
      %run_scoped3A = tpu.sem_alloc : memref<!tpu.dma_semaphore, #tpu.memory_space<semaphore_mem>>
      %dma_start3A_134 = arith.constant 0 : i32
      %dma_start3A_135 = tpu.memref_slice %arg5[%arg0, %add3A_105, %dma_start3A_134] : memref<2x10240x128xf32, #tpu.memory_space<hbm>> -> memref<1x64x128xf32, #tpu.memory_space<hbm>>
      %dma_start3A_136 = tpu.memref_squeeze %dma_start3A_135 : memref<1x64x128xf32, #tpu.memory_space<hbm>> -> memref<64x128xf32, #tpu.memory_space<hbm>>
      %dma_start3A_137 = arith.constant 0 : i32
      %dma_start3A_138 = tpu.memref_slice %arg5[%arg0, %add3A_105, %dma_start3A_137] : memref<2x10240x128xf32, #tpu.memory_space<hbm>> -> memref<1x64x128xf32, #tpu.memory_space<hbm>>
      %dma_start3A_139 = tpu.memref_squeeze %dma_start3A_138 : memref<1x64x128xf32, #tpu.memory_space<hbm>> -> memref<64x128xf32, #tpu.memory_space<hbm>>
      tpu.enqueue_dma source(%arg9 : memref<64x128xf32, #tpu.memory_space<vmem>>) target(%dma_start3A_139 : memref<64x128xf32, #tpu.memory_space<hbm>>) target_semaphore(%run_scoped3A : memref<!tpu.dma_semaphore, #tpu.memory_space<semaphore_mem>>)
      %dma_wait3A = arith.constant 0 : i32
      %dma_wait3A_140 = tpu.memref_slice %arg5[%arg0, %add3A_105, %dma_wait3A] : memref<2x10240x128xf32, #tpu.memory_space<hbm>> -> memref<1x64x128xf32, #tpu.memory_space<hbm>>
      %dma_wait3A_141 = tpu.memref_squeeze %dma_wait3A_140 : memref<1x64x128xf32, #tpu.memory_space<hbm>> -> memref<64x128xf32, #tpu.memory_space<hbm>>
      %dma_wait3A_142 = arith.constant 0 : i32
      %dma_wait3A_143 = tpu.memref_slice %arg5[%arg0, %add3A_105, %dma_wait3A_142] : memref<2x10240x128xf32, #tpu.memory_space<hbm>> -> memref<1x64x128xf32, #tpu.memory_space<hbm>>
      %dma_wait3A_144 = tpu.memref_squeeze %dma_wait3A_143 : memref<1x64x128xf32, #tpu.memory_space<hbm>> -> memref<64x128xf32, #tpu.memory_space<hbm>>
      tpu.wait_dma2 semaphore(%run_scoped3A : memref<!tpu.dma_semaphore, #tpu.memory_space<semaphore_mem>>) src(%arg9 : memref<64x128xf32, #tpu.memory_space<vmem>>) dst(%dma_wait3A_144 : memref<64x128xf32, #tpu.memory_space<hbm>>)
      tpu.yield
    }) : () -> ()
    %mul3A_106 = arith.constant 640 : i32
    %mul3A_107 = arith.muli %arg1, %mul3A_106 : i32
    %add3A_108 = arith.constant 192 : i32
    %add3A_109 = arith.addi %mul3A_107, %add3A_108 : i32
    "tpu.region"() ({
      %run_scoped3A = tpu.sem_alloc : memref<!tpu.dma_semaphore, #tpu.memory_space<semaphore_mem>>
      %dma_start3A_134 = arith.constant 0 : i32
      %dma_start3A_135 = tpu.memref_slice %arg6[%add3A_109, %dma_start3A_134] : memref<10240x128xf32, #tpu.memory_space<vmem_shared>> -> memref<64x128xf32, #tpu.memory_space<vmem_shared>>
      %dma_start3A_136 = arith.constant 0 : i32
      %dma_start3A_137 = tpu.memref_slice %arg6[%add3A_109, %dma_start3A_136] : memref<10240x128xf32, #tpu.memory_space<vmem_shared>> -> memref<64x128xf32, #tpu.memory_space<vmem_shared>>
      tpu.enqueue_dma source(%dma_start3A_137 : memref<64x128xf32, #tpu.memory_space<vmem_shared>>) target(%arg9 : memref<64x128xf32, #tpu.memory_space<vmem>>) target_semaphore(%run_scoped3A : memref<!tpu.dma_semaphore, #tpu.memory_space<semaphore_mem>>)
      %dma_wait3A = arith.constant 0 : i32
      %dma_wait3A_138 = tpu.memref_slice %arg6[%add3A_109, %dma_wait3A] : memref<10240x128xf32, #tpu.memory_space<vmem_shared>> -> memref<64x128xf32, #tpu.memory_space<vmem_shared>>
      %dma_wait3A_139 = arith.constant 0 : i32
      %dma_wait3A_140 = tpu.memref_slice %arg6[%add3A_109, %dma_wait3A_139] : memref<10240x128xf32, #tpu.memory_space<vmem_shared>> -> memref<64x128xf32, #tpu.memory_space<vmem_shared>>
      tpu.wait_dma2 semaphore(%run_scoped3A : memref<!tpu.dma_semaphore, #tpu.memory_space<semaphore_mem>>) src(%dma_wait3A_140 : memref<64x128xf32, #tpu.memory_space<vmem_shared>>) dst(%arg9 : memref<64x128xf32, #tpu.memory_space<vmem>>)
      tpu.yield
    }) : () -> ()
    "tpu.region"() ({
      %run_scoped3A = tpu.sem_alloc : memref<!tpu.dma_semaphore, #tpu.memory_space<semaphore_mem>>
      %dma_start3A_134 = arith.constant 0 : i32
      %dma_start3A_135 = tpu.memref_slice %arg5[%arg0, %add3A_109, %dma_start3A_134] : memref<2x10240x128xf32, #tpu.memory_space<hbm>> -> memref<1x64x128xf32, #tpu.memory_space<hbm>>
      %dma_start3A_136 = tpu.memref_squeeze %dma_start3A_135 : memref<1x64x128xf32, #tpu.memory_space<hbm>> -> memref<64x128xf32, #tpu.memory_space<hbm>>
      %dma_start3A_137 = arith.constant 0 : i32
      %dma_start3A_138 = tpu.memref_slice %arg5[%arg0, %add3A_109, %dma_start3A_137] : memref<2x10240x128xf32, #tpu.memory_space<hbm>> -> memref<1x64x128xf32, #tpu.memory_space<hbm>>
      %dma_start3A_139 = tpu.memref_squeeze %dma_start3A_138 : memref<1x64x128xf32, #tpu.memory_space<hbm>> -> memref<64x128xf32, #tpu.memory_space<hbm>>
      tpu.enqueue_dma source(%arg9 : memref<64x128xf32, #tpu.memory_space<vmem>>) target(%dma_start3A_139 : memref<64x128xf32, #tpu.memory_space<hbm>>) target_semaphore(%run_scoped3A : memref<!tpu.dma_semaphore, #tpu.memory_space<semaphore_mem>>)
      %dma_wait3A = arith.constant 0 : i32
      %dma_wait3A_140 = tpu.memref_slice %arg5[%arg0, %add3A_109, %dma_wait3A] : memref<2x10240x128xf32, #tpu.memory_space<hbm>> -> memref<1x64x128xf32, #tpu.memory_space<hbm>>
      %dma_wait3A_141 = tpu.memref_squeeze %dma_wait3A_140 : memref<1x64x128xf32, #tpu.memory_space<hbm>> -> memref<64x128xf32, #tpu.memory_space<hbm>>
      %dma_wait3A_142 = arith.constant 0 : i32
      %dma_wait3A_143 = tpu.memref_slice %arg5[%arg0, %add3A_109, %dma_wait3A_142] : memref<2x10240x128xf32, #tpu.memory_space<hbm>> -> memref<1x64x128xf32, #tpu.memory_space<hbm>>
      %dma_wait3A_144 = tpu.memref_squeeze %dma_wait3A_143 : memref<1x64x128xf32, #tpu.memory_space<hbm>> -> memref<64x128xf32, #tpu.memory_space<hbm>>
      tpu.wait_dma2 semaphore(%run_scoped3A : memref<!tpu.dma_semaphore, #tpu.memory_space<semaphore_mem>>) src(%arg9 : memref<64x128xf32, #tpu.memory_space<vmem>>) dst(%dma_wait3A_144 : memref<64x128xf32, #tpu.memory_space<hbm>>)
      tpu.yield
    }) : () -> ()
    %mul3A_110 = arith.constant 640 : i32
    %mul3A_111 = arith.muli %arg1, %mul3A_110 : i32
    %add3A_112 = arith.constant 256 : i32
    %add3A_113 = arith.addi %mul3A_111, %add3A_112 : i32
    "tpu.region"() ({
      %run_scoped3A = tpu.sem_alloc : memref<!tpu.dma_semaphore, #tpu.memory_space<semaphore_mem>>
      %dma_start3A_134 = arith.constant 0 : i32
      %dma_start3A_135 = tpu.memref_slice %arg6[%add3A_113, %dma_start3A_134] : memref<10240x128xf32, #tpu.memory_space<vmem_shared>> -> memref<64x128xf32, #tpu.memory_space<vmem_shared>>
      %dma_start3A_136 = arith.constant 0 : i32
      %dma_start3A_137 = tpu.memref_slice %arg6[%add3A_113, %dma_start3A_136] : memref<10240x128xf32, #tpu.memory_space<vmem_shared>> -> memref<64x128xf32, #tpu.memory_space<vmem_shared>>
      tpu.enqueue_dma source(%dma_start3A_137 : memref<64x128xf32, #tpu.memory_space<vmem_shared>>) target(%arg9 : memref<64x128xf32, #tpu.memory_space<vmem>>) target_semaphore(%run_scoped3A : memref<!tpu.dma_semaphore, #tpu.memory_space<semaphore_mem>>)
      %dma_wait3A = arith.constant 0 : i32
      %dma_wait3A_138 = tpu.memref_slice %arg6[%add3A_113, %dma_wait3A] : memref<10240x128xf32, #tpu.memory_space<vmem_shared>> -> memref<64x128xf32, #tpu.memory_space<vmem_shared>>
      %dma_wait3A_139 = arith.constant 0 : i32
      %dma_wait3A_140 = tpu.memref_slice %arg6[%add3A_113, %dma_wait3A_139] : memref<10240x128xf32, #tpu.memory_space<vmem_shared>> -> memref<64x128xf32, #tpu.memory_space<vmem_shared>>
      tpu.wait_dma2 semaphore(%run_scoped3A : memref<!tpu.dma_semaphore, #tpu.memory_space<semaphore_mem>>) src(%dma_wait3A_140 : memref<64x128xf32, #tpu.memory_space<vmem_shared>>) dst(%arg9 : memref<64x128xf32, #tpu.memory_space<vmem>>)
      tpu.yield
    }) : () -> ()
    "tpu.region"() ({
      %run_scoped3A = tpu.sem_alloc : memref<!tpu.dma_semaphore, #tpu.memory_space<semaphore_mem>>
      %dma_start3A_134 = arith.constant 0 : i32
      %dma_start3A_135 = tpu.memref_slice %arg5[%arg0, %add3A_113, %dma_start3A_134] : memref<2x10240x128xf32, #tpu.memory_space<hbm>> -> memref<1x64x128xf32, #tpu.memory_space<hbm>>
      %dma_start3A_136 = tpu.memref_squeeze %dma_start3A_135 : memref<1x64x128xf32, #tpu.memory_space<hbm>> -> memref<64x128xf32, #tpu.memory_space<hbm>>
      %dma_start3A_137 = arith.constant 0 : i32
      %dma_start3A_138 = tpu.memref_slice %arg5[%arg0, %add3A_113, %dma_start3A_137] : memref<2x10240x128xf32, #tpu.memory_space<hbm>> -> memref<1x64x128xf32, #tpu.memory_space<hbm>>
      %dma_start3A_139 = tpu.memref_squeeze %dma_start3A_138 : memref<1x64x128xf32, #tpu.memory_space<hbm>> -> memref<64x128xf32, #tpu.memory_space<hbm>>
      tpu.enqueue_dma source(%arg9 : memref<64x128xf32, #tpu.memory_space<vmem>>) target(%dma_start3A_139 : memref<64x128xf32, #tpu.memory_space<hbm>>) target_semaphore(%run_scoped3A : memref<!tpu.dma_semaphore, #tpu.memory_space<semaphore_mem>>)
      %dma_wait3A = arith.constant 0 : i32
      %dma_wait3A_140 = tpu.memref_slice %arg5[%arg0, %add3A_113, %dma_wait3A] : memref<2x10240x128xf32, #tpu.memory_space<hbm>> -> memref<1x64x128xf32, #tpu.memory_space<hbm>>
      %dma_wait3A_141 = tpu.memref_squeeze %dma_wait3A_140 : memref<1x64x128xf32, #tpu.memory_space<hbm>> -> memref<64x128xf32, #tpu.memory_space<hbm>>
      %dma_wait3A_142 = arith.constant 0 : i32
      %dma_wait3A_143 = tpu.memref_slice %arg5[%arg0, %add3A_113, %dma_wait3A_142] : memref<2x10240x128xf32, #tpu.memory_space<hbm>> -> memref<1x64x128xf32, #tpu.memory_space<hbm>>
      %dma_wait3A_144 = tpu.memref_squeeze %dma_wait3A_143 : memref<1x64x128xf32, #tpu.memory_space<hbm>> -> memref<64x128xf32, #tpu.memory_space<hbm>>
      tpu.wait_dma2 semaphore(%run_scoped3A : memref<!tpu.dma_semaphore, #tpu.memory_space<semaphore_mem>>) src(%arg9 : memref<64x128xf32, #tpu.memory_space<vmem>>) dst(%dma_wait3A_144 : memref<64x128xf32, #tpu.memory_space<hbm>>)
      tpu.yield
    }) : () -> ()
    %mul3A_114 = arith.constant 640 : i32
    %mul3A_115 = arith.muli %arg1, %mul3A_114 : i32
    %add3A_116 = arith.constant 320 : i32
    %add3A_117 = arith.addi %mul3A_115, %add3A_116 : i32
    "tpu.region"() ({
      %run_scoped3A = tpu.sem_alloc : memref<!tpu.dma_semaphore, #tpu.memory_space<semaphore_mem>>
      %dma_start3A_134 = arith.constant 0 : i32
      %dma_start3A_135 = tpu.memref_slice %arg6[%add3A_117, %dma_start3A_134] : memref<10240x128xf32, #tpu.memory_space<vmem_shared>> -> memref<64x128xf32, #tpu.memory_space<vmem_shared>>
      %dma_start3A_136 = arith.constant 0 : i32
      %dma_start3A_137 = tpu.memref_slice %arg6[%add3A_117, %dma_start3A_136] : memref<10240x128xf32, #tpu.memory_space<vmem_shared>> -> memref<64x128xf32, #tpu.memory_space<vmem_shared>>
      tpu.enqueue_dma source(%dma_start3A_137 : memref<64x128xf32, #tpu.memory_space<vmem_shared>>) target(%arg9 : memref<64x128xf32, #tpu.memory_space<vmem>>) target_semaphore(%run_scoped3A : memref<!tpu.dma_semaphore, #tpu.memory_space<semaphore_mem>>)
      %dma_wait3A = arith.constant 0 : i32
      %dma_wait3A_138 = tpu.memref_slice %arg6[%add3A_117, %dma_wait3A] : memref<10240x128xf32, #tpu.memory_space<vmem_shared>> -> memref<64x128xf32, #tpu.memory_space<vmem_shared>>
      %dma_wait3A_139 = arith.constant 0 : i32
      %dma_wait3A_140 = tpu.memref_slice %arg6[%add3A_117, %dma_wait3A_139] : memref<10240x128xf32, #tpu.memory_space<vmem_shared>> -> memref<64x128xf32, #tpu.memory_space<vmem_shared>>
      tpu.wait_dma2 semaphore(%run_scoped3A : memref<!tpu.dma_semaphore, #tpu.memory_space<semaphore_mem>>) src(%dma_wait3A_140 : memref<64x128xf32, #tpu.memory_space<vmem_shared>>) dst(%arg9 : memref<64x128xf32, #tpu.memory_space<vmem>>)
      tpu.yield
    }) : () -> ()
    "tpu.region"() ({
      %run_scoped3A = tpu.sem_alloc : memref<!tpu.dma_semaphore, #tpu.memory_space<semaphore_mem>>
      %dma_start3A_134 = arith.constant 0 : i32
      %dma_start3A_135 = tpu.memref_slice %arg5[%arg0, %add3A_117, %dma_start3A_134] : memref<2x10240x128xf32, #tpu.memory_space<hbm>> -> memref<1x64x128xf32, #tpu.memory_space<hbm>>
      %dma_start3A_136 = tpu.memref_squeeze %dma_start3A_135 : memref<1x64x128xf32, #tpu.memory_space<hbm>> -> memref<64x128xf32, #tpu.memory_space<hbm>>
      %dma_start3A_137 = arith.constant 0 : i32
      %dma_start3A_138 = tpu.memref_slice %arg5[%arg0, %add3A_117, %dma_start3A_137] : memref<2x10240x128xf32, #tpu.memory_space<hbm>> -> memref<1x64x128xf32, #tpu.memory_space<hbm>>
      %dma_start3A_139 = tpu.memref_squeeze %dma_start3A_138 : memref<1x64x128xf32, #tpu.memory_space<hbm>> -> memref<64x128xf32, #tpu.memory_space<hbm>>
      tpu.enqueue_dma source(%arg9 : memref<64x128xf32, #tpu.memory_space<vmem>>) target(%dma_start3A_139 : memref<64x128xf32, #tpu.memory_space<hbm>>) target_semaphore(%run_scoped3A : memref<!tpu.dma_semaphore, #tpu.memory_space<semaphore_mem>>)
      %dma_wait3A = arith.constant 0 : i32
      %dma_wait3A_140 = tpu.memref_slice %arg5[%arg0, %add3A_117, %dma_wait3A] : memref<2x10240x128xf32, #tpu.memory_space<hbm>> -> memref<1x64x128xf32, #tpu.memory_space<hbm>>
      %dma_wait3A_141 = tpu.memref_squeeze %dma_wait3A_140 : memref<1x64x128xf32, #tpu.memory_space<hbm>> -> memref<64x128xf32, #tpu.memory_space<hbm>>
      %dma_wait3A_142 = arith.constant 0 : i32
      %dma_wait3A_143 = tpu.memref_slice %arg5[%arg0, %add3A_117, %dma_wait3A_142] : memref<2x10240x128xf32, #tpu.memory_space<hbm>> -> memref<1x64x128xf32, #tpu.memory_space<hbm>>
      %dma_wait3A_144 = tpu.memref_squeeze %dma_wait3A_143 : memref<1x64x128xf32, #tpu.memory_space<hbm>> -> memref<64x128xf32, #tpu.memory_space<hbm>>
      tpu.wait_dma2 semaphore(%run_scoped3A : memref<!tpu.dma_semaphore, #tpu.memory_space<semaphore_mem>>) src(%arg9 : memref<64x128xf32, #tpu.memory_space<vmem>>) dst(%dma_wait3A_144 : memref<64x128xf32, #tpu.memory_space<hbm>>)
      tpu.yield
    }) : () -> ()
    %mul3A_118 = arith.constant 640 : i32
    %mul3A_119 = arith.muli %arg1, %mul3A_118 : i32
    %add3A_120 = arith.constant 384 : i32
    %add3A_121 = arith.addi %mul3A_119, %add3A_120 : i32
    "tpu.region"() ({
      %run_scoped3A = tpu.sem_alloc : memref<!tpu.dma_semaphore, #tpu.memory_space<semaphore_mem>>
      %dma_start3A_134 = arith.constant 0 : i32
      %dma_start3A_135 = tpu.memref_slice %arg6[%add3A_121, %dma_start3A_134] : memref<10240x128xf32, #tpu.memory_space<vmem_shared>> -> memref<64x128xf32, #tpu.memory_space<vmem_shared>>
      %dma_start3A_136 = arith.constant 0 : i32
      %dma_start3A_137 = tpu.memref_slice %arg6[%add3A_121, %dma_start3A_136] : memref<10240x128xf32, #tpu.memory_space<vmem_shared>> -> memref<64x128xf32, #tpu.memory_space<vmem_shared>>
      tpu.enqueue_dma source(%dma_start3A_137 : memref<64x128xf32, #tpu.memory_space<vmem_shared>>) target(%arg9 : memref<64x128xf32, #tpu.memory_space<vmem>>) target_semaphore(%run_scoped3A : memref<!tpu.dma_semaphore, #tpu.memory_space<semaphore_mem>>)
      %dma_wait3A = arith.constant 0 : i32
      %dma_wait3A_138 = tpu.memref_slice %arg6[%add3A_121, %dma_wait3A] : memref<10240x128xf32, #tpu.memory_space<vmem_shared>> -> memref<64x128xf32, #tpu.memory_space<vmem_shared>>
      %dma_wait3A_139 = arith.constant 0 : i32
      %dma_wait3A_140 = tpu.memref_slice %arg6[%add3A_121, %dma_wait3A_139] : memref<10240x128xf32, #tpu.memory_space<vmem_shared>> -> memref<64x128xf32, #tpu.memory_space<vmem_shared>>
      tpu.wait_dma2 semaphore(%run_scoped3A : memref<!tpu.dma_semaphore, #tpu.memory_space<semaphore_mem>>) src(%dma_wait3A_140 : memref<64x128xf32, #tpu.memory_space<vmem_shared>>) dst(%arg9 : memref<64x128xf32, #tpu.memory_space<vmem>>)
      tpu.yield
    }) : () -> ()
    "tpu.region"() ({
      %run_scoped3A = tpu.sem_alloc : memref<!tpu.dma_semaphore, #tpu.memory_space<semaphore_mem>>
      %dma_start3A_134 = arith.constant 0 : i32
      %dma_start3A_135 = tpu.memref_slice %arg5[%arg0, %add3A_121, %dma_start3A_134] : memref<2x10240x128xf32, #tpu.memory_space<hbm>> -> memref<1x64x128xf32, #tpu.memory_space<hbm>>
      %dma_start3A_136 = tpu.memref_squeeze %dma_start3A_135 : memref<1x64x128xf32, #tpu.memory_space<hbm>> -> memref<64x128xf32, #tpu.memory_space<hbm>>
      %dma_start3A_137 = arith.constant 0 : i32
      %dma_start3A_138 = tpu.memref_slice %arg5[%arg0, %add3A_121, %dma_start3A_137] : memref<2x10240x128xf32, #tpu.memory_space<hbm>> -> memref<1x64x128xf32, #tpu.memory_space<hbm>>
      %dma_start3A_139 = tpu.memref_squeeze %dma_start3A_138 : memref<1x64x128xf32, #tpu.memory_space<hbm>> -> memref<64x128xf32, #tpu.memory_space<hbm>>
      tpu.enqueue_dma source(%arg9 : memref<64x128xf32, #tpu.memory_space<vmem>>) target(%dma_start3A_139 : memref<64x128xf32, #tpu.memory_space<hbm>>) target_semaphore(%run_scoped3A : memref<!tpu.dma_semaphore, #tpu.memory_space<semaphore_mem>>)
      %dma_wait3A = arith.constant 0 : i32
      %dma_wait3A_140 = tpu.memref_slice %arg5[%arg0, %add3A_121, %dma_wait3A] : memref<2x10240x128xf32, #tpu.memory_space<hbm>> -> memref<1x64x128xf32, #tpu.memory_space<hbm>>
      %dma_wait3A_141 = tpu.memref_squeeze %dma_wait3A_140 : memref<1x64x128xf32, #tpu.memory_space<hbm>> -> memref<64x128xf32, #tpu.memory_space<hbm>>
      %dma_wait3A_142 = arith.constant 0 : i32
      %dma_wait3A_143 = tpu.memref_slice %arg5[%arg0, %add3A_121, %dma_wait3A_142] : memref<2x10240x128xf32, #tpu.memory_space<hbm>> -> memref<1x64x128xf32, #tpu.memory_space<hbm>>
      %dma_wait3A_144 = tpu.memref_squeeze %dma_wait3A_143 : memref<1x64x128xf32, #tpu.memory_space<hbm>> -> memref<64x128xf32, #tpu.memory_space<hbm>>
      tpu.wait_dma2 semaphore(%run_scoped3A : memref<!tpu.dma_semaphore, #tpu.memory_space<semaphore_mem>>) src(%arg9 : memref<64x128xf32, #tpu.memory_space<vmem>>) dst(%dma_wait3A_144 : memref<64x128xf32, #tpu.memory_space<hbm>>)
      tpu.yield
    }) : () -> ()
    %mul3A_122 = arith.constant 640 : i32
    %mul3A_123 = arith.muli %arg1, %mul3A_122 : i32
    %add3A_124 = arith.constant 448 : i32
    %add3A_125 = arith.addi %mul3A_123, %add3A_124 : i32
    "tpu.region"() ({
      %run_scoped3A = tpu.sem_alloc : memref<!tpu.dma_semaphore, #tpu.memory_space<semaphore_mem>>
      %dma_start3A_134 = arith.constant 0 : i32
      %dma_start3A_135 = tpu.memref_slice %arg6[%add3A_125, %dma_start3A_134] : memref<10240x128xf32, #tpu.memory_space<vmem_shared>> -> memref<64x128xf32, #tpu.memory_space<vmem_shared>>
      %dma_start3A_136 = arith.constant 0 : i32
      %dma_start3A_137 = tpu.memref_slice %arg6[%add3A_125, %dma_start3A_136] : memref<10240x128xf32, #tpu.memory_space<vmem_shared>> -> memref<64x128xf32, #tpu.memory_space<vmem_shared>>
      tpu.enqueue_dma source(%dma_start3A_137 : memref<64x128xf32, #tpu.memory_space<vmem_shared>>) target(%arg9 : memref<64x128xf32, #tpu.memory_space<vmem>>) target_semaphore(%run_scoped3A : memref<!tpu.dma_semaphore, #tpu.memory_space<semaphore_mem>>)
      %dma_wait3A = arith.constant 0 : i32
      %dma_wait3A_138 = tpu.memref_slice %arg6[%add3A_125, %dma_wait3A] : memref<10240x128xf32, #tpu.memory_space<vmem_shared>> -> memref<64x128xf32, #tpu.memory_space<vmem_shared>>
      %dma_wait3A_139 = arith.constant 0 : i32
      %dma_wait3A_140 = tpu.memref_slice %arg6[%add3A_125, %dma_wait3A_139] : memref<10240x128xf32, #tpu.memory_space<vmem_shared>> -> memref<64x128xf32, #tpu.memory_space<vmem_shared>>
      tpu.wait_dma2 semaphore(%run_scoped3A : memref<!tpu.dma_semaphore, #tpu.memory_space<semaphore_mem>>) src(%dma_wait3A_140 : memref<64x128xf32, #tpu.memory_space<vmem_shared>>) dst(%arg9 : memref<64x128xf32, #tpu.memory_space<vmem>>)
      tpu.yield
    }) : () -> ()
    "tpu.region"() ({
      %run_scoped3A = tpu.sem_alloc : memref<!tpu.dma_semaphore, #tpu.memory_space<semaphore_mem>>
      %dma_start3A_134 = arith.constant 0 : i32
      %dma_start3A_135 = tpu.memref_slice %arg5[%arg0, %add3A_125, %dma_start3A_134] : memref<2x10240x128xf32, #tpu.memory_space<hbm>> -> memref<1x64x128xf32, #tpu.memory_space<hbm>>
      %dma_start3A_136 = tpu.memref_squeeze %dma_start3A_135 : memref<1x64x128xf32, #tpu.memory_space<hbm>> -> memref<64x128xf32, #tpu.memory_space<hbm>>
      %dma_start3A_137 = arith.constant 0 : i32
      %dma_start3A_138 = tpu.memref_slice %arg5[%arg0, %add3A_125, %dma_start3A_137] : memref<2x10240x128xf32, #tpu.memory_space<hbm>> -> memref<1x64x128xf32, #tpu.memory_space<hbm>>
      %dma_start3A_139 = tpu.memref_squeeze %dma_start3A_138 : memref<1x64x128xf32, #tpu.memory_space<hbm>> -> memref<64x128xf32, #tpu.memory_space<hbm>>
      tpu.enqueue_dma source(%arg9 : memref<64x128xf32, #tpu.memory_space<vmem>>) target(%dma_start3A_139 : memref<64x128xf32, #tpu.memory_space<hbm>>) target_semaphore(%run_scoped3A : memref<!tpu.dma_semaphore, #tpu.memory_space<semaphore_mem>>)
      %dma_wait3A = arith.constant 0 : i32
      %dma_wait3A_140 = tpu.memref_slice %arg5[%arg0, %add3A_125, %dma_wait3A] : memref<2x10240x128xf32, #tpu.memory_space<hbm>> -> memref<1x64x128xf32, #tpu.memory_space<hbm>>
      %dma_wait3A_141 = tpu.memref_squeeze %dma_wait3A_140 : memref<1x64x128xf32, #tpu.memory_space<hbm>> -> memref<64x128xf32, #tpu.memory_space<hbm>>
      %dma_wait3A_142 = arith.constant 0 : i32
      %dma_wait3A_143 = tpu.memref_slice %arg5[%arg0, %add3A_125, %dma_wait3A_142] : memref<2x10240x128xf32, #tpu.memory_space<hbm>> -> memref<1x64x128xf32, #tpu.memory_space<hbm>>
      %dma_wait3A_144 = tpu.memref_squeeze %dma_wait3A_143 : memref<1x64x128xf32, #tpu.memory_space<hbm>> -> memref<64x128xf32, #tpu.memory_space<hbm>>
      tpu.wait_dma2 semaphore(%run_scoped3A : memref<!tpu.dma_semaphore, #tpu.memory_space<semaphore_mem>>) src(%arg9 : memref<64x128xf32, #tpu.memory_space<vmem>>) dst(%dma_wait3A_144 : memref<64x128xf32, #tpu.memory_space<hbm>>)
      tpu.yield
    }) : () -> ()
    %mul3A_126 = arith.constant 640 : i32
    %mul3A_127 = arith.muli %arg1, %mul3A_126 : i32
    %add3A_128 = arith.constant 512 : i32
    %add3A_129 = arith.addi %mul3A_127, %add3A_128 : i32
    "tpu.region"() ({
      %run_scoped3A = tpu.sem_alloc : memref<!tpu.dma_semaphore, #tpu.memory_space<semaphore_mem>>
      %dma_start3A_134 = arith.constant 0 : i32
      %dma_start3A_135 = tpu.memref_slice %arg6[%add3A_129, %dma_start3A_134] : memref<10240x128xf32, #tpu.memory_space<vmem_shared>> -> memref<64x128xf32, #tpu.memory_space<vmem_shared>>
      %dma_start3A_136 = arith.constant 0 : i32
      %dma_start3A_137 = tpu.memref_slice %arg6[%add3A_129, %dma_start3A_136] : memref<10240x128xf32, #tpu.memory_space<vmem_shared>> -> memref<64x128xf32, #tpu.memory_space<vmem_shared>>
      tpu.enqueue_dma source(%dma_start3A_137 : memref<64x128xf32, #tpu.memory_space<vmem_shared>>) target(%arg9 : memref<64x128xf32, #tpu.memory_space<vmem>>) target_semaphore(%run_scoped3A : memref<!tpu.dma_semaphore, #tpu.memory_space<semaphore_mem>>)
      %dma_wait3A = arith.constant 0 : i32
      %dma_wait3A_138 = tpu.memref_slice %arg6[%add3A_129, %dma_wait3A] : memref<10240x128xf32, #tpu.memory_space<vmem_shared>> -> memref<64x128xf32, #tpu.memory_space<vmem_shared>>
      %dma_wait3A_139 = arith.constant 0 : i32
      %dma_wait3A_140 = tpu.memref_slice %arg6[%add3A_129, %dma_wait3A_139] : memref<10240x128xf32, #tpu.memory_space<vmem_shared>> -> memref<64x128xf32, #tpu.memory_space<vmem_shared>>
      tpu.wait_dma2 semaphore(%run_scoped3A : memref<!tpu.dma_semaphore, #tpu.memory_space<semaphore_mem>>) src(%dma_wait3A_140 : memref<64x128xf32, #tpu.memory_space<vmem_shared>>) dst(%arg9 : memref<64x128xf32, #tpu.memory_space<vmem>>)
      tpu.yield
    }) : () -> ()
    "tpu.region"() ({
      %run_scoped3A = tpu.sem_alloc : memref<!tpu.dma_semaphore, #tpu.memory_space<semaphore_mem>>
      %dma_start3A_134 = arith.constant 0 : i32
      %dma_start3A_135 = tpu.memref_slice %arg5[%arg0, %add3A_129, %dma_start3A_134] : memref<2x10240x128xf32, #tpu.memory_space<hbm>> -> memref<1x64x128xf32, #tpu.memory_space<hbm>>
      %dma_start3A_136 = tpu.memref_squeeze %dma_start3A_135 : memref<1x64x128xf32, #tpu.memory_space<hbm>> -> memref<64x128xf32, #tpu.memory_space<hbm>>
      %dma_start3A_137 = arith.constant 0 : i32
      %dma_start3A_138 = tpu.memref_slice %arg5[%arg0, %add3A_129, %dma_start3A_137] : memref<2x10240x128xf32, #tpu.memory_space<hbm>> -> memref<1x64x128xf32, #tpu.memory_space<hbm>>
      %dma_start3A_139 = tpu.memref_squeeze %dma_start3A_138 : memref<1x64x128xf32, #tpu.memory_space<hbm>> -> memref<64x128xf32, #tpu.memory_space<hbm>>
      tpu.enqueue_dma source(%arg9 : memref<64x128xf32, #tpu.memory_space<vmem>>) target(%dma_start3A_139 : memref<64x128xf32, #tpu.memory_space<hbm>>) target_semaphore(%run_scoped3A : memref<!tpu.dma_semaphore, #tpu.memory_space<semaphore_mem>>)
      %dma_wait3A = arith.constant 0 : i32
      %dma_wait3A_140 = tpu.memref_slice %arg5[%arg0, %add3A_129, %dma_wait3A] : memref<2x10240x128xf32, #tpu.memory_space<hbm>> -> memref<1x64x128xf32, #tpu.memory_space<hbm>>
      %dma_wait3A_141 = tpu.memref_squeeze %dma_wait3A_140 : memref<1x64x128xf32, #tpu.memory_space<hbm>> -> memref<64x128xf32, #tpu.memory_space<hbm>>
      %dma_wait3A_142 = arith.constant 0 : i32
      %dma_wait3A_143 = tpu.memref_slice %arg5[%arg0, %add3A_129, %dma_wait3A_142] : memref<2x10240x128xf32, #tpu.memory_space<hbm>> -> memref<1x64x128xf32, #tpu.memory_space<hbm>>
      %dma_wait3A_144 = tpu.memref_squeeze %dma_wait3A_143 : memref<1x64x128xf32, #tpu.memory_space<hbm>> -> memref<64x128xf32, #tpu.memory_space<hbm>>
      tpu.wait_dma2 semaphore(%run_scoped3A : memref<!tpu.dma_semaphore, #tpu.memory_space<semaphore_mem>>) src(%arg9 : memref<64x128xf32, #tpu.memory_space<vmem>>) dst(%dma_wait3A_144 : memref<64x128xf32, #tpu.memory_space<hbm>>)
      tpu.yield
    }) : () -> ()
    %mul3A_130 = arith.constant 640 : i32
    %mul3A_131 = arith.muli %arg1, %mul3A_130 : i32
    %add3A_132 = arith.constant 576 : i32
    %add3A_133 = arith.addi %mul3A_131, %add3A_132 : i32
    "tpu.region"() ({
      %run_scoped3A = tpu.sem_alloc : memref<!tpu.dma_semaphore, #tpu.memory_space<semaphore_mem>>
      %dma_start3A_134 = arith.constant 0 : i32
      %dma_start3A_135 = tpu.memref_slice %arg6[%add3A_133, %dma_start3A_134] : memref<10240x128xf32, #tpu.memory_space<vmem_shared>> -> memref<64x128xf32, #tpu.memory_space<vmem_shared>>
      %dma_start3A_136 = arith.constant 0 : i32
      %dma_start3A_137 = tpu.memref_slice %arg6[%add3A_133, %dma_start3A_136] : memref<10240x128xf32, #tpu.memory_space<vmem_shared>> -> memref<64x128xf32, #tpu.memory_space<vmem_shared>>
      tpu.enqueue_dma source(%dma_start3A_137 : memref<64x128xf32, #tpu.memory_space<vmem_shared>>) target(%arg9 : memref<64x128xf32, #tpu.memory_space<vmem>>) target_semaphore(%run_scoped3A : memref<!tpu.dma_semaphore, #tpu.memory_space<semaphore_mem>>)
      %dma_wait3A = arith.constant 0 : i32
      %dma_wait3A_138 = tpu.memref_slice %arg6[%add3A_133, %dma_wait3A] : memref<10240x128xf32, #tpu.memory_space<vmem_shared>> -> memref<64x128xf32, #tpu.memory_space<vmem_shared>>
      %dma_wait3A_139 = arith.constant 0 : i32
      %dma_wait3A_140 = tpu.memref_slice %arg6[%add3A_133, %dma_wait3A_139] : memref<10240x128xf32, #tpu.memory_space<vmem_shared>> -> memref<64x128xf32, #tpu.memory_space<vmem_shared>>
      tpu.wait_dma2 semaphore(%run_scoped3A : memref<!tpu.dma_semaphore, #tpu.memory_space<semaphore_mem>>) src(%dma_wait3A_140 : memref<64x128xf32, #tpu.memory_space<vmem_shared>>) dst(%arg9 : memref<64x128xf32, #tpu.memory_space<vmem>>)
      tpu.yield
    }) : () -> ()
    "tpu.region"() ({
      %run_scoped3A = tpu.sem_alloc : memref<!tpu.dma_semaphore, #tpu.memory_space<semaphore_mem>>
      %dma_start3A_134 = arith.constant 0 : i32
      %dma_start3A_135 = tpu.memref_slice %arg5[%arg0, %add3A_133, %dma_start3A_134] : memref<2x10240x128xf32, #tpu.memory_space<hbm>> -> memref<1x64x128xf32, #tpu.memory_space<hbm>>
      %dma_start3A_136 = tpu.memref_squeeze %dma_start3A_135 : memref<1x64x128xf32, #tpu.memory_space<hbm>> -> memref<64x128xf32, #tpu.memory_space<hbm>>
      %dma_start3A_137 = arith.constant 0 : i32
      %dma_start3A_138 = tpu.memref_slice %arg5[%arg0, %add3A_133, %dma_start3A_137] : memref<2x10240x128xf32, #tpu.memory_space<hbm>> -> memref<1x64x128xf32, #tpu.memory_space<hbm>>
      %dma_start3A_139 = tpu.memref_squeeze %dma_start3A_138 : memref<1x64x128xf32, #tpu.memory_space<hbm>> -> memref<64x128xf32, #tpu.memory_space<hbm>>
      tpu.enqueue_dma source(%arg9 : memref<64x128xf32, #tpu.memory_space<vmem>>) target(%dma_start3A_139 : memref<64x128xf32, #tpu.memory_space<hbm>>) target_semaphore(%run_scoped3A : memref<!tpu.dma_semaphore, #tpu.memory_space<semaphore_mem>>)
      %dma_wait3A = arith.constant 0 : i32
      %dma_wait3A_140 = tpu.memref_slice %arg5[%arg0, %add3A_133, %dma_wait3A] : memref<2x10240x128xf32, #tpu.memory_space<hbm>> -> memref<1x64x128xf32, #tpu.memory_space<hbm>>
      %dma_wait3A_141 = tpu.memref_squeeze %dma_wait3A_140 : memref<1x64x128xf32, #tpu.memory_space<hbm>> -> memref<64x128xf32, #tpu.memory_space<hbm>>
      %dma_wait3A_142 = arith.constant 0 : i32
      %dma_wait3A_143 = tpu.memref_slice %arg5[%arg0, %add3A_133, %dma_wait3A_142] : memref<2x10240x128xf32, #tpu.memory_space<hbm>> -> memref<1x64x128xf32, #tpu.memory_space<hbm>>
      %dma_wait3A_144 = tpu.memref_squeeze %dma_wait3A_143 : memref<1x64x128xf32, #tpu.memory_space<hbm>> -> memref<64x128xf32, #tpu.memory_space<hbm>>
      tpu.wait_dma2 semaphore(%run_scoped3A : memref<!tpu.dma_semaphore, #tpu.memory_space<semaphore_mem>>) src(%arg9 : memref<64x128xf32, #tpu.memory_space<vmem>>) dst(%dma_wait3A_144 : memref<64x128xf32, #tpu.memory_space<hbm>>)
      tpu.yield
    }) : () -> ()
    return
  }
}

#map = affine_map<(d0, d1) -> (0, 0)>
#map1 = affine_map<(d0, d1) -> (0)>
module attributes {stable_mosaic.version = 14 : i64} {
  func.func @_sc_deg_body(%arg0: i32, %arg1: i32, %arg2: memref<2560x128xi32, #tpu.memory_space<hbm>>, %arg3: memref<20480xf32, #tpu.memory_space<hbm>>, %arg4: memref<10240xf32, #tpu.memory_space<vmem_shared>>, %arg5: memref<80x128xi32, #tpu.memory_space<vmem>>, %arg6: memref<128xf32, #tpu.memory_space<vmem>>, %arg7: memref<640xf32, #tpu.memory_space<vmem>>, %arg8: memref<!tpu.dma_semaphore, #tpu.memory_space<semaphore_mem>>) attributes {dimension_semantics = [#tpu.dimension_semantics<core_parallel>, #tpu.dimension_semantics<subcore_parallel>], iteration_bounds = array<i64: 2, 16>, scalar_prefetch = 0 : i64, scratch_operands = 5 : i64, tpu.core_type = #tpu.core_type<sc_vector_subcore>, window_params = [{transform_indices = #map}, {transform_indices = #map1}]} {
    %mul3A = arith.constant 16 : i32
    %mul3A_0 = arith.muli %arg0, %mul3A : i32
    %add3A = arith.addi %mul3A_0, %arg1 : i32
    %scan3A = arith.constant 0 : i32
    %scan3A_1 = arith.constant 0 : i32
    %scan3A_2 = arith.constant 40 : i32
    %scan3A_3 = arith.addi %scan3A_1, %scan3A_2 : i32
    %scan3A_4 = arith.constant 1 : i32
    scf.for %scan3A_30 = %scan3A_1 to %scan3A_3 step %scan3A_4  : i32 {
      %broadcast_in_dim3A = arith.constant 0.000000e+00 : f32
      %broadcast_in_dim3A_31 = vector.broadcast %broadcast_in_dim3A : f32 to vector<16xf32>
      %mul3A_32 = arith.constant 16 : i32
      %mul3A_33 = arith.muli %scan3A_30, %mul3A_32 : i32
      %swap3A = arith.index_cast %mul3A_33 : i32 to index
      %swap3A_34 = tpu.vector_load %arg7[%swap3A] {strides = array<i32>} : memref<640xf32, #tpu.memory_space<vmem>>, vector<16xf32>,
      %swap3A_35 = vector.shape_cast %swap3A_34 : vector<16xf32> to vector<16xf32>
      %swap3A_36 = vector.shape_cast %broadcast_in_dim3A_31 : vector<16xf32> to vector<16xf32>
      tpu.vector_store %arg7[%swap3A], %swap3A_36 {strides = array<i32>} : memref<640xf32, #tpu.memory_space<vmem>>, vector<16xf32>,
    }
    %scan3A_5 = arith.constant 40 : i32
    %mul3A_6 = arith.constant 640 : i32
    %mul3A_7 = arith.muli %arg1, %mul3A_6 : i32
    "tpu.region"() ({
      %run_scoped3A = tpu.sem_alloc : memref<!tpu.dma_semaphore, #tpu.memory_space<semaphore_mem>>
      %dma_start3A = tpu.memref_slice %arg4[%mul3A_7] : memref<10240xf32, #tpu.memory_space<vmem_shared>> -> memref<640xf32, #tpu.memory_space<vmem_shared>>
      %dma_start3A_30 = tpu.memref_slice %arg4[%mul3A_7] : memref<10240xf32, #tpu.memory_space<vmem_shared>> -> memref<640xf32, #tpu.memory_space<vmem_shared>>
      tpu.enqueue_dma source(%arg7 : memref<640xf32, #tpu.memory_space<vmem>>) target(%dma_start3A_30 : memref<640xf32, #tpu.memory_space<vmem_shared>>) target_semaphore(%run_scoped3A : memref<!tpu.dma_semaphore, #tpu.memory_space<semaphore_mem>>)
      %dma_wait3A = tpu.memref_slice %arg4[%mul3A_7] : memref<10240xf32, #tpu.memory_space<vmem_shared>> -> memref<640xf32, #tpu.memory_space<vmem_shared>>
      %dma_wait3A_31 = tpu.memref_slice %arg4[%mul3A_7] : memref<10240xf32, #tpu.memory_space<vmem_shared>> -> memref<640xf32, #tpu.memory_space<vmem_shared>>
      tpu.wait_dma2 semaphore(%run_scoped3A : memref<!tpu.dma_semaphore, #tpu.memory_space<semaphore_mem>>) src(%arg7 : memref<640xf32, #tpu.memory_space<vmem>>) dst(%dma_wait3A_31 : memref<640xf32, #tpu.memory_space<vmem_shared>>)
      tpu.yield
    }) : () -> ()
    %mul3A_8 = arith.constant 80 : i32
    %mul3A_9 = arith.muli %add3A, %mul3A_8 : i32
    "tpu.region"() ({
      %run_scoped3A = tpu.sem_alloc : memref<!tpu.dma_semaphore, #tpu.memory_space<semaphore_mem>>
      %dma_start3A = arith.constant 0 : i32
      %dma_start3A_30 = tpu.memref_slice %arg2[%mul3A_9, %dma_start3A] : memref<2560x128xi32, #tpu.memory_space<hbm>> -> memref<80x128xi32, #tpu.memory_space<hbm>>
      %dma_start3A_31 = arith.constant 0 : i32
      %dma_start3A_32 = tpu.memref_slice %arg2[%mul3A_9, %dma_start3A_31] : memref<2560x128xi32, #tpu.memory_space<hbm>> -> memref<80x128xi32, #tpu.memory_space<hbm>>
      tpu.enqueue_dma source(%dma_start3A_32 : memref<80x128xi32, #tpu.memory_space<hbm>>) target(%arg5 : memref<80x128xi32, #tpu.memory_space<vmem>>) target_semaphore(%run_scoped3A : memref<!tpu.dma_semaphore, #tpu.memory_space<semaphore_mem>>)
      %dma_wait3A = arith.constant 0 : i32
      %dma_wait3A_33 = tpu.memref_slice %arg2[%mul3A_9, %dma_wait3A] : memref<2560x128xi32, #tpu.memory_space<hbm>> -> memref<80x128xi32, #tpu.memory_space<hbm>>
      %dma_wait3A_34 = arith.constant 0 : i32
      %dma_wait3A_35 = tpu.memref_slice %arg2[%mul3A_9, %dma_wait3A_34] : memref<2560x128xi32, #tpu.memory_space<hbm>> -> memref<80x128xi32, #tpu.memory_space<hbm>>
      tpu.wait_dma2 semaphore(%run_scoped3A : memref<!tpu.dma_semaphore, #tpu.memory_space<semaphore_mem>>) src(%dma_wait3A_35 : memref<80x128xi32, #tpu.memory_space<hbm>>) dst(%arg5 : memref<80x128xi32, #tpu.memory_space<vmem>>)
      tpu.yield
    }) : () -> ()
    %scan3A_10 = arith.constant 0 : i32
    %scan3A_11 = arith.constant 0 : i32
    %scan3A_12 = arith.constant 8 : i32
    %scan3A_13 = arith.addi %scan3A_11, %scan3A_12 : i32
    %scan3A_14 = arith.constant 1 : i32
    scf.for %scan3A_30 = %scan3A_11 to %scan3A_13 step %scan3A_14  : i32 {
      %broadcast_in_dim3A = arith.constant 1.000000e+00 : f32
      %broadcast_in_dim3A_31 = vector.broadcast %broadcast_in_dim3A : f32 to vector<16xf32>
      %mul3A_32 = arith.constant 16 : i32
      %mul3A_33 = arith.muli %scan3A_30, %mul3A_32 : i32
      %swap3A = arith.index_cast %mul3A_33 : i32 to index
      %swap3A_34 = tpu.vector_load %arg6[%swap3A] {strides = array<i32>} : memref<128xf32, #tpu.memory_space<vmem>>, vector<16xf32>,
      %swap3A_35 = vector.shape_cast %swap3A_34 : vector<16xf32> to vector<16xf32>
      %swap3A_36 = vector.shape_cast %broadcast_in_dim3A_31 : vector<16xf32> to vector<16xf32>
      tpu.vector_store %arg6[%swap3A], %swap3A_36 {strides = array<i32>} : memref<128xf32, #tpu.memory_space<vmem>>, vector<16xf32>,
    }
    %scan3A_15 = arith.constant 8 : i32
    %barrier3A = arith.constant 0 : index
    tpu.barrier barrier_id(%barrier3A)
    %scan3A_16 = arith.constant 0 : i32
    %scan3A_17 = arith.constant 0 : i32
    %scan3A_18 = arith.constant 10 : i32
    %scan3A_19 = arith.addi %scan3A_17, %scan3A_18 : i32
    %scan3A_20 = arith.constant 1 : i32
    scf.for %scan3A_30 = %scan3A_17 to %scan3A_19 step %scan3A_20  : i32 {
      %mul3A_31 = arith.constant 8 : i32
      %mul3A_32 = arith.muli %scan3A_30, %mul3A_31 : i32
      %add3A_33 = arith.constant 0 : i32
      %add3A_34 = arith.addi %mul3A_32, %add3A_33 : i32
      %dma_start3A = arith.constant 0 : i32
      %dma_start3A_35 = tpu.memref_slice %arg5[%add3A_34, %dma_start3A] : memref<80x128xi32, #tpu.memory_space<vmem>> -> memref<1x128xi32, #tpu.memory_space<vmem>>
      %dma_start3A_36 = tpu.memref_squeeze %dma_start3A_35 : memref<1x128xi32, #tpu.memory_space<vmem>> -> memref<128xi32, #tpu.memory_space<vmem>>
      %dma_start3A_37 = arith.constant 0 : i32
      %dma_start3A_38 = tpu.memref_slice %arg4[%dma_start3A_37] : memref<10240xf32, #tpu.memory_space<vmem_shared>> -> memref<10240xf32, #tpu.memory_space<vmem_shared>>
      tpu.enqueue_indirect_dma source(%arg6 : memref<128xf32, #tpu.memory_space<vmem>>) target(%dma_start3A_38 : memref<10240xf32, #tpu.memory_space<vmem_shared>>) offsets(%dma_start3A_36 : memref<128xi32, #tpu.memory_space<vmem>>) semaphore(%arg8 : memref<!tpu.dma_semaphore, #tpu.memory_space<semaphore_mem>>) {add = true}
      %add3A_39 = arith.constant 1 : i32
      %add3A_40 = arith.addi %mul3A_32, %add3A_39 : i32
      %dma_start3A_41 = arith.constant 0 : i32
      %dma_start3A_42 = tpu.memref_slice %arg5[%add3A_40, %dma_start3A_41] : memref<80x128xi32, #tpu.memory_space<vmem>> -> memref<1x128xi32, #tpu.memory_space<vmem>>
      %dma_start3A_43 = tpu.memref_squeeze %dma_start3A_42 : memref<1x128xi32, #tpu.memory_space<vmem>> -> memref<128xi32, #tpu.memory_space<vmem>>
      %dma_start3A_44 = arith.constant 0 : i32
      %dma_start3A_45 = tpu.memref_slice %arg4[%dma_start3A_44] : memref<10240xf32, #tpu.memory_space<vmem_shared>> -> memref<10240xf32, #tpu.memory_space<vmem_shared>>
      tpu.enqueue_indirect_dma source(%arg6 : memref<128xf32, #tpu.memory_space<vmem>>) target(%dma_start3A_45 : memref<10240xf32, #tpu.memory_space<vmem_shared>>) offsets(%dma_start3A_43 : memref<128xi32, #tpu.memory_space<vmem>>) semaphore(%arg8 : memref<!tpu.dma_semaphore, #tpu.memory_space<semaphore_mem>>) {add = true}
      %add3A_46 = arith.constant 2 : i32
      %add3A_47 = arith.addi %mul3A_32, %add3A_46 : i32
      %dma_start3A_48 = arith.constant 0 : i32
      %dma_start3A_49 = tpu.memref_slice %arg5[%add3A_47, %dma_start3A_48] : memref<80x128xi32, #tpu.memory_space<vmem>> -> memref<1x128xi32, #tpu.memory_space<vmem>>
      %dma_start3A_50 = tpu.memref_squeeze %dma_start3A_49 : memref<1x128xi32, #tpu.memory_space<vmem>> -> memref<128xi32, #tpu.memory_space<vmem>>
      %dma_start3A_51 = arith.constant 0 : i32
      %dma_start3A_52 = tpu.memref_slice %arg4[%dma_start3A_51] : memref<10240xf32, #tpu.memory_space<vmem_shared>> -> memref<10240xf32, #tpu.memory_space<vmem_shared>>
      tpu.enqueue_indirect_dma source(%arg6 : memref<128xf32, #tpu.memory_space<vmem>>) target(%dma_start3A_52 : memref<10240xf32, #tpu.memory_space<vmem_shared>>) offsets(%dma_start3A_50 : memref<128xi32, #tpu.memory_space<vmem>>) semaphore(%arg8 : memref<!tpu.dma_semaphore, #tpu.memory_space<semaphore_mem>>) {add = true}
      %add3A_53 = arith.constant 3 : i32
      %add3A_54 = arith.addi %mul3A_32, %add3A_53 : i32
      %dma_start3A_55 = arith.constant 0 : i32
      %dma_start3A_56 = tpu.memref_slice %arg5[%add3A_54, %dma_start3A_55] : memref<80x128xi32, #tpu.memory_space<vmem>> -> memref<1x128xi32, #tpu.memory_space<vmem>>
      %dma_start3A_57 = tpu.memref_squeeze %dma_start3A_56 : memref<1x128xi32, #tpu.memory_space<vmem>> -> memref<128xi32, #tpu.memory_space<vmem>>
      %dma_start3A_58 = arith.constant 0 : i32
      %dma_start3A_59 = tpu.memref_slice %arg4[%dma_start3A_58] : memref<10240xf32, #tpu.memory_space<vmem_shared>> -> memref<10240xf32, #tpu.memory_space<vmem_shared>>
      tpu.enqueue_indirect_dma source(%arg6 : memref<128xf32, #tpu.memory_space<vmem>>) target(%dma_start3A_59 : memref<10240xf32, #tpu.memory_space<vmem_shared>>) offsets(%dma_start3A_57 : memref<128xi32, #tpu.memory_space<vmem>>) semaphore(%arg8 : memref<!tpu.dma_semaphore, #tpu.memory_space<semaphore_mem>>) {add = true}
      %add3A_60 = arith.constant 4 : i32
      %add3A_61 = arith.addi %mul3A_32, %add3A_60 : i32
      %dma_start3A_62 = arith.constant 0 : i32
      %dma_start3A_63 = tpu.memref_slice %arg5[%add3A_61, %dma_start3A_62] : memref<80x128xi32, #tpu.memory_space<vmem>> -> memref<1x128xi32, #tpu.memory_space<vmem>>
      %dma_start3A_64 = tpu.memref_squeeze %dma_start3A_63 : memref<1x128xi32, #tpu.memory_space<vmem>> -> memref<128xi32, #tpu.memory_space<vmem>>
      %dma_start3A_65 = arith.constant 0 : i32
      %dma_start3A_66 = tpu.memref_slice %arg4[%dma_start3A_65] : memref<10240xf32, #tpu.memory_space<vmem_shared>> -> memref<10240xf32, #tpu.memory_space<vmem_shared>>
      tpu.enqueue_indirect_dma source(%arg6 : memref<128xf32, #tpu.memory_space<vmem>>) target(%dma_start3A_66 : memref<10240xf32, #tpu.memory_space<vmem_shared>>) offsets(%dma_start3A_64 : memref<128xi32, #tpu.memory_space<vmem>>) semaphore(%arg8 : memref<!tpu.dma_semaphore, #tpu.memory_space<semaphore_mem>>) {add = true}
      %add3A_67 = arith.constant 5 : i32
      %add3A_68 = arith.addi %mul3A_32, %add3A_67 : i32
      %dma_start3A_69 = arith.constant 0 : i32
      %dma_start3A_70 = tpu.memref_slice %arg5[%add3A_68, %dma_start3A_69] : memref<80x128xi32, #tpu.memory_space<vmem>> -> memref<1x128xi32, #tpu.memory_space<vmem>>
      %dma_start3A_71 = tpu.memref_squeeze %dma_start3A_70 : memref<1x128xi32, #tpu.memory_space<vmem>> -> memref<128xi32, #tpu.memory_space<vmem>>
      %dma_start3A_72 = arith.constant 0 : i32
      %dma_start3A_73 = tpu.memref_slice %arg4[%dma_start3A_72] : memref<10240xf32, #tpu.memory_space<vmem_shared>> -> memref<10240xf32, #tpu.memory_space<vmem_shared>>
      tpu.enqueue_indirect_dma source(%arg6 : memref<128xf32, #tpu.memory_space<vmem>>) target(%dma_start3A_73 : memref<10240xf32, #tpu.memory_space<vmem_shared>>) offsets(%dma_start3A_71 : memref<128xi32, #tpu.memory_space<vmem>>) semaphore(%arg8 : memref<!tpu.dma_semaphore, #tpu.memory_space<semaphore_mem>>) {add = true}
      %add3A_74 = arith.constant 6 : i32
      %add3A_75 = arith.addi %mul3A_32, %add3A_74 : i32
      %dma_start3A_76 = arith.constant 0 : i32
      %dma_start3A_77 = tpu.memref_slice %arg5[%add3A_75, %dma_start3A_76] : memref<80x128xi32, #tpu.memory_space<vmem>> -> memref<1x128xi32, #tpu.memory_space<vmem>>
      %dma_start3A_78 = tpu.memref_squeeze %dma_start3A_77 : memref<1x128xi32, #tpu.memory_space<vmem>> -> memref<128xi32, #tpu.memory_space<vmem>>
      %dma_start3A_79 = arith.constant 0 : i32
      %dma_start3A_80 = tpu.memref_slice %arg4[%dma_start3A_79] : memref<10240xf32, #tpu.memory_space<vmem_shared>> -> memref<10240xf32, #tpu.memory_space<vmem_shared>>
      tpu.enqueue_indirect_dma source(%arg6 : memref<128xf32, #tpu.memory_space<vmem>>) target(%dma_start3A_80 : memref<10240xf32, #tpu.memory_space<vmem_shared>>) offsets(%dma_start3A_78 : memref<128xi32, #tpu.memory_space<vmem>>) semaphore(%arg8 : memref<!tpu.dma_semaphore, #tpu.memory_space<semaphore_mem>>) {add = true}
      %add3A_81 = arith.constant 7 : i32
      %add3A_82 = arith.addi %mul3A_32, %add3A_81 : i32
      %dma_start3A_83 = arith.constant 0 : i32
      %dma_start3A_84 = tpu.memref_slice %arg5[%add3A_82, %dma_start3A_83] : memref<80x128xi32, #tpu.memory_space<vmem>> -> memref<1x128xi32, #tpu.memory_space<vmem>>
      %dma_start3A_85 = tpu.memref_squeeze %dma_start3A_84 : memref<1x128xi32, #tpu.memory_space<vmem>> -> memref<128xi32, #tpu.memory_space<vmem>>
      %dma_start3A_86 = arith.constant 0 : i32
      %dma_start3A_87 = tpu.memref_slice %arg4[%dma_start3A_86] : memref<10240xf32, #tpu.memory_space<vmem_shared>> -> memref<10240xf32, #tpu.memory_space<vmem_shared>>
      tpu.enqueue_indirect_dma source(%arg6 : memref<128xf32, #tpu.memory_space<vmem>>) target(%dma_start3A_87 : memref<10240xf32, #tpu.memory_space<vmem_shared>>) offsets(%dma_start3A_85 : memref<128xi32, #tpu.memory_space<vmem>>) semaphore(%arg8 : memref<!tpu.dma_semaphore, #tpu.memory_space<semaphore_mem>>) {add = true}
      %add3A_88 = arith.constant 0 : i32
      %add3A_89 = arith.addi %mul3A_32, %add3A_88 : i32
      %dma_wait3A = arith.constant 0 : i32
      %dma_wait3A_90 = tpu.memref_slice %arg5[%add3A_89, %dma_wait3A] : memref<80x128xi32, #tpu.memory_space<vmem>> -> memref<1x128xi32, #tpu.memory_space<vmem>>
      %dma_wait3A_91 = tpu.memref_squeeze %dma_wait3A_90 : memref<1x128xi32, #tpu.memory_space<vmem>> -> memref<128xi32, #tpu.memory_space<vmem>>
      %dma_wait3A_92 = arith.constant 0 : i32
      %dma_wait3A_93 = tpu.memref_slice %arg4[%dma_wait3A_92] : memref<10240xf32, #tpu.memory_space<vmem_shared>> -> memref<10240xf32, #tpu.memory_space<vmem_shared>>
      tpu.wait_indirect_dma semaphore(%arg8 : memref<!tpu.dma_semaphore, #tpu.memory_space<semaphore_mem>>) src(%arg6 : memref<128xf32, #tpu.memory_space<vmem>>) dst(%dma_wait3A_93 : memref<10240xf32, #tpu.memory_space<vmem_shared>>)
      %add3A_94 = arith.constant 1 : i32
      %add3A_95 = arith.addi %mul3A_32, %add3A_94 : i32
      %dma_wait3A_96 = arith.constant 0 : i32
      %dma_wait3A_97 = tpu.memref_slice %arg5[%add3A_95, %dma_wait3A_96] : memref<80x128xi32, #tpu.memory_space<vmem>> -> memref<1x128xi32, #tpu.memory_space<vmem>>
      %dma_wait3A_98 = tpu.memref_squeeze %dma_wait3A_97 : memref<1x128xi32, #tpu.memory_space<vmem>> -> memref<128xi32, #tpu.memory_space<vmem>>
      %dma_wait3A_99 = arith.constant 0 : i32
      %dma_wait3A_100 = tpu.memref_slice %arg4[%dma_wait3A_99] : memref<10240xf32, #tpu.memory_space<vmem_shared>> -> memref<10240xf32, #tpu.memory_space<vmem_shared>>
      tpu.wait_indirect_dma semaphore(%arg8 : memref<!tpu.dma_semaphore, #tpu.memory_space<semaphore_mem>>) src(%arg6 : memref<128xf32, #tpu.memory_space<vmem>>) dst(%dma_wait3A_100 : memref<10240xf32, #tpu.memory_space<vmem_shared>>)
      %add3A_101 = arith.constant 2 : i32
      %add3A_102 = arith.addi %mul3A_32, %add3A_101 : i32
      %dma_wait3A_103 = arith.constant 0 : i32
      %dma_wait3A_104 = tpu.memref_slice %arg5[%add3A_102, %dma_wait3A_103] : memref<80x128xi32, #tpu.memory_space<vmem>> -> memref<1x128xi32, #tpu.memory_space<vmem>>
      %dma_wait3A_105 = tpu.memref_squeeze %dma_wait3A_104 : memref<1x128xi32, #tpu.memory_space<vmem>> -> memref<128xi32, #tpu.memory_space<vmem>>
      %dma_wait3A_106 = arith.constant 0 : i32
      %dma_wait3A_107 = tpu.memref_slice %arg4[%dma_wait3A_106] : memref<10240xf32, #tpu.memory_space<vmem_shared>> -> memref<10240xf32, #tpu.memory_space<vmem_shared>>
      tpu.wait_indirect_dma semaphore(%arg8 : memref<!tpu.dma_semaphore, #tpu.memory_space<semaphore_mem>>) src(%arg6 : memref<128xf32, #tpu.memory_space<vmem>>) dst(%dma_wait3A_107 : memref<10240xf32, #tpu.memory_space<vmem_shared>>)
      %add3A_108 = arith.constant 3 : i32
      %add3A_109 = arith.addi %mul3A_32, %add3A_108 : i32
      %dma_wait3A_110 = arith.constant 0 : i32
      %dma_wait3A_111 = tpu.memref_slice %arg5[%add3A_109, %dma_wait3A_110] : memref<80x128xi32, #tpu.memory_space<vmem>> -> memref<1x128xi32, #tpu.memory_space<vmem>>
      %dma_wait3A_112 = tpu.memref_squeeze %dma_wait3A_111 : memref<1x128xi32, #tpu.memory_space<vmem>> -> memref<128xi32, #tpu.memory_space<vmem>>
      %dma_wait3A_113 = arith.constant 0 : i32
      %dma_wait3A_114 = tpu.memref_slice %arg4[%dma_wait3A_113] : memref<10240xf32, #tpu.memory_space<vmem_shared>> -> memref<10240xf32, #tpu.memory_space<vmem_shared>>
      tpu.wait_indirect_dma semaphore(%arg8 : memref<!tpu.dma_semaphore, #tpu.memory_space<semaphore_mem>>) src(%arg6 : memref<128xf32, #tpu.memory_space<vmem>>) dst(%dma_wait3A_114 : memref<10240xf32, #tpu.memory_space<vmem_shared>>)
      %add3A_115 = arith.constant 4 : i32
      %add3A_116 = arith.addi %mul3A_32, %add3A_115 : i32
      %dma_wait3A_117 = arith.constant 0 : i32
      %dma_wait3A_118 = tpu.memref_slice %arg5[%add3A_116, %dma_wait3A_117] : memref<80x128xi32, #tpu.memory_space<vmem>> -> memref<1x128xi32, #tpu.memory_space<vmem>>
      %dma_wait3A_119 = tpu.memref_squeeze %dma_wait3A_118 : memref<1x128xi32, #tpu.memory_space<vmem>> -> memref<128xi32, #tpu.memory_space<vmem>>
      %dma_wait3A_120 = arith.constant 0 : i32
      %dma_wait3A_121 = tpu.memref_slice %arg4[%dma_wait3A_120] : memref<10240xf32, #tpu.memory_space<vmem_shared>> -> memref<10240xf32, #tpu.memory_space<vmem_shared>>
      tpu.wait_indirect_dma semaphore(%arg8 : memref<!tpu.dma_semaphore, #tpu.memory_space<semaphore_mem>>) src(%arg6 : memref<128xf32, #tpu.memory_space<vmem>>) dst(%dma_wait3A_121 : memref<10240xf32, #tpu.memory_space<vmem_shared>>)
      %add3A_122 = arith.constant 5 : i32
      %add3A_123 = arith.addi %mul3A_32, %add3A_122 : i32
      %dma_wait3A_124 = arith.constant 0 : i32
      %dma_wait3A_125 = tpu.memref_slice %arg5[%add3A_123, %dma_wait3A_124] : memref<80x128xi32, #tpu.memory_space<vmem>> -> memref<1x128xi32, #tpu.memory_space<vmem>>
      %dma_wait3A_126 = tpu.memref_squeeze %dma_wait3A_125 : memref<1x128xi32, #tpu.memory_space<vmem>> -> memref<128xi32, #tpu.memory_space<vmem>>
      %dma_wait3A_127 = arith.constant 0 : i32
      %dma_wait3A_128 = tpu.memref_slice %arg4[%dma_wait3A_127] : memref<10240xf32, #tpu.memory_space<vmem_shared>> -> memref<10240xf32, #tpu.memory_space<vmem_shared>>
      tpu.wait_indirect_dma semaphore(%arg8 : memref<!tpu.dma_semaphore, #tpu.memory_space<semaphore_mem>>) src(%arg6 : memref<128xf32, #tpu.memory_space<vmem>>) dst(%dma_wait3A_128 : memref<10240xf32, #tpu.memory_space<vmem_shared>>)
      %add3A_129 = arith.constant 6 : i32
      %add3A_130 = arith.addi %mul3A_32, %add3A_129 : i32
      %dma_wait3A_131 = arith.constant 0 : i32
      %dma_wait3A_132 = tpu.memref_slice %arg5[%add3A_130, %dma_wait3A_131] : memref<80x128xi32, #tpu.memory_space<vmem>> -> memref<1x128xi32, #tpu.memory_space<vmem>>
      %dma_wait3A_133 = tpu.memref_squeeze %dma_wait3A_132 : memref<1x128xi32, #tpu.memory_space<vmem>> -> memref<128xi32, #tpu.memory_space<vmem>>
      %dma_wait3A_134 = arith.constant 0 : i32
      %dma_wait3A_135 = tpu.memref_slice %arg4[%dma_wait3A_134] : memref<10240xf32, #tpu.memory_space<vmem_shared>> -> memref<10240xf32, #tpu.memory_space<vmem_shared>>
      tpu.wait_indirect_dma semaphore(%arg8 : memref<!tpu.dma_semaphore, #tpu.memory_space<semaphore_mem>>) src(%arg6 : memref<128xf32, #tpu.memory_space<vmem>>) dst(%dma_wait3A_135 : memref<10240xf32, #tpu.memory_space<vmem_shared>>)
      %add3A_136 = arith.constant 7 : i32
      %add3A_137 = arith.addi %mul3A_32, %add3A_136 : i32
      %dma_wait3A_138 = arith.constant 0 : i32
      %dma_wait3A_139 = tpu.memref_slice %arg5[%add3A_137, %dma_wait3A_138] : memref<80x128xi32, #tpu.memory_space<vmem>> -> memref<1x128xi32, #tpu.memory_space<vmem>>
      %dma_wait3A_140 = tpu.memref_squeeze %dma_wait3A_139 : memref<1x128xi32, #tpu.memory_space<vmem>> -> memref<128xi32, #tpu.memory_space<vmem>>
      %dma_wait3A_141 = arith.constant 0 : i32
      %dma_wait3A_142 = tpu.memref_slice %arg4[%dma_wait3A_141] : memref<10240xf32, #tpu.memory_space<vmem_shared>> -> memref<10240xf32, #tpu.memory_space<vmem_shared>>
      tpu.wait_indirect_dma semaphore(%arg8 : memref<!tpu.dma_semaphore, #tpu.memory_space<semaphore_mem>>) src(%arg6 : memref<128xf32, #tpu.memory_space<vmem>>) dst(%dma_wait3A_142 : memref<10240xf32, #tpu.memory_space<vmem_shared>>)
    }
    %scan3A_21 = arith.constant 10 : i32
    %barrier3A_22 = arith.constant 0 : index
    tpu.barrier barrier_id(%barrier3A_22)
    %mul3A_23 = arith.constant 640 : i32
    %mul3A_24 = arith.muli %arg1, %mul3A_23 : i32
    "tpu.region"() ({
      %run_scoped3A = tpu.sem_alloc : memref<!tpu.dma_semaphore, #tpu.memory_space<semaphore_mem>>
      %dma_start3A = tpu.memref_slice %arg4[%mul3A_24] : memref<10240xf32, #tpu.memory_space<vmem_shared>> -> memref<640xf32, #tpu.memory_space<vmem_shared>>
      %dma_start3A_30 = tpu.memref_slice %arg4[%mul3A_24] : memref<10240xf32, #tpu.memory_space<vmem_shared>> -> memref<640xf32, #tpu.memory_space<vmem_shared>>
      tpu.enqueue_dma source(%dma_start3A_30 : memref<640xf32, #tpu.memory_space<vmem_shared>>) target(%arg7 : memref<640xf32, #tpu.memory_space<vmem>>) target_semaphore(%run_scoped3A : memref<!tpu.dma_semaphore, #tpu.memory_space<semaphore_mem>>)
      %dma_wait3A = tpu.memref_slice %arg4[%mul3A_24] : memref<10240xf32, #tpu.memory_space<vmem_shared>> -> memref<640xf32, #tpu.memory_space<vmem_shared>>
      %dma_wait3A_31 = tpu.memref_slice %arg4[%mul3A_24] : memref<10240xf32, #tpu.memory_space<vmem_shared>> -> memref<640xf32, #tpu.memory_space<vmem_shared>>
      tpu.wait_dma2 semaphore(%run_scoped3A : memref<!tpu.dma_semaphore, #tpu.memory_space<semaphore_mem>>) src(%dma_wait3A_31 : memref<640xf32, #tpu.memory_space<vmem_shared>>) dst(%arg7 : memref<640xf32, #tpu.memory_space<vmem>>)
      tpu.yield
    }) : () -> ()
    %mul3A_25 = arith.constant 10240 : i32
    %mul3A_26 = arith.muli %arg0, %mul3A_25 : i32
    %mul3A_27 = arith.constant 640 : i32
    %mul3A_28 = arith.muli %arg1, %mul3A_27 : i32
    %add3A_29 = arith.addi %mul3A_26, %mul3A_28 : i32
    "tpu.region"() ({
      %run_scoped3A = tpu.sem_alloc : memref<!tpu.dma_semaphore, #tpu.memory_space<semaphore_mem>>
      %dma_start3A = tpu.memref_slice %arg3[%add3A_29] : memref<20480xf32, #tpu.memory_space<hbm>> -> memref<640xf32, #tpu.memory_space<hbm>>
      %dma_start3A_30 = tpu.memref_slice %arg3[%add3A_29] : memref<20480xf32, #tpu.memory_space<hbm>> -> memref<640xf32, #tpu.memory_space<hbm>>
      tpu.enqueue_dma source(%arg7 : memref<640xf32, #tpu.memory_space<vmem>>) target(%dma_start3A_30 : memref<640xf32, #tpu.memory_space<hbm>>) target_semaphore(%run_scoped3A : memref<!tpu.dma_semaphore, #tpu.memory_space<semaphore_mem>>)
      %dma_wait3A = tpu.memref_slice %arg3[%add3A_29] : memref<20480xf32, #tpu.memory_space<hbm>> -> memref<640xf32, #tpu.memory_space<hbm>>
      %dma_wait3A_31 = tpu.memref_slice %arg3[%add3A_29] : memref<20480xf32, #tpu.memory_space<hbm>> -> memref<640xf32, #tpu.memory_space<hbm>>
      tpu.wait_dma2 semaphore(%run_scoped3A : memref<!tpu.dma_semaphore, #tpu.memory_space<semaphore_mem>>) src(%arg7 : memref<640xf32, #tpu.memory_space<vmem>>) dst(%dma_wait3A_31 : memref<640xf32, #tpu.memory_space<hbm>>)
      tpu.yield
    }) : () -> ()
    return
  }
}

#map = affine_map<(d0, d1) -> (0, 0)>
#map1 = affine_map<(d0, d1) -> (0, 0, 0)>
module attributes {stable_mosaic.version = 14 : i64} {
  func.func @_sc_agg_body(%arg0: i32, %arg1: i32, %arg2: memref<5120x64xi32, #tpu.memory_space<hbm>>, %arg3: memref<5120x64xi32, #tpu.memory_space<hbm>>, %arg4: memref<10000x128xf32, #tpu.memory_space<hbm>>, %arg5: memref<2x10240x128xf32, #tpu.memory_space<hbm>>, %arg6: memref<10240x128xf32, #tpu.memory_space<vmem_shared>>, %arg7: memref<80x64xi32, #tpu.memory_space<vmem>>, %arg8: memref<80x64xi32, #tpu.memory_space<vmem>>, %arg9: memref<64x128xf32, #tpu.memory_space<vmem>>, %arg10: memref<64x128xf32, #tpu.memory_space<vmem>>, %arg11: memref<!tpu.dma_semaphore, #tpu.memory_space<semaphore_mem>>, %arg12: memref<!tpu.dma_semaphore, #tpu.memory_space<semaphore_mem>>, %arg13: memref<!tpu.dma_semaphore, #tpu.memory_space<semaphore_mem>>, %arg14: memref<!tpu.dma_semaphore, #tpu.memory_space<semaphore_mem>>) attributes {dimension_semantics = [#tpu.dimension_semantics<core_parallel>, #tpu.dimension_semantics<subcore_parallel>], iteration_bounds = array<i64: 2, 16>, scalar_prefetch = 0 : i64, scratch_operands = 9 : i64, tpu.core_type = #tpu.core_type<sc_vector_subcore>, window_params = [{transform_indices = #map}, {transform_indices = #map}, {transform_indices = #map}, {transform_indices = #map1}]} {
    %mul3A = arith.constant 16 : i32
    %mul3A_0 = arith.muli %arg0, %mul3A : i32
    %add3A = arith.addi %mul3A_0, %arg1 : i32
    %scan3A = arith.constant 0 : i32
    %scan3A_1 = arith.constant 0 : i32
    %scan3A_2 = arith.constant 64 : i32
    %scan3A_3 = arith.addi %scan3A_1, %scan3A_2 : i32
    %scan3A_4 = arith.constant 1 : i32
    scf.for %scan3A_134 = %scan3A_1 to %scan3A_3 step %scan3A_4  : i32 {
      %broadcast_in_dim3A = arith.constant 0.000000e+00 : f32
      %broadcast_in_dim3A_135 = vector.broadcast %broadcast_in_dim3A : f32 to vector<16xf32>
      %swap3A = arith.index_cast %scan3A_134 : i32 to index
      %swap3A_136 = arith.constant 0 : index
      %swap3A_137 = tpu.vector_load %arg9[%swap3A, %swap3A_136] {strides = array<i32>} : memref<64x128xf32, #tpu.memory_space<vmem>>, vector<1x16xf32>,
      %swap3A_138 = vector.shape_cast %swap3A_137 : vector<1x16xf32> to vector<16xf32>
      %swap3A_139 = vector.shape_cast %broadcast_in_dim3A_135 : vector<16xf32> to vector<1x16xf32>
      tpu.vector_store %arg9[%swap3A, %swap3A_136], %swap3A_139 {strides = array<i32>} : memref<64x128xf32, #tpu.memory_space<vmem>>, vector<1x16xf32>,
      %broadcast_in_dim3A_140 = arith.constant 0.000000e+00 : f32
      %broadcast_in_dim3A_141 = vector.broadcast %broadcast_in_dim3A_140 : f32 to vector<16xf32>
      %swap3A_142 = arith.index_cast %scan3A_134 : i32 to index
      %swap3A_143 = arith.constant 16 : index
      %swap3A_144 = tpu.vector_load %arg9[%swap3A_142, %swap3A_143] {strides = array<i32>} : memref<64x128xf32, #tpu.memory_space<vmem>>, vector<1x16xf32>,
      %swap3A_145 = vector.shape_cast %swap3A_144 : vector<1x16xf32> to vector<16xf32>
      %swap3A_146 = vector.shape_cast %broadcast_in_dim3A_141 : vector<16xf32> to vector<1x16xf32>
      tpu.vector_store %arg9[%swap3A_142, %swap3A_143], %swap3A_146 {strides = array<i32>} : memref<64x128xf32, #tpu.memory_space<vmem>>, vector<1x16xf32>,
      %broadcast_in_dim3A_147 = arith.constant 0.000000e+00 : f32
      %broadcast_in_dim3A_148 = vector.broadcast %broadcast_in_dim3A_147 : f32 to vector<16xf32>
      %swap3A_149 = arith.index_cast %scan3A_134 : i32 to index
      %swap3A_150 = arith.constant 32 : index
      %swap3A_151 = tpu.vector_load %arg9[%swap3A_149, %swap3A_150] {strides = array<i32>} : memref<64x128xf32, #tpu.memory_space<vmem>>, vector<1x16xf32>,
      %swap3A_152 = vector.shape_cast %swap3A_151 : vector<1x16xf32> to vector<16xf32>
      %swap3A_153 = vector.shape_cast %broadcast_in_dim3A_148 : vector<16xf32> to vector<1x16xf32>
      tpu.vector_store %arg9[%swap3A_149, %swap3A_150], %swap3A_153 {strides = array<i32>} : memref<64x128xf32, #tpu.memory_space<vmem>>, vector<1x16xf32>,
      %broadcast_in_dim3A_154 = arith.constant 0.000000e+00 : f32
      %broadcast_in_dim3A_155 = vector.broadcast %broadcast_in_dim3A_154 : f32 to vector<16xf32>
      %swap3A_156 = arith.index_cast %scan3A_134 : i32 to index
      %swap3A_157 = arith.constant 48 : index
      %swap3A_158 = tpu.vector_load %arg9[%swap3A_156, %swap3A_157] {strides = array<i32>} : memref<64x128xf32, #tpu.memory_space<vmem>>, vector<1x16xf32>,
      %swap3A_159 = vector.shape_cast %swap3A_158 : vector<1x16xf32> to vector<16xf32>
      %swap3A_160 = vector.shape_cast %broadcast_in_dim3A_155 : vector<16xf32> to vector<1x16xf32>
      tpu.vector_store %arg9[%swap3A_156, %swap3A_157], %swap3A_160 {strides = array<i32>} : memref<64x128xf32, #tpu.memory_space<vmem>>, vector<1x16xf32>,
      %broadcast_in_dim3A_161 = arith.constant 0.000000e+00 : f32
      %broadcast_in_dim3A_162 = vector.broadcast %broadcast_in_dim3A_161 : f32 to vector<16xf32>
      %swap3A_163 = arith.index_cast %scan3A_134 : i32 to index
      %swap3A_164 = arith.constant 64 : index
      %swap3A_165 = tpu.vector_load %arg9[%swap3A_163, %swap3A_164] {strides = array<i32>} : memref<64x128xf32, #tpu.memory_space<vmem>>, vector<1x16xf32>,
      %swap3A_166 = vector.shape_cast %swap3A_165 : vector<1x16xf32> to vector<16xf32>
      %swap3A_167 = vector.shape_cast %broadcast_in_dim3A_162 : vector<16xf32> to vector<1x16xf32>
      tpu.vector_store %arg9[%swap3A_163, %swap3A_164], %swap3A_167 {strides = array<i32>} : memref<64x128xf32, #tpu.memory_space<vmem>>, vector<1x16xf32>,
      %broadcast_in_dim3A_168 = arith.constant 0.000000e+00 : f32
      %broadcast_in_dim3A_169 = vector.broadcast %broadcast_in_dim3A_168 : f32 to vector<16xf32>
      %swap3A_170 = arith.index_cast %scan3A_134 : i32 to index
      %swap3A_171 = arith.constant 80 : index
      %swap3A_172 = tpu.vector_load %arg9[%swap3A_170, %swap3A_171] {strides = array<i32>} : memref<64x128xf32, #tpu.memory_space<vmem>>, vector<1x16xf32>,
      %swap3A_173 = vector.shape_cast %swap3A_172 : vector<1x16xf32> to vector<16xf32>
      %swap3A_174 = vector.shape_cast %broadcast_in_dim3A_169 : vector<16xf32> to vector<1x16xf32>
      tpu.vector_store %arg9[%swap3A_170, %swap3A_171], %swap3A_174 {strides = array<i32>} : memref<64x128xf32, #tpu.memory_space<vmem>>, vector<1x16xf32>,
      %broadcast_in_dim3A_175 = arith.constant 0.000000e+00 : f32
      %broadcast_in_dim3A_176 = vector.broadcast %broadcast_in_dim3A_175 : f32 to vector<16xf32>
      %swap3A_177 = arith.index_cast %scan3A_134 : i32 to index
      %swap3A_178 = arith.constant 96 : index
      %swap3A_179 = tpu.vector_load %arg9[%swap3A_177, %swap3A_178] {strides = array<i32>} : memref<64x128xf32, #tpu.memory_space<vmem>>, vector<1x16xf32>,
      %swap3A_180 = vector.shape_cast %swap3A_179 : vector<1x16xf32> to vector<16xf32>
      %swap3A_181 = vector.shape_cast %broadcast_in_dim3A_176 : vector<16xf32> to vector<1x16xf32>
      tpu.vector_store %arg9[%swap3A_177, %swap3A_178], %swap3A_181 {strides = array<i32>} : memref<64x128xf32, #tpu.memory_space<vmem>>, vector<1x16xf32>,
      %broadcast_in_dim3A_182 = arith.constant 0.000000e+00 : f32
      %broadcast_in_dim3A_183 = vector.broadcast %broadcast_in_dim3A_182 : f32 to vector<16xf32>
      %swap3A_184 = arith.index_cast %scan3A_134 : i32 to index
      %swap3A_185 = arith.constant 112 : index
      %swap3A_186 = tpu.vector_load %arg9[%swap3A_184, %swap3A_185] {strides = array<i32>} : memref<64x128xf32, #tpu.memory_space<vmem>>, vector<1x16xf32>,
      %swap3A_187 = vector.shape_cast %swap3A_186 : vector<1x16xf32> to vector<16xf32>
      %swap3A_188 = vector.shape_cast %broadcast_in_dim3A_183 : vector<16xf32> to vector<1x16xf32>
      tpu.vector_store %arg9[%swap3A_184, %swap3A_185], %swap3A_188 {strides = array<i32>} : memref<64x128xf32, #tpu.memory_space<vmem>>, vector<1x16xf32>,
    }
    %scan3A_5 = arith.constant 64 : i32
    %mul3A_6 = arith.constant 640 : i32
    %mul3A_7 = arith.muli %arg1, %mul3A_6 : i32
    %add3A_8 = arith.constant 0 : i32
    %add3A_9 = arith.addi %mul3A_7, %add3A_8 : i32
    "tpu.region"() ({
      %run_scoped3A = tpu.sem_alloc : memref<!tpu.dma_semaphore, #tpu.memory_space<semaphore_mem>>
      %dma_start3A_134 = arith.constant 0 : i32
      %dma_start3A_135 = tpu.memref_slice %arg6[%add3A_9, %dma_start3A_134] : memref<10240x128xf32, #tpu.memory_space<vmem_shared>> -> memref<64x128xf32, #tpu.memory_space<vmem_shared>>
      %dma_start3A_136 = arith.constant 0 : i32
      %dma_start3A_137 = tpu.memref_slice %arg6[%add3A_9, %dma_start3A_136] : memref<10240x128xf32, #tpu.memory_space<vmem_shared>> -> memref<64x128xf32, #tpu.memory_space<vmem_shared>>
      tpu.enqueue_dma source(%arg9 : memref<64x128xf32, #tpu.memory_space<vmem>>) target(%dma_start3A_137 : memref<64x128xf32, #tpu.memory_space<vmem_shared>>) target_semaphore(%run_scoped3A : memref<!tpu.dma_semaphore, #tpu.memory_space<semaphore_mem>>)
      %dma_wait3A = arith.constant 0 : i32
      %dma_wait3A_138 = tpu.memref_slice %arg6[%add3A_9, %dma_wait3A] : memref<10240x128xf32, #tpu.memory_space<vmem_shared>> -> memref<64x128xf32, #tpu.memory_space<vmem_shared>>
      %dma_wait3A_139 = arith.constant 0 : i32
      %dma_wait3A_140 = tpu.memref_slice %arg6[%add3A_9, %dma_wait3A_139] : memref<10240x128xf32, #tpu.memory_space<vmem_shared>> -> memref<64x128xf32, #tpu.memory_space<vmem_shared>>
      tpu.wait_dma2 semaphore(%run_scoped3A : memref<!tpu.dma_semaphore, #tpu.memory_space<semaphore_mem>>) src(%arg9 : memref<64x128xf32, #tpu.memory_space<vmem>>) dst(%dma_wait3A_140 : memref<64x128xf32, #tpu.memory_space<vmem_shared>>)
      tpu.yield
    }) : () -> ()
    %mul3A_10 = arith.constant 640 : i32
    %mul3A_11 = arith.muli %arg1, %mul3A_10 : i32
    %add3A_12 = arith.constant 64 : i32
    %add3A_13 = arith.addi %mul3A_11, %add3A_12 : i32
    "tpu.region"() ({
      %run_scoped3A = tpu.sem_alloc : memref<!tpu.dma_semaphore, #tpu.memory_space<semaphore_mem>>
      %dma_start3A_134 = arith.constant 0 : i32
      %dma_start3A_135 = tpu.memref_slice %arg6[%add3A_13, %dma_start3A_134] : memref<10240x128xf32, #tpu.memory_space<vmem_shared>> -> memref<64x128xf32, #tpu.memory_space<vmem_shared>>
      %dma_start3A_136 = arith.constant 0 : i32
      %dma_start3A_137 = tpu.memref_slice %arg6[%add3A_13, %dma_start3A_136] : memref<10240x128xf32, #tpu.memory_space<vmem_shared>> -> memref<64x128xf32, #tpu.memory_space<vmem_shared>>
      tpu.enqueue_dma source(%arg9 : memref<64x128xf32, #tpu.memory_space<vmem>>) target(%dma_start3A_137 : memref<64x128xf32, #tpu.memory_space<vmem_shared>>) target_semaphore(%run_scoped3A : memref<!tpu.dma_semaphore, #tpu.memory_space<semaphore_mem>>)
      %dma_wait3A = arith.constant 0 : i32
      %dma_wait3A_138 = tpu.memref_slice %arg6[%add3A_13, %dma_wait3A] : memref<10240x128xf32, #tpu.memory_space<vmem_shared>> -> memref<64x128xf32, #tpu.memory_space<vmem_shared>>
      %dma_wait3A_139 = arith.constant 0 : i32
      %dma_wait3A_140 = tpu.memref_slice %arg6[%add3A_13, %dma_wait3A_139] : memref<10240x128xf32, #tpu.memory_space<vmem_shared>> -> memref<64x128xf32, #tpu.memory_space<vmem_shared>>
      tpu.wait_dma2 semaphore(%run_scoped3A : memref<!tpu.dma_semaphore, #tpu.memory_space<semaphore_mem>>) src(%arg9 : memref<64x128xf32, #tpu.memory_space<vmem>>) dst(%dma_wait3A_140 : memref<64x128xf32, #tpu.memory_space<vmem_shared>>)
      tpu.yield
    }) : () -> ()
    %mul3A_14 = arith.constant 640 : i32
    %mul3A_15 = arith.muli %arg1, %mul3A_14 : i32
    %add3A_16 = arith.constant 128 : i32
    %add3A_17 = arith.addi %mul3A_15, %add3A_16 : i32
    "tpu.region"() ({
      %run_scoped3A = tpu.sem_alloc : memref<!tpu.dma_semaphore, #tpu.memory_space<semaphore_mem>>
      %dma_start3A_134 = arith.constant 0 : i32
      %dma_start3A_135 = tpu.memref_slice %arg6[%add3A_17, %dma_start3A_134] : memref<10240x128xf32, #tpu.memory_space<vmem_shared>> -> memref<64x128xf32, #tpu.memory_space<vmem_shared>>
      %dma_start3A_136 = arith.constant 0 : i32
      %dma_start3A_137 = tpu.memref_slice %arg6[%add3A_17, %dma_start3A_136] : memref<10240x128xf32, #tpu.memory_space<vmem_shared>> -> memref<64x128xf32, #tpu.memory_space<vmem_shared>>
      tpu.enqueue_dma source(%arg9 : memref<64x128xf32, #tpu.memory_space<vmem>>) target(%dma_start3A_137 : memref<64x128xf32, #tpu.memory_space<vmem_shared>>) target_semaphore(%run_scoped3A : memref<!tpu.dma_semaphore, #tpu.memory_space<semaphore_mem>>)
      %dma_wait3A = arith.constant 0 : i32
      %dma_wait3A_138 = tpu.memref_slice %arg6[%add3A_17, %dma_wait3A] : memref<10240x128xf32, #tpu.memory_space<vmem_shared>> -> memref<64x128xf32, #tpu.memory_space<vmem_shared>>
      %dma_wait3A_139 = arith.constant 0 : i32
      %dma_wait3A_140 = tpu.memref_slice %arg6[%add3A_17, %dma_wait3A_139] : memref<10240x128xf32, #tpu.memory_space<vmem_shared>> -> memref<64x128xf32, #tpu.memory_space<vmem_shared>>
      tpu.wait_dma2 semaphore(%run_scoped3A : memref<!tpu.dma_semaphore, #tpu.memory_space<semaphore_mem>>) src(%arg9 : memref<64x128xf32, #tpu.memory_space<vmem>>) dst(%dma_wait3A_140 : memref<64x128xf32, #tpu.memory_space<vmem_shared>>)
      tpu.yield
    }) : () -> ()
    %mul3A_18 = arith.constant 640 : i32
    %mul3A_19 = arith.muli %arg1, %mul3A_18 : i32
    %add3A_20 = arith.constant 192 : i32
    %add3A_21 = arith.addi %mul3A_19, %add3A_20 : i32
    "tpu.region"() ({
      %run_scoped3A = tpu.sem_alloc : memref<!tpu.dma_semaphore, #tpu.memory_space<semaphore_mem>>
      %dma_start3A_134 = arith.constant 0 : i32
      %dma_start3A_135 = tpu.memref_slice %arg6[%add3A_21, %dma_start3A_134] : memref<10240x128xf32, #tpu.memory_space<vmem_shared>> -> memref<64x128xf32, #tpu.memory_space<vmem_shared>>
      %dma_start3A_136 = arith.constant 0 : i32
      %dma_start3A_137 = tpu.memref_slice %arg6[%add3A_21, %dma_start3A_136] : memref<10240x128xf32, #tpu.memory_space<vmem_shared>> -> memref<64x128xf32, #tpu.memory_space<vmem_shared>>
      tpu.enqueue_dma source(%arg9 : memref<64x128xf32, #tpu.memory_space<vmem>>) target(%dma_start3A_137 : memref<64x128xf32, #tpu.memory_space<vmem_shared>>) target_semaphore(%run_scoped3A : memref<!tpu.dma_semaphore, #tpu.memory_space<semaphore_mem>>)
      %dma_wait3A = arith.constant 0 : i32
      %dma_wait3A_138 = tpu.memref_slice %arg6[%add3A_21, %dma_wait3A] : memref<10240x128xf32, #tpu.memory_space<vmem_shared>> -> memref<64x128xf32, #tpu.memory_space<vmem_shared>>
      %dma_wait3A_139 = arith.constant 0 : i32
      %dma_wait3A_140 = tpu.memref_slice %arg6[%add3A_21, %dma_wait3A_139] : memref<10240x128xf32, #tpu.memory_space<vmem_shared>> -> memref<64x128xf32, #tpu.memory_space<vmem_shared>>
      tpu.wait_dma2 semaphore(%run_scoped3A : memref<!tpu.dma_semaphore, #tpu.memory_space<semaphore_mem>>) src(%arg9 : memref<64x128xf32, #tpu.memory_space<vmem>>) dst(%dma_wait3A_140 : memref<64x128xf32, #tpu.memory_space<vmem_shared>>)
      tpu.yield
    }) : () -> ()
    %mul3A_22 = arith.constant 640 : i32
    %mul3A_23 = arith.muli %arg1, %mul3A_22 : i32
    %add3A_24 = arith.constant 256 : i32
    %add3A_25 = arith.addi %mul3A_23, %add3A_24 : i32
    "tpu.region"() ({
      %run_scoped3A = tpu.sem_alloc : memref<!tpu.dma_semaphore, #tpu.memory_space<semaphore_mem>>
      %dma_start3A_134 = arith.constant 0 : i32
      %dma_start3A_135 = tpu.memref_slice %arg6[%add3A_25, %dma_start3A_134] : memref<10240x128xf32, #tpu.memory_space<vmem_shared>> -> memref<64x128xf32, #tpu.memory_space<vmem_shared>>
      %dma_start3A_136 = arith.constant 0 : i32
      %dma_start3A_137 = tpu.memref_slice %arg6[%add3A_25, %dma_start3A_136] : memref<10240x128xf32, #tpu.memory_space<vmem_shared>> -> memref<64x128xf32, #tpu.memory_space<vmem_shared>>
      tpu.enqueue_dma source(%arg9 : memref<64x128xf32, #tpu.memory_space<vmem>>) target(%dma_start3A_137 : memref<64x128xf32, #tpu.memory_space<vmem_shared>>) target_semaphore(%run_scoped3A : memref<!tpu.dma_semaphore, #tpu.memory_space<semaphore_mem>>)
      %dma_wait3A = arith.constant 0 : i32
      %dma_wait3A_138 = tpu.memref_slice %arg6[%add3A_25, %dma_wait3A] : memref<10240x128xf32, #tpu.memory_space<vmem_shared>> -> memref<64x128xf32, #tpu.memory_space<vmem_shared>>
      %dma_wait3A_139 = arith.constant 0 : i32
      %dma_wait3A_140 = tpu.memref_slice %arg6[%add3A_25, %dma_wait3A_139] : memref<10240x128xf32, #tpu.memory_space<vmem_shared>> -> memref<64x128xf32, #tpu.memory_space<vmem_shared>>
      tpu.wait_dma2 semaphore(%run_scoped3A : memref<!tpu.dma_semaphore, #tpu.memory_space<semaphore_mem>>) src(%arg9 : memref<64x128xf32, #tpu.memory_space<vmem>>) dst(%dma_wait3A_140 : memref<64x128xf32, #tpu.memory_space<vmem_shared>>)
      tpu.yield
    }) : () -> ()
    %mul3A_26 = arith.constant 640 : i32
    %mul3A_27 = arith.muli %arg1, %mul3A_26 : i32
    %add3A_28 = arith.constant 320 : i32
    %add3A_29 = arith.addi %mul3A_27, %add3A_28 : i32
    "tpu.region"() ({
      %run_scoped3A = tpu.sem_alloc : memref<!tpu.dma_semaphore, #tpu.memory_space<semaphore_mem>>
      %dma_start3A_134 = arith.constant 0 : i32
      %dma_start3A_135 = tpu.memref_slice %arg6[%add3A_29, %dma_start3A_134] : memref<10240x128xf32, #tpu.memory_space<vmem_shared>> -> memref<64x128xf32, #tpu.memory_space<vmem_shared>>
      %dma_start3A_136 = arith.constant 0 : i32
      %dma_start3A_137 = tpu.memref_slice %arg6[%add3A_29, %dma_start3A_136] : memref<10240x128xf32, #tpu.memory_space<vmem_shared>> -> memref<64x128xf32, #tpu.memory_space<vmem_shared>>
      tpu.enqueue_dma source(%arg9 : memref<64x128xf32, #tpu.memory_space<vmem>>) target(%dma_start3A_137 : memref<64x128xf32, #tpu.memory_space<vmem_shared>>) target_semaphore(%run_scoped3A : memref<!tpu.dma_semaphore, #tpu.memory_space<semaphore_mem>>)
      %dma_wait3A = arith.constant 0 : i32
      %dma_wait3A_138 = tpu.memref_slice %arg6[%add3A_29, %dma_wait3A] : memref<10240x128xf32, #tpu.memory_space<vmem_shared>> -> memref<64x128xf32, #tpu.memory_space<vmem_shared>>
      %dma_wait3A_139 = arith.constant 0 : i32
      %dma_wait3A_140 = tpu.memref_slice %arg6[%add3A_29, %dma_wait3A_139] : memref<10240x128xf32, #tpu.memory_space<vmem_shared>> -> memref<64x128xf32, #tpu.memory_space<vmem_shared>>
      tpu.wait_dma2 semaphore(%run_scoped3A : memref<!tpu.dma_semaphore, #tpu.memory_space<semaphore_mem>>) src(%arg9 : memref<64x128xf32, #tpu.memory_space<vmem>>) dst(%dma_wait3A_140 : memref<64x128xf32, #tpu.memory_space<vmem_shared>>)
      tpu.yield
    }) : () -> ()
    %mul3A_30 = arith.constant 640 : i32
    %mul3A_31 = arith.muli %arg1, %mul3A_30 : i32
    %add3A_32 = arith.constant 384 : i32
    %add3A_33 = arith.addi %mul3A_31, %add3A_32 : i32
    "tpu.region"() ({
      %run_scoped3A = tpu.sem_alloc : memref<!tpu.dma_semaphore, #tpu.memory_space<semaphore_mem>>
      %dma_start3A_134 = arith.constant 0 : i32
      %dma_start3A_135 = tpu.memref_slice %arg6[%add3A_33, %dma_start3A_134] : memref<10240x128xf32, #tpu.memory_space<vmem_shared>> -> memref<64x128xf32, #tpu.memory_space<vmem_shared>>
      %dma_start3A_136 = arith.constant 0 : i32
      %dma_start3A_137 = tpu.memref_slice %arg6[%add3A_33, %dma_start3A_136] : memref<10240x128xf32, #tpu.memory_space<vmem_shared>> -> memref<64x128xf32, #tpu.memory_space<vmem_shared>>
      tpu.enqueue_dma source(%arg9 : memref<64x128xf32, #tpu.memory_space<vmem>>) target(%dma_start3A_137 : memref<64x128xf32, #tpu.memory_space<vmem_shared>>) target_semaphore(%run_scoped3A : memref<!tpu.dma_semaphore, #tpu.memory_space<semaphore_mem>>)
      %dma_wait3A = arith.constant 0 : i32
      %dma_wait3A_138 = tpu.memref_slice %arg6[%add3A_33, %dma_wait3A] : memref<10240x128xf32, #tpu.memory_space<vmem_shared>> -> memref<64x128xf32, #tpu.memory_space<vmem_shared>>
      %dma_wait3A_139 = arith.constant 0 : i32
      %dma_wait3A_140 = tpu.memref_slice %arg6[%add3A_33, %dma_wait3A_139] : memref<10240x128xf32, #tpu.memory_space<vmem_shared>> -> memref<64x128xf32, #tpu.memory_space<vmem_shared>>
      tpu.wait_dma2 semaphore(%run_scoped3A : memref<!tpu.dma_semaphore, #tpu.memory_space<semaphore_mem>>) src(%arg9 : memref<64x128xf32, #tpu.memory_space<vmem>>) dst(%dma_wait3A_140 : memref<64x128xf32, #tpu.memory_space<vmem_shared>>)
      tpu.yield
    }) : () -> ()
    %mul3A_34 = arith.constant 640 : i32
    %mul3A_35 = arith.muli %arg1, %mul3A_34 : i32
    %add3A_36 = arith.constant 448 : i32
    %add3A_37 = arith.addi %mul3A_35, %add3A_36 : i32
    "tpu.region"() ({
      %run_scoped3A = tpu.sem_alloc : memref<!tpu.dma_semaphore, #tpu.memory_space<semaphore_mem>>
      %dma_start3A_134 = arith.constant 0 : i32
      %dma_start3A_135 = tpu.memref_slice %arg6[%add3A_37, %dma_start3A_134] : memref<10240x128xf32, #tpu.memory_space<vmem_shared>> -> memref<64x128xf32, #tpu.memory_space<vmem_shared>>
      %dma_start3A_136 = arith.constant 0 : i32
      %dma_start3A_137 = tpu.memref_slice %arg6[%add3A_37, %dma_start3A_136] : memref<10240x128xf32, #tpu.memory_space<vmem_shared>> -> memref<64x128xf32, #tpu.memory_space<vmem_shared>>
      tpu.enqueue_dma source(%arg9 : memref<64x128xf32, #tpu.memory_space<vmem>>) target(%dma_start3A_137 : memref<64x128xf32, #tpu.memory_space<vmem_shared>>) target_semaphore(%run_scoped3A : memref<!tpu.dma_semaphore, #tpu.memory_space<semaphore_mem>>)
      %dma_wait3A = arith.constant 0 : i32
      %dma_wait3A_138 = tpu.memref_slice %arg6[%add3A_37, %dma_wait3A] : memref<10240x128xf32, #tpu.memory_space<vmem_shared>> -> memref<64x128xf32, #tpu.memory_space<vmem_shared>>
      %dma_wait3A_139 = arith.constant 0 : i32
      %dma_wait3A_140 = tpu.memref_slice %arg6[%add3A_37, %dma_wait3A_139] : memref<10240x128xf32, #tpu.memory_space<vmem_shared>> -> memref<64x128xf32, #tpu.memory_space<vmem_shared>>
      tpu.wait_dma2 semaphore(%run_scoped3A : memref<!tpu.dma_semaphore, #tpu.memory_space<semaphore_mem>>) src(%arg9 : memref<64x128xf32, #tpu.memory_space<vmem>>) dst(%dma_wait3A_140 : memref<64x128xf32, #tpu.memory_space<vmem_shared>>)
      tpu.yield
    }) : () -> ()
    %mul3A_38 = arith.constant 640 : i32
    %mul3A_39 = arith.muli %arg1, %mul3A_38 : i32
    %add3A_40 = arith.constant 512 : i32
    %add3A_41 = arith.addi %mul3A_39, %add3A_40 : i32
    "tpu.region"() ({
      %run_scoped3A = tpu.sem_alloc : memref<!tpu.dma_semaphore, #tpu.memory_space<semaphore_mem>>
      %dma_start3A_134 = arith.constant 0 : i32
      %dma_start3A_135 = tpu.memref_slice %arg6[%add3A_41, %dma_start3A_134] : memref<10240x128xf32, #tpu.memory_space<vmem_shared>> -> memref<64x128xf32, #tpu.memory_space<vmem_shared>>
      %dma_start3A_136 = arith.constant 0 : i32
      %dma_start3A_137 = tpu.memref_slice %arg6[%add3A_41, %dma_start3A_136] : memref<10240x128xf32, #tpu.memory_space<vmem_shared>> -> memref<64x128xf32, #tpu.memory_space<vmem_shared>>
      tpu.enqueue_dma source(%arg9 : memref<64x128xf32, #tpu.memory_space<vmem>>) target(%dma_start3A_137 : memref<64x128xf32, #tpu.memory_space<vmem_shared>>) target_semaphore(%run_scoped3A : memref<!tpu.dma_semaphore, #tpu.memory_space<semaphore_mem>>)
      %dma_wait3A = arith.constant 0 : i32
      %dma_wait3A_138 = tpu.memref_slice %arg6[%add3A_41, %dma_wait3A] : memref<10240x128xf32, #tpu.memory_space<vmem_shared>> -> memref<64x128xf32, #tpu.memory_space<vmem_shared>>
      %dma_wait3A_139 = arith.constant 0 : i32
      %dma_wait3A_140 = tpu.memref_slice %arg6[%add3A_41, %dma_wait3A_139] : memref<10240x128xf32, #tpu.memory_space<vmem_shared>> -> memref<64x128xf32, #tpu.memory_space<vmem_shared>>
      tpu.wait_dma2 semaphore(%run_scoped3A : memref<!tpu.dma_semaphore, #tpu.memory_space<semaphore_mem>>) src(%arg9 : memref<64x128xf32, #tpu.memory_space<vmem>>) dst(%dma_wait3A_140 : memref<64x128xf32, #tpu.memory_space<vmem_shared>>)
      tpu.yield
    }) : () -> ()
    %mul3A_42 = arith.constant 640 : i32
    %mul3A_43 = arith.muli %arg1, %mul3A_42 : i32
    %add3A_44 = arith.constant 576 : i32
    %add3A_45 = arith.addi %mul3A_43, %add3A_44 : i32
    "tpu.region"() ({
      %run_scoped3A = tpu.sem_alloc : memref<!tpu.dma_semaphore, #tpu.memory_space<semaphore_mem>>
      %dma_start3A_134 = arith.constant 0 : i32
      %dma_start3A_135 = tpu.memref_slice %arg6[%add3A_45, %dma_start3A_134] : memref<10240x128xf32, #tpu.memory_space<vmem_shared>> -> memref<64x128xf32, #tpu.memory_space<vmem_shared>>
      %dma_start3A_136 = arith.constant 0 : i32
      %dma_start3A_137 = tpu.memref_slice %arg6[%add3A_45, %dma_start3A_136] : memref<10240x128xf32, #tpu.memory_space<vmem_shared>> -> memref<64x128xf32, #tpu.memory_space<vmem_shared>>
      tpu.enqueue_dma source(%arg9 : memref<64x128xf32, #tpu.memory_space<vmem>>) target(%dma_start3A_137 : memref<64x128xf32, #tpu.memory_space<vmem_shared>>) target_semaphore(%run_scoped3A : memref<!tpu.dma_semaphore, #tpu.memory_space<semaphore_mem>>)
      %dma_wait3A = arith.constant 0 : i32
      %dma_wait3A_138 = tpu.memref_slice %arg6[%add3A_45, %dma_wait3A] : memref<10240x128xf32, #tpu.memory_space<vmem_shared>> -> memref<64x128xf32, #tpu.memory_space<vmem_shared>>
      %dma_wait3A_139 = arith.constant 0 : i32
      %dma_wait3A_140 = tpu.memref_slice %arg6[%add3A_45, %dma_wait3A_139] : memref<10240x128xf32, #tpu.memory_space<vmem_shared>> -> memref<64x128xf32, #tpu.memory_space<vmem_shared>>
      tpu.wait_dma2 semaphore(%run_scoped3A : memref<!tpu.dma_semaphore, #tpu.memory_space<semaphore_mem>>) src(%arg9 : memref<64x128xf32, #tpu.memory_space<vmem>>) dst(%dma_wait3A_140 : memref<64x128xf32, #tpu.memory_space<vmem_shared>>)
      tpu.yield
    }) : () -> ()
    %mul3A_46 = arith.constant 160 : i32
    %mul3A_47 = arith.muli %add3A, %mul3A_46 : i32
    %add3A_48 = arith.constant 0 : i32
    %add3A_49 = arith.addi %mul3A_47, %add3A_48 : i32
    "tpu.region"() ({
      %run_scoped3A = tpu.sem_alloc : memref<!tpu.dma_semaphore, #tpu.memory_space<semaphore_mem>>
      %dma_start3A_134 = arith.constant 0 : i32
      %dma_start3A_135 = tpu.memref_slice %arg2[%add3A_49, %dma_start3A_134] : memref<5120x64xi32, #tpu.memory_space<hbm>> -> memref<80x64xi32, #tpu.memory_space<hbm>>
      %dma_start3A_136 = arith.constant 0 : i32
      %dma_start3A_137 = tpu.memref_slice %arg2[%add3A_49, %dma_start3A_136] : memref<5120x64xi32, #tpu.memory_space<hbm>> -> memref<80x64xi32, #tpu.memory_space<hbm>>
      tpu.enqueue_dma source(%dma_start3A_137 : memref<80x64xi32, #tpu.memory_space<hbm>>) target(%arg7 : memref<80x64xi32, #tpu.memory_space<vmem>>) target_semaphore(%run_scoped3A : memref<!tpu.dma_semaphore, #tpu.memory_space<semaphore_mem>>)
      %dma_wait3A = arith.constant 0 : i32
      %dma_wait3A_138 = tpu.memref_slice %arg2[%add3A_49, %dma_wait3A] : memref<5120x64xi32, #tpu.memory_space<hbm>> -> memref<80x64xi32, #tpu.memory_space<hbm>>
      %dma_wait3A_139 = arith.constant 0 : i32
      %dma_wait3A_140 = tpu.memref_slice %arg2[%add3A_49, %dma_wait3A_139] : memref<5120x64xi32, #tpu.memory_space<hbm>> -> memref<80x64xi32, #tpu.memory_space<hbm>>
      tpu.wait_dma2 semaphore(%run_scoped3A : memref<!tpu.dma_semaphore, #tpu.memory_space<semaphore_mem>>) src(%dma_wait3A_140 : memref<80x64xi32, #tpu.memory_space<hbm>>) dst(%arg7 : memref<80x64xi32, #tpu.memory_space<vmem>>)
      tpu.yield
    }) : () -> ()
    "tpu.region"() ({
      %run_scoped3A = tpu.sem_alloc : memref<!tpu.dma_semaphore, #tpu.memory_space<semaphore_mem>>
      %dma_start3A_134 = arith.constant 0 : i32
      %dma_start3A_135 = tpu.memref_slice %arg3[%add3A_49, %dma_start3A_134] : memref<5120x64xi32, #tpu.memory_space<hbm>> -> memref<80x64xi32, #tpu.memory_space<hbm>>
      %dma_start3A_136 = arith.constant 0 : i32
      %dma_start3A_137 = tpu.memref_slice %arg3[%add3A_49, %dma_start3A_136] : memref<5120x64xi32, #tpu.memory_space<hbm>> -> memref<80x64xi32, #tpu.memory_space<hbm>>
      tpu.enqueue_dma source(%dma_start3A_137 : memref<80x64xi32, #tpu.memory_space<hbm>>) target(%arg8 : memref<80x64xi32, #tpu.memory_space<vmem>>) target_semaphore(%run_scoped3A : memref<!tpu.dma_semaphore, #tpu.memory_space<semaphore_mem>>)
      %dma_wait3A = arith.constant 0 : i32
      %dma_wait3A_138 = tpu.memref_slice %arg3[%add3A_49, %dma_wait3A] : memref<5120x64xi32, #tpu.memory_space<hbm>> -> memref<80x64xi32, #tpu.memory_space<hbm>>
      %dma_wait3A_139 = arith.constant 0 : i32
      %dma_wait3A_140 = tpu.memref_slice %arg3[%add3A_49, %dma_wait3A_139] : memref<5120x64xi32, #tpu.memory_space<hbm>> -> memref<80x64xi32, #tpu.memory_space<hbm>>
      tpu.wait_dma2 semaphore(%run_scoped3A : memref<!tpu.dma_semaphore, #tpu.memory_space<semaphore_mem>>) src(%dma_wait3A_140 : memref<80x64xi32, #tpu.memory_space<hbm>>) dst(%arg8 : memref<80x64xi32, #tpu.memory_space<vmem>>)
      tpu.yield
    }) : () -> ()
    %barrier3A = arith.constant 0 : index
    tpu.barrier barrier_id(%barrier3A)
    %dma_start3A = arith.constant 0 : i32
    %dma_start3A_50 = arith.constant 0 : i32
    %dma_start3A_51 = tpu.memref_slice %arg7[%dma_start3A, %dma_start3A_50] : memref<80x64xi32, #tpu.memory_space<vmem>> -> memref<1x64xi32, #tpu.memory_space<vmem>>
    %dma_start3A_52 = tpu.memref_squeeze %dma_start3A_51 : memref<1x64xi32, #tpu.memory_space<vmem>> -> memref<64xi32, #tpu.memory_space<vmem>>
    %dma_start3A_53 = arith.constant 0 : i32
    %dma_start3A_54 = arith.constant 0 : i32
    %dma_start3A_55 = tpu.memref_slice %arg4[%dma_start3A_53, %dma_start3A_54] : memref<10000x128xf32, #tpu.memory_space<hbm>> -> memref<10000x128xf32, #tpu.memory_space<hbm>>
    tpu.enqueue_indirect_dma source(%dma_start3A_55 : memref<10000x128xf32, #tpu.memory_space<hbm>>) target(%arg9 : memref<64x128xf32, #tpu.memory_space<vmem>>) offsets(%dma_start3A_52 : memref<64xi32, #tpu.memory_space<vmem>>) semaphore(%arg11 : memref<!tpu.dma_semaphore, #tpu.memory_space<semaphore_mem>>)
    %dma_start3A_56 = arith.constant 1 : i32
    %dma_start3A_57 = arith.constant 0 : i32
    %dma_start3A_58 = tpu.memref_slice %arg7[%dma_start3A_56, %dma_start3A_57] : memref<80x64xi32, #tpu.memory_space<vmem>> -> memref<1x64xi32, #tpu.memory_space<vmem>>
    %dma_start3A_59 = tpu.memref_squeeze %dma_start3A_58 : memref<1x64xi32, #tpu.memory_space<vmem>> -> memref<64xi32, #tpu.memory_space<vmem>>
    %dma_start3A_60 = arith.constant 0 : i32
    %dma_start3A_61 = arith.constant 0 : i32
    %dma_start3A_62 = tpu.memref_slice %arg4[%dma_start3A_60, %dma_start3A_61] : memref<10000x128xf32, #tpu.memory_space<hbm>> -> memref<10000x128xf32, #tpu.memory_space<hbm>>
    tpu.enqueue_indirect_dma source(%dma_start3A_62 : memref<10000x128xf32, #tpu.memory_space<hbm>>) target(%arg10 : memref<64x128xf32, #tpu.memory_space<vmem>>) offsets(%dma_start3A_59 : memref<64xi32, #tpu.memory_space<vmem>>) semaphore(%arg12 : memref<!tpu.dma_semaphore, #tpu.memory_space<semaphore_mem>>)
    %scan3A_63 = arith.constant 0 : i32
    %scan3A_64 = arith.constant 0 : i32
    %scan3A_65 = arith.constant 40 : i32
    %scan3A_66 = arith.addi %scan3A_64, %scan3A_65 : i32
    %scan3A_67 = arith.constant 1 : i32
    scf.for %scan3A_134 = %scan3A_64 to %scan3A_66 step %scan3A_67  : i32 {
      %mul3A_135 = arith.constant 2 : i32
      %mul3A_136 = arith.muli %scan3A_134, %mul3A_135 : i32
      %add3A_137 = arith.constant 0 : i32
      %add3A_138 = arith.addi %mul3A_136, %add3A_137 : i32
      %dma_wait3A = arith.constant 0 : i32
      %dma_wait3A_139 = tpu.memref_slice %arg7[%add3A_138, %dma_wait3A] : memref<80x64xi32, #tpu.memory_space<vmem>> -> memref<1x64xi32, #tpu.memory_space<vmem>>
      %dma_wait3A_140 = tpu.memref_squeeze %dma_wait3A_139 : memref<1x64xi32, #tpu.memory_space<vmem>> -> memref<64xi32, #tpu.memory_space<vmem>>
      %dma_wait3A_141 = arith.constant 0 : i32
      %dma_wait3A_142 = arith.constant 0 : i32
      %dma_wait3A_143 = tpu.memref_slice %arg4[%dma_wait3A_141, %dma_wait3A_142] : memref<10000x128xf32, #tpu.memory_space<hbm>> -> memref<10000x128xf32, #tpu.memory_space<hbm>>
      tpu.wait_indirect_dma semaphore(%arg11 : memref<!tpu.dma_semaphore, #tpu.memory_space<semaphore_mem>>) src(%dma_wait3A_143 : memref<10000x128xf32, #tpu.memory_space<hbm>>) dst(%arg9 : memref<64x128xf32, #tpu.memory_space<vmem>>)
      %dma_start3A_144 = arith.constant 0 : i32
      %dma_start3A_145 = tpu.memref_slice %arg8[%add3A_138, %dma_start3A_144] : memref<80x64xi32, #tpu.memory_space<vmem>> -> memref<1x64xi32, #tpu.memory_space<vmem>>
      %dma_start3A_146 = tpu.memref_squeeze %dma_start3A_145 : memref<1x64xi32, #tpu.memory_space<vmem>> -> memref<64xi32, #tpu.memory_space<vmem>>
      %dma_start3A_147 = arith.constant 0 : i32
      %dma_start3A_148 = arith.constant 0 : i32
      %dma_start3A_149 = tpu.memref_slice %arg6[%dma_start3A_147, %dma_start3A_148] : memref<10240x128xf32, #tpu.memory_space<vmem_shared>> -> memref<10240x128xf32, #tpu.memory_space<vmem_shared>>
      tpu.enqueue_indirect_dma source(%arg9 : memref<64x128xf32, #tpu.memory_space<vmem>>) target(%dma_start3A_149 : memref<10240x128xf32, #tpu.memory_space<vmem_shared>>) offsets(%dma_start3A_146 : memref<64xi32, #tpu.memory_space<vmem>>) semaphore(%arg13 : memref<!tpu.dma_semaphore, #tpu.memory_space<semaphore_mem>>) {add = true}
      %add3A_150 = arith.constant 1 : i32
      %add3A_151 = arith.addi %mul3A_136, %add3A_150 : i32
      %dma_wait3A_152 = arith.constant 0 : i32
      %dma_wait3A_153 = tpu.memref_slice %arg7[%add3A_151, %dma_wait3A_152] : memref<80x64xi32, #tpu.memory_space<vmem>> -> memref<1x64xi32, #tpu.memory_space<vmem>>
      %dma_wait3A_154 = tpu.memref_squeeze %dma_wait3A_153 : memref<1x64xi32, #tpu.memory_space<vmem>> -> memref<64xi32, #tpu.memory_space<vmem>>
      %dma_wait3A_155 = arith.constant 0 : i32
      %dma_wait3A_156 = arith.constant 0 : i32
      %dma_wait3A_157 = tpu.memref_slice %arg4[%dma_wait3A_155, %dma_wait3A_156] : memref<10000x128xf32, #tpu.memory_space<hbm>> -> memref<10000x128xf32, #tpu.memory_space<hbm>>
      tpu.wait_indirect_dma semaphore(%arg12 : memref<!tpu.dma_semaphore, #tpu.memory_space<semaphore_mem>>) src(%dma_wait3A_157 : memref<10000x128xf32, #tpu.memory_space<hbm>>) dst(%arg10 : memref<64x128xf32, #tpu.memory_space<vmem>>)
      %dma_start3A_158 = arith.constant 0 : i32
      %dma_start3A_159 = tpu.memref_slice %arg8[%add3A_151, %dma_start3A_158] : memref<80x64xi32, #tpu.memory_space<vmem>> -> memref<1x64xi32, #tpu.memory_space<vmem>>
      %dma_start3A_160 = tpu.memref_squeeze %dma_start3A_159 : memref<1x64xi32, #tpu.memory_space<vmem>> -> memref<64xi32, #tpu.memory_space<vmem>>
      %dma_start3A_161 = arith.constant 0 : i32
      %dma_start3A_162 = arith.constant 0 : i32
      %dma_start3A_163 = tpu.memref_slice %arg6[%dma_start3A_161, %dma_start3A_162] : memref<10240x128xf32, #tpu.memory_space<vmem_shared>> -> memref<10240x128xf32, #tpu.memory_space<vmem_shared>>
      tpu.enqueue_indirect_dma source(%arg10 : memref<64x128xf32, #tpu.memory_space<vmem>>) target(%dma_start3A_163 : memref<10240x128xf32, #tpu.memory_space<vmem_shared>>) offsets(%dma_start3A_160 : memref<64xi32, #tpu.memory_space<vmem>>) semaphore(%arg14 : memref<!tpu.dma_semaphore, #tpu.memory_space<semaphore_mem>>) {add = true}
      %add3A_164 = arith.constant 0 : i32
      %add3A_165 = arith.addi %mul3A_136, %add3A_164 : i32
      %dma_wait3A_166 = arith.constant 0 : i32
      %dma_wait3A_167 = tpu.memref_slice %arg8[%add3A_165, %dma_wait3A_166] : memref<80x64xi32, #tpu.memory_space<vmem>> -> memref<1x64xi32, #tpu.memory_space<vmem>>
      %dma_wait3A_168 = tpu.memref_squeeze %dma_wait3A_167 : memref<1x64xi32, #tpu.memory_space<vmem>> -> memref<64xi32, #tpu.memory_space<vmem>>
      %dma_wait3A_169 = arith.constant 0 : i32
      %dma_wait3A_170 = arith.constant 0 : i32
      %dma_wait3A_171 = tpu.memref_slice %arg6[%dma_wait3A_169, %dma_wait3A_170] : memref<10240x128xf32, #tpu.memory_space<vmem_shared>> -> memref<10240x128xf32, #tpu.memory_space<vmem_shared>>
      tpu.wait_indirect_dma semaphore(%arg13 : memref<!tpu.dma_semaphore, #tpu.memory_space<semaphore_mem>>) src(%arg9 : memref<64x128xf32, #tpu.memory_space<vmem>>) dst(%dma_wait3A_171 : memref<10240x128xf32, #tpu.memory_space<vmem_shared>>)
      %add3A_172 = arith.constant 2 : i32
      %add3A_173 = arith.addi %add3A_165, %add3A_172 : i32
      %lt3A = arith.constant 80 : i32
      %lt3A_174 = arith.cmpi slt, %add3A_173, %lt3A : i32
      %convert_element_type3A = arith.extui %lt3A_174 : i1 to i32
      %cond3A = arith.constant 0 : i32
      %cond3A_175 = arith.cmpi ne, %convert_element_type3A, %cond3A : i32
      scf.if %cond3A_175 {
        %add3A_191 = arith.constant 2 : i32
        %add3A_192 = arith.addi %add3A_165, %add3A_191 : i32
        %dma_start3A_193 = arith.constant 0 : i32
        %dma_start3A_194 = tpu.memref_slice %arg7[%add3A_192, %dma_start3A_193] : memref<80x64xi32, #tpu.memory_space<vmem>> -> memref<1x64xi32, #tpu.memory_space<vmem>>
        %dma_start3A_195 = tpu.memref_squeeze %dma_start3A_194 : memref<1x64xi32, #tpu.memory_space<vmem>> -> memref<64xi32, #tpu.memory_space<vmem>>
        %dma_start3A_196 = arith.constant 0 : i32
        %dma_start3A_197 = arith.constant 0 : i32
        %dma_start3A_198 = tpu.memref_slice %arg4[%dma_start3A_196, %dma_start3A_197] : memref<10000x128xf32, #tpu.memory_space<hbm>> -> memref<10000x128xf32, #tpu.memory_space<hbm>>
        tpu.enqueue_indirect_dma source(%dma_start3A_198 : memref<10000x128xf32, #tpu.memory_space<hbm>>) target(%arg9 : memref<64x128xf32, #tpu.memory_space<vmem>>) offsets(%dma_start3A_195 : memref<64xi32, #tpu.memory_space<vmem>>) semaphore(%arg11 : memref<!tpu.dma_semaphore, #tpu.memory_space<semaphore_mem>>)
      } else {
      }
      %add3A_176 = arith.constant 1 : i32
      %add3A_177 = arith.addi %mul3A_136, %add3A_176 : i32
      %dma_wait3A_178 = arith.constant 0 : i32
      %dma_wait3A_179 = tpu.memref_slice %arg8[%add3A_177, %dma_wait3A_178] : memref<80x64xi32, #tpu.memory_space<vmem>> -> memref<1x64xi32, #tpu.memory_space<vmem>>
      %dma_wait3A_180 = tpu.memref_squeeze %dma_wait3A_179 : memref<1x64xi32, #tpu.memory_space<vmem>> -> memref<64xi32, #tpu.memory_space<vmem>>
      %dma_wait3A_181 = arith.constant 0 : i32
      %dma_wait3A_182 = arith.constant 0 : i32
      %dma_wait3A_183 = tpu.memref_slice %arg6[%dma_wait3A_181, %dma_wait3A_182] : memref<10240x128xf32, #tpu.memory_space<vmem_shared>> -> memref<10240x128xf32, #tpu.memory_space<vmem_shared>>
      tpu.wait_indirect_dma semaphore(%arg14 : memref<!tpu.dma_semaphore, #tpu.memory_space<semaphore_mem>>) src(%arg10 : memref<64x128xf32, #tpu.memory_space<vmem>>) dst(%dma_wait3A_183 : memref<10240x128xf32, #tpu.memory_space<vmem_shared>>)
      %add3A_184 = arith.constant 2 : i32
      %add3A_185 = arith.addi %add3A_177, %add3A_184 : i32
      %lt3A_186 = arith.constant 80 : i32
      %lt3A_187 = arith.cmpi slt, %add3A_185, %lt3A_186 : i32
      %convert_element_type3A_188 = arith.extui %lt3A_187 : i1 to i32
      %cond3A_189 = arith.constant 0 : i32
      %cond3A_190 = arith.cmpi ne, %convert_element_type3A_188, %cond3A_189 : i32
      scf.if %cond3A_190 {
        %add3A_191 = arith.constant 2 : i32
        %add3A_192 = arith.addi %add3A_177, %add3A_191 : i32
        %dma_start3A_193 = arith.constant 0 : i32
        %dma_start3A_194 = tpu.memref_slice %arg7[%add3A_192, %dma_start3A_193] : memref<80x64xi32, #tpu.memory_space<vmem>> -> memref<1x64xi32, #tpu.memory_space<vmem>>
        %dma_start3A_195 = tpu.memref_squeeze %dma_start3A_194 : memref<1x64xi32, #tpu.memory_space<vmem>> -> memref<64xi32, #tpu.memory_space<vmem>>
        %dma_start3A_196 = arith.constant 0 : i32
        %dma_start3A_197 = arith.constant 0 : i32
        %dma_start3A_198 = tpu.memref_slice %arg4[%dma_start3A_196, %dma_start3A_197] : memref<10000x128xf32, #tpu.memory_space<hbm>> -> memref<10000x128xf32, #tpu.memory_space<hbm>>
        tpu.enqueue_indirect_dma source(%dma_start3A_198 : memref<10000x128xf32, #tpu.memory_space<hbm>>) target(%arg10 : memref<64x128xf32, #tpu.memory_space<vmem>>) offsets(%dma_start3A_195 : memref<64xi32, #tpu.memory_space<vmem>>) semaphore(%arg12 : memref<!tpu.dma_semaphore, #tpu.memory_space<semaphore_mem>>)
      } else {
      }
    }
    %scan3A_68 = arith.constant 40 : i32
    %mul3A_69 = arith.constant 160 : i32
    %mul3A_70 = arith.muli %add3A, %mul3A_69 : i32
    %add3A_71 = arith.constant 80 : i32
    %add3A_72 = arith.addi %mul3A_70, %add3A_71 : i32
    "tpu.region"() ({
      %run_scoped3A = tpu.sem_alloc : memref<!tpu.dma_semaphore, #tpu.memory_space<semaphore_mem>>
      %dma_start3A_134 = arith.constant 0 : i32
      %dma_start3A_135 = tpu.memref_slice %arg2[%add3A_72, %dma_start3A_134] : memref<5120x64xi32, #tpu.memory_space<hbm>> -> memref<80x64xi32, #tpu.memory_space<hbm>>
      %dma_start3A_136 = arith.constant 0 : i32
      %dma_start3A_137 = tpu.memref_slice %arg2[%add3A_72, %dma_start3A_136] : memref<5120x64xi32, #tpu.memory_space<hbm>> -> memref<80x64xi32, #tpu.memory_space<hbm>>
      tpu.enqueue_dma source(%dma_start3A_137 : memref<80x64xi32, #tpu.memory_space<hbm>>) target(%arg7 : memref<80x64xi32, #tpu.memory_space<vmem>>) target_semaphore(%run_scoped3A : memref<!tpu.dma_semaphore, #tpu.memory_space<semaphore_mem>>)
      %dma_wait3A = arith.constant 0 : i32
      %dma_wait3A_138 = tpu.memref_slice %arg2[%add3A_72, %dma_wait3A] : memref<5120x64xi32, #tpu.memory_space<hbm>> -> memref<80x64xi32, #tpu.memory_space<hbm>>
      %dma_wait3A_139 = arith.constant 0 : i32
      %dma_wait3A_140 = tpu.memref_slice %arg2[%add3A_72, %dma_wait3A_139] : memref<5120x64xi32, #tpu.memory_space<hbm>> -> memref<80x64xi32, #tpu.memory_space<hbm>>
      tpu.wait_dma2 semaphore(%run_scoped3A : memref<!tpu.dma_semaphore, #tpu.memory_space<semaphore_mem>>) src(%dma_wait3A_140 : memref<80x64xi32, #tpu.memory_space<hbm>>) dst(%arg7 : memref<80x64xi32, #tpu.memory_space<vmem>>)
      tpu.yield
    }) : () -> ()
    "tpu.region"() ({
      %run_scoped3A = tpu.sem_alloc : memref<!tpu.dma_semaphore, #tpu.memory_space<semaphore_mem>>
      %dma_start3A_134 = arith.constant 0 : i32
      %dma_start3A_135 = tpu.memref_slice %arg3[%add3A_72, %dma_start3A_134] : memref<5120x64xi32, #tpu.memory_space<hbm>> -> memref<80x64xi32, #tpu.memory_space<hbm>>
      %dma_start3A_136 = arith.constant 0 : i32
      %dma_start3A_137 = tpu.memref_slice %arg3[%add3A_72, %dma_start3A_136] : memref<5120x64xi32, #tpu.memory_space<hbm>> -> memref<80x64xi32, #tpu.memory_space<hbm>>
      tpu.enqueue_dma source(%dma_start3A_137 : memref<80x64xi32, #tpu.memory_space<hbm>>) target(%arg8 : memref<80x64xi32, #tpu.memory_space<vmem>>) target_semaphore(%run_scoped3A : memref<!tpu.dma_semaphore, #tpu.memory_space<semaphore_mem>>)
      %dma_wait3A = arith.constant 0 : i32
      %dma_wait3A_138 = tpu.memref_slice %arg3[%add3A_72, %dma_wait3A] : memref<5120x64xi32, #tpu.memory_space<hbm>> -> memref<80x64xi32, #tpu.memory_space<hbm>>
      %dma_wait3A_139 = arith.constant 0 : i32
      %dma_wait3A_140 = tpu.memref_slice %arg3[%add3A_72, %dma_wait3A_139] : memref<5120x64xi32, #tpu.memory_space<hbm>> -> memref<80x64xi32, #tpu.memory_space<hbm>>
      tpu.wait_dma2 semaphore(%run_scoped3A : memref<!tpu.dma_semaphore, #tpu.memory_space<semaphore_mem>>) src(%dma_wait3A_140 : memref<80x64xi32, #tpu.memory_space<hbm>>) dst(%arg8 : memref<80x64xi32, #tpu.memory_space<vmem>>)
      tpu.yield
    }) : () -> ()
    %dma_start3A_73 = arith.constant 0 : i32
    %dma_start3A_74 = arith.constant 0 : i32
    %dma_start3A_75 = tpu.memref_slice %arg7[%dma_start3A_73, %dma_start3A_74] : memref<80x64xi32, #tpu.memory_space<vmem>> -> memref<1x64xi32, #tpu.memory_space<vmem>>
    %dma_start3A_76 = tpu.memref_squeeze %dma_start3A_75 : memref<1x64xi32, #tpu.memory_space<vmem>> -> memref<64xi32, #tpu.memory_space<vmem>>
    %dma_start3A_77 = arith.constant 0 : i32
    %dma_start3A_78 = arith.constant 0 : i32
    %dma_start3A_79 = tpu.memref_slice %arg4[%dma_start3A_77, %dma_start3A_78] : memref<10000x128xf32, #tpu.memory_space<hbm>> -> memref<10000x128xf32, #tpu.memory_space<hbm>>
    tpu.enqueue_indirect_dma source(%dma_start3A_79 : memref<10000x128xf32, #tpu.memory_space<hbm>>) target(%arg9 : memref<64x128xf32, #tpu.memory_space<vmem>>) offsets(%dma_start3A_76 : memref<64xi32, #tpu.memory_space<vmem>>) semaphore(%arg11 : memref<!tpu.dma_semaphore, #tpu.memory_space<semaphore_mem>>)
    %dma_start3A_80 = arith.constant 1 : i32
    %dma_start3A_81 = arith.constant 0 : i32
    %dma_start3A_82 = tpu.memref_slice %arg7[%dma_start3A_80, %dma_start3A_81] : memref<80x64xi32, #tpu.memory_space<vmem>> -> memref<1x64xi32, #tpu.memory_space<vmem>>
    %dma_start3A_83 = tpu.memref_squeeze %dma_start3A_82 : memref<1x64xi32, #tpu.memory_space<vmem>> -> memref<64xi32, #tpu.memory_space<vmem>>
    %dma_start3A_84 = arith.constant 0 : i32
    %dma_start3A_85 = arith.constant 0 : i32
    %dma_start3A_86 = tpu.memref_slice %arg4[%dma_start3A_84, %dma_start3A_85] : memref<10000x128xf32, #tpu.memory_space<hbm>> -> memref<10000x128xf32, #tpu.memory_space<hbm>>
    tpu.enqueue_indirect_dma source(%dma_start3A_86 : memref<10000x128xf32, #tpu.memory_space<hbm>>) target(%arg10 : memref<64x128xf32, #tpu.memory_space<vmem>>) offsets(%dma_start3A_83 : memref<64xi32, #tpu.memory_space<vmem>>) semaphore(%arg12 : memref<!tpu.dma_semaphore, #tpu.memory_space<semaphore_mem>>)
    %scan3A_87 = arith.constant 0 : i32
    %scan3A_88 = arith.constant 0 : i32
    %scan3A_89 = arith.constant 40 : i32
    %scan3A_90 = arith.addi %scan3A_88, %scan3A_89 : i32
    %scan3A_91 = arith.constant 1 : i32
    scf.for %scan3A_134 = %scan3A_88 to %scan3A_90 step %scan3A_91  : i32 {
      %mul3A_135 = arith.constant 2 : i32
      %mul3A_136 = arith.muli %scan3A_134, %mul3A_135 : i32
      %add3A_137 = arith.constant 0 : i32
      %add3A_138 = arith.addi %mul3A_136, %add3A_137 : i32
      %dma_wait3A = arith.constant 0 : i32
      %dma_wait3A_139 = tpu.memref_slice %arg7[%add3A_138, %dma_wait3A] : memref<80x64xi32, #tpu.memory_space<vmem>> -> memref<1x64xi32, #tpu.memory_space<vmem>>
      %dma_wait3A_140 = tpu.memref_squeeze %dma_wait3A_139 : memref<1x64xi32, #tpu.memory_space<vmem>> -> memref<64xi32, #tpu.memory_space<vmem>>
      %dma_wait3A_141 = arith.constant 0 : i32
      %dma_wait3A_142 = arith.constant 0 : i32
      %dma_wait3A_143 = tpu.memref_slice %arg4[%dma_wait3A_141, %dma_wait3A_142] : memref<10000x128xf32, #tpu.memory_space<hbm>> -> memref<10000x128xf32, #tpu.memory_space<hbm>>
      tpu.wait_indirect_dma semaphore(%arg11 : memref<!tpu.dma_semaphore, #tpu.memory_space<semaphore_mem>>) src(%dma_wait3A_143 : memref<10000x128xf32, #tpu.memory_space<hbm>>) dst(%arg9 : memref<64x128xf32, #tpu.memory_space<vmem>>)
      %dma_start3A_144 = arith.constant 0 : i32
      %dma_start3A_145 = tpu.memref_slice %arg8[%add3A_138, %dma_start3A_144] : memref<80x64xi32, #tpu.memory_space<vmem>> -> memref<1x64xi32, #tpu.memory_space<vmem>>
      %dma_start3A_146 = tpu.memref_squeeze %dma_start3A_145 : memref<1x64xi32, #tpu.memory_space<vmem>> -> memref<64xi32, #tpu.memory_space<vmem>>
      %dma_start3A_147 = arith.constant 0 : i32
      %dma_start3A_148 = arith.constant 0 : i32
      %dma_start3A_149 = tpu.memref_slice %arg6[%dma_start3A_147, %dma_start3A_148] : memref<10240x128xf32, #tpu.memory_space<vmem_shared>> -> memref<10240x128xf32, #tpu.memory_space<vmem_shared>>
      tpu.enqueue_indirect_dma source(%arg9 : memref<64x128xf32, #tpu.memory_space<vmem>>) target(%dma_start3A_149 : memref<10240x128xf32, #tpu.memory_space<vmem_shared>>) offsets(%dma_start3A_146 : memref<64xi32, #tpu.memory_space<vmem>>) semaphore(%arg13 : memref<!tpu.dma_semaphore, #tpu.memory_space<semaphore_mem>>) {add = true}
      %add3A_150 = arith.constant 1 : i32
      %add3A_151 = arith.addi %mul3A_136, %add3A_150 : i32
      %dma_wait3A_152 = arith.constant 0 : i32
      %dma_wait3A_153 = tpu.memref_slice %arg7[%add3A_151, %dma_wait3A_152] : memref<80x64xi32, #tpu.memory_space<vmem>> -> memref<1x64xi32, #tpu.memory_space<vmem>>
      %dma_wait3A_154 = tpu.memref_squeeze %dma_wait3A_153 : memref<1x64xi32, #tpu.memory_space<vmem>> -> memref<64xi32, #tpu.memory_space<vmem>>
      %dma_wait3A_155 = arith.constant 0 : i32
      %dma_wait3A_156 = arith.constant 0 : i32
      %dma_wait3A_157 = tpu.memref_slice %arg4[%dma_wait3A_155, %dma_wait3A_156] : memref<10000x128xf32, #tpu.memory_space<hbm>> -> memref<10000x128xf32, #tpu.memory_space<hbm>>
      tpu.wait_indirect_dma semaphore(%arg12 : memref<!tpu.dma_semaphore, #tpu.memory_space<semaphore_mem>>) src(%dma_wait3A_157 : memref<10000x128xf32, #tpu.memory_space<hbm>>) dst(%arg10 : memref<64x128xf32, #tpu.memory_space<vmem>>)
      %dma_start3A_158 = arith.constant 0 : i32
      %dma_start3A_159 = tpu.memref_slice %arg8[%add3A_151, %dma_start3A_158] : memref<80x64xi32, #tpu.memory_space<vmem>> -> memref<1x64xi32, #tpu.memory_space<vmem>>
      %dma_start3A_160 = tpu.memref_squeeze %dma_start3A_159 : memref<1x64xi32, #tpu.memory_space<vmem>> -> memref<64xi32, #tpu.memory_space<vmem>>
      %dma_start3A_161 = arith.constant 0 : i32
      %dma_start3A_162 = arith.constant 0 : i32
      %dma_start3A_163 = tpu.memref_slice %arg6[%dma_start3A_161, %dma_start3A_162] : memref<10240x128xf32, #tpu.memory_space<vmem_shared>> -> memref<10240x128xf32, #tpu.memory_space<vmem_shared>>
      tpu.enqueue_indirect_dma source(%arg10 : memref<64x128xf32, #tpu.memory_space<vmem>>) target(%dma_start3A_163 : memref<10240x128xf32, #tpu.memory_space<vmem_shared>>) offsets(%dma_start3A_160 : memref<64xi32, #tpu.memory_space<vmem>>) semaphore(%arg14 : memref<!tpu.dma_semaphore, #tpu.memory_space<semaphore_mem>>) {add = true}
      %add3A_164 = arith.constant 0 : i32
      %add3A_165 = arith.addi %mul3A_136, %add3A_164 : i32
      %dma_wait3A_166 = arith.constant 0 : i32
      %dma_wait3A_167 = tpu.memref_slice %arg8[%add3A_165, %dma_wait3A_166] : memref<80x64xi32, #tpu.memory_space<vmem>> -> memref<1x64xi32, #tpu.memory_space<vmem>>
      %dma_wait3A_168 = tpu.memref_squeeze %dma_wait3A_167 : memref<1x64xi32, #tpu.memory_space<vmem>> -> memref<64xi32, #tpu.memory_space<vmem>>
      %dma_wait3A_169 = arith.constant 0 : i32
      %dma_wait3A_170 = arith.constant 0 : i32
      %dma_wait3A_171 = tpu.memref_slice %arg6[%dma_wait3A_169, %dma_wait3A_170] : memref<10240x128xf32, #tpu.memory_space<vmem_shared>> -> memref<10240x128xf32, #tpu.memory_space<vmem_shared>>
      tpu.wait_indirect_dma semaphore(%arg13 : memref<!tpu.dma_semaphore, #tpu.memory_space<semaphore_mem>>) src(%arg9 : memref<64x128xf32, #tpu.memory_space<vmem>>) dst(%dma_wait3A_171 : memref<10240x128xf32, #tpu.memory_space<vmem_shared>>)
      %add3A_172 = arith.constant 2 : i32
      %add3A_173 = arith.addi %add3A_165, %add3A_172 : i32
      %lt3A = arith.constant 80 : i32
      %lt3A_174 = arith.cmpi slt, %add3A_173, %lt3A : i32
      %convert_element_type3A = arith.extui %lt3A_174 : i1 to i32
      %cond3A = arith.constant 0 : i32
      %cond3A_175 = arith.cmpi ne, %convert_element_type3A, %cond3A : i32
      scf.if %cond3A_175 {
        %add3A_191 = arith.constant 2 : i32
        %add3A_192 = arith.addi %add3A_165, %add3A_191 : i32
        %dma_start3A_193 = arith.constant 0 : i32
        %dma_start3A_194 = tpu.memref_slice %arg7[%add3A_192, %dma_start3A_193] : memref<80x64xi32, #tpu.memory_space<vmem>> -> memref<1x64xi32, #tpu.memory_space<vmem>>
        %dma_start3A_195 = tpu.memref_squeeze %dma_start3A_194 : memref<1x64xi32, #tpu.memory_space<vmem>> -> memref<64xi32, #tpu.memory_space<vmem>>
        %dma_start3A_196 = arith.constant 0 : i32
        %dma_start3A_197 = arith.constant 0 : i32
        %dma_start3A_198 = tpu.memref_slice %arg4[%dma_start3A_196, %dma_start3A_197] : memref<10000x128xf32, #tpu.memory_space<hbm>> -> memref<10000x128xf32, #tpu.memory_space<hbm>>
        tpu.enqueue_indirect_dma source(%dma_start3A_198 : memref<10000x128xf32, #tpu.memory_space<hbm>>) target(%arg9 : memref<64x128xf32, #tpu.memory_space<vmem>>) offsets(%dma_start3A_195 : memref<64xi32, #tpu.memory_space<vmem>>) semaphore(%arg11 : memref<!tpu.dma_semaphore, #tpu.memory_space<semaphore_mem>>)
      } else {
      }
      %add3A_176 = arith.constant 1 : i32
      %add3A_177 = arith.addi %mul3A_136, %add3A_176 : i32
      %dma_wait3A_178 = arith.constant 0 : i32
      %dma_wait3A_179 = tpu.memref_slice %arg8[%add3A_177, %dma_wait3A_178] : memref<80x64xi32, #tpu.memory_space<vmem>> -> memref<1x64xi32, #tpu.memory_space<vmem>>
      %dma_wait3A_180 = tpu.memref_squeeze %dma_wait3A_179 : memref<1x64xi32, #tpu.memory_space<vmem>> -> memref<64xi32, #tpu.memory_space<vmem>>
      %dma_wait3A_181 = arith.constant 0 : i32
      %dma_wait3A_182 = arith.constant 0 : i32
      %dma_wait3A_183 = tpu.memref_slice %arg6[%dma_wait3A_181, %dma_wait3A_182] : memref<10240x128xf32, #tpu.memory_space<vmem_shared>> -> memref<10240x128xf32, #tpu.memory_space<vmem_shared>>
      tpu.wait_indirect_dma semaphore(%arg14 : memref<!tpu.dma_semaphore, #tpu.memory_space<semaphore_mem>>) src(%arg10 : memref<64x128xf32, #tpu.memory_space<vmem>>) dst(%dma_wait3A_183 : memref<10240x128xf32, #tpu.memory_space<vmem_shared>>)
      %add3A_184 = arith.constant 2 : i32
      %add3A_185 = arith.addi %add3A_177, %add3A_184 : i32
      %lt3A_186 = arith.constant 80 : i32
      %lt3A_187 = arith.cmpi slt, %add3A_185, %lt3A_186 : i32
      %convert_element_type3A_188 = arith.extui %lt3A_187 : i1 to i32
      %cond3A_189 = arith.constant 0 : i32
      %cond3A_190 = arith.cmpi ne, %convert_element_type3A_188, %cond3A_189 : i32
      scf.if %cond3A_190 {
        %add3A_191 = arith.constant 2 : i32
        %add3A_192 = arith.addi %add3A_177, %add3A_191 : i32
        %dma_start3A_193 = arith.constant 0 : i32
        %dma_start3A_194 = tpu.memref_slice %arg7[%add3A_192, %dma_start3A_193] : memref<80x64xi32, #tpu.memory_space<vmem>> -> memref<1x64xi32, #tpu.memory_space<vmem>>
        %dma_start3A_195 = tpu.memref_squeeze %dma_start3A_194 : memref<1x64xi32, #tpu.memory_space<vmem>> -> memref<64xi32, #tpu.memory_space<vmem>>
        %dma_start3A_196 = arith.constant 0 : i32
        %dma_start3A_197 = arith.constant 0 : i32
        %dma_start3A_198 = tpu.memref_slice %arg4[%dma_start3A_196, %dma_start3A_197] : memref<10000x128xf32, #tpu.memory_space<hbm>> -> memref<10000x128xf32, #tpu.memory_space<hbm>>
        tpu.enqueue_indirect_dma source(%dma_start3A_198 : memref<10000x128xf32, #tpu.memory_space<hbm>>) target(%arg10 : memref<64x128xf32, #tpu.memory_space<vmem>>) offsets(%dma_start3A_195 : memref<64xi32, #tpu.memory_space<vmem>>) semaphore(%arg12 : memref<!tpu.dma_semaphore, #tpu.memory_space<semaphore_mem>>)
      } else {
      }
    }
    %scan3A_92 = arith.constant 40 : i32
    %barrier3A_93 = arith.constant 0 : index
    tpu.barrier barrier_id(%barrier3A_93)
    %mul3A_94 = arith.constant 640 : i32
    %mul3A_95 = arith.muli %arg1, %mul3A_94 : i32
    %add3A_96 = arith.constant 0 : i32
    %add3A_97 = arith.addi %mul3A_95, %add3A_96 : i32
    "tpu.region"() ({
      %run_scoped3A = tpu.sem_alloc : memref<!tpu.dma_semaphore, #tpu.memory_space<semaphore_mem>>
      %dma_start3A_134 = arith.constant 0 : i32
      %dma_start3A_135 = tpu.memref_slice %arg6[%add3A_97, %dma_start3A_134] : memref<10240x128xf32, #tpu.memory_space<vmem_shared>> -> memref<64x128xf32, #tpu.memory_space<vmem_shared>>
      %dma_start3A_136 = arith.constant 0 : i32
      %dma_start3A_137 = tpu.memref_slice %arg6[%add3A_97, %dma_start3A_136] : memref<10240x128xf32, #tpu.memory_space<vmem_shared>> -> memref<64x128xf32, #tpu.memory_space<vmem_shared>>
      tpu.enqueue_dma source(%dma_start3A_137 : memref<64x128xf32, #tpu.memory_space<vmem_shared>>) target(%arg9 : memref<64x128xf32, #tpu.memory_space<vmem>>) target_semaphore(%run_scoped3A : memref<!tpu.dma_semaphore, #tpu.memory_space<semaphore_mem>>)
      %dma_wait3A = arith.constant 0 : i32
      %dma_wait3A_138 = tpu.memref_slice %arg6[%add3A_97, %dma_wait3A] : memref<10240x128xf32, #tpu.memory_space<vmem_shared>> -> memref<64x128xf32, #tpu.memory_space<vmem_shared>>
      %dma_wait3A_139 = arith.constant 0 : i32
      %dma_wait3A_140 = tpu.memref_slice %arg6[%add3A_97, %dma_wait3A_139] : memref<10240x128xf32, #tpu.memory_space<vmem_shared>> -> memref<64x128xf32, #tpu.memory_space<vmem_shared>>
      tpu.wait_dma2 semaphore(%run_scoped3A : memref<!tpu.dma_semaphore, #tpu.memory_space<semaphore_mem>>) src(%dma_wait3A_140 : memref<64x128xf32, #tpu.memory_space<vmem_shared>>) dst(%arg9 : memref<64x128xf32, #tpu.memory_space<vmem>>)
      tpu.yield
    }) : () -> ()
    "tpu.region"() ({
      %run_scoped3A = tpu.sem_alloc : memref<!tpu.dma_semaphore, #tpu.memory_space<semaphore_mem>>
      %dma_start3A_134 = arith.constant 0 : i32
      %dma_start3A_135 = tpu.memref_slice %arg5[%arg0, %add3A_97, %dma_start3A_134] : memref<2x10240x128xf32, #tpu.memory_space<hbm>> -> memref<1x64x128xf32, #tpu.memory_space<hbm>>
      %dma_start3A_136 = tpu.memref_squeeze %dma_start3A_135 : memref<1x64x128xf32, #tpu.memory_space<hbm>> -> memref<64x128xf32, #tpu.memory_space<hbm>>
      %dma_start3A_137 = arith.constant 0 : i32
      %dma_start3A_138 = tpu.memref_slice %arg5[%arg0, %add3A_97, %dma_start3A_137] : memref<2x10240x128xf32, #tpu.memory_space<hbm>> -> memref<1x64x128xf32, #tpu.memory_space<hbm>>
      %dma_start3A_139 = tpu.memref_squeeze %dma_start3A_138 : memref<1x64x128xf32, #tpu.memory_space<hbm>> -> memref<64x128xf32, #tpu.memory_space<hbm>>
      tpu.enqueue_dma source(%arg9 : memref<64x128xf32, #tpu.memory_space<vmem>>) target(%dma_start3A_139 : memref<64x128xf32, #tpu.memory_space<hbm>>) target_semaphore(%run_scoped3A : memref<!tpu.dma_semaphore, #tpu.memory_space<semaphore_mem>>)
      %dma_wait3A = arith.constant 0 : i32
      %dma_wait3A_140 = tpu.memref_slice %arg5[%arg0, %add3A_97, %dma_wait3A] : memref<2x10240x128xf32, #tpu.memory_space<hbm>> -> memref<1x64x128xf32, #tpu.memory_space<hbm>>
      %dma_wait3A_141 = tpu.memref_squeeze %dma_wait3A_140 : memref<1x64x128xf32, #tpu.memory_space<hbm>> -> memref<64x128xf32, #tpu.memory_space<hbm>>
      %dma_wait3A_142 = arith.constant 0 : i32
      %dma_wait3A_143 = tpu.memref_slice %arg5[%arg0, %add3A_97, %dma_wait3A_142] : memref<2x10240x128xf32, #tpu.memory_space<hbm>> -> memref<1x64x128xf32, #tpu.memory_space<hbm>>
      %dma_wait3A_144 = tpu.memref_squeeze %dma_wait3A_143 : memref<1x64x128xf32, #tpu.memory_space<hbm>> -> memref<64x128xf32, #tpu.memory_space<hbm>>
      tpu.wait_dma2 semaphore(%run_scoped3A : memref<!tpu.dma_semaphore, #tpu.memory_space<semaphore_mem>>) src(%arg9 : memref<64x128xf32, #tpu.memory_space<vmem>>) dst(%dma_wait3A_144 : memref<64x128xf32, #tpu.memory_space<hbm>>)
      tpu.yield
    }) : () -> ()
    %mul3A_98 = arith.constant 640 : i32
    %mul3A_99 = arith.muli %arg1, %mul3A_98 : i32
    %add3A_100 = arith.constant 64 : i32
    %add3A_101 = arith.addi %mul3A_99, %add3A_100 : i32
    "tpu.region"() ({
      %run_scoped3A = tpu.sem_alloc : memref<!tpu.dma_semaphore, #tpu.memory_space<semaphore_mem>>
      %dma_start3A_134 = arith.constant 0 : i32
      %dma_start3A_135 = tpu.memref_slice %arg6[%add3A_101, %dma_start3A_134] : memref<10240x128xf32, #tpu.memory_space<vmem_shared>> -> memref<64x128xf32, #tpu.memory_space<vmem_shared>>
      %dma_start3A_136 = arith.constant 0 : i32
      %dma_start3A_137 = tpu.memref_slice %arg6[%add3A_101, %dma_start3A_136] : memref<10240x128xf32, #tpu.memory_space<vmem_shared>> -> memref<64x128xf32, #tpu.memory_space<vmem_shared>>
      tpu.enqueue_dma source(%dma_start3A_137 : memref<64x128xf32, #tpu.memory_space<vmem_shared>>) target(%arg9 : memref<64x128xf32, #tpu.memory_space<vmem>>) target_semaphore(%run_scoped3A : memref<!tpu.dma_semaphore, #tpu.memory_space<semaphore_mem>>)
      %dma_wait3A = arith.constant 0 : i32
      %dma_wait3A_138 = tpu.memref_slice %arg6[%add3A_101, %dma_wait3A] : memref<10240x128xf32, #tpu.memory_space<vmem_shared>> -> memref<64x128xf32, #tpu.memory_space<vmem_shared>>
      %dma_wait3A_139 = arith.constant 0 : i32
      %dma_wait3A_140 = tpu.memref_slice %arg6[%add3A_101, %dma_wait3A_139] : memref<10240x128xf32, #tpu.memory_space<vmem_shared>> -> memref<64x128xf32, #tpu.memory_space<vmem_shared>>
      tpu.wait_dma2 semaphore(%run_scoped3A : memref<!tpu.dma_semaphore, #tpu.memory_space<semaphore_mem>>) src(%dma_wait3A_140 : memref<64x128xf32, #tpu.memory_space<vmem_shared>>) dst(%arg9 : memref<64x128xf32, #tpu.memory_space<vmem>>)
      tpu.yield
    }) : () -> ()
    "tpu.region"() ({
      %run_scoped3A = tpu.sem_alloc : memref<!tpu.dma_semaphore, #tpu.memory_space<semaphore_mem>>
      %dma_start3A_134 = arith.constant 0 : i32
      %dma_start3A_135 = tpu.memref_slice %arg5[%arg0, %add3A_101, %dma_start3A_134] : memref<2x10240x128xf32, #tpu.memory_space<hbm>> -> memref<1x64x128xf32, #tpu.memory_space<hbm>>
      %dma_start3A_136 = tpu.memref_squeeze %dma_start3A_135 : memref<1x64x128xf32, #tpu.memory_space<hbm>> -> memref<64x128xf32, #tpu.memory_space<hbm>>
      %dma_start3A_137 = arith.constant 0 : i32
      %dma_start3A_138 = tpu.memref_slice %arg5[%arg0, %add3A_101, %dma_start3A_137] : memref<2x10240x128xf32, #tpu.memory_space<hbm>> -> memref<1x64x128xf32, #tpu.memory_space<hbm>>
      %dma_start3A_139 = tpu.memref_squeeze %dma_start3A_138 : memref<1x64x128xf32, #tpu.memory_space<hbm>> -> memref<64x128xf32, #tpu.memory_space<hbm>>
      tpu.enqueue_dma source(%arg9 : memref<64x128xf32, #tpu.memory_space<vmem>>) target(%dma_start3A_139 : memref<64x128xf32, #tpu.memory_space<hbm>>) target_semaphore(%run_scoped3A : memref<!tpu.dma_semaphore, #tpu.memory_space<semaphore_mem>>)
      %dma_wait3A = arith.constant 0 : i32
      %dma_wait3A_140 = tpu.memref_slice %arg5[%arg0, %add3A_101, %dma_wait3A] : memref<2x10240x128xf32, #tpu.memory_space<hbm>> -> memref<1x64x128xf32, #tpu.memory_space<hbm>>
      %dma_wait3A_141 = tpu.memref_squeeze %dma_wait3A_140 : memref<1x64x128xf32, #tpu.memory_space<hbm>> -> memref<64x128xf32, #tpu.memory_space<hbm>>
      %dma_wait3A_142 = arith.constant 0 : i32
      %dma_wait3A_143 = tpu.memref_slice %arg5[%arg0, %add3A_101, %dma_wait3A_142] : memref<2x10240x128xf32, #tpu.memory_space<hbm>> -> memref<1x64x128xf32, #tpu.memory_space<hbm>>
      %dma_wait3A_144 = tpu.memref_squeeze %dma_wait3A_143 : memref<1x64x128xf32, #tpu.memory_space<hbm>> -> memref<64x128xf32, #tpu.memory_space<hbm>>
      tpu.wait_dma2 semaphore(%run_scoped3A : memref<!tpu.dma_semaphore, #tpu.memory_space<semaphore_mem>>) src(%arg9 : memref<64x128xf32, #tpu.memory_space<vmem>>) dst(%dma_wait3A_144 : memref<64x128xf32, #tpu.memory_space<hbm>>)
      tpu.yield
    }) : () -> ()
    %mul3A_102 = arith.constant 640 : i32
    %mul3A_103 = arith.muli %arg1, %mul3A_102 : i32
    %add3A_104 = arith.constant 128 : i32
    %add3A_105 = arith.addi %mul3A_103, %add3A_104 : i32
    "tpu.region"() ({
      %run_scoped3A = tpu.sem_alloc : memref<!tpu.dma_semaphore, #tpu.memory_space<semaphore_mem>>
      %dma_start3A_134 = arith.constant 0 : i32
      %dma_start3A_135 = tpu.memref_slice %arg6[%add3A_105, %dma_start3A_134] : memref<10240x128xf32, #tpu.memory_space<vmem_shared>> -> memref<64x128xf32, #tpu.memory_space<vmem_shared>>
      %dma_start3A_136 = arith.constant 0 : i32
      %dma_start3A_137 = tpu.memref_slice %arg6[%add3A_105, %dma_start3A_136] : memref<10240x128xf32, #tpu.memory_space<vmem_shared>> -> memref<64x128xf32, #tpu.memory_space<vmem_shared>>
      tpu.enqueue_dma source(%dma_start3A_137 : memref<64x128xf32, #tpu.memory_space<vmem_shared>>) target(%arg9 : memref<64x128xf32, #tpu.memory_space<vmem>>) target_semaphore(%run_scoped3A : memref<!tpu.dma_semaphore, #tpu.memory_space<semaphore_mem>>)
      %dma_wait3A = arith.constant 0 : i32
      %dma_wait3A_138 = tpu.memref_slice %arg6[%add3A_105, %dma_wait3A] : memref<10240x128xf32, #tpu.memory_space<vmem_shared>> -> memref<64x128xf32, #tpu.memory_space<vmem_shared>>
      %dma_wait3A_139 = arith.constant 0 : i32
      %dma_wait3A_140 = tpu.memref_slice %arg6[%add3A_105, %dma_wait3A_139] : memref<10240x128xf32, #tpu.memory_space<vmem_shared>> -> memref<64x128xf32, #tpu.memory_space<vmem_shared>>
      tpu.wait_dma2 semaphore(%run_scoped3A : memref<!tpu.dma_semaphore, #tpu.memory_space<semaphore_mem>>) src(%dma_wait3A_140 : memref<64x128xf32, #tpu.memory_space<vmem_shared>>) dst(%arg9 : memref<64x128xf32, #tpu.memory_space<vmem>>)
      tpu.yield
    }) : () -> ()
    "tpu.region"() ({
      %run_scoped3A = tpu.sem_alloc : memref<!tpu.dma_semaphore, #tpu.memory_space<semaphore_mem>>
      %dma_start3A_134 = arith.constant 0 : i32
      %dma_start3A_135 = tpu.memref_slice %arg5[%arg0, %add3A_105, %dma_start3A_134] : memref<2x10240x128xf32, #tpu.memory_space<hbm>> -> memref<1x64x128xf32, #tpu.memory_space<hbm>>
      %dma_start3A_136 = tpu.memref_squeeze %dma_start3A_135 : memref<1x64x128xf32, #tpu.memory_space<hbm>> -> memref<64x128xf32, #tpu.memory_space<hbm>>
      %dma_start3A_137 = arith.constant 0 : i32
      %dma_start3A_138 = tpu.memref_slice %arg5[%arg0, %add3A_105, %dma_start3A_137] : memref<2x10240x128xf32, #tpu.memory_space<hbm>> -> memref<1x64x128xf32, #tpu.memory_space<hbm>>
      %dma_start3A_139 = tpu.memref_squeeze %dma_start3A_138 : memref<1x64x128xf32, #tpu.memory_space<hbm>> -> memref<64x128xf32, #tpu.memory_space<hbm>>
      tpu.enqueue_dma source(%arg9 : memref<64x128xf32, #tpu.memory_space<vmem>>) target(%dma_start3A_139 : memref<64x128xf32, #tpu.memory_space<hbm>>) target_semaphore(%run_scoped3A : memref<!tpu.dma_semaphore, #tpu.memory_space<semaphore_mem>>)
      %dma_wait3A = arith.constant 0 : i32
      %dma_wait3A_140 = tpu.memref_slice %arg5[%arg0, %add3A_105, %dma_wait3A] : memref<2x10240x128xf32, #tpu.memory_space<hbm>> -> memref<1x64x128xf32, #tpu.memory_space<hbm>>
      %dma_wait3A_141 = tpu.memref_squeeze %dma_wait3A_140 : memref<1x64x128xf32, #tpu.memory_space<hbm>> -> memref<64x128xf32, #tpu.memory_space<hbm>>
      %dma_wait3A_142 = arith.constant 0 : i32
      %dma_wait3A_143 = tpu.memref_slice %arg5[%arg0, %add3A_105, %dma_wait3A_142] : memref<2x10240x128xf32, #tpu.memory_space<hbm>> -> memref<1x64x128xf32, #tpu.memory_space<hbm>>
      %dma_wait3A_144 = tpu.memref_squeeze %dma_wait3A_143 : memref<1x64x128xf32, #tpu.memory_space<hbm>> -> memref<64x128xf32, #tpu.memory_space<hbm>>
      tpu.wait_dma2 semaphore(%run_scoped3A : memref<!tpu.dma_semaphore, #tpu.memory_space<semaphore_mem>>) src(%arg9 : memref<64x128xf32, #tpu.memory_space<vmem>>) dst(%dma_wait3A_144 : memref<64x128xf32, #tpu.memory_space<hbm>>)
      tpu.yield
    }) : () -> ()
    %mul3A_106 = arith.constant 640 : i32
    %mul3A_107 = arith.muli %arg1, %mul3A_106 : i32
    %add3A_108 = arith.constant 192 : i32
    %add3A_109 = arith.addi %mul3A_107, %add3A_108 : i32
    "tpu.region"() ({
      %run_scoped3A = tpu.sem_alloc : memref<!tpu.dma_semaphore, #tpu.memory_space<semaphore_mem>>
      %dma_start3A_134 = arith.constant 0 : i32
      %dma_start3A_135 = tpu.memref_slice %arg6[%add3A_109, %dma_start3A_134] : memref<10240x128xf32, #tpu.memory_space<vmem_shared>> -> memref<64x128xf32, #tpu.memory_space<vmem_shared>>
      %dma_start3A_136 = arith.constant 0 : i32
      %dma_start3A_137 = tpu.memref_slice %arg6[%add3A_109, %dma_start3A_136] : memref<10240x128xf32, #tpu.memory_space<vmem_shared>> -> memref<64x128xf32, #tpu.memory_space<vmem_shared>>
      tpu.enqueue_dma source(%dma_start3A_137 : memref<64x128xf32, #tpu.memory_space<vmem_shared>>) target(%arg9 : memref<64x128xf32, #tpu.memory_space<vmem>>) target_semaphore(%run_scoped3A : memref<!tpu.dma_semaphore, #tpu.memory_space<semaphore_mem>>)
      %dma_wait3A = arith.constant 0 : i32
      %dma_wait3A_138 = tpu.memref_slice %arg6[%add3A_109, %dma_wait3A] : memref<10240x128xf32, #tpu.memory_space<vmem_shared>> -> memref<64x128xf32, #tpu.memory_space<vmem_shared>>
      %dma_wait3A_139 = arith.constant 0 : i32
      %dma_wait3A_140 = tpu.memref_slice %arg6[%add3A_109, %dma_wait3A_139] : memref<10240x128xf32, #tpu.memory_space<vmem_shared>> -> memref<64x128xf32, #tpu.memory_space<vmem_shared>>
      tpu.wait_dma2 semaphore(%run_scoped3A : memref<!tpu.dma_semaphore, #tpu.memory_space<semaphore_mem>>) src(%dma_wait3A_140 : memref<64x128xf32, #tpu.memory_space<vmem_shared>>) dst(%arg9 : memref<64x128xf32, #tpu.memory_space<vmem>>)
      tpu.yield
    }) : () -> ()
    "tpu.region"() ({
      %run_scoped3A = tpu.sem_alloc : memref<!tpu.dma_semaphore, #tpu.memory_space<semaphore_mem>>
      %dma_start3A_134 = arith.constant 0 : i32
      %dma_start3A_135 = tpu.memref_slice %arg5[%arg0, %add3A_109, %dma_start3A_134] : memref<2x10240x128xf32, #tpu.memory_space<hbm>> -> memref<1x64x128xf32, #tpu.memory_space<hbm>>
      %dma_start3A_136 = tpu.memref_squeeze %dma_start3A_135 : memref<1x64x128xf32, #tpu.memory_space<hbm>> -> memref<64x128xf32, #tpu.memory_space<hbm>>
      %dma_start3A_137 = arith.constant 0 : i32
      %dma_start3A_138 = tpu.memref_slice %arg5[%arg0, %add3A_109, %dma_start3A_137] : memref<2x10240x128xf32, #tpu.memory_space<hbm>> -> memref<1x64x128xf32, #tpu.memory_space<hbm>>
      %dma_start3A_139 = tpu.memref_squeeze %dma_start3A_138 : memref<1x64x128xf32, #tpu.memory_space<hbm>> -> memref<64x128xf32, #tpu.memory_space<hbm>>
      tpu.enqueue_dma source(%arg9 : memref<64x128xf32, #tpu.memory_space<vmem>>) target(%dma_start3A_139 : memref<64x128xf32, #tpu.memory_space<hbm>>) target_semaphore(%run_scoped3A : memref<!tpu.dma_semaphore, #tpu.memory_space<semaphore_mem>>)
      %dma_wait3A = arith.constant 0 : i32
      %dma_wait3A_140 = tpu.memref_slice %arg5[%arg0, %add3A_109, %dma_wait3A] : memref<2x10240x128xf32, #tpu.memory_space<hbm>> -> memref<1x64x128xf32, #tpu.memory_space<hbm>>
      %dma_wait3A_141 = tpu.memref_squeeze %dma_wait3A_140 : memref<1x64x128xf32, #tpu.memory_space<hbm>> -> memref<64x128xf32, #tpu.memory_space<hbm>>
      %dma_wait3A_142 = arith.constant 0 : i32
      %dma_wait3A_143 = tpu.memref_slice %arg5[%arg0, %add3A_109, %dma_wait3A_142] : memref<2x10240x128xf32, #tpu.memory_space<hbm>> -> memref<1x64x128xf32, #tpu.memory_space<hbm>>
      %dma_wait3A_144 = tpu.memref_squeeze %dma_wait3A_143 : memref<1x64x128xf32, #tpu.memory_space<hbm>> -> memref<64x128xf32, #tpu.memory_space<hbm>>
      tpu.wait_dma2 semaphore(%run_scoped3A : memref<!tpu.dma_semaphore, #tpu.memory_space<semaphore_mem>>) src(%arg9 : memref<64x128xf32, #tpu.memory_space<vmem>>) dst(%dma_wait3A_144 : memref<64x128xf32, #tpu.memory_space<hbm>>)
      tpu.yield
    }) : () -> ()
    %mul3A_110 = arith.constant 640 : i32
    %mul3A_111 = arith.muli %arg1, %mul3A_110 : i32
    %add3A_112 = arith.constant 256 : i32
    %add3A_113 = arith.addi %mul3A_111, %add3A_112 : i32
    "tpu.region"() ({
      %run_scoped3A = tpu.sem_alloc : memref<!tpu.dma_semaphore, #tpu.memory_space<semaphore_mem>>
      %dma_start3A_134 = arith.constant 0 : i32
      %dma_start3A_135 = tpu.memref_slice %arg6[%add3A_113, %dma_start3A_134] : memref<10240x128xf32, #tpu.memory_space<vmem_shared>> -> memref<64x128xf32, #tpu.memory_space<vmem_shared>>
      %dma_start3A_136 = arith.constant 0 : i32
      %dma_start3A_137 = tpu.memref_slice %arg6[%add3A_113, %dma_start3A_136] : memref<10240x128xf32, #tpu.memory_space<vmem_shared>> -> memref<64x128xf32, #tpu.memory_space<vmem_shared>>
      tpu.enqueue_dma source(%dma_start3A_137 : memref<64x128xf32, #tpu.memory_space<vmem_shared>>) target(%arg9 : memref<64x128xf32, #tpu.memory_space<vmem>>) target_semaphore(%run_scoped3A : memref<!tpu.dma_semaphore, #tpu.memory_space<semaphore_mem>>)
      %dma_wait3A = arith.constant 0 : i32
      %dma_wait3A_138 = tpu.memref_slice %arg6[%add3A_113, %dma_wait3A] : memref<10240x128xf32, #tpu.memory_space<vmem_shared>> -> memref<64x128xf32, #tpu.memory_space<vmem_shared>>
      %dma_wait3A_139 = arith.constant 0 : i32
      %dma_wait3A_140 = tpu.memref_slice %arg6[%add3A_113, %dma_wait3A_139] : memref<10240x128xf32, #tpu.memory_space<vmem_shared>> -> memref<64x128xf32, #tpu.memory_space<vmem_shared>>
      tpu.wait_dma2 semaphore(%run_scoped3A : memref<!tpu.dma_semaphore, #tpu.memory_space<semaphore_mem>>) src(%dma_wait3A_140 : memref<64x128xf32, #tpu.memory_space<vmem_shared>>) dst(%arg9 : memref<64x128xf32, #tpu.memory_space<vmem>>)
      tpu.yield
    }) : () -> ()
    "tpu.region"() ({
      %run_scoped3A = tpu.sem_alloc : memref<!tpu.dma_semaphore, #tpu.memory_space<semaphore_mem>>
      %dma_start3A_134 = arith.constant 0 : i32
      %dma_start3A_135 = tpu.memref_slice %arg5[%arg0, %add3A_113, %dma_start3A_134] : memref<2x10240x128xf32, #tpu.memory_space<hbm>> -> memref<1x64x128xf32, #tpu.memory_space<hbm>>
      %dma_start3A_136 = tpu.memref_squeeze %dma_start3A_135 : memref<1x64x128xf32, #tpu.memory_space<hbm>> -> memref<64x128xf32, #tpu.memory_space<hbm>>
      %dma_start3A_137 = arith.constant 0 : i32
      %dma_start3A_138 = tpu.memref_slice %arg5[%arg0, %add3A_113, %dma_start3A_137] : memref<2x10240x128xf32, #tpu.memory_space<hbm>> -> memref<1x64x128xf32, #tpu.memory_space<hbm>>
      %dma_start3A_139 = tpu.memref_squeeze %dma_start3A_138 : memref<1x64x128xf32, #tpu.memory_space<hbm>> -> memref<64x128xf32, #tpu.memory_space<hbm>>
      tpu.enqueue_dma source(%arg9 : memref<64x128xf32, #tpu.memory_space<vmem>>) target(%dma_start3A_139 : memref<64x128xf32, #tpu.memory_space<hbm>>) target_semaphore(%run_scoped3A : memref<!tpu.dma_semaphore, #tpu.memory_space<semaphore_mem>>)
      %dma_wait3A = arith.constant 0 : i32
      %dma_wait3A_140 = tpu.memref_slice %arg5[%arg0, %add3A_113, %dma_wait3A] : memref<2x10240x128xf32, #tpu.memory_space<hbm>> -> memref<1x64x128xf32, #tpu.memory_space<hbm>>
      %dma_wait3A_141 = tpu.memref_squeeze %dma_wait3A_140 : memref<1x64x128xf32, #tpu.memory_space<hbm>> -> memref<64x128xf32, #tpu.memory_space<hbm>>
      %dma_wait3A_142 = arith.constant 0 : i32
      %dma_wait3A_143 = tpu.memref_slice %arg5[%arg0, %add3A_113, %dma_wait3A_142] : memref<2x10240x128xf32, #tpu.memory_space<hbm>> -> memref<1x64x128xf32, #tpu.memory_space<hbm>>
      %dma_wait3A_144 = tpu.memref_squeeze %dma_wait3A_143 : memref<1x64x128xf32, #tpu.memory_space<hbm>> -> memref<64x128xf32, #tpu.memory_space<hbm>>
      tpu.wait_dma2 semaphore(%run_scoped3A : memref<!tpu.dma_semaphore, #tpu.memory_space<semaphore_mem>>) src(%arg9 : memref<64x128xf32, #tpu.memory_space<vmem>>) dst(%dma_wait3A_144 : memref<64x128xf32, #tpu.memory_space<hbm>>)
      tpu.yield
    }) : () -> ()
    %mul3A_114 = arith.constant 640 : i32
    %mul3A_115 = arith.muli %arg1, %mul3A_114 : i32
    %add3A_116 = arith.constant 320 : i32
    %add3A_117 = arith.addi %mul3A_115, %add3A_116 : i32
    "tpu.region"() ({
      %run_scoped3A = tpu.sem_alloc : memref<!tpu.dma_semaphore, #tpu.memory_space<semaphore_mem>>
      %dma_start3A_134 = arith.constant 0 : i32
      %dma_start3A_135 = tpu.memref_slice %arg6[%add3A_117, %dma_start3A_134] : memref<10240x128xf32, #tpu.memory_space<vmem_shared>> -> memref<64x128xf32, #tpu.memory_space<vmem_shared>>
      %dma_start3A_136 = arith.constant 0 : i32
      %dma_start3A_137 = tpu.memref_slice %arg6[%add3A_117, %dma_start3A_136] : memref<10240x128xf32, #tpu.memory_space<vmem_shared>> -> memref<64x128xf32, #tpu.memory_space<vmem_shared>>
      tpu.enqueue_dma source(%dma_start3A_137 : memref<64x128xf32, #tpu.memory_space<vmem_shared>>) target(%arg9 : memref<64x128xf32, #tpu.memory_space<vmem>>) target_semaphore(%run_scoped3A : memref<!tpu.dma_semaphore, #tpu.memory_space<semaphore_mem>>)
      %dma_wait3A = arith.constant 0 : i32
      %dma_wait3A_138 = tpu.memref_slice %arg6[%add3A_117, %dma_wait3A] : memref<10240x128xf32, #tpu.memory_space<vmem_shared>> -> memref<64x128xf32, #tpu.memory_space<vmem_shared>>
      %dma_wait3A_139 = arith.constant 0 : i32
      %dma_wait3A_140 = tpu.memref_slice %arg6[%add3A_117, %dma_wait3A_139] : memref<10240x128xf32, #tpu.memory_space<vmem_shared>> -> memref<64x128xf32, #tpu.memory_space<vmem_shared>>
      tpu.wait_dma2 semaphore(%run_scoped3A : memref<!tpu.dma_semaphore, #tpu.memory_space<semaphore_mem>>) src(%dma_wait3A_140 : memref<64x128xf32, #tpu.memory_space<vmem_shared>>) dst(%arg9 : memref<64x128xf32, #tpu.memory_space<vmem>>)
      tpu.yield
    }) : () -> ()
    "tpu.region"() ({
      %run_scoped3A = tpu.sem_alloc : memref<!tpu.dma_semaphore, #tpu.memory_space<semaphore_mem>>
      %dma_start3A_134 = arith.constant 0 : i32
      %dma_start3A_135 = tpu.memref_slice %arg5[%arg0, %add3A_117, %dma_start3A_134] : memref<2x10240x128xf32, #tpu.memory_space<hbm>> -> memref<1x64x128xf32, #tpu.memory_space<hbm>>
      %dma_start3A_136 = tpu.memref_squeeze %dma_start3A_135 : memref<1x64x128xf32, #tpu.memory_space<hbm>> -> memref<64x128xf32, #tpu.memory_space<hbm>>
      %dma_start3A_137 = arith.constant 0 : i32
      %dma_start3A_138 = tpu.memref_slice %arg5[%arg0, %add3A_117, %dma_start3A_137] : memref<2x10240x128xf32, #tpu.memory_space<hbm>> -> memref<1x64x128xf32, #tpu.memory_space<hbm>>
      %dma_start3A_139 = tpu.memref_squeeze %dma_start3A_138 : memref<1x64x128xf32, #tpu.memory_space<hbm>> -> memref<64x128xf32, #tpu.memory_space<hbm>>
      tpu.enqueue_dma source(%arg9 : memref<64x128xf32, #tpu.memory_space<vmem>>) target(%dma_start3A_139 : memref<64x128xf32, #tpu.memory_space<hbm>>) target_semaphore(%run_scoped3A : memref<!tpu.dma_semaphore, #tpu.memory_space<semaphore_mem>>)
      %dma_wait3A = arith.constant 0 : i32
      %dma_wait3A_140 = tpu.memref_slice %arg5[%arg0, %add3A_117, %dma_wait3A] : memref<2x10240x128xf32, #tpu.memory_space<hbm>> -> memref<1x64x128xf32, #tpu.memory_space<hbm>>
      %dma_wait3A_141 = tpu.memref_squeeze %dma_wait3A_140 : memref<1x64x128xf32, #tpu.memory_space<hbm>> -> memref<64x128xf32, #tpu.memory_space<hbm>>
      %dma_wait3A_142 = arith.constant 0 : i32
      %dma_wait3A_143 = tpu.memref_slice %arg5[%arg0, %add3A_117, %dma_wait3A_142] : memref<2x10240x128xf32, #tpu.memory_space<hbm>> -> memref<1x64x128xf32, #tpu.memory_space<hbm>>
      %dma_wait3A_144 = tpu.memref_squeeze %dma_wait3A_143 : memref<1x64x128xf32, #tpu.memory_space<hbm>> -> memref<64x128xf32, #tpu.memory_space<hbm>>
      tpu.wait_dma2 semaphore(%run_scoped3A : memref<!tpu.dma_semaphore, #tpu.memory_space<semaphore_mem>>) src(%arg9 : memref<64x128xf32, #tpu.memory_space<vmem>>) dst(%dma_wait3A_144 : memref<64x128xf32, #tpu.memory_space<hbm>>)
      tpu.yield
    }) : () -> ()
    %mul3A_118 = arith.constant 640 : i32
    %mul3A_119 = arith.muli %arg1, %mul3A_118 : i32
    %add3A_120 = arith.constant 384 : i32
    %add3A_121 = arith.addi %mul3A_119, %add3A_120 : i32
    "tpu.region"() ({
      %run_scoped3A = tpu.sem_alloc : memref<!tpu.dma_semaphore, #tpu.memory_space<semaphore_mem>>
      %dma_start3A_134 = arith.constant 0 : i32
      %dma_start3A_135 = tpu.memref_slice %arg6[%add3A_121, %dma_start3A_134] : memref<10240x128xf32, #tpu.memory_space<vmem_shared>> -> memref<64x128xf32, #tpu.memory_space<vmem_shared>>
      %dma_start3A_136 = arith.constant 0 : i32
      %dma_start3A_137 = tpu.memref_slice %arg6[%add3A_121, %dma_start3A_136] : memref<10240x128xf32, #tpu.memory_space<vmem_shared>> -> memref<64x128xf32, #tpu.memory_space<vmem_shared>>
      tpu.enqueue_dma source(%dma_start3A_137 : memref<64x128xf32, #tpu.memory_space<vmem_shared>>) target(%arg9 : memref<64x128xf32, #tpu.memory_space<vmem>>) target_semaphore(%run_scoped3A : memref<!tpu.dma_semaphore, #tpu.memory_space<semaphore_mem>>)
      %dma_wait3A = arith.constant 0 : i32
      %dma_wait3A_138 = tpu.memref_slice %arg6[%add3A_121, %dma_wait3A] : memref<10240x128xf32, #tpu.memory_space<vmem_shared>> -> memref<64x128xf32, #tpu.memory_space<vmem_shared>>
      %dma_wait3A_139 = arith.constant 0 : i32
      %dma_wait3A_140 = tpu.memref_slice %arg6[%add3A_121, %dma_wait3A_139] : memref<10240x128xf32, #tpu.memory_space<vmem_shared>> -> memref<64x128xf32, #tpu.memory_space<vmem_shared>>
      tpu.wait_dma2 semaphore(%run_scoped3A : memref<!tpu.dma_semaphore, #tpu.memory_space<semaphore_mem>>) src(%dma_wait3A_140 : memref<64x128xf32, #tpu.memory_space<vmem_shared>>) dst(%arg9 : memref<64x128xf32, #tpu.memory_space<vmem>>)
      tpu.yield
    }) : () -> ()
    "tpu.region"() ({
      %run_scoped3A = tpu.sem_alloc : memref<!tpu.dma_semaphore, #tpu.memory_space<semaphore_mem>>
      %dma_start3A_134 = arith.constant 0 : i32
      %dma_start3A_135 = tpu.memref_slice %arg5[%arg0, %add3A_121, %dma_start3A_134] : memref<2x10240x128xf32, #tpu.memory_space<hbm>> -> memref<1x64x128xf32, #tpu.memory_space<hbm>>
      %dma_start3A_136 = tpu.memref_squeeze %dma_start3A_135 : memref<1x64x128xf32, #tpu.memory_space<hbm>> -> memref<64x128xf32, #tpu.memory_space<hbm>>
      %dma_start3A_137 = arith.constant 0 : i32
      %dma_start3A_138 = tpu.memref_slice %arg5[%arg0, %add3A_121, %dma_start3A_137] : memref<2x10240x128xf32, #tpu.memory_space<hbm>> -> memref<1x64x128xf32, #tpu.memory_space<hbm>>
      %dma_start3A_139 = tpu.memref_squeeze %dma_start3A_138 : memref<1x64x128xf32, #tpu.memory_space<hbm>> -> memref<64x128xf32, #tpu.memory_space<hbm>>
      tpu.enqueue_dma source(%arg9 : memref<64x128xf32, #tpu.memory_space<vmem>>) target(%dma_start3A_139 : memref<64x128xf32, #tpu.memory_space<hbm>>) target_semaphore(%run_scoped3A : memref<!tpu.dma_semaphore, #tpu.memory_space<semaphore_mem>>)
      %dma_wait3A = arith.constant 0 : i32
      %dma_wait3A_140 = tpu.memref_slice %arg5[%arg0, %add3A_121, %dma_wait3A] : memref<2x10240x128xf32, #tpu.memory_space<hbm>> -> memref<1x64x128xf32, #tpu.memory_space<hbm>>
      %dma_wait3A_141 = tpu.memref_squeeze %dma_wait3A_140 : memref<1x64x128xf32, #tpu.memory_space<hbm>> -> memref<64x128xf32, #tpu.memory_space<hbm>>
      %dma_wait3A_142 = arith.constant 0 : i32
      %dma_wait3A_143 = tpu.memref_slice %arg5[%arg0, %add3A_121, %dma_wait3A_142] : memref<2x10240x128xf32, #tpu.memory_space<hbm>> -> memref<1x64x128xf32, #tpu.memory_space<hbm>>
      %dma_wait3A_144 = tpu.memref_squeeze %dma_wait3A_143 : memref<1x64x128xf32, #tpu.memory_space<hbm>> -> memref<64x128xf32, #tpu.memory_space<hbm>>
      tpu.wait_dma2 semaphore(%run_scoped3A : memref<!tpu.dma_semaphore, #tpu.memory_space<semaphore_mem>>) src(%arg9 : memref<64x128xf32, #tpu.memory_space<vmem>>) dst(%dma_wait3A_144 : memref<64x128xf32, #tpu.memory_space<hbm>>)
      tpu.yield
    }) : () -> ()
    %mul3A_122 = arith.constant 640 : i32
    %mul3A_123 = arith.muli %arg1, %mul3A_122 : i32
    %add3A_124 = arith.constant 448 : i32
    %add3A_125 = arith.addi %mul3A_123, %add3A_124 : i32
    "tpu.region"() ({
      %run_scoped3A = tpu.sem_alloc : memref<!tpu.dma_semaphore, #tpu.memory_space<semaphore_mem>>
      %dma_start3A_134 = arith.constant 0 : i32
      %dma_start3A_135 = tpu.memref_slice %arg6[%add3A_125, %dma_start3A_134] : memref<10240x128xf32, #tpu.memory_space<vmem_shared>> -> memref<64x128xf32, #tpu.memory_space<vmem_shared>>
      %dma_start3A_136 = arith.constant 0 : i32
      %dma_start3A_137 = tpu.memref_slice %arg6[%add3A_125, %dma_start3A_136] : memref<10240x128xf32, #tpu.memory_space<vmem_shared>> -> memref<64x128xf32, #tpu.memory_space<vmem_shared>>
      tpu.enqueue_dma source(%dma_start3A_137 : memref<64x128xf32, #tpu.memory_space<vmem_shared>>) target(%arg9 : memref<64x128xf32, #tpu.memory_space<vmem>>) target_semaphore(%run_scoped3A : memref<!tpu.dma_semaphore, #tpu.memory_space<semaphore_mem>>)
      %dma_wait3A = arith.constant 0 : i32
      %dma_wait3A_138 = tpu.memref_slice %arg6[%add3A_125, %dma_wait3A] : memref<10240x128xf32, #tpu.memory_space<vmem_shared>> -> memref<64x128xf32, #tpu.memory_space<vmem_shared>>
      %dma_wait3A_139 = arith.constant 0 : i32
      %dma_wait3A_140 = tpu.memref_slice %arg6[%add3A_125, %dma_wait3A_139] : memref<10240x128xf32, #tpu.memory_space<vmem_shared>> -> memref<64x128xf32, #tpu.memory_space<vmem_shared>>
      tpu.wait_dma2 semaphore(%run_scoped3A : memref<!tpu.dma_semaphore, #tpu.memory_space<semaphore_mem>>) src(%dma_wait3A_140 : memref<64x128xf32, #tpu.memory_space<vmem_shared>>) dst(%arg9 : memref<64x128xf32, #tpu.memory_space<vmem>>)
      tpu.yield
    }) : () -> ()
    "tpu.region"() ({
      %run_scoped3A = tpu.sem_alloc : memref<!tpu.dma_semaphore, #tpu.memory_space<semaphore_mem>>
      %dma_start3A_134 = arith.constant 0 : i32
      %dma_start3A_135 = tpu.memref_slice %arg5[%arg0, %add3A_125, %dma_start3A_134] : memref<2x10240x128xf32, #tpu.memory_space<hbm>> -> memref<1x64x128xf32, #tpu.memory_space<hbm>>
      %dma_start3A_136 = tpu.memref_squeeze %dma_start3A_135 : memref<1x64x128xf32, #tpu.memory_space<hbm>> -> memref<64x128xf32, #tpu.memory_space<hbm>>
      %dma_start3A_137 = arith.constant 0 : i32
      %dma_start3A_138 = tpu.memref_slice %arg5[%arg0, %add3A_125, %dma_start3A_137] : memref<2x10240x128xf32, #tpu.memory_space<hbm>> -> memref<1x64x128xf32, #tpu.memory_space<hbm>>
      %dma_start3A_139 = tpu.memref_squeeze %dma_start3A_138 : memref<1x64x128xf32, #tpu.memory_space<hbm>> -> memref<64x128xf32, #tpu.memory_space<hbm>>
      tpu.enqueue_dma source(%arg9 : memref<64x128xf32, #tpu.memory_space<vmem>>) target(%dma_start3A_139 : memref<64x128xf32, #tpu.memory_space<hbm>>) target_semaphore(%run_scoped3A : memref<!tpu.dma_semaphore, #tpu.memory_space<semaphore_mem>>)
      %dma_wait3A = arith.constant 0 : i32
      %dma_wait3A_140 = tpu.memref_slice %arg5[%arg0, %add3A_125, %dma_wait3A] : memref<2x10240x128xf32, #tpu.memory_space<hbm>> -> memref<1x64x128xf32, #tpu.memory_space<hbm>>
      %dma_wait3A_141 = tpu.memref_squeeze %dma_wait3A_140 : memref<1x64x128xf32, #tpu.memory_space<hbm>> -> memref<64x128xf32, #tpu.memory_space<hbm>>
      %dma_wait3A_142 = arith.constant 0 : i32
      %dma_wait3A_143 = tpu.memref_slice %arg5[%arg0, %add3A_125, %dma_wait3A_142] : memref<2x10240x128xf32, #tpu.memory_space<hbm>> -> memref<1x64x128xf32, #tpu.memory_space<hbm>>
      %dma_wait3A_144 = tpu.memref_squeeze %dma_wait3A_143 : memref<1x64x128xf32, #tpu.memory_space<hbm>> -> memref<64x128xf32, #tpu.memory_space<hbm>>
      tpu.wait_dma2 semaphore(%run_scoped3A : memref<!tpu.dma_semaphore, #tpu.memory_space<semaphore_mem>>) src(%arg9 : memref<64x128xf32, #tpu.memory_space<vmem>>) dst(%dma_wait3A_144 : memref<64x128xf32, #tpu.memory_space<hbm>>)
      tpu.yield
    }) : () -> ()
    %mul3A_126 = arith.constant 640 : i32
    %mul3A_127 = arith.muli %arg1, %mul3A_126 : i32
    %add3A_128 = arith.constant 512 : i32
    %add3A_129 = arith.addi %mul3A_127, %add3A_128 : i32
    "tpu.region"() ({
      %run_scoped3A = tpu.sem_alloc : memref<!tpu.dma_semaphore, #tpu.memory_space<semaphore_mem>>
      %dma_start3A_134 = arith.constant 0 : i32
      %dma_start3A_135 = tpu.memref_slice %arg6[%add3A_129, %dma_start3A_134] : memref<10240x128xf32, #tpu.memory_space<vmem_shared>> -> memref<64x128xf32, #tpu.memory_space<vmem_shared>>
      %dma_start3A_136 = arith.constant 0 : i32
      %dma_start3A_137 = tpu.memref_slice %arg6[%add3A_129, %dma_start3A_136] : memref<10240x128xf32, #tpu.memory_space<vmem_shared>> -> memref<64x128xf32, #tpu.memory_space<vmem_shared>>
      tpu.enqueue_dma source(%dma_start3A_137 : memref<64x128xf32, #tpu.memory_space<vmem_shared>>) target(%arg9 : memref<64x128xf32, #tpu.memory_space<vmem>>) target_semaphore(%run_scoped3A : memref<!tpu.dma_semaphore, #tpu.memory_space<semaphore_mem>>)
      %dma_wait3A = arith.constant 0 : i32
      %dma_wait3A_138 = tpu.memref_slice %arg6[%add3A_129, %dma_wait3A] : memref<10240x128xf32, #tpu.memory_space<vmem_shared>> -> memref<64x128xf32, #tpu.memory_space<vmem_shared>>
      %dma_wait3A_139 = arith.constant 0 : i32
      %dma_wait3A_140 = tpu.memref_slice %arg6[%add3A_129, %dma_wait3A_139] : memref<10240x128xf32, #tpu.memory_space<vmem_shared>> -> memref<64x128xf32, #tpu.memory_space<vmem_shared>>
      tpu.wait_dma2 semaphore(%run_scoped3A : memref<!tpu.dma_semaphore, #tpu.memory_space<semaphore_mem>>) src(%dma_wait3A_140 : memref<64x128xf32, #tpu.memory_space<vmem_shared>>) dst(%arg9 : memref<64x128xf32, #tpu.memory_space<vmem>>)
      tpu.yield
    }) : () -> ()
    "tpu.region"() ({
      %run_scoped3A = tpu.sem_alloc : memref<!tpu.dma_semaphore, #tpu.memory_space<semaphore_mem>>
      %dma_start3A_134 = arith.constant 0 : i32
      %dma_start3A_135 = tpu.memref_slice %arg5[%arg0, %add3A_129, %dma_start3A_134] : memref<2x10240x128xf32, #tpu.memory_space<hbm>> -> memref<1x64x128xf32, #tpu.memory_space<hbm>>
      %dma_start3A_136 = tpu.memref_squeeze %dma_start3A_135 : memref<1x64x128xf32, #tpu.memory_space<hbm>> -> memref<64x128xf32, #tpu.memory_space<hbm>>
      %dma_start3A_137 = arith.constant 0 : i32
      %dma_start3A_138 = tpu.memref_slice %arg5[%arg0, %add3A_129, %dma_start3A_137] : memref<2x10240x128xf32, #tpu.memory_space<hbm>> -> memref<1x64x128xf32, #tpu.memory_space<hbm>>
      %dma_start3A_139 = tpu.memref_squeeze %dma_start3A_138 : memref<1x64x128xf32, #tpu.memory_space<hbm>> -> memref<64x128xf32, #tpu.memory_space<hbm>>
      tpu.enqueue_dma source(%arg9 : memref<64x128xf32, #tpu.memory_space<vmem>>) target(%dma_start3A_139 : memref<64x128xf32, #tpu.memory_space<hbm>>) target_semaphore(%run_scoped3A : memref<!tpu.dma_semaphore, #tpu.memory_space<semaphore_mem>>)
      %dma_wait3A = arith.constant 0 : i32
      %dma_wait3A_140 = tpu.memref_slice %arg5[%arg0, %add3A_129, %dma_wait3A] : memref<2x10240x128xf32, #tpu.memory_space<hbm>> -> memref<1x64x128xf32, #tpu.memory_space<hbm>>
      %dma_wait3A_141 = tpu.memref_squeeze %dma_wait3A_140 : memref<1x64x128xf32, #tpu.memory_space<hbm>> -> memref<64x128xf32, #tpu.memory_space<hbm>>
      %dma_wait3A_142 = arith.constant 0 : i32
      %dma_wait3A_143 = tpu.memref_slice %arg5[%arg0, %add3A_129, %dma_wait3A_142] : memref<2x10240x128xf32, #tpu.memory_space<hbm>> -> memref<1x64x128xf32, #tpu.memory_space<hbm>>
      %dma_wait3A_144 = tpu.memref_squeeze %dma_wait3A_143 : memref<1x64x128xf32, #tpu.memory_space<hbm>> -> memref<64x128xf32, #tpu.memory_space<hbm>>
      tpu.wait_dma2 semaphore(%run_scoped3A : memref<!tpu.dma_semaphore, #tpu.memory_space<semaphore_mem>>) src(%arg9 : memref<64x128xf32, #tpu.memory_space<vmem>>) dst(%dma_wait3A_144 : memref<64x128xf32, #tpu.memory_space<hbm>>)
      tpu.yield
    }) : () -> ()
    %mul3A_130 = arith.constant 640 : i32
    %mul3A_131 = arith.muli %arg1, %mul3A_130 : i32
    %add3A_132 = arith.constant 576 : i32
    %add3A_133 = arith.addi %mul3A_131, %add3A_132 : i32
    "tpu.region"() ({
      %run_scoped3A = tpu.sem_alloc : memref<!tpu.dma_semaphore, #tpu.memory_space<semaphore_mem>>
      %dma_start3A_134 = arith.constant 0 : i32
      %dma_start3A_135 = tpu.memref_slice %arg6[%add3A_133, %dma_start3A_134] : memref<10240x128xf32, #tpu.memory_space<vmem_shared>> -> memref<64x128xf32, #tpu.memory_space<vmem_shared>>
      %dma_start3A_136 = arith.constant 0 : i32
      %dma_start3A_137 = tpu.memref_slice %arg6[%add3A_133, %dma_start3A_136] : memref<10240x128xf32, #tpu.memory_space<vmem_shared>> -> memref<64x128xf32, #tpu.memory_space<vmem_shared>>
      tpu.enqueue_dma source(%dma_start3A_137 : memref<64x128xf32, #tpu.memory_space<vmem_shared>>) target(%arg9 : memref<64x128xf32, #tpu.memory_space<vmem>>) target_semaphore(%run_scoped3A : memref<!tpu.dma_semaphore, #tpu.memory_space<semaphore_mem>>)
      %dma_wait3A = arith.constant 0 : i32
      %dma_wait3A_138 = tpu.memref_slice %arg6[%add3A_133, %dma_wait3A] : memref<10240x128xf32, #tpu.memory_space<vmem_shared>> -> memref<64x128xf32, #tpu.memory_space<vmem_shared>>
      %dma_wait3A_139 = arith.constant 0 : i32
      %dma_wait3A_140 = tpu.memref_slice %arg6[%add3A_133, %dma_wait3A_139] : memref<10240x128xf32, #tpu.memory_space<vmem_shared>> -> memref<64x128xf32, #tpu.memory_space<vmem_shared>>
      tpu.wait_dma2 semaphore(%run_scoped3A : memref<!tpu.dma_semaphore, #tpu.memory_space<semaphore_mem>>) src(%dma_wait3A_140 : memref<64x128xf32, #tpu.memory_space<vmem_shared>>) dst(%arg9 : memref<64x128xf32, #tpu.memory_space<vmem>>)
      tpu.yield
    }) : () -> ()
    "tpu.region"() ({
      %run_scoped3A = tpu.sem_alloc : memref<!tpu.dma_semaphore, #tpu.memory_space<semaphore_mem>>
      %dma_start3A_134 = arith.constant 0 : i32
      %dma_start3A_135 = tpu.memref_slice %arg5[%arg0, %add3A_133, %dma_start3A_134] : memref<2x10240x128xf32, #tpu.memory_space<hbm>> -> memref<1x64x128xf32, #tpu.memory_space<hbm>>
      %dma_start3A_136 = tpu.memref_squeeze %dma_start3A_135 : memref<1x64x128xf32, #tpu.memory_space<hbm>> -> memref<64x128xf32, #tpu.memory_space<hbm>>
      %dma_start3A_137 = arith.constant 0 : i32
      %dma_start3A_138 = tpu.memref_slice %arg5[%arg0, %add3A_133, %dma_start3A_137] : memref<2x10240x128xf32, #tpu.memory_space<hbm>> -> memref<1x64x128xf32, #tpu.memory_space<hbm>>
      %dma_start3A_139 = tpu.memref_squeeze %dma_start3A_138 : memref<1x64x128xf32, #tpu.memory_space<hbm>> -> memref<64x128xf32, #tpu.memory_space<hbm>>
      tpu.enqueue_dma source(%arg9 : memref<64x128xf32, #tpu.memory_space<vmem>>) target(%dma_start3A_139 : memref<64x128xf32, #tpu.memory_space<hbm>>) target_semaphore(%run_scoped3A : memref<!tpu.dma_semaphore, #tpu.memory_space<semaphore_mem>>)
      %dma_wait3A = arith.constant 0 : i32
      %dma_wait3A_140 = tpu.memref_slice %arg5[%arg0, %add3A_133, %dma_wait3A] : memref<2x10240x128xf32, #tpu.memory_space<hbm>> -> memref<1x64x128xf32, #tpu.memory_space<hbm>>
      %dma_wait3A_141 = tpu.memref_squeeze %dma_wait3A_140 : memref<1x64x128xf32, #tpu.memory_space<hbm>> -> memref<64x128xf32, #tpu.memory_space<hbm>>
      %dma_wait3A_142 = arith.constant 0 : i32
      %dma_wait3A_143 = tpu.memref_slice %arg5[%arg0, %add3A_133, %dma_wait3A_142] : memref<2x10240x128xf32, #tpu.memory_space<hbm>> -> memref<1x64x128xf32, #tpu.memory_space<hbm>>
      %dma_wait3A_144 = tpu.memref_squeeze %dma_wait3A_143 : memref<1x64x128xf32, #tpu.memory_space<hbm>> -> memref<64x128xf32, #tpu.memory_space<hbm>>
      tpu.wait_dma2 semaphore(%run_scoped3A : memref<!tpu.dma_semaphore, #tpu.memory_space<semaphore_mem>>) src(%arg9 : memref<64x128xf32, #tpu.memory_space<vmem>>) dst(%dma_wait3A_144 : memref<64x128xf32, #tpu.memory_space<hbm>>)
      tpu.yield
    }) : () -> ()
    return
  }
}

module attributes {stable_mosaic.version = 14 : i64} {
  func.func @_tc1_body(%arg0: i32, %arg1: memref<2x1000x1xf32, #tpu.memory_space<vmem>>, %arg2: memref<1000x128xf32, #tpu.memory_space<vmem>>, %arg3: memref<128x128xf32, #tpu.memory_space<vmem>>, %arg4: memref<1000x128xf32, #tpu.memory_space<vmem>>) attributes {dimension_semantics = [#tpu.dimension_semantics<arbitrary>], iteration_bounds = array<i64: 10>, scalar_prefetch = 0 : i64, scratch_operands = 0 : i64, tpu.core_type = #tpu.core_type<tc>, window_params = [{transform_indices = @transform_0, window_bounds = array<i64: 2, 1000, 1>}, {transform_indices = @transform_1, window_bounds = array<i64: 1000, 128>}, {pipeline_mode = #tpu.pipeline_mode<synchronous>, transform_indices = @transform_2, window_bounds = array<i64: 128, 128>}, {transform_indices = @transform_3, window_bounds = array<i64: 1000, 128>}]} {
    %get3A = arith.constant 0 : index
    %get3A_0 = arith.constant 0 : index
    %get3A_1 = arith.constant 0 : index
    %get3A_2 = vector.load %arg1[%get3A, %get3A_0, %get3A_1] : memref<2x1000x1xf32, #tpu.memory_space<vmem>>, vector<1x1000x1xf32>
    %get3A_3 = vector.shape_cast %get3A_2 : vector<1x1000x1xf32> to vector<1000x1xf32>
    %get3A_4 = arith.constant 1 : index
    %get3A_5 = arith.constant 0 : index
    %get3A_6 = arith.constant 0 : index
    %get3A_7 = vector.load %arg1[%get3A_4, %get3A_5, %get3A_6] : memref<2x1000x1xf32, #tpu.memory_space<vmem>>, vector<1x1000x1xf32>
    %get3A_8 = vector.shape_cast %get3A_7 : vector<1x1000x1xf32> to vector<1000x1xf32>
    %add3A = arith.addf %get3A_3, %get3A_8 : vector<1000x1xf32>
    %add3A_9 = arith.constant 1.000000e+00 : f32
    %add3A_10 = vector.broadcast %add3A_9 : f32 to vector<1000x1xf32>
    %add3A_11 = arith.addf %add3A, %add3A_10 : vector<1000x1xf32>
    %rsqrt3A = math.rsqrt %add3A_11 : vector<1000x1xf32>
    %get3A_12 = arith.constant 0 : index
    %get3A_13 = arith.constant 0 : index
    %get3A_14 = vector.load %arg2[%get3A_12, %get3A_13] : memref<1000x128xf32, #tpu.memory_space<vmem>>, vector<1000x128xf32>
    %get3A_15 = arith.constant 0 : index
    %get3A_16 = arith.constant 0 : index
    %get3A_17 = vector.load %arg3[%get3A_15, %get3A_16] : memref<128x128xf32, #tpu.memory_space<vmem>>, vector<128x128xf32>
    %dot_general3A = arith.constant dense<0.000000e+00> : vector<1000x128xf32>
    %dot_general3A_18 = tpu.matmul %get3A_14, %get3A_17, %dot_general3A {dimension_numbers = #tpu.dot_dimension_numbers<[1], [0], [0], [1], [0, 0, 1, 1], [], []>, transpose_lhs_hint = false} : vector<1000x128xf32>, vector<128x128xf32>, vector<1000x128xf32> -> vector<1000x128xf32>
    %mul3A = vector.broadcast %rsqrt3A : vector<1000x1xf32> to vector<1000x128xf32>
    %mul3A_19 = arith.mulf %dot_general3A_18, %mul3A : vector<1000x128xf32>
    %swap3A = arith.constant 0 : index
    %swap3A_20 = arith.constant 0 : index
    %swap3A_21 = vector.load %arg4[%swap3A, %swap3A_20] : memref<1000x128xf32, #tpu.memory_space<vmem>>, vector<1000x128xf32>
    tpu.vector_store %arg4[%swap3A, %swap3A_20], %mul3A_19 {strides = array<i32>} : memref<1000x128xf32, #tpu.memory_space<vmem>>, vector<1000x128xf32>,
    return
  }
  func.func @transform_0(%arg0: i32) -> (i32, i32, i32) {
    %c0_i32 = arith.constant 0 : i32
    %c0_i32_0 = arith.constant 0 : i32
    %c0_i32_1 = arith.constant 0 : i32
    return %c0_i32, %arg0, %c0_i32_0 : i32, i32, i32
  }
  func.func @transform_1(%arg0: i32) -> (i32, i32) {
    %c0_i32 = arith.constant 0 : i32
    %c0_i32_0 = arith.constant 0 : i32
    return %arg0, %c0_i32 : i32, i32
  }
  func.func @transform_2(%arg0: i32) -> (i32, i32) {
    %c0_i32 = arith.constant 0 : i32
    %c0_i32_0 = arith.constant 0 : i32
    %c0_i32_1 = arith.constant 0 : i32
    return %c0_i32, %c0_i32_0 : i32, i32
  }
  func.func @transform_3(%arg0: i32) -> (i32, i32) {
    %c0_i32 = arith.constant 0 : i32
    %c0_i32_0 = arith.constant 0 : i32
    return %arg0, %c0_i32 : i32, i32
  }
}

module attributes {stable_mosaic.version = 14 : i64} {
  func.func @_tc2_body(%arg0: i32, %arg1: memref<2x1000x1xf32, #tpu.memory_space<vmem>>, %arg2: memref<2x1000x128xf32, #tpu.memory_space<vmem>>, %arg3: memref<1000x128xf32, #tpu.memory_space<vmem>>, %arg4: memref<128x128xf32, #tpu.memory_space<vmem>>, %arg5: memref<1x128xf32, #tpu.memory_space<vmem>>, %arg6: memref<1000x128xf32, #tpu.memory_space<vmem>>) attributes {dimension_semantics = [#tpu.dimension_semantics<arbitrary>], iteration_bounds = array<i64: 10>, scalar_prefetch = 0 : i64, scratch_operands = 0 : i64, tpu.core_type = #tpu.core_type<tc>, window_params = [{transform_indices = @transform_0, window_bounds = array<i64: 2, 1000, 1>}, {transform_indices = @transform_1, window_bounds = array<i64: 2, 1000, 128>}, {transform_indices = @transform_2, window_bounds = array<i64: 1000, 128>}, {pipeline_mode = #tpu.pipeline_mode<synchronous>, transform_indices = @transform_3, window_bounds = array<i64: 128, 128>}, {pipeline_mode = #tpu.pipeline_mode<synchronous>, transform_indices = @transform_4, window_bounds = array<i64: 1, 128>}, {transform_indices = @transform_5, window_bounds = array<i64: 1000, 128>}]} {
    %get3A = arith.constant 0 : index
    %get3A_0 = arith.constant 0 : index
    %get3A_1 = arith.constant 0 : index
    %get3A_2 = vector.load %arg1[%get3A, %get3A_0, %get3A_1] : memref<2x1000x1xf32, #tpu.memory_space<vmem>>, vector<1x1000x1xf32>
    %get3A_3 = vector.shape_cast %get3A_2 : vector<1x1000x1xf32> to vector<1000x1xf32>
    %get3A_4 = arith.constant 1 : index
    %get3A_5 = arith.constant 0 : index
    %get3A_6 = arith.constant 0 : index
    %get3A_7 = vector.load %arg1[%get3A_4, %get3A_5, %get3A_6] : memref<2x1000x1xf32, #tpu.memory_space<vmem>>, vector<1x1000x1xf32>
    %get3A_8 = vector.shape_cast %get3A_7 : vector<1x1000x1xf32> to vector<1000x1xf32>
    %add3A = arith.addf %get3A_3, %get3A_8 : vector<1000x1xf32>
    %add3A_9 = arith.constant 1.000000e+00 : f32
    %add3A_10 = vector.broadcast %add3A_9 : f32 to vector<1000x1xf32>
    %add3A_11 = arith.addf %add3A, %add3A_10 : vector<1000x1xf32>
    %rsqrt3A = math.rsqrt %add3A_11 : vector<1000x1xf32>
    %get3A_12 = arith.constant 0 : index
    %get3A_13 = arith.constant 0 : index
    %get3A_14 = arith.constant 0 : index
    %get3A_15 = vector.load %arg2[%get3A_12, %get3A_13, %get3A_14] : memref<2x1000x128xf32, #tpu.memory_space<vmem>>, vector<1x1000x128xf32>
    %get3A_16 = vector.shape_cast %get3A_15 : vector<1x1000x128xf32> to vector<1000x128xf32>
    %get3A_17 = arith.constant 1 : index
    %get3A_18 = arith.constant 0 : index
    %get3A_19 = arith.constant 0 : index
    %get3A_20 = vector.load %arg2[%get3A_17, %get3A_18, %get3A_19] : memref<2x1000x128xf32, #tpu.memory_space<vmem>>, vector<1x1000x128xf32>
    %get3A_21 = vector.shape_cast %get3A_20 : vector<1x1000x128xf32> to vector<1000x128xf32>
    %add3A_22 = arith.addf %get3A_16, %get3A_21 : vector<1000x128xf32>
    %get3A_23 = arith.constant 0 : index
    %get3A_24 = arith.constant 0 : index
    %get3A_25 = vector.load %arg3[%get3A_23, %get3A_24] : memref<1000x128xf32, #tpu.memory_space<vmem>>, vector<1000x128xf32>
    %add3A_26 = arith.addf %add3A_22, %get3A_25 : vector<1000x128xf32>
    %mul3A = vector.broadcast %rsqrt3A : vector<1000x1xf32> to vector<1000x128xf32>
    %mul3A_27 = arith.mulf %add3A_26, %mul3A : vector<1000x128xf32>
    %get3A_28 = arith.constant 0 : index
    %get3A_29 = arith.constant 0 : index
    %get3A_30 = vector.load %arg5[%get3A_28, %get3A_29] : memref<1x128xf32, #tpu.memory_space<vmem>>, vector<1x128xf32>
    %add3A_31 = vector.broadcast %get3A_30 : vector<1x128xf32> to vector<1000x128xf32>
    %add3A_32 = arith.addf %mul3A_27, %add3A_31 : vector<1000x128xf32>
    %max3A = arith.constant 0.000000e+00 : f32
    %max3A_33 = vector.broadcast %max3A : f32 to vector<1000x128xf32>
    %max3A_34 = arith.maximumf %add3A_32, %max3A_33 : vector<1000x128xf32>
    %get3A_35 = arith.constant 0 : index
    %get3A_36 = arith.constant 0 : index
    %get3A_37 = vector.load %arg4[%get3A_35, %get3A_36] : memref<128x128xf32, #tpu.memory_space<vmem>>, vector<128x128xf32>
    %dot_general3A = arith.constant dense<0.000000e+00> : vector<1000x128xf32>
    %dot_general3A_38 = tpu.matmul %max3A_34, %get3A_37, %dot_general3A {dimension_numbers = #tpu.dot_dimension_numbers<[1], [0], [0], [1], [0, 0, 1, 1], [], []>, transpose_lhs_hint = false} : vector<1000x128xf32>, vector<128x128xf32>, vector<1000x128xf32> -> vector<1000x128xf32>
    %mul3A_39 = vector.broadcast %rsqrt3A : vector<1000x1xf32> to vector<1000x128xf32>
    %mul3A_40 = arith.mulf %dot_general3A_38, %mul3A_39 : vector<1000x128xf32>
    %swap3A = arith.constant 0 : index
    %swap3A_41 = arith.constant 0 : index
    %swap3A_42 = vector.load %arg6[%swap3A, %swap3A_41] : memref<1000x128xf32, #tpu.memory_space<vmem>>, vector<1000x128xf32>
    tpu.vector_store %arg6[%swap3A, %swap3A_41], %mul3A_40 {strides = array<i32>} : memref<1000x128xf32, #tpu.memory_space<vmem>>, vector<1000x128xf32>,
    return
  }
  func.func @transform_0(%arg0: i32) -> (i32, i32, i32) {
    %c0_i32 = arith.constant 0 : i32
    %c0_i32_0 = arith.constant 0 : i32
    %c0_i32_1 = arith.constant 0 : i32
    return %c0_i32, %arg0, %c0_i32_0 : i32, i32, i32
  }
  func.func @transform_1(%arg0: i32) -> (i32, i32, i32) {
    %c0_i32 = arith.constant 0 : i32
    %c0_i32_0 = arith.constant 0 : i32
    %c0_i32_1 = arith.constant 0 : i32
    return %c0_i32, %arg0, %c0_i32_0 : i32, i32, i32
  }
  func.func @transform_2(%arg0: i32) -> (i32, i32) {
    %c0_i32 = arith.constant 0 : i32
    %c0_i32_0 = arith.constant 0 : i32
    return %arg0, %c0_i32 : i32, i32
  }
  func.func @transform_3(%arg0: i32) -> (i32, i32) {
    %c0_i32 = arith.constant 0 : i32
    %c0_i32_0 = arith.constant 0 : i32
    %c0_i32_1 = arith.constant 0 : i32
    return %c0_i32, %c0_i32_0 : i32, i32
  }
  func.func @transform_4(%arg0: i32) -> (i32, i32) {
    %c0_i32 = arith.constant 0 : i32
    %c0_i32_0 = arith.constant 0 : i32
    %c0_i32_1 = arith.constant 0 : i32
    return %c0_i32, %c0_i32_0 : i32, i32
  }
  func.func @transform_5(%arg0: i32) -> (i32, i32) {
    %c0_i32 = arith.constant 0 : i32
    %c0_i32_0 = arith.constant 0 : i32
    return %arg0, %c0_i32 : i32, i32
  }
}

module attributes {stable_mosaic.version = 14 : i64} {
  func.func @_tc3_body(%arg0: memref<2x10240x1xf32, #tpu.memory_space<vmem>>, %arg1: memref<2x10240x128xf32, #tpu.memory_space<vmem>>, %arg2: memref<10000x128xf32, #tpu.memory_space<vmem>>, %arg3: memref<1x128xf32, #tpu.memory_space<vmem>>, %arg4: memref<1x128xf32, #tpu.memory_space<vmem>>, %arg5: memref<1x128xf32, #tpu.memory_space<vmem>>, %arg6: memref<1x10000xi32, #tpu.memory_space<vmem>>, %arg7: memref<128x128xf32, #tpu.memory_space<vmem>>, %arg8: memref<1x128xf32, #tpu.memory_space<vmem>>, %arg9: memref<128x1xf32, #tpu.memory_space<vmem>>, %arg10: memref<1x1xf32, #tpu.memory_space<vmem>>, %arg11: memref<64x1xf32, #tpu.memory_space<vmem>>) attributes {dimension_semantics = [], scalar_prefetch = 0 : i64, scratch_operands = 0 : i64, tpu.core_type = #tpu.core_type<tc>} {
    %get3A = arith.constant 0 : index
    %get3A_0 = arith.constant 0 : index
    %get3A_1 = arith.constant 0 : index
    %get3A_2 = vector.load %arg0[%get3A, %get3A_0, %get3A_1] : memref<2x10240x1xf32, #tpu.memory_space<vmem>>, vector<1x10000x1xf32>
    %get3A_3 = vector.shape_cast %get3A_2 : vector<1x10000x1xf32> to vector<10000x1xf32>
    %get3A_4 = arith.constant 1 : index
    %get3A_5 = arith.constant 0 : index
    %get3A_6 = arith.constant 0 : index
    %get3A_7 = vector.load %arg0[%get3A_4, %get3A_5, %get3A_6] : memref<2x10240x1xf32, #tpu.memory_space<vmem>>, vector<1x10000x1xf32>
    %get3A_8 = vector.shape_cast %get3A_7 : vector<1x10000x1xf32> to vector<10000x1xf32>
    %add3A = arith.addf %get3A_3, %get3A_8 : vector<10000x1xf32>
    %add3A_9 = arith.constant 1.000000e+00 : f32
    %add3A_10 = vector.broadcast %add3A_9 : f32 to vector<10000x1xf32>
    %add3A_11 = arith.addf %add3A, %add3A_10 : vector<10000x1xf32>
    %rsqrt3A = math.rsqrt %add3A_11 : vector<10000x1xf32>
    %get3A_12 = arith.constant 0 : index
    %get3A_13 = arith.constant 0 : index
    %get3A_14 = arith.constant 0 : index
    %get3A_15 = vector.load %arg1[%get3A_12, %get3A_13, %get3A_14] : memref<2x10240x128xf32, #tpu.memory_space<vmem>>, vector<1x10000x128xf32>
    %get3A_16 = vector.shape_cast %get3A_15 : vector<1x10000x128xf32> to vector<10000x128xf32>
    %get3A_17 = arith.constant 1 : index
    %get3A_18 = arith.constant 0 : index
    %get3A_19 = arith.constant 0 : index
    %get3A_20 = vector.load %arg1[%get3A_17, %get3A_18, %get3A_19] : memref<2x10240x128xf32, #tpu.memory_space<vmem>>, vector<1x10000x128xf32>
    %get3A_21 = vector.shape_cast %get3A_20 : vector<1x10000x128xf32> to vector<10000x128xf32>
    %add3A_22 = arith.addf %get3A_16, %get3A_21 : vector<10000x128xf32>
    %get3A_23 = arith.constant 0 : index
    %get3A_24 = arith.constant 0 : index
    %get3A_25 = vector.load %arg2[%get3A_23, %get3A_24] : memref<10000x128xf32, #tpu.memory_space<vmem>>, vector<10000x128xf32>
    %add3A_26 = arith.addf %add3A_22, %get3A_25 : vector<10000x128xf32>
    %mul3A = vector.broadcast %rsqrt3A : vector<10000x1xf32> to vector<10000x128xf32>
    %mul3A_27 = arith.mulf %add3A_26, %mul3A : vector<10000x128xf32>
    %get3A_28 = arith.constant 0 : index
    %get3A_29 = arith.constant 0 : index
    %get3A_30 = vector.load %arg3[%get3A_28, %get3A_29] : memref<1x128xf32, #tpu.memory_space<vmem>>, vector<1x128xf32>
    %add3A_31 = vector.broadcast %get3A_30 : vector<1x128xf32> to vector<10000x128xf32>
    %add3A_32 = arith.addf %mul3A_27, %add3A_31 : vector<10000x128xf32>
    %reduce_sum3A = arith.constant dense<0.000000e+00> : vector<128xf32>
    %reduce_sum3A_33 = vector.multi_reduction <add>, %add3A_32, %reduce_sum3A [0] : vector<10000x128xf32> to vector<128xf32>
    %broadcast_in_dim3A = vector.shape_cast %reduce_sum3A_33 : vector<128xf32> to vector<1x128xf32>
    %div3A = arith.constant 1.000000e+04 : f32
    %div3A_34 = vector.broadcast %div3A : f32 to vector<1x128xf32>
    %div3A_35 = arith.divf %broadcast_in_dim3A, %div3A_34 : vector<1x128xf32>
    %sub3A = vector.broadcast %div3A_35 : vector<1x128xf32> to vector<10000x128xf32>
    %sub3A_36 = arith.subf %add3A_32, %sub3A : vector<10000x128xf32>
    %integer_pow3A = arith.mulf %sub3A_36, %sub3A_36 : vector<10000x128xf32>
    %reduce_sum3A_37 = arith.constant dense<0.000000e+00> : vector<128xf32>
    %reduce_sum3A_38 = vector.multi_reduction <add>, %integer_pow3A, %reduce_sum3A_37 [0] : vector<10000x128xf32> to vector<128xf32>
    %broadcast_in_dim3A_39 = vector.shape_cast %reduce_sum3A_38 : vector<128xf32> to vector<1x128xf32>
    %div3A_40 = arith.constant 1.000000e+04 : f32
    %div3A_41 = vector.broadcast %div3A_40 : f32 to vector<1x128xf32>
    %div3A_42 = arith.divf %broadcast_in_dim3A_39, %div3A_41 : vector<1x128xf32>
    %sub3A_43 = vector.broadcast %div3A_35 : vector<1x128xf32> to vector<10000x128xf32>
    %sub3A_44 = arith.subf %add3A_32, %sub3A_43 : vector<10000x128xf32>
    %add3A_45 = arith.constant 9.99999974E-6 : f32
    %add3A_46 = vector.broadcast %add3A_45 : f32 to vector<1x128xf32>
    %add3A_47 = arith.addf %div3A_42, %add3A_46 : vector<1x128xf32>
    %rsqrt3A_48 = math.rsqrt %add3A_47 : vector<1x128xf32>
    %mul3A_49 = vector.broadcast %rsqrt3A_48 : vector<1x128xf32> to vector<10000x128xf32>
    %mul3A_50 = arith.mulf %sub3A_44, %mul3A_49 : vector<10000x128xf32>
    %get3A_51 = arith.constant 0 : index
    %get3A_52 = arith.constant 0 : index
    %get3A_53 = vector.load %arg4[%get3A_51, %get3A_52] : memref<1x128xf32, #tpu.memory_space<vmem>>, vector<1x128xf32>
    %mul3A_54 = vector.broadcast %get3A_53 : vector<1x128xf32> to vector<10000x128xf32>
    %mul3A_55 = arith.mulf %mul3A_50, %mul3A_54 : vector<10000x128xf32>
    %get3A_56 = arith.constant 0 : index
    %get3A_57 = arith.constant 0 : index
    %get3A_58 = vector.load %arg5[%get3A_56, %get3A_57] : memref<1x128xf32, #tpu.memory_space<vmem>>, vector<1x128xf32>
    %add3A_59 = vector.broadcast %get3A_58 : vector<1x128xf32> to vector<10000x128xf32>
    %add3A_60 = arith.addf %mul3A_55, %add3A_59 : vector<10000x128xf32>
    %iota3A = tpu.iota {dimensions = array<i32: 0>} : vector<64x10000xi32>
    %get3A_61 = arith.constant 0 : index
    %get3A_62 = arith.constant 0 : index
    %get3A_63 = vector.load %arg6[%get3A_61, %get3A_62] : memref<1x10000xi32, #tpu.memory_space<vmem>>, vector<1x10000xi32>
    %eq3A = vector.broadcast %get3A_63 : vector<1x10000xi32> to vector<64x10000xi32>
    %eq3A_64 = arith.cmpi eq, %iota3A, %eq3A : vector<64x10000xi32>
    %convert_element_type3A = arith.extui %eq3A_64 : vector<64x10000xi1> to vector<64x10000xi32>
    %convert_element_type3A_65 = arith.sitofp %convert_element_type3A : vector<64x10000xi32> to vector<64x10000xf32>
    %dot_general3A = arith.constant dense<0.000000e+00> : vector<64x128xf32>
    %dot_general3A_66 = tpu.matmul %convert_element_type3A_65, %add3A_60, %dot_general3A {dimension_numbers = #tpu.dot_dimension_numbers<[1], [0], [0], [1], [0, 0, 1, 1], [], []>, transpose_lhs_hint = false} : vector<64x10000xf32>, vector<10000x128xf32>, vector<64x128xf32> -> vector<64x128xf32>
    %reduce_sum3A_67 = arith.constant dense<0.000000e+00> : vector<64xf32>
    %reduce_sum3A_68 = vector.multi_reduction <add>, %convert_element_type3A_65, %reduce_sum3A_67 [1] : vector<64x10000xf32> to vector<64xf32>
    %broadcast_in_dim3A_69 = vector.shape_cast %reduce_sum3A_68 : vector<64xf32> to vector<64x1xf32>
    %max3A = arith.constant 1.000000e+00 : f32
    %max3A_70 = vector.broadcast %max3A : f32 to vector<64x1xf32>
    %max3A_71 = arith.maximumf %broadcast_in_dim3A_69, %max3A_70 : vector<64x1xf32>
    %div3A_72 = vector.broadcast %max3A_71 : vector<64x1xf32> to vector<64x128xf32>
    %div3A_73 = arith.divf %dot_general3A_66, %div3A_72 : vector<64x128xf32>
    %get3A_74 = arith.constant 0 : index
    %get3A_75 = arith.constant 0 : index
    %get3A_76 = vector.load %arg7[%get3A_74, %get3A_75] : memref<128x128xf32, #tpu.memory_space<vmem>>, vector<128x128xf32>
    %dot_general3A_77 = arith.constant dense<0.000000e+00> : vector<64x128xf32>
    %dot_general3A_78 = tpu.matmul %div3A_73, %get3A_76, %dot_general3A_77 {dimension_numbers = #tpu.dot_dimension_numbers<[1], [0], [0], [1], [0, 0, 1, 1], [], []>, transpose_lhs_hint = false} : vector<64x128xf32>, vector<128x128xf32>, vector<64x128xf32> -> vector<64x128xf32>
    %get3A_79 = arith.constant 0 : index
    %get3A_80 = arith.constant 0 : index
    %get3A_81 = vector.load %arg8[%get3A_79, %get3A_80] : memref<1x128xf32, #tpu.memory_space<vmem>>, vector<1x128xf32>
    %add3A_82 = vector.broadcast %get3A_81 : vector<1x128xf32> to vector<64x128xf32>
    %add3A_83 = arith.addf %dot_general3A_78, %add3A_82 : vector<64x128xf32>
    %max3A_84 = arith.constant 0.000000e+00 : f32
    %max3A_85 = vector.broadcast %max3A_84 : f32 to vector<64x128xf32>
    %max3A_86 = arith.maximumf %add3A_83, %max3A_85 : vector<64x128xf32>
    %get3A_87 = arith.constant 0 : index
    %get3A_88 = arith.constant 0 : index
    %get3A_89 = vector.load %arg9[%get3A_87, %get3A_88] : memref<128x1xf32, #tpu.memory_space<vmem>>, vector<128x1xf32>
    %dot_general3A_90 = arith.constant dense<0.000000e+00> : vector<64x1xf32>
    %dot_general3A_91 = tpu.matmul %max3A_86, %get3A_89, %dot_general3A_90 {dimension_numbers = #tpu.dot_dimension_numbers<[1], [0], [0], [1], [0, 0, 1, 1], [], []>, transpose_lhs_hint = false} : vector<64x128xf32>, vector<128x1xf32>, vector<64x1xf32> -> vector<64x1xf32>
    %get3A_92 = arith.constant 0 : index
    %get3A_93 = arith.constant 0 : index
    %get3A_94 = vector.load %arg10[%get3A_92, %get3A_93] : memref<1x1xf32, #tpu.memory_space<vmem>>, vector<1x1xf32>
    %add3A_95 = vector.broadcast %get3A_94 : vector<1x1xf32> to vector<64x1xf32>
    %add3A_96 = arith.addf %dot_general3A_91, %add3A_95 : vector<64x1xf32>
    %swap3A = arith.constant 0 : index
    %swap3A_97 = arith.constant 0 : index
    %swap3A_98 = vector.load %arg11[%swap3A, %swap3A_97] : memref<64x1xf32, #tpu.memory_space<vmem>>, vector<64x1xf32>
    tpu.vector_store %arg11[%swap3A, %swap3A_97], %add3A_96 {strides = array<i32>} : memref<64x1xf32, #tpu.memory_space<vmem>>, vector<64x1xf32>,
    return
  }
}

</mosaic_0001>

<sc_bundles>
// kernel: kernel.11.cloned.1.call-start
scs
__scs_entry_jumppad:
0x0: {  	(pc) =	sbr.rel $0x88, $3  }
0x1: {  	(tag) =	ssettag $0x0;
	lr =	simm.s32 $0x1  }
0x2: {  	[smem:$0x3F94] =	sst lr;
	_ =	strace $0xD0000000  }
0x3: {  	_ = 	snop  }
0x4: {  	_ = 	snop  }
0x5: {  	_ = 	snop  }
0x6: {  	_ = 	snop  }
0x7: {  	_ = 	snop  }
__scs_overlays_trampoline_lowered:
0x8: {  	[smem:$0x3FA3] =	sst s0  }
0x9: {  	[smem:$0x3FA4] =	sst s1  }
0xa: {  	[smem:$0x3FA5] =	sst s2  }
0xb: {  	[smem:$0x3FA6] =	sst s3  }
0xc: {  	[smem:$0x3FA7] =	sst s4  }
0xd: {  	[smem:$0x3FA8] =	sst s5  }
0xe: {  	[smem:$0x3FA9] =	sst s6  }
0xf: {  	[smem:$0x3FAA] =	sst s7  }
0x10: {  	[smem:$0x3FAB] =	sst s8  }
0x11: {  	[smem:$0x3FAC] =	sst s9;
	s0 =	simm.s32 @!p0 $0x0  }
0x12: {  	s1 =	sld [smem:$0x3F92];
	s0 =	simm.s32 @p0 $0x1  }
0x13: {  	[smem:$0x3FAD] =	sst s0;
	s0 =	simm.s32 @!p1 $0x0  }
0x14: {  	s2 =	sld [smem:$0x3F91];
	s0 =	simm.s32 @p1 $0x1  }
0x15: {  	[smem:$0x3FAE] =	sst s0;
	s0 =	simm.s32 @!p2 $0x0  }
0x16: {  	s3 =	sld [smem:$0x3FDB];
	s0 =	simm.s32 @p2 $0x1  }
0x17: {  	s4 =	simm.s32 $0x1BF5;
	[smem:$0x3FB0] =	sst s0  }
0x18: {  	s0 =	sld [smem:$0x3F93];
	_ =	swait.ge [sflag:s4], $0x0  }
0x19: {  	s7 =	sld [smem:$0x3F94]  }
0x1a: {  	s8 =	sadd.s32 $0xFFFFE003, lr  }
0x1b: {  	s9 =	sadd.s32 $0xFFFFFEF7, lr;
	s5 =	simm.s32 $0xFFFFFFFF;
	p2 =	slt.u32 s8, $0xFFFFF086  }
0x1c: {  	p1 =	slt.u32 s9, $0xF7A;
	s5 =	simm.s32 @!p2 $0x0  }
0x1d: {  	s5 =	simm.s32 @p1 $0x1;
	p0 =	seq.s32 s7, s2  }
0x1e: {  	s7 =	smul.u32 @!p0 $0xF7A, s2;
	p2 =	seq.s32 @!p0 s5, $0x0  }
0x1f: {  	s9 =	smul.u32 $0xF7A, s1;
	s8 =	simm.s32 @!p0 $0x1BF5;
	p2 =	por !p2, p0  }
0x20: {  	[sflag:s8] =	ssyncset.s32 @!p0 $0xFFFFF086;
	s6 =	sadd.s32 @!p0 s3, s7;
	s7 =	simm.s32 @!p0 $0x108  }
0x21: {  	s3 =	sadd.s32 s3, s9;
	s6 =	sadd.s32 @!p0 $0x88, s6;
	s7 =	simm.s32 @p2 $0x1082  }
0x22: {  	[simem:s7], [sflag:s8] =	dma.local @!p0 [hbm:s6], $0xF7A  }
0x23: {  	s9 =	sor.u32 $0xD0000000, s2;
	s6 =	simm.s32 $0x108;
	_ =	swait.ge @!p0 [sflag:s8], $0x0  }
0x24: {  	s3 =	sadd.s32 $0x88, s3;
	s6 =	simm.s32 @!p1 $0x1082;
	[sflag:s4] =	ssyncset.s32 $0xFFFFF086  }
0x25: {  	[simem:s6], [sflag:s4] =	dma.local [hbm:s3], $0xF7A  }
0x26: {  	[smem:$0x3F94] =	sst s1;
	(tag) =	ssettag s2;
	_ =	strace s9  }
0x27: {  	s1 =	sld [smem:$0x3FA4]  }
0x28: {  	s2 =	sld [smem:$0x3FA5]  }
0x29: {  	s4 =	sld [smem:$0x3FA7]  }
0x2a: {  	p0 =	seq.s32 s5, $0x0;
	s5 =	sld [smem:$0x3FA8]  }
0x2b: {  	s6 =	sld [smem:$0x3FA9]  }
0x2c: {  	s7 =	sld [smem:$0x3FAA]  }
0x2d: {  	s3 =	simm.s32 $0x108;
	s8 =	sld [smem:$0x3FAB]  }
0x2e: {  	s3 =	simm.s32 @!p0 $0x1082;
	s9 =	sld [smem:$0x3FAC]  }
0x2f: {  	lr =	sadd.s32 s0, s3;
	s0 =	sld [smem:$0x3FA3]  }
0x30: {  	s3 =	sld [smem:$0x3FA6]  }
0x31: {  	[smem:$0x3FAF] =	sst s10  }
0x32: {  	s10 =	sld [smem:$0x3FAD];
	_ =	sdelay $0x3  }
0x33: {  	p0 =	seq.s32 s10, $0x1;
	s10 =	sld [smem:$0x3FAF];
	_ =	sdelay $0x3  }
0x34: {  	[smem:$0x3FAF] =	sst s10  }
0x35: {  	s10 =	sld [smem:$0x3FAE];
	_ =	sdelay $0x3  }
0x36: {  	p1 =	seq.s32 s10, $0x1;
	s10 =	sld [smem:$0x3FAF];
	_ =	sdelay $0x3  }
0x37: {  	[smem:$0x3FAF] =	sst s10  }
0x38: {  	s10 =	sld [smem:$0x3FB0]  }
0x39: {  	_ = 	snop;
	(pc) =	sbr.ind lr, $3  }
0x3a: {  	_ = 	snop  }
0x3b: {  	_ = 	snop  }
0x3c: {  	p2 =	seq.s32 s10, $0x1;
	s10 =	sld [smem:$0x3FAF]  }
0x3d: {  	_ =	shalt  }
0x3e: {  	_ =	shalt  }
0x3f: {  	_ =	shalt  }
0x40: {  	_ =	shalt  }
0x41: {  	_ =	shalt  }
0x42: {  	_ =	shalt  }
0x43: {  	_ =	shalt  }
0x44: {  	_ =	shalt  }
0x45: {  	_ =	shalt  }
0x46: {  	_ =	shalt  }
0x47: {  	_ =	shalt  }
0x48: {  	_ =	shalt  }
0x49: {  	_ =	shalt  }
0x4a: {  	_ =	shalt  }
0x4b: {  	_ =	shalt  }
0x4c: {  	_ =	shalt  }
0x4d: {  	_ =	shalt  }
0x4e: {  	_ =	shalt  }
0x4f: {  	_ =	shalt  }
0x50: {  	_ =	shalt  }
0x51: {  	_ =	shalt  }
0x52: {  	_ =	shalt  }
0x53: {  	_ =	shalt  }
0x54: {  	_ =	shalt  }
0x55: {  	_ =	shalt  }
0x56: {  	_ =	shalt  }
0x57: {  	_ =	shalt  }
0x58: {  	_ =	shalt  }
0x59: {  	_ =	shalt  }
0x5a: {  	_ =	shalt  }
0x5b: {  	_ =	shalt  }
0x5c: {  	_ =	shalt  }
0x5d: {  	_ =	shalt  }
0x5e: {  	_ =	shalt  }
0x5f: {  	_ =	shalt  }
0x60: {  	_ =	shalt  }
0x61: {  	_ =	shalt  }
0x62: {  	_ =	shalt  }
0x63: {  	_ =	shalt  }
0x64: {  	_ =	shalt  }
0x65: {  	_ =	shalt  }
0x66: {  	_ =	shalt  }
0x67: {  	_ =	shalt  }
0x68: {  	_ =	shalt  }
0x69: {  	_ =	shalt  }
0x6a: {  	_ =	shalt  }
0x6b: {  	_ =	shalt  }
0x6c: {  	_ =	shalt  }
0x6d: {  	_ =	shalt  }
0x6e: {  	_ =	shalt  }
0x6f: {  	_ =	shalt  }
0x70: {  	_ =	shalt  }
0x71: {  	_ =	shalt  }
0x72: {  	_ =	shalt  }
0x73: {  	_ =	shalt  }
0x74: {  	_ =	shalt  }
0x75: {  	_ =	shalt  }
0x76: {  	_ =	shalt  }
0x77: {  	_ =	shalt  }
0x78: {  	_ =	shalt  }
0x79: {  	_ =	shalt  }
0x7a: {  	_ =	shalt  }
0x7b: {  	_ =	shalt  }
0x7c: {  	_ =	shalt  }
0x7d: {  	_ =	shalt  }
0x7e: {  	_ =	shalt  }
0x7f: {  	_ =	shalt  }
0x80: {  	_ =	shalt  }
0x81: {  	_ =	shalt  }
0x82: {  	_ =	shalt  }
0x83: {  	_ =	shalt  }
0x84: {  	_ =	shalt  }
0x85: {  	_ =	shalt  }
0x86: {  	_ =	shalt  }
0x87: {  	_ =	shalt  }
.Lfunc_end0:
.L_simem_size_0:
called_computation.1_lowered:
.L_overlay_start_0:
0x88: {  	s2 =	sld [smem:$0x3FD9]  }
0x89: {  	s3 =	sld [smem:$0x3FFE];
	_ =	sdelay $0x1  }
0x8a: {  	s1 =	srdreg.scid  }
0x8b: {  	s0 =	sand.u32 $0x1, s1  }
0x8c: {  	s16 =	sshll.u32 s0, $0xA;
	s2 =	sadd.s32 s3, s2  }
0x8d: {  	s2 =	sadd.s32 s2, s16  }
0x8e: {  	[smem:$0x3FBB] =	sst s2  }
0x8f: {  	_ = 	snop  }
0x90: {  	(tm) =	ssettm $0x1  }
0x91: {  	s17 =	sld [smem:$0x3FFB];
	_ =	sdelay $0x3  }
0x92: {  	_ =	strace s17  }
0x93: {  	s2 =	sld [smem:$0x3FFC];
	_ =	sdelay $0x3  }
0x94: {  	_ =	strace s2  }
0x95: {  	s2 =	sld [smem:$0x3FFD];
	_ =	sdelay $0x3  }
0x96: {  	_ =	strace s2  }
0x97: {  	_ =	strace $0x8FFFFFFF  }
0x98: {  	s18 =	sld [smem:$0x3FDB];
	_ =	sdelay $0x1  }
0x99: {  	s19 =	simm.s32 $_scs_section_size  }
0x9a: {  	s4 =	simm.s32 $_size__tile_overlayer_lowered;
	s5 =	simm.s32 $_tile_overlayer_lowered  }
0x9b: {  	s22 =	simm.s32 $0x1BFF;
	s21 =	sshll.u32 s5, $0x1;
	s2 =	sadd.s32 s19, s18  }
0x9c: {  	s6 =	simm.s32 $0x0;
	s20 =	sshll.u32 s4, $0x1;
	s4 =	sadd.s32 s21, s2  }
0x9d: {  	[timem:s6], [sflag:s22] =	dma.local [hbm:s4], s20  }
0x9e: {  	_ =	swait.ge [sflag:s22], s20  }
0x9f: {  	s3 =	ssub.s32 $0x0, s20;
	[sflag:s22] =	ssyncset.done $0x0  }
0xa0: {  	[sflag:s22] =	ssyncadd.s32 s3;
	_ =	sdelay $0x1  }
0xa1: {  	s23 =	simm.s32 $0x1B8B  }
0xa2: {  	_ =	swait.ge [sflag:s23], $0x1  }
0xa3: {  	[sflag:s23] =	ssyncset.done $0x0  }
0xa4: {  	s25 =	simm.s32 $0x1B8E;
	s24 =	sld [smem:$0x3FFE];
	[sflag:s23] =	ssyncadd.s32 $0xFFFFFFFF  }
0xa5: {  	s26 =	simm.s32 $execute0_lowered;
	[smem:$0x3FD2] =	sst s25  }
0xa6: {  	s4 =	sshll.u32 s26, $0x1;
	_ =	strace $0x80000049;
	[dreg:$0x1] =	wrdreg $0xFFFFFFFF  }
0xa7: {  	s28 =	simm.s32 $_size_execute0_lowered;
	s2 =	sadd.s32 s2, s4;
	[dreg:$0x0] =	wrdreg $0x0  }
0xa8: {  	s4 =	sshll.u32 s28, $0x1;
	[dreg:$0x2] =	wrdreg s2  }
0xa9: {  	[dreg:$0x3] =	wrdreg s4  }
0xaa: {  	[dreg:$0x4] =	wrdreg $0xC0  }
0xab: {  	_ =	task [dreg:s6], $0x5FFFF  }
0xac: {  	[dreg:$0x1] =	wrdreg $0xFFFFFFFF  }
0xad: {  	[dreg:$0x0] =	wrdreg $0x60  }
0xae: {  	[dreg:$0x2] =	wrdreg s24  }
0xaf: {  	[dreg:$0x3] =	wrdreg $0x0  }
0xb0: {  	[dreg:$0x4] =	wrdreg $0x9  }
0xb1: {  	_ =	task.clear_ibuf [dreg:s6], $0x5FFFF;
	_ =	strace $0x90000049  }
0xb2: {  	s29 =	simm.s32 $0x9;
	_ =	strace $0x8000004B  }
0xb3: {  	_ =	swait.ge [sflag:s29], $0x1  }
0xb4: {  	[sflag:s29] =	ssyncadd.s32 $0xFFFFFFFF  }
0xb5: {  	_ =	strace $0x9000004B  }
0xb6: {  	_ =	sfence  }
0xb7: {  	s30 =	sld [smem:$0x0];
	_ =	sdelay $0x2  }
0xb8: {  	s31 =	sshll.u32 s1, $0xD;
	s1 =	sshrl.u32 s1, $0x2  }
0xb9: {  	s3 =	sand.u32 $0x4000, s31;
	s1 =	sadd.s32 s1, s30  }
0xba: {  	s0 =	sor.u32 s3, s0;
	s1 =	sshll.u32 s1, $0x11  }
0xbb: {  	s0 =	sor.u32 s1, s0  }
0xbc: {  	s0 =	sadd.s32 $0x8F2B, s0  }
0xbd: {  	[sflag:s0] =	ssyncadd.remote.s32 $0x1  }
0xbe: {  	_ =	sfence.sel $0xFFFF  }
0xbf: {  	[dreg:$0x0] =	wrdreg $0xFFFFFFFF;
	(pc) =	sbr.abs _section_cstart, $3  }
0xc0: {  	[dreg:$0x1] =	wrdreg $0xFFFFFFFF  }
0xc1: {  	_ =	task.clear_ibuf [dreg:s6], $0x2FFFF;
	_ =	strace $0x9FFFFFFF  }
0xc2: {  	(tm) =	ssettm $0x7FFFFFFF  }
0xc3: {  	_ =	shalt  }
tec
execute0_lowered:
.L_overlay_start_1:
0x0: {  	(tag) =	ssettag $0x1  }
0x1: {  	s0 =	rddreg [dreg:$0x0];
	s1 =	simm.s32 $0x0  }
0x2: {  	s2 =	srdreg.scid;
	s16 =	stileid.u32;
	s31 =	simm.s32 $0x19000  }
0x3: {  	[smem:$0x7FF] =	sst s1;
	s3 =	sadd.s32 $0x21600, s0;
	s4 =	sand.u32 $0x1, s2  }
0x4: {  	s5 =	sadd.s32 $0xD600, s0;
	s6 =	smul.u32 $0x14000, s16;
	s7 =	sadd.s32 $0x5C800, s0  }
0x5: {  	s2 =	ssub.s32 $0x2, s4;
	s9 =	sshll.u32 s4, $0x4;
	s4 =	smul.u32 $0x140000, s4  }
0x6: {  	s8 =	sshrl.u32 s2, $0x1;
	s17 =	sor.u32 s16, s9;
	s9 =	sor.u32 $0x2000, s6  }
0x7: {  	s10 =	sadd.s32 $0x4000, s6;
	s11 =	sadd.s32 $0x6000, s6;
	s12 =	sadd.s32 $0x8000, s6  }
0x8: {  	s13 =	sadd.s32 $0xA000, s6;
	s14 =	sadd.s32 $0xC000, s6;
	s26 =	sadd.s32 $0xE000, s6  }
0x9: {  	s28 =	sadd.s32 $0x10000, s6;
	s29 =	sadd.s32 $0x12000, s6;
	s15 =	smul.u32 $0x5000, s17  }
0xa: {  	s2 =	ssub.s32 s2, s8;
	s8 =	smul.u32 $0xA00, s17;
	s19 =	sadd.s32 s6, s4  }
0xb: {  	s20 =	sadd.s32 s4, s9;
	s23 =	sadd.s32 s4, s10;
	s25 =	sadd.s32 s4, s12  }
0xc: {  	s24 =	sadd.s32 s4, s11;
	s21 =	sshrl.u32 s20, $0x3;
	s6 =	sshrl.u32 s25, $0x3  }
0xd: {  	s30 =	smax.u32 s2, $0x1;
	s2 =	simm.s32 $0x16800;
	s17 =	sadd.s32 s3, s8  }
0xe: {  	s15 =	sshrl.u32 s15, $0x3;
	s8 =	sadd.s32 s5, s8;
	[dreg:$0x3] =	wrdreg s17  }
0xf: {  	s22 =	sadd.s32 s7, s21;
	[dreg:$0x4] =	wrdreg s8;
	s18 =	sadd.s32 $0x500, s15  }
0x10: {  	[dreg:$0x8] =	wrdreg s22;
	s8 =	sadd.s32 s7, s6;
	s15 =	sadd.s32 s4, s13  }
0x11: {  	s17 =	sadd.s32 s4, s14;
	s22 =	sadd.s32 s4, s28;
	s6 =	simm.s32 $0x1  }
0x12: {  	s3 =	sadd.s32 s3, s18;
	s5 =	sadd.s32 s5, s18;
	[dreg:$0xb] =	wrdreg s8  }
0x13: {  	s18 =	sadd.s32 s4, s26;
	s4 =	sadd.s32 s4, s29;
	[dreg:$0x5] =	wrdreg s3  }
0x14: {  	s8 =	simm.s32 $0x3;
	[dreg:$0x6] =	wrdreg s5;
	s3 =	sshrl.u32 s19, $0x3  }
0x15: {  	s5 =	sshrl.u32 s24, $0x3;
	s19 =	sshrl.u32 s17, $0x3;
	s20 =	sshrl.u32 s18, $0x3  }
0x16: {  	s24 =	sshrl.u32 s4, $0x3;
	s18 =	sadd.s32 $0x35600, s0;
	s3 =	sadd.s32 s7, s3  }
0x17: {  	s0 =	simm.s32 $0x14000;
	s21 =	sadd.s32 s7, s20;
	[dreg:$0x7] =	wrdreg s3  }
0x18: {  	s4 =	simm.s32 $0x14080;
	s3 =	sshrl.u32 s23, $0x3;
	[dreg:$0xe] =	wrdreg s21  }
0x19: {  	s23 =	smul.u32 $0x50000, s16;
	s16 =	rddreg [dreg:$0x1];
	s3 =	sadd.s32 s7, s3  }
0x1a: {  	s20 =	sadd.s32 s9, s16;
	s21 =	sadd.s32 s10, s16;
	s26 =	sadd.s32 s26, s16  }
0x1b: {  	s28 =	sadd.s32 s28, s16;
	s29 =	sadd.s32 s29, s16;
	s9 =	simm.s32 $0x4  }
0x1c: {  	s10 =	simm.s32 $0x18F00;
	[dreg:$0x9] =	wrdreg s3;
	s3 =	sadd.s32 s7, s5  }
0x1d: {  	s25 =	sshrl.u32 s23, $0x2;
	[dreg:$0xa] =	wrdreg s3;
	s3 =	sshrl.u32 s15, $0x3  }
0x1e: {  	s23 =	sadd.s32 s12, s16;
	s5 =	simm.s32 $0x1B000;
	s3 =	sadd.s32 s7, s3  }
0x1f: {  	s12 =	simm.s32 $0x0;
	[dreg:$0xc] =	wrdreg s3;
	s3 =	sadd.s32 s7, s19  }
0x20: {  	s19 =	sadd.s32 s25, s16;
	[dreg:$0xd] =	wrdreg s3;
	s3 =	sshrl.u32 s22, $0x3  }
0x21: {  	s25 =	sadd.s32 s14, s16;
	s14 =	simm.s32 $0x5;
	s3 =	sadd.s32 s7, s3  }
0x22: {  	s22 =	sadd.s32 s11, s16;
	[dreg:$0xf] =	wrdreg s3;
	s3 =	sadd.s32 s7, s24  }
0x23: {  	s11 =	simm.s32 $0x18F80;
	s24 =	sadd.s32 s13, s16;
	[dreg:$0x10] =	wrdreg s3  }
0x24: {  	v0 =	vimm.f32 $0.0e+00;
	s7 =	simm.s32 $0x2;
	s3 =	simm.s32 $0x40;
	_ =	strace $0x8000004A  }
.LBB2_1:
0x25: {  	s13 =	simm.s32 $0x0;
	s15 =	simm.s32 $0x200  }
.LBB2_2:
0x26: {  	p0 =	sne.s32 s15, $0x7E00;
	[tilespmem:s13+$0x19070] =	vst v0  }
0x27: {  	[tilespmem:s13+$0x19000] =	vst v0  }
0x28: {  	[tilespmem:s13+$0x19010] =	vst v0  }
.Ltmp0:
0x29: {  	[tilespmem:s13+$0x19020] =	vst v0;
	(pc) =	sbr.rel @p0 .LBB2_2-.Ltmp0, $4  }
0x2a: {  	[tilespmem:s13+$0x19030] =	vst v0  }
0x2b: {  	[tilespmem:s13+$0x19040] =	vst v0  }
0x2c: {  	[tilespmem:s13+$0x19050] =	vst v0  }
0x2d: {  	[tilespmem:s13+$0x19060] =	vst v0;
	s13 =	sshra.s32 s15, $0x2;
	s15 =	sadd.s32 $0x200, s15  }
0x2e: {  	[tilespmem:s13+$0x19070] =	vst v0  }
0x2f: {  	[tilespmem:s13+$0x19000] =	vst v0  }
0x30: {  	[tilespmem:s13+$0x19010] =	vst v0  }
0x31: {  	[tilespmem:s13+$0x19020] =	vst v0  }
0x32: {  	[tilespmem:s13+$0x19030] =	vst v0  }
0x33: {  	[tilespmem:s13+$0x19040] =	vst v0  }
0x34: {  	[tilespmem:s13+$0x19050] =	vst v0  }
0x35: {  	[tilespmem:s13+$0x19060] =	vst v0  }
0x36: {  	[spmem:s19] =	stream.linear.scatter [tilespmem:s31], [sflag:$0x5], $0x2000, $0x38;
	[tilespmem:$0x1D000] =	vst v63  }
0x37: {  	_ =	swait.ge [sflag:s14], $0x2000  }
0x38: {  	[sflag:s14] =	ssyncset.done $0x0  }
0x39: {  	[sflag:s14] =	ssyncadd.s32 $0xFFFFE000  }
0x3a: {  	[spmem:s20] =	stream.linear.scatter [tilespmem:s31], [sflag:$0x5], $0x2000, $0x38;
	[tilespmem:$0x1D000] =	vst v63  }
0x3b: {  	_ =	swait.ge [sflag:s14], $0x2000  }
0x3c: {  	[sflag:s14] =	ssyncset.done $0x0  }
0x3d: {  	[sflag:s14] =	ssyncadd.s32 $0xFFFFE000  }
0x3e: {  	[spmem:s21] =	stream.linear.scatter [tilespmem:s31], [sflag:$0x5], $0x2000, $0x38;
	[tilespmem:$0x1D000] =	vst v63  }
0x3f: {  	_ =	swait.ge [sflag:s14], $0x2000  }
0x40: {  	[sflag:s14] =	ssyncset.done $0x0  }
0x41: {  	[sflag:s14] =	ssyncadd.s32 $0xFFFFE000  }
0x42: {  	[spmem:s22] =	stream.linear.scatter [tilespmem:s31], [sflag:$0x5], $0x2000, $0x38;
	[tilespmem:$0x1D000] =	vst v63  }
0x43: {  	_ =	swait.ge [sflag:s14], $0x2000  }
0x44: {  	[sflag:s14] =	ssyncset.done $0x0  }
0x45: {  	[sflag:s14] =	ssyncadd.s32 $0xFFFFE000  }
0x46: {  	[spmem:s23] =	stream.linear.scatter [tilespmem:s31], [sflag:$0x5], $0x2000, $0x38;
	[tilespmem:$0x1D000] =	vst v63  }
0x47: {  	_ =	swait.ge [sflag:s14], $0x2000  }
0x48: {  	[sflag:s14] =	ssyncset.done $0x0  }
0x49: {  	[sflag:s14] =	ssyncadd.s32 $0xFFFFE000  }
0x4a: {  	[spmem:s24] =	stream.linear.scatter [tilespmem:s31], [sflag:$0x5], $0x2000, $0x38;
	[tilespmem:$0x1D000] =	vst v63  }
0x4b: {  	_ =	swait.ge [sflag:s14], $0x2000  }
0x4c: {  	[sflag:s14] =	ssyncset.done $0x0  }
0x4d: {  	[sflag:s14] =	ssyncadd.s32 $0xFFFFE000  }
0x4e: {  	[spmem:s25] =	stream.linear.scatter [tilespmem:s31], [sflag:$0x5], $0x2000, $0x38;
	[tilespmem:$0x1D000] =	vst v63  }
0x4f: {  	_ =	swait.ge [sflag:s14], $0x2000  }
0x50: {  	[sflag:s14] =	ssyncset.done $0x0  }
0x51: {  	[sflag:s14] =	ssyncadd.s32 $0xFFFFE000  }
0x52: {  	[spmem:s26] =	stream.linear.scatter [tilespmem:s31], [sflag:$0x5], $0x2000, $0x38;
	[tilespmem:$0x1D000] =	vst v63  }
0x53: {  	_ =	swait.ge [sflag:s14], $0x2000  }
0x54: {  	[sflag:s14] =	ssyncset.done $0x0  }
0x55: {  	[sflag:s14] =	ssyncadd.s32 $0xFFFFE000  }
0x56: {  	[spmem:s28] =	stream.linear.scatter [tilespmem:s31], [sflag:$0x5], $0x2000, $0x38;
	[tilespmem:$0x1D000] =	vst v63  }
0x57: {  	_ =	swait.ge [sflag:s14], $0x2000  }
0x58: {  	[sflag:s14] =	ssyncset.done $0x0  }
0x59: {  	[sflag:s14] =	ssyncadd.s32 $0xFFFFE000  }
0x5a: {  	[spmem:s29] =	stream.linear.scatter [tilespmem:s31], [sflag:$0x5], $0x2000, $0x38;
	[tilespmem:$0x1D000] =	vst v63  }
0x5b: {  	_ =	swait.ge [sflag:s14], $0x2000  }
0x5c: {  	[sflag:s14] =	ssyncset.done $0x0  }
0x5d: {  	s13 =	simm.s32 $0x0;
	s15 =	rddreg [dreg:$0x3];
	[sflag:s14] =	ssyncadd.s32 $0xFFFFE000  }
0x5e: {  	[tilespmem:s0], [sflag:$0x5] =	stream.linear.gather [hbm4b:s15+s13], $0x2800, $0x38;
	[tilespmem:$0x1D000] =	vst v63  }
0x5f: {  	_ =	swait.ge [sflag:s14], $0x2800  }
0x60: {  	[sflag:s14] =	ssyncset.done $0x0  }
0x61: {  	s17 =	rddreg [dreg:$0x4];
	[sflag:s14] =	ssyncadd.s32 $0xFFFFD800  }
0x62: {  	[tilespmem:s2], [sflag:$0x5] =	stream.linear.gather [hbm4b:s17+s13], $0x2800, $0x38;
	[tilespmem:$0x1D000] =	vst v63  }
0x63: {  	_ =	swait.ge [sflag:s14], $0x2800  }
0x64: {  	[sflag:s14] =	ssyncset.done $0x0  }
0x65: {  	[sflag:s14] =	ssyncadd.s32 $0xFFFFD800  }
0x66: {  	[bflag:$0x0] =	sbarrier.arrive $0xFFFF  }
0x67: {  	[tilespmem:s31], [sflag:$0x1] =	stream.indirect.gather [hbm4b:s18+s3], $0x80, s0, s3, $0xb8;
	[tilespmem:$0x1D000] =	vst v63  }
0x68: {  	_ = 	snop  }
0x69: {  	[tilespmem:s5], [sflag:$0x2] =	stream.indirect.gather [hbm4b:s18+s3], $0x80, s4, s3, $0xb8;
	[tilespmem:$0x1D000] =	vst v63  }
0x6a: {  	_ =	swait.ge [sflag:s6], $0x2000  }
0x6b: {  	[sflag:s6] =	ssyncset.done $0x0  }
0x6c: {  	s17 =	simm.s32 $0x16800;
	[sflag:s6] =	ssyncadd.s32 $0xFFFFE000  }
0x6d: {  	[spmem:s16] =	stream.indirect.scatter.add.f32 [tilespmem:s31], [sflag:$0x3], $0x80, s17, s3, $0xb8;
	[tilespmem:$0x1D000] =	vst v63  }
0x6e: {  	_ =	swait.ge [sflag:s7], $0x2000  }
0x6f: {  	[sflag:s7] =	ssyncset.done $0x0  }
0x70: {  	s15 =	simm.s32 $0x16880;
	[sflag:s7] =	ssyncadd.s32 $0xFFFFE000  }
0x71: {  	[spmem:s16] =	stream.indirect.scatter.add.f32 [tilespmem:s5], [sflag:$0x4], $0x80, s15, s3, $0xb8;
	[tilespmem:$0x1D000] =	vst v63  }
0x72: {  	_ =	swait.ge [sflag:s8], $0x2000  }
0x73: {  	[sflag:s8] =	ssyncset.done $0x0  }
0x74: {  	s17 =	simm.s32 $0x14100;
	[sflag:s8] =	ssyncadd.s32 $0xFFFFE000  }
0x75: {  	[tilespmem:s31], [sflag:$0x1] =	stream.indirect.gather [hbm4b:s18+s3], $0x80, s17, s3, $0xb8;
	[tilespmem:$0x1D000] =	vst v63  }
0x76: {  	_ =	swait.ge [sflag:s9], $0x2000  }
0x77: {  	[sflag:s9] =	ssyncset.done $0x0  }
0x78: {  	s13 =	simm.s32 $0x400;
	s15 =	simm.s32 $0x14180;
	[sflag:s9] =	ssyncadd.s32 $0xFFFFE000  }
.LBB2_4:
0x79: {  	[tilespmem:s5], [sflag:$0x2] =	stream.indirect.gather [hbm4b:s18+s3], $0x80, s15, s3, $0xb8;
	[tilespmem:$0x1D000] =	vst v63  }
0x7a: {  	s15 =	smov.u32 s13  }
0x7b: {  	p0 =	sne.s32 s13, $0x9800;
	s13 =	sadd.s32 $0x400, s13;
	_ =	swait.ge [sflag:s6], $0x2000  }
0x7c: {  	s15 =	sshra.s32 s15, $0x2;
	[sflag:s6] =	ssyncset.done $0x0  }
0x7d: {  	s17 =	sadd.s32 $0x16800, s15;
	[sflag:s6] =	ssyncadd.s32 $0xFFFFE000  }
0x7e: {  	[spmem:s16] =	stream.indirect.scatter.add.f32 [tilespmem:s31], [sflag:$0x3], $0x80, s17, s3, $0xb8;
	[tilespmem:$0x1D000] =	vst v63  }
0x7f: {  	_ =	swait.ge [sflag:s7], $0x2000  }
0x80: {  	[sflag:s7] =	ssyncset.done $0x0  }
0x81: {  	s17 =	sadd.s32 $0x16880, s15;
	[sflag:s7] =	ssyncadd.s32 $0xFFFFE000  }
0x82: {  	[spmem:s16] =	stream.indirect.scatter.add.f32 [tilespmem:s5], [sflag:$0x4], $0x80, s17, s3, $0xb8;
	[tilespmem:$0x1D000] =	vst v63  }
0x83: {  	_ =	swait.ge [sflag:s8], $0x2000  }
0x84: {  	[sflag:s8] =	ssyncset.done $0x0  }
.Ltmp1:
0x85: {  	s17 =	sadd.s32 $0x14100, s15;
	[sflag:s8] =	ssyncadd.s32 $0xFFFFE000;
	(pc) =	sbr.rel @p0 .LBB2_4-.Ltmp1, $4  }
0x86: {  	[tilespmem:s31], [sflag:$0x1] =	stream.indirect.gather [hbm4b:s18+s3], $0x80, s17, s3, $0xb8;
	[tilespmem:$0x1D000] =	vst v63  }
0x87: {  	_ =	swait.ge [sflag:s9], $0x2000  }
0x88: {  	[sflag:s9] =	ssyncset.done $0x0  }
0x89: {  	s15 =	sadd.s32 $0x14180, s15;
	[sflag:s9] =	ssyncadd.s32 $0xFFFFE000  }
0x8a: {  	[tilespmem:s5], [sflag:$0x2] =	stream.indirect.gather [hbm4b:s18+s3], $0x80, s15, s3, $0xb8;
	[tilespmem:$0x1D000] =	vst v63  }
0x8b: {  	_ =	swait.ge [sflag:s6], $0x2000  }
0x8c: {  	[sflag:s6] =	ssyncset.done $0x0  }
0x8d: {  	[sflag:s6] =	ssyncadd.s32 $0xFFFFE000  }
0x8e: {  	[spmem:s16] =	stream.indirect.scatter.add.f32 [tilespmem:s31], [sflag:$0x3], $0x80, s10, s3, $0xb8;
	[tilespmem:$0x1D000] =	vst v63  }
0x8f: {  	_ =	swait.ge [sflag:s7], $0x2000  }
0x90: {  	[sflag:s7] =	ssyncset.done $0x0  }
0x91: {  	[sflag:s7] =	ssyncadd.s32 $0xFFFFE000  }
0x92: {  	[spmem:s16] =	stream.indirect.scatter.add.f32 [tilespmem:s5], [sflag:$0x4], $0x80, s11, s3, $0xb8;
	[tilespmem:$0x1D000] =	vst v63  }
0x93: {  	_ =	swait.ge [sflag:s8], $0x2000  }
0x94: {  	[sflag:s8] =	ssyncset.done $0x0  }
0x95: {  	[sflag:s8] =	ssyncadd.s32 $0xFFFFE000  }
0x96: {  	_ =	swait.ge [sflag:s9], $0x2000  }
0x97: {  	[sflag:s9] =	ssyncset.done $0x0  }
0x98: {  	s13 =	simm.s32 $0x0;
	s17 =	rddreg [dreg:$0x5];
	[sflag:s9] =	ssyncadd.s32 $0xFFFFE000  }
0x99: {  	[tilespmem:s0], [sflag:$0x5] =	stream.linear.gather [hbm4b:s17+s13], $0x2800, $0x38;
	[tilespmem:$0x1D000] =	vst v63  }
0x9a: {  	_ =	swait.ge [sflag:s14], $0x2800  }
0x9b: {  	[sflag:s14] =	ssyncset.done $0x0  }
0x9c: {  	s17 =	rddreg [dreg:$0x6];
	[sflag:s14] =	ssyncadd.s32 $0xFFFFD800  }
0x9d: {  	[tilespmem:s2], [sflag:$0x5] =	stream.linear.gather [hbm4b:s17+s13], $0x2800, $0x38;
	[tilespmem:$0x1D000] =	vst v63  }
0x9e: {  	_ =	swait.ge [sflag:s14], $0x2800  }
0x9f: {  	[sflag:s14] =	ssyncset.done $0x0  }
0xa0: {  	[sflag:s14] =	ssyncadd.s32 $0xFFFFD800  }
0xa1: {  	[tilespmem:s31], [sflag:$0x1] =	stream.indirect.gather [hbm4b:s18+s3], $0x80, s0, s3, $0xb8;
	[tilespmem:$0x1D000] =	vst v63  }
0xa2: {  	_ = 	snop  }
0xa3: {  	[tilespmem:s5], [sflag:$0x2] =	stream.indirect.gather [hbm4b:s18+s3], $0x80, s4, s3, $0xb8;
	[tilespmem:$0x1D000] =	vst v63  }
0xa4: {  	_ =	swait.ge [sflag:s6], $0x2000  }
0xa5: {  	[sflag:s6] =	ssyncset.done $0x0  }
0xa6: {  	s17 =	simm.s32 $0x16800;
	[sflag:s6] =	ssyncadd.s32 $0xFFFFE000  }
0xa7: {  	[spmem:s16] =	stream.indirect.scatter.add.f32 [tilespmem:s31], [sflag:$0x3], $0x80, s17, s3, $0xb8;
	[tilespmem:$0x1D000] =	vst v63  }
0xa8: {  	_ =	swait.ge [sflag:s7], $0x2000  }
0xa9: {  	[sflag:s7] =	ssyncset.done $0x0  }
0xaa: {  	s15 =	simm.s32 $0x16880;
	[sflag:s7] =	ssyncadd.s32 $0xFFFFE000  }
0xab: {  	[spmem:s16] =	stream.indirect.scatter.add.f32 [tilespmem:s5], [sflag:$0x4], $0x80, s15, s3, $0xb8;
	[tilespmem:$0x1D000] =	vst v63  }
0xac: {  	_ =	swait.ge [sflag:s8], $0x2000  }
0xad: {  	[sflag:s8] =	ssyncset.done $0x0  }
0xae: {  	s17 =	simm.s32 $0x14100;
	[sflag:s8] =	ssyncadd.s32 $0xFFFFE000  }
0xaf: {  	[tilespmem:s31], [sflag:$0x1] =	stream.indirect.gather [hbm4b:s18+s3], $0x80, s17, s3, $0xb8;
	[tilespmem:$0x1D000] =	vst v63  }
0xb0: {  	_ =	swait.ge [sflag:s9], $0x2000  }
0xb1: {  	[sflag:s9] =	ssyncset.done $0x0  }
0xb2: {  	s13 =	simm.s32 $0x400;
	s15 =	simm.s32 $0x14180;
	[sflag:s9] =	ssyncadd.s32 $0xFFFFE000  }
.LBB2_6:
0xb3: {  	[tilespmem:s5], [sflag:$0x2] =	stream.indirect.gather [hbm4b:s18+s3], $0x80, s15, s3, $0xb8;
	[tilespmem:$0x1D000] =	vst v63  }
0xb4: {  	s15 =	smov.u32 s13  }
0xb5: {  	p0 =	sne.s32 s13, $0x9800;
	s13 =	sadd.s32 $0x400, s13;
	_ =	swait.ge [sflag:s6], $0x2000  }
0xb6: {  	s15 =	sshra.s32 s15, $0x2;
	[sflag:s6] =	ssyncset.done $0x0  }
0xb7: {  	s17 =	sadd.s32 $0x16800, s15;
	[sflag:s6] =	ssyncadd.s32 $0xFFFFE000  }
0xb8: {  	[spmem:s16] =	stream.indirect.scatter.add.f32 [tilespmem:s31], [sflag:$0x3], $0x80, s17, s3, $0xb8;
	[tilespmem:$0x1D000] =	vst v63  }
0xb9: {  	_ =	swait.ge [sflag:s7], $0x2000  }
0xba: {  	[sflag:s7] =	ssyncset.done $0x0  }
0xbb: {  	s17 =	sadd.s32 $0x16880, s15;
	[sflag:s7] =	ssyncadd.s32 $0xFFFFE000  }
0xbc: {  	[spmem:s16] =	stream.indirect.scatter.add.f32 [tilespmem:s5], [sflag:$0x4], $0x80, s17, s3, $0xb8;
	[tilespmem:$0x1D000] =	vst v63  }
0xbd: {  	_ =	swait.ge [sflag:s8], $0x2000  }
0xbe: {  	[sflag:s8] =	ssyncset.done $0x0  }
.Ltmp2:
0xbf: {  	s17 =	sadd.s32 $0x14100, s15;
	[sflag:s8] =	ssyncadd.s32 $0xFFFFE000;
	(pc) =	sbr.rel @p0 .LBB2_6-.Ltmp2, $4  }
0xc0: {  	[tilespmem:s31], [sflag:$0x1] =	stream.indirect.gather [hbm4b:s18+s3], $0x80, s17, s3, $0xb8;
	[tilespmem:$0x1D000] =	vst v63  }
0xc1: {  	_ =	swait.ge [sflag:s9], $0x2000  }
0xc2: {  	[sflag:s9] =	ssyncset.done $0x0  }
0xc3: {  	s15 =	sadd.s32 $0x14180, s15;
	[sflag:s9] =	ssyncadd.s32 $0xFFFFE000  }
0xc4: {  	[tilespmem:s5], [sflag:$0x2] =	stream.indirect.gather [hbm4b:s18+s3], $0x80, s15, s3, $0xb8;
	[tilespmem:$0x1D000] =	vst v63  }
0xc5: {  	_ =	swait.ge [sflag:s6], $0x2000  }
0xc6: {  	[sflag:s6] =	ssyncset.done $0x0  }
0xc7: {  	[sflag:s6] =	ssyncadd.s32 $0xFFFFE000  }
0xc8: {  	[spmem:s16] =	stream.indirect.scatter.add.f32 [tilespmem:s31], [sflag:$0x3], $0x80, s10, s3, $0xb8;
	[tilespmem:$0x1D000] =	vst v63  }
0xc9: {  	_ =	swait.ge [sflag:s7], $0x2000  }
0xca: {  	[sflag:s7] =	ssyncset.done $0x0  }
0xcb: {  	[sflag:s7] =	ssyncadd.s32 $0xFFFFE000  }
0xcc: {  	[spmem:s16] =	stream.indirect.scatter.add.f32 [tilespmem:s5], [sflag:$0x4], $0x80, s11, s3, $0xb8;
	[tilespmem:$0x1D000] =	vst v63  }
0xcd: {  	_ =	swait.ge [sflag:s8], $0x2000  }
0xce: {  	[sflag:s8] =	ssyncset.done $0x0  }
0xcf: {  	[sflag:s8] =	ssyncadd.s32 $0xFFFFE000  }
0xd0: {  	_ =	swait.ge [sflag:s9], $0x2000  }
0xd1: {  	[sflag:s9] =	ssyncset.done $0x0  }
0xd2: {  	[sflag:s9] =	ssyncadd.s32 $0xFFFFE000  }
0xd3: {  	[bflag:$0x0] =	sbarrier.arrive $0xFFFF  }
0xd4: {  	[tilespmem:s31], [sflag:$0x5] =	stream.linear.gather [spmem:s19], $0x2000, $0x38;
	[tilespmem:$0x1D000] =	vst v63  }
0xd5: {  	_ =	swait.ge [sflag:s14], $0x2000  }
0xd6: {  	[sflag:s14] =	ssyncset.done $0x0  }
0xd7: {  	s13 =	rddreg [dreg:$0x7];
	[sflag:s14] =	ssyncadd.s32 $0xFFFFE000  }
0xd8: {  	[hbm4b:s13+s1] =	stream.linear.scatter [tilespmem:s31], [sflag:$0x5], $0x2000, $0x38;
	[tilespmem:$0x1D000] =	vst v63  }
0xd9: {  	_ =	swait.ge [sflag:s14], $0x2000  }
0xda: {  	[sflag:s14] =	ssyncset.done $0x0  }
0xdb: {  	[sflag:s14] =	ssyncadd.s32 $0xFFFFE000  }
0xdc: {  	[tilespmem:s31], [sflag:$0x5] =	stream.linear.gather [spmem:s20], $0x2000, $0x38;
	[tilespmem:$0x1D000] =	vst v63  }
0xdd: {  	_ =	swait.ge [sflag:s14], $0x2000  }
0xde: {  	[sflag:s14] =	ssyncset.done $0x0  }
0xdf: {  	s17 =	rddreg [dreg:$0x8];
	[sflag:s14] =	ssyncadd.s32 $0xFFFFE000  }
0xe0: {  	[hbm4b:s17+s1] =	stream.linear.scatter [tilespmem:s31], [sflag:$0x5], $0x2000, $0x38;
	[tilespmem:$0x1D000] =	vst v63  }
0xe1: {  	_ =	swait.ge [sflag:s14], $0x2000  }
0xe2: {  	[sflag:s14] =	ssyncset.done $0x0  }
0xe3: {  	[sflag:s14] =	ssyncadd.s32 $0xFFFFE000  }
0xe4: {  	[tilespmem:s31], [sflag:$0x5] =	stream.linear.gather [spmem:s21], $0x2000, $0x38;
	[tilespmem:$0x1D000] =	vst v63  }
0xe5: {  	_ =	swait.ge [sflag:s14], $0x2000  }
0xe6: {  	[sflag:s14] =	ssyncset.done $0x0  }
0xe7: {  	s15 =	rddreg [dreg:$0x9];
	[sflag:s14] =	ssyncadd.s32 $0xFFFFE000  }
0xe8: {  	[hbm4b:s15+s1] =	stream.linear.scatter [tilespmem:s31], [sflag:$0x5], $0x2000, $0x38;
	[tilespmem:$0x1D000] =	vst v63  }
0xe9: {  	_ =	swait.ge [sflag:s14], $0x2000  }
0xea: {  	[sflag:s14] =	ssyncset.done $0x0  }
0xeb: {  	[sflag:s14] =	ssyncadd.s32 $0xFFFFE000  }
0xec: {  	[tilespmem:s31], [sflag:$0x5] =	stream.linear.gather [spmem:s22], $0x2000, $0x38;
	[tilespmem:$0x1D000] =	vst v63  }
0xed: {  	_ =	swait.ge [sflag:s14], $0x2000  }
0xee: {  	[sflag:s14] =	ssyncset.done $0x0  }
0xef: {  	s17 =	rddreg [dreg:$0xa];
	[sflag:s14] =	ssyncadd.s32 $0xFFFFE000  }
0xf0: {  	[hbm4b:s17+s1] =	stream.linear.scatter [tilespmem:s31], [sflag:$0x5], $0x2000, $0x38;
	[tilespmem:$0x1D000] =	vst v63  }
0xf1: {  	_ =	swait.ge [sflag:s14], $0x2000  }
0xf2: {  	[sflag:s14] =	ssyncset.done $0x0  }
0xf3: {  	[sflag:s14] =	ssyncadd.s32 $0xFFFFE000  }
0xf4: {  	[tilespmem:s31], [sflag:$0x5] =	stream.linear.gather [spmem:s23], $0x2000, $0x38;
	[tilespmem:$0x1D000] =	vst v63  }
0xf5: {  	_ =	swait.ge [sflag:s14], $0x2000  }
0xf6: {  	[sflag:s14] =	ssyncset.done $0x0  }
0xf7: {  	s15 =	rddreg [dreg:$0xb];
	[sflag:s14] =	ssyncadd.s32 $0xFFFFE000  }
0xf8: {  	[hbm4b:s15+s1] =	stream.linear.scatter [tilespmem:s31], [sflag:$0x5], $0x2000, $0x38;
	[tilespmem:$0x1D000] =	vst v63  }
0xf9: {  	_ =	swait.ge [sflag:s14], $0x2000  }
0xfa: {  	[sflag:s14] =	ssyncset.done $0x0  }
0xfb: {  	[sflag:s14] =	ssyncadd.s32 $0xFFFFE000  }
0xfc: {  	[tilespmem:s31], [sflag:$0x5] =	stream.linear.gather [spmem:s24], $0x2000, $0x38;
	[tilespmem:$0x1D000] =	vst v63  }
0xfd: {  	_ =	swait.ge [sflag:s14], $0x2000  }
0xfe: {  	[sflag:s14] =	ssyncset.done $0x0  }
0xff: {  	s17 =	rddreg [dreg:$0xc];
	[sflag:s14] =	ssyncadd.s32 $0xFFFFE000  }
0x100: {  	[hbm4b:s17+s1] =	stream.linear.scatter [tilespmem:s31], [sflag:$0x5], $0x2000, $0x38;
	[tilespmem:$0x1D000] =	vst v63  }
0x101: {  	_ =	swait.ge [sflag:s14], $0x2000  }
0x102: {  	[sflag:s14] =	ssyncset.done $0x0  }
0x103: {  	[sflag:s14] =	ssyncadd.s32 $0xFFFFE000  }
0x104: {  	[tilespmem:s31], [sflag:$0x5] =	stream.linear.gather [spmem:s25], $0x2000, $0x38;
	[tilespmem:$0x1D000] =	vst v63  }
0x105: {  	_ =	swait.ge [sflag:s14], $0x2000  }
0x106: {  	[sflag:s14] =	ssyncset.done $0x0  }
0x107: {  	s15 =	rddreg [dreg:$0xd];
	[sflag:s14] =	ssyncadd.s32 $0xFFFFE000  }
0x108: {  	[hbm4b:s15+s1] =	stream.linear.scatter [tilespmem:s31], [sflag:$0x5], $0x2000, $0x38;
	[tilespmem:$0x1D000] =	vst v63  }
0x109: {  	_ =	swait.ge [sflag:s14], $0x2000  }
0x10a: {  	[sflag:s14] =	ssyncset.done $0x0  }
0x10b: {  	[sflag:s14] =	ssyncadd.s32 $0xFFFFE000  }
0x10c: {  	[tilespmem:s31], [sflag:$0x5] =	stream.linear.gather [spmem:s26], $0x2000, $0x38;
	[tilespmem:$0x1D000] =	vst v63  }
0x10d: {  	_ =	swait.ge [sflag:s14], $0x2000  }
0x10e: {  	[sflag:s14] =	ssyncset.done $0x0  }
0x10f: {  	s17 =	rddreg [dreg:$0xe];
	[sflag:s14] =	ssyncadd.s32 $0xFFFFE000  }
0x110: {  	[hbm4b:s17+s1] =	stream.linear.scatter [tilespmem:s31], [sflag:$0x5], $0x2000, $0x38;
	[tilespmem:$0x1D000] =	vst v63  }
0x111: {  	_ =	swait.ge [sflag:s14], $0x2000  }
0x112: {  	[sflag:s14] =	ssyncset.done $0x0  }
0x113: {  	[sflag:s14] =	ssyncadd.s32 $0xFFFFE000  }
0x114: {  	[tilespmem:s31], [sflag:$0x5] =	stream.linear.gather [spmem:s28], $0x2000, $0x38;
	[tilespmem:$0x1D000] =	vst v63  }
0x115: {  	_ =	swait.ge [sflag:s14], $0x2000  }
0x116: {  	[sflag:s14] =	ssyncset.done $0x0  }
0x117: {  	s15 =	rddreg [dreg:$0xf];
	[sflag:s14] =	ssyncadd.s32 $0xFFFFE000  }
0x118: {  	[hbm4b:s15+s1] =	stream.linear.scatter [tilespmem:s31], [sflag:$0x5], $0x2000, $0x38;
	[tilespmem:$0x1D000] =	vst v63  }
0x119: {  	_ =	swait.ge [sflag:s14], $0x2000  }
0x11a: {  	[sflag:s14] =	ssyncset.done $0x0  }
0x11b: {  	[sflag:s14] =	ssyncadd.s32 $0xFFFFE000  }
0x11c: {  	[tilespmem:s31], [sflag:$0x5] =	stream.linear.gather [spmem:s29], $0x2000, $0x38;
	[tilespmem:$0x1D000] =	vst v63  }
0x11d: {  	s12 =	sadd.s32 $0x1, s12;
	_ =	swait.ge [sflag:s14], $0x2000  }
0x11e: {  	p0 =	sne.s32 s12, s30;
	[sflag:s14] =	ssyncset.done $0x0  }
.Ltmp3:
0x11f: {  	s17 =	rddreg [dreg:$0x10];
	[sflag:s14] =	ssyncadd.s32 $0xFFFFE000;
	(pc) =	sbr.rel @p0 .LBB2_1-.Ltmp3, $4  }
0x120: {  	[hbm4b:s17+s1] =	stream.linear.scatter [tilespmem:s31], [sflag:$0x5], $0x2000, $0x38;
	[tilespmem:$0x1D000] =	vst v63  }
0x121: {  	_ =	swait.ge [sflag:s14], $0x2000  }
0x122: {  	[sflag:s14] =	ssyncset.done $0x0  }
0x123: {  	[sflag:s14] =	ssyncadd.s32 $0xFFFFE000  }
0x124: {  	_ =	sfence.sel $0x180000  }
0x125: {  	[bflag:$0x0] =	sbarrier.arrive $0xFFFF  }
0x126: {  	_ =	strace $0x9000004A  }
0x127: {  	s0 =	stileid.u32;
	[bflag:$0x2] =	sbarrier.arrive $0xFFFF  }
0x128: {  	p0 =	sne.s32 s0, $0x0;
	s0 =	rddreg [dreg:$0x2]  }
0x129: {  	s0 =	sadd.s32 @!p0 $0x100000, s0  }
0x12a: {  	[sflag:s0] =	ssyncadd.tile.s32 @!p0 $0x1;
	_ =	shalt  }
.Lfunc_end2:
_tile_overlayer_lowered:
.L_overlay_start_2:
0x12b: {  	(tag) =	ssettag $0x2  }
0x12c: {  	s0 =	rddreg [dreg:$0x0];
	s2 =	stileid.u32  }
0x12d: {  	s1 =	rddreg [dreg:$0x1];
	p0 =	sne.s32 s2, $0x0  }
0x12e: {  	s3 =	rddreg [dreg:$0x2];
	[bflag:$0x3] =	sbarrier.arrive $0xFFFF;
	s2 =	simm.s32 @!p0 $0x1C05  }
0x12f: {  	[timem:s3], [sflag:s2] =	dma.local @!p0 [hbm:s0], s1  }
0x130: {  	s0 =	simm.s32 @!p0 $0x5  }
0x131: {  	_ =	swait.ge @!p0 [sflag:s0], s1  }
0x132: {  	s1 =	ssub.s32 @!p0 $0x0, s1;
	[sflag:s0] =	ssyncset.done @!p0 $0x0  }
0x133: {  	[sflag:s0] =	ssyncadd.s32 @!p0 s1  }
0x134: {  	[bflag:$0x3] =	sbarrier.arrive $0xFFFF  }
0x135: {  	_ =	shalt  }

// kernel: kernel.14.cloned.1.call-start
scs
__scs_entry_jumppad:
0x0: {  	(pc) =	sbr.rel $0x88, $3  }
0x1: {  	(tag) =	ssettag $0x0;
	lr =	simm.s32 $0x1  }
0x2: {  	[smem:$0x3F94] =	sst lr;
	_ =	strace $0xD0000000  }
0x3: {  	_ = 	snop  }
0x4: {  	_ = 	snop  }
0x5: {  	_ = 	snop  }
0x6: {  	_ = 	snop  }
0x7: {  	_ = 	snop  }
__scs_overlays_trampoline_lowered:
0x8: {  	[smem:$0x3FA3] =	sst s0  }
0x9: {  	[smem:$0x3FA4] =	sst s1  }
0xa: {  	[smem:$0x3FA5] =	sst s2  }
0xb: {  	[smem:$0x3FA6] =	sst s3  }
0xc: {  	[smem:$0x3FA7] =	sst s4  }
0xd: {  	[smem:$0x3FA8] =	sst s5  }
0xe: {  	[smem:$0x3FA9] =	sst s6  }
0xf: {  	[smem:$0x3FAA] =	sst s7  }
0x10: {  	[smem:$0x3FAB] =	sst s8  }
0x11: {  	[smem:$0x3FAC] =	sst s9;
	s0 =	simm.s32 @!p0 $0x0  }
0x12: {  	s1 =	sld [smem:$0x3F92];
	s0 =	simm.s32 @p0 $0x1  }
0x13: {  	[smem:$0x3FAD] =	sst s0;
	s0 =	simm.s32 @!p1 $0x0  }
0x14: {  	s2 =	sld [smem:$0x3F91];
	s0 =	simm.s32 @p1 $0x1  }
0x15: {  	[smem:$0x3FAE] =	sst s0;
	s0 =	simm.s32 @!p2 $0x0  }
0x16: {  	s3 =	sld [smem:$0x3FDB];
	s0 =	simm.s32 @p2 $0x1  }
0x17: {  	s4 =	simm.s32 $0x1BF5;
	[smem:$0x3FB0] =	sst s0  }
0x18: {  	s0 =	sld [smem:$0x3F93];
	_ =	swait.ge [sflag:s4], $0x0  }
0x19: {  	s7 =	sld [smem:$0x3F94]  }
0x1a: {  	s8 =	sadd.s32 $0xFFFFE003, lr  }
0x1b: {  	s9 =	sadd.s32 $0xFFFFFEF7, lr;
	s5 =	simm.s32 $0xFFFFFFFF;
	p2 =	slt.u32 s8, $0xFFFFF086  }
0x1c: {  	p1 =	slt.u32 s9, $0xF7A;
	s5 =	simm.s32 @!p2 $0x0  }
0x1d: {  	s5 =	simm.s32 @p1 $0x1;
	p0 =	seq.s32 s7, s2  }
0x1e: {  	s7 =	smul.u32 @!p0 $0xF7A, s2;
	p2 =	seq.s32 @!p0 s5, $0x0  }
0x1f: {  	s9 =	smul.u32 $0xF7A, s1;
	s8 =	simm.s32 @!p0 $0x1BF5;
	p2 =	por !p2, p0  }
0x20: {  	[sflag:s8] =	ssyncset.s32 @!p0 $0xFFFFF086;
	s6 =	sadd.s32 @!p0 s3, s7;
	s7 =	simm.s32 @!p0 $0x108  }
0x21: {  	s3 =	sadd.s32 s3, s9;
	s6 =	sadd.s32 @!p0 $0x88, s6;
	s7 =	simm.s32 @p2 $0x1082  }
0x22: {  	[simem:s7], [sflag:s8] =	dma.local @!p0 [hbm:s6], $0xF7A  }
0x23: {  	s9 =	sor.u32 $0xD0000000, s2;
	s6 =	simm.s32 $0x108;
	_ =	swait.ge @!p0 [sflag:s8], $0x0  }
0x24: {  	s3 =	sadd.s32 $0x88, s3;
	s6 =	simm.s32 @!p1 $0x1082;
	[sflag:s4] =	ssyncset.s32 $0xFFFFF086  }
0x25: {  	[simem:s6], [sflag:s4] =	dma.local [hbm:s3], $0xF7A  }
0x26: {  	[smem:$0x3F94] =	sst s1;
	(tag) =	ssettag s2;
	_ =	strace s9  }
0x27: {  	s1 =	sld [smem:$0x3FA4]  }
0x28: {  	s2 =	sld [smem:$0x3FA5]  }
0x29: {  	s4 =	sld [smem:$0x3FA7]  }
0x2a: {  	p0 =	seq.s32 s5, $0x0;
	s5 =	sld [smem:$0x3FA8]  }
0x2b: {  	s6 =	sld [smem:$0x3FA9]  }
0x2c: {  	s7 =	sld [smem:$0x3FAA]  }
0x2d: {  	s3 =	simm.s32 $0x108;
	s8 =	sld [smem:$0x3FAB]  }
0x2e: {  	s3 =	simm.s32 @!p0 $0x1082;
	s9 =	sld [smem:$0x3FAC]  }
0x2f: {  	lr =	sadd.s32 s0, s3;
	s0 =	sld [smem:$0x3FA3]  }
0x30: {  	s3 =	sld [smem:$0x3FA6]  }
0x31: {  	[smem:$0x3FAF] =	sst s10  }
0x32: {  	s10 =	sld [smem:$0x3FAD];
	_ =	sdelay $0x3  }
0x33: {  	p0 =	seq.s32 s10, $0x1;
	s10 =	sld [smem:$0x3FAF];
	_ =	sdelay $0x3  }
0x34: {  	[smem:$0x3FAF] =	sst s10  }
0x35: {  	s10 =	sld [smem:$0x3FAE];
	_ =	sdelay $0x3  }
0x36: {  	p1 =	seq.s32 s10, $0x1;
	s10 =	sld [smem:$0x3FAF];
	_ =	sdelay $0x3  }
0x37: {  	[smem:$0x3FAF] =	sst s10  }
0x38: {  	s10 =	sld [smem:$0x3FB0]  }
0x39: {  	_ = 	snop;
	(pc) =	sbr.ind lr, $3  }
0x3a: {  	_ = 	snop  }
0x3b: {  	_ = 	snop  }
0x3c: {  	p2 =	seq.s32 s10, $0x1;
	s10 =	sld [smem:$0x3FAF]  }
0x3d: {  	_ =	shalt  }
0x3e: {  	_ =	shalt  }
0x3f: {  	_ =	shalt  }
0x40: {  	_ =	shalt  }
0x41: {  	_ =	shalt  }
0x42: {  	_ =	shalt  }
0x43: {  	_ =	shalt  }
0x44: {  	_ =	shalt  }
0x45: {  	_ =	shalt  }
0x46: {  	_ =	shalt  }
0x47: {  	_ =	shalt  }
0x48: {  	_ =	shalt  }
0x49: {  	_ =	shalt  }
0x4a: {  	_ =	shalt  }
0x4b: {  	_ =	shalt  }
0x4c: {  	_ =	shalt  }
0x4d: {  	_ =	shalt  }
0x4e: {  	_ =	shalt  }
0x4f: {  	_ =	shalt  }
0x50: {  	_ =	shalt  }
0x51: {  	_ =	shalt  }
0x52: {  	_ =	shalt  }
0x53: {  	_ =	shalt  }
0x54: {  	_ =	shalt  }
0x55: {  	_ =	shalt  }
0x56: {  	_ =	shalt  }
0x57: {  	_ =	shalt  }
0x58: {  	_ =	shalt  }
0x59: {  	_ =	shalt  }
0x5a: {  	_ =	shalt  }
0x5b: {  	_ =	shalt  }
0x5c: {  	_ =	shalt  }
0x5d: {  	_ =	shalt  }
0x5e: {  	_ =	shalt  }
0x5f: {  	_ =	shalt  }
0x60: {  	_ =	shalt  }
0x61: {  	_ =	shalt  }
0x62: {  	_ =	shalt  }
0x63: {  	_ =	shalt  }
0x64: {  	_ =	shalt  }
0x65: {  	_ =	shalt  }
0x66: {  	_ =	shalt  }
0x67: {  	_ =	shalt  }
0x68: {  	_ =	shalt  }
0x69: {  	_ =	shalt  }
0x6a: {  	_ =	shalt  }
0x6b: {  	_ =	shalt  }
0x6c: {  	_ =	shalt  }
0x6d: {  	_ =	shalt  }
0x6e: {  	_ =	shalt  }
0x6f: {  	_ =	shalt  }
0x70: {  	_ =	shalt  }
0x71: {  	_ =	shalt  }
0x72: {  	_ =	shalt  }
0x73: {  	_ =	shalt  }
0x74: {  	_ =	shalt  }
0x75: {  	_ =	shalt  }
0x76: {  	_ =	shalt  }
0x77: {  	_ =	shalt  }
0x78: {  	_ =	shalt  }
0x79: {  	_ =	shalt  }
0x7a: {  	_ =	shalt  }
0x7b: {  	_ =	shalt  }
0x7c: {  	_ =	shalt  }
0x7d: {  	_ =	shalt  }
0x7e: {  	_ =	shalt  }
0x7f: {  	_ =	shalt  }
0x80: {  	_ =	shalt  }
0x81: {  	_ =	shalt  }
0x82: {  	_ =	shalt  }
0x83: {  	_ =	shalt  }
0x84: {  	_ =	shalt  }
0x85: {  	_ =	shalt  }
0x86: {  	_ =	shalt  }
0x87: {  	_ =	shalt  }
.Lfunc_end0:
.L_simem_size_0:
called_computation.2_lowered:
.L_overlay_start_0:
0x88: {  	s2 =	sld [smem:$0x3FD9]  }
0x89: {  	s3 =	sld [smem:$0x3FFE];
	_ =	sdelay $0x1  }
0x8a: {  	s1 =	srdreg.scid  }
0x8b: {  	s0 =	sand.u32 $0x1, s1  }
0x8c: {  	s16 =	sshll.u32 s0, $0xA;
	s2 =	sadd.s32 s3, s2  }
0x8d: {  	s2 =	sadd.s32 s2, s16  }
0x8e: {  	[smem:$0x3FBB] =	sst s2  }
0x8f: {  	_ = 	snop  }
0x90: {  	(tm) =	ssettm $0x1  }
0x91: {  	s17 =	sld [smem:$0x3FFB];
	_ =	sdelay $0x3  }
0x92: {  	_ =	strace s17  }
0x93: {  	s2 =	sld [smem:$0x3FFC];
	_ =	sdelay $0x3  }
0x94: {  	_ =	strace s2  }
0x95: {  	s2 =	sld [smem:$0x3FFD];
	_ =	sdelay $0x3  }
0x96: {  	_ =	strace s2  }
0x97: {  	_ =	strace $0x8FFFFFFF  }
0x98: {  	s18 =	sld [smem:$0x3FDB];
	_ =	sdelay $0x1  }
0x99: {  	s19 =	simm.s32 $_scs_section_size  }
0x9a: {  	s4 =	simm.s32 $_size__tile_overlayer_lowered;
	s5 =	simm.s32 $_tile_overlayer_lowered  }
0x9b: {  	s22 =	simm.s32 $0x1BFF;
	s21 =	sshll.u32 s5, $0x1;
	s2 =	sadd.s32 s19, s18  }
0x9c: {  	s6 =	simm.s32 $0x0;
	s20 =	sshll.u32 s4, $0x1;
	s4 =	sadd.s32 s21, s2  }
0x9d: {  	[timem:s6], [sflag:s22] =	dma.local [hbm:s4], s20  }
0x9e: {  	_ =	swait.ge [sflag:s22], s20  }
0x9f: {  	s3 =	ssub.s32 $0x0, s20;
	[sflag:s22] =	ssyncset.done $0x0  }
0xa0: {  	[sflag:s22] =	ssyncadd.s32 s3;
	_ =	sdelay $0x1  }
0xa1: {  	s23 =	simm.s32 $0x1B8B  }
0xa2: {  	_ =	swait.ge [sflag:s23], $0x1  }
0xa3: {  	[sflag:s23] =	ssyncset.done $0x0  }
0xa4: {  	s25 =	simm.s32 $0x1B8E;
	s24 =	sld [smem:$0x3FFE];
	[sflag:s23] =	ssyncadd.s32 $0xFFFFFFFF  }
0xa5: {  	s26 =	simm.s32 $execute0_lowered;
	[smem:$0x3FD2] =	sst s25  }
0xa6: {  	s4 =	sshll.u32 s26, $0x1;
	_ =	strace $0x8000004C;
	[dreg:$0x1] =	wrdreg $0xFFFFFFFF  }
0xa7: {  	s28 =	simm.s32 $_size_execute0_lowered;
	s2 =	sadd.s32 s2, s4;
	[dreg:$0x0] =	wrdreg $0x0  }
0xa8: {  	s4 =	sshll.u32 s28, $0x1;
	[dreg:$0x2] =	wrdreg s2  }
0xa9: {  	[dreg:$0x3] =	wrdreg s4  }
0xaa: {  	[dreg:$0x4] =	wrdreg $0xC0  }
0xab: {  	_ =	task [dreg:s6], $0x5FFFF  }
0xac: {  	[dreg:$0x1] =	wrdreg $0xFFFFFFFF  }
0xad: {  	[dreg:$0x0] =	wrdreg $0x60  }
0xae: {  	[dreg:$0x2] =	wrdreg s24  }
0xaf: {  	[dreg:$0x3] =	wrdreg $0x0  }
0xb0: {  	[dreg:$0x4] =	wrdreg $0x9  }
0xb1: {  	_ =	task.clear_ibuf [dreg:s6], $0x5FFFF;
	_ =	strace $0x9000004C  }
0xb2: {  	s29 =	simm.s32 $0x9;
	_ =	strace $0x8000004E  }
0xb3: {  	_ =	swait.ge [sflag:s29], $0x1  }
0xb4: {  	[sflag:s29] =	ssyncadd.s32 $0xFFFFFFFF  }
0xb5: {  	_ =	strace $0x9000004E  }
0xb6: {  	_ =	sfence  }
0xb7: {  	s30 =	sld [smem:$0x0];
	_ =	sdelay $0x2  }
0xb8: {  	s31 =	sshll.u32 s1, $0xD;
	s1 =	sshrl.u32 s1, $0x2  }
0xb9: {  	s3 =	sand.u32 $0x4000, s31;
	s1 =	sadd.s32 s1, s30  }
0xba: {  	s0 =	sor.u32 s3, s0;
	s1 =	sshll.u32 s1, $0x11  }
0xbb: {  	s0 =	sor.u32 s1, s0  }
0xbc: {  	s0 =	sadd.s32 $0x8F2B, s0  }
0xbd: {  	[sflag:s0] =	ssyncadd.remote.s32 $0x1  }
0xbe: {  	_ =	sfence.sel $0xFFFF  }
0xbf: {  	[dreg:$0x0] =	wrdreg $0xFFFFFFFF;
	(pc) =	sbr.abs _section_cstart, $3  }
0xc0: {  	[dreg:$0x1] =	wrdreg $0xFFFFFFFF  }
0xc1: {  	_ =	task.clear_ibuf [dreg:s6], $0x2FFFF;
	_ =	strace $0x9FFFFFFF  }
0xc2: {  	(tm) =	ssettm $0x7FFFFFFF  }
0xc3: {  	_ =	shalt  }
tec
execute0_lowered:
.L_overlay_start_1:
0x0: {  	(tag) =	ssettag $0x1  }
0x1: {  	s0 =	rddreg [dreg:$0x0];
	s1 =	simm.s32 $0x0  }
0x2: {  	s2 =	srdreg.scid;
	s16 =	stileid.u32;
	s31 =	simm.s32 $0x19000  }
0x3: {  	[smem:$0x7FF] =	sst s1;
	s3 =	sadd.s32 $0x21600, s0;
	s4 =	sand.u32 $0x1, s2  }
0x4: {  	s5 =	sadd.s32 $0xD600, s0;
	s6 =	smul.u32 $0x14000, s16;
	s7 =	sadd.s32 $0x5C800, s0  }
0x5: {  	s2 =	ssub.s32 $0x2, s4;
	s9 =	sshll.u32 s4, $0x4;
	s4 =	smul.u32 $0x140000, s4  }
0x6: {  	s8 =	sshrl.u32 s2, $0x1;
	s17 =	sor.u32 s16, s9;
	s9 =	sor.u32 $0x2000, s6  }
0x7: {  	s10 =	sadd.s32 $0x4000, s6;
	s11 =	sadd.s32 $0x6000, s6;
	s12 =	sadd.s32 $0x8000, s6  }
0x8: {  	s13 =	sadd.s32 $0xA000, s6;
	s14 =	sadd.s32 $0xC000, s6;
	s26 =	sadd.s32 $0xE000, s6  }
0x9: {  	s28 =	sadd.s32 $0x10000, s6;
	s29 =	sadd.s32 $0x12000, s6;
	s15 =	smul.u32 $0x5000, s17  }
0xa: {  	s2 =	ssub.s32 s2, s8;
	s8 =	smul.u32 $0xA00, s17;
	s19 =	sadd.s32 s6, s4  }
0xb: {  	s20 =	sadd.s32 s4, s9;
	s23 =	sadd.s32 s4, s10;
	s25 =	sadd.s32 s4, s12  }
0xc: {  	s24 =	sadd.s32 s4, s11;
	s21 =	sshrl.u32 s20, $0x3;
	s6 =	sshrl.u32 s25, $0x3  }
0xd: {  	s30 =	smax.u32 s2, $0x1;
	s2 =	simm.s32 $0x16800;
	s17 =	sadd.s32 s3, s8  }
0xe: {  	s15 =	sshrl.u32 s15, $0x3;
	s8 =	sadd.s32 s5, s8;
	[dreg:$0x3] =	wrdreg s17  }
0xf: {  	s22 =	sadd.s32 s7, s21;
	[dreg:$0x4] =	wrdreg s8;
	s18 =	sadd.s32 $0x500, s15  }
0x10: {  	[dreg:$0x8] =	wrdreg s22;
	s8 =	sadd.s32 s7, s6;
	s15 =	sadd.s32 s4, s13  }
0x11: {  	s17 =	sadd.s32 s4, s14;
	s22 =	sadd.s32 s4, s28;
	s6 =	simm.s32 $0x1  }
0x12: {  	s3 =	sadd.s32 s3, s18;
	s5 =	sadd.s32 s5, s18;
	[dreg:$0xb] =	wrdreg s8  }
0x13: {  	s18 =	sadd.s32 s4, s26;
	s4 =	sadd.s32 s4, s29;
	[dreg:$0x5] =	wrdreg s3  }
0x14: {  	s8 =	simm.s32 $0x3;
	[dreg:$0x6] =	wrdreg s5;
	s3 =	sshrl.u32 s19, $0x3  }
0x15: {  	s5 =	sshrl.u32 s24, $0x3;
	s19 =	sshrl.u32 s17, $0x3;
	s20 =	sshrl.u32 s18, $0x3  }
0x16: {  	s24 =	sshrl.u32 s4, $0x3;
	s18 =	sadd.s32 $0x35600, s0;
	s3 =	sadd.s32 s7, s3  }
0x17: {  	s0 =	simm.s32 $0x14000;
	s21 =	sadd.s32 s7, s20;
	[dreg:$0x7] =	wrdreg s3  }
0x18: {  	s4 =	simm.s32 $0x14080;
	s3 =	sshrl.u32 s23, $0x3;
	[dreg:$0xe] =	wrdreg s21  }
0x19: {  	s23 =	smul.u32 $0x50000, s16;
	s16 =	rddreg [dreg:$0x1];
	s3 =	sadd.s32 s7, s3  }
0x1a: {  	s20 =	sadd.s32 s9, s16;
	s21 =	sadd.s32 s10, s16;
	s26 =	sadd.s32 s26, s16  }
0x1b: {  	s28 =	sadd.s32 s28, s16;
	s29 =	sadd.s32 s29, s16;
	s9 =	simm.s32 $0x4  }
0x1c: {  	s10 =	simm.s32 $0x18F00;
	[dreg:$0x9] =	wrdreg s3;
	s3 =	sadd.s32 s7, s5  }
0x1d: {  	s25 =	sshrl.u32 s23, $0x2;
	[dreg:$0xa] =	wrdreg s3;
	s3 =	sshrl.u32 s15, $0x3  }
0x1e: {  	s23 =	sadd.s32 s12, s16;
	s5 =	simm.s32 $0x1B000;
	s3 =	sadd.s32 s7, s3  }
0x1f: {  	s12 =	simm.s32 $0x0;
	[dreg:$0xc] =	wrdreg s3;
	s3 =	sadd.s32 s7, s19  }
0x20: {  	s19 =	sadd.s32 s25, s16;
	[dreg:$0xd] =	wrdreg s3;
	s3 =	sshrl.u32 s22, $0x3  }
0x21: {  	s25 =	sadd.s32 s14, s16;
	s14 =	simm.s32 $0x5;
	s3 =	sadd.s32 s7, s3  }
0x22: {  	s22 =	sadd.s32 s11, s16;
	[dreg:$0xf] =	wrdreg s3;
	s3 =	sadd.s32 s7, s24  }
0x23: {  	s11 =	simm.s32 $0x18F80;
	s24 =	sadd.s32 s13, s16;
	[dreg:$0x10] =	wrdreg s3  }
0x24: {  	v0 =	vimm.f32 $0.0e+00;
	s7 =	simm.s32 $0x2;
	s3 =	simm.s32 $0x40;
	_ =	strace $0x8000004D  }
.LBB2_1:
0x25: {  	s13 =	simm.s32 $0x0;
	s15 =	simm.s32 $0x200  }
.LBB2_2:
0x26: {  	p0 =	sne.s32 s15, $0x7E00;
	[tilespmem:s13+$0x19070] =	vst v0  }
0x27: {  	[tilespmem:s13+$0x19000] =	vst v0  }
0x28: {  	[tilespmem:s13+$0x19010] =	vst v0  }
.Ltmp0:
0x29: {  	[tilespmem:s13+$0x19020] =	vst v0;
	(pc) =	sbr.rel @p0 .LBB2_2-.Ltmp0, $4  }
0x2a: {  	[tilespmem:s13+$0x19030] =	vst v0  }
0x2b: {  	[tilespmem:s13+$0x19040] =	vst v0  }
0x2c: {  	[tilespmem:s13+$0x19050] =	vst v0  }
0x2d: {  	[tilespmem:s13+$0x19060] =	vst v0;
	s13 =	sshra.s32 s15, $0x2;
	s15 =	sadd.s32 $0x200, s15  }
0x2e: {  	[tilespmem:s13+$0x19070] =	vst v0  }
0x2f: {  	[tilespmem:s13+$0x19000] =	vst v0  }
0x30: {  	[tilespmem:s13+$0x19010] =	vst v0  }
0x31: {  	[tilespmem:s13+$0x19020] =	vst v0  }
0x32: {  	[tilespmem:s13+$0x19030] =	vst v0  }
0x33: {  	[tilespmem:s13+$0x19040] =	vst v0  }
0x34: {  	[tilespmem:s13+$0x19050] =	vst v0  }
0x35: {  	[tilespmem:s13+$0x19060] =	vst v0  }
0x36: {  	[spmem:s19] =	stream.linear.scatter [tilespmem:s31], [sflag:$0x5], $0x2000, $0x38;
	[tilespmem:$0x1D000] =	vst v63  }
0x37: {  	_ =	swait.ge [sflag:s14], $0x2000  }
0x38: {  	[sflag:s14] =	ssyncset.done $0x0  }
0x39: {  	[sflag:s14] =	ssyncadd.s32 $0xFFFFE000  }
0x3a: {  	[spmem:s20] =	stream.linear.scatter [tilespmem:s31], [sflag:$0x5], $0x2000, $0x38;
	[tilespmem:$0x1D000] =	vst v63  }
0x3b: {  	_ =	swait.ge [sflag:s14], $0x2000  }
0x3c: {  	[sflag:s14] =	ssyncset.done $0x0  }
0x3d: {  	[sflag:s14] =	ssyncadd.s32 $0xFFFFE000  }
0x3e: {  	[spmem:s21] =	stream.linear.scatter [tilespmem:s31], [sflag:$0x5], $0x2000, $0x38;
	[tilespmem:$0x1D000] =	vst v63  }
0x3f: {  	_ =	swait.ge [sflag:s14], $0x2000  }
0x40: {  	[sflag:s14] =	ssyncset.done $0x0  }
0x41: {  	[sflag:s14] =	ssyncadd.s32 $0xFFFFE000  }
0x42: {  	[spmem:s22] =	stream.linear.scatter [tilespmem:s31], [sflag:$0x5], $0x2000, $0x38;
	[tilespmem:$0x1D000] =	vst v63  }
0x43: {  	_ =	swait.ge [sflag:s14], $0x2000  }
0x44: {  	[sflag:s14] =	ssyncset.done $0x0  }
0x45: {  	[sflag:s14] =	ssyncadd.s32 $0xFFFFE000  }
0x46: {  	[spmem:s23] =	stream.linear.scatter [tilespmem:s31], [sflag:$0x5], $0x2000, $0x38;
	[tilespmem:$0x1D000] =	vst v63  }
0x47: {  	_ =	swait.ge [sflag:s14], $0x2000  }
0x48: {  	[sflag:s14] =	ssyncset.done $0x0  }
0x49: {  	[sflag:s14] =	ssyncadd.s32 $0xFFFFE000  }
0x4a: {  	[spmem:s24] =	stream.linear.scatter [tilespmem:s31], [sflag:$0x5], $0x2000, $0x38;
	[tilespmem:$0x1D000] =	vst v63  }
0x4b: {  	_ =	swait.ge [sflag:s14], $0x2000  }
0x4c: {  	[sflag:s14] =	ssyncset.done $0x0  }
0x4d: {  	[sflag:s14] =	ssyncadd.s32 $0xFFFFE000  }
0x4e: {  	[spmem:s25] =	stream.linear.scatter [tilespmem:s31], [sflag:$0x5], $0x2000, $0x38;
	[tilespmem:$0x1D000] =	vst v63  }
0x4f: {  	_ =	swait.ge [sflag:s14], $0x2000  }
0x50: {  	[sflag:s14] =	ssyncset.done $0x0  }
0x51: {  	[sflag:s14] =	ssyncadd.s32 $0xFFFFE000  }
0x52: {  	[spmem:s26] =	stream.linear.scatter [tilespmem:s31], [sflag:$0x5], $0x2000, $0x38;
	[tilespmem:$0x1D000] =	vst v63  }
0x53: {  	_ =	swait.ge [sflag:s14], $0x2000  }
0x54: {  	[sflag:s14] =	ssyncset.done $0x0  }
0x55: {  	[sflag:s14] =	ssyncadd.s32 $0xFFFFE000  }
0x56: {  	[spmem:s28] =	stream.linear.scatter [tilespmem:s31], [sflag:$0x5], $0x2000, $0x38;
	[tilespmem:$0x1D000] =	vst v63  }
0x57: {  	_ =	swait.ge [sflag:s14], $0x2000  }
0x58: {  	[sflag:s14] =	ssyncset.done $0x0  }
0x59: {  	[sflag:s14] =	ssyncadd.s32 $0xFFFFE000  }
0x5a: {  	[spmem:s29] =	stream.linear.scatter [tilespmem:s31], [sflag:$0x5], $0x2000, $0x38;
	[tilespmem:$0x1D000] =	vst v63  }
0x5b: {  	_ =	swait.ge [sflag:s14], $0x2000  }
0x5c: {  	[sflag:s14] =	ssyncset.done $0x0  }
0x5d: {  	s13 =	simm.s32 $0x0;
	s15 =	rddreg [dreg:$0x3];
	[sflag:s14] =	ssyncadd.s32 $0xFFFFE000  }
0x5e: {  	[tilespmem:s0], [sflag:$0x5] =	stream.linear.gather [hbm4b:s15+s13], $0x2800, $0x38;
	[tilespmem:$0x1D000] =	vst v63  }
0x5f: {  	_ =	swait.ge [sflag:s14], $0x2800  }
0x60: {  	[sflag:s14] =	ssyncset.done $0x0  }
0x61: {  	s17 =	rddreg [dreg:$0x4];
	[sflag:s14] =	ssyncadd.s32 $0xFFFFD800  }
0x62: {  	[tilespmem:s2], [sflag:$0x5] =	stream.linear.gather [hbm4b:s17+s13], $0x2800, $0x38;
	[tilespmem:$0x1D000] =	vst v63  }
0x63: {  	_ =	swait.ge [sflag:s14], $0x2800  }
0x64: {  	[sflag:s14] =	ssyncset.done $0x0  }
0x65: {  	[sflag:s14] =	ssyncadd.s32 $0xFFFFD800  }
0x66: {  	[bflag:$0x0] =	sbarrier.arrive $0xFFFF  }
0x67: {  	[tilespmem:s31], [sflag:$0x1] =	stream.indirect.gather [hbm4b:s18+s3], $0x80, s0, s3, $0xb8;
	[tilespmem:$0x1D000] =	vst v63  }
0x68: {  	_ = 	snop  }
0x69: {  	[tilespmem:s5], [sflag:$0x2] =	stream.indirect.gather [hbm4b:s18+s3], $0x80, s4, s3, $0xb8;
	[tilespmem:$0x1D000] =	vst v63  }
0x6a: {  	_ =	swait.ge [sflag:s6], $0x2000  }
0x6b: {  	[sflag:s6] =	ssyncset.done $0x0  }
0x6c: {  	s17 =	simm.s32 $0x16800;
	[sflag:s6] =	ssyncadd.s32 $0xFFFFE000  }
0x6d: {  	[spmem:s16] =	stream.indirect.scatter.add.f32 [tilespmem:s31], [sflag:$0x3], $0x80, s17, s3, $0xb8;
	[tilespmem:$0x1D000] =	vst v63  }
0x6e: {  	_ =	swait.ge [sflag:s7], $0x2000  }
0x6f: {  	[sflag:s7] =	ssyncset.done $0x0  }
0x70: {  	s15 =	simm.s32 $0x16880;
	[sflag:s7] =	ssyncadd.s32 $0xFFFFE000  }
0x71: {  	[spmem:s16] =	stream.indirect.scatter.add.f32 [tilespmem:s5], [sflag:$0x4], $0x80, s15, s3, $0xb8;
	[tilespmem:$0x1D000] =	vst v63  }
0x72: {  	_ =	swait.ge [sflag:s8], $0x2000  }
0x73: {  	[sflag:s8] =	ssyncset.done $0x0  }
0x74: {  	s17 =	simm.s32 $0x14100;
	[sflag:s8] =	ssyncadd.s32 $0xFFFFE000  }
0x75: {  	[tilespmem:s31], [sflag:$0x1] =	stream.indirect.gather [hbm4b:s18+s3], $0x80, s17, s3, $0xb8;
	[tilespmem:$0x1D000] =	vst v63  }
0x76: {  	_ =	swait.ge [sflag:s9], $0x2000  }
0x77: {  	[sflag:s9] =	ssyncset.done $0x0  }
0x78: {  	s13 =	simm.s32 $0x400;
	s15 =	simm.s32 $0x14180;
	[sflag:s9] =	ssyncadd.s32 $0xFFFFE000  }
.LBB2_4:
0x79: {  	[tilespmem:s5], [sflag:$0x2] =	stream.indirect.gather [hbm4b:s18+s3], $0x80, s15, s3, $0xb8;
	[tilespmem:$0x1D000] =	vst v63  }
0x7a: {  	s15 =	smov.u32 s13  }
0x7b: {  	p0 =	sne.s32 s13, $0x9800;
	s13 =	sadd.s32 $0x400, s13;
	_ =	swait.ge [sflag:s6], $0x2000  }
0x7c: {  	s15 =	sshra.s32 s15, $0x2;
	[sflag:s6] =	ssyncset.done $0x0  }
0x7d: {  	s17 =	sadd.s32 $0x16800, s15;
	[sflag:s6] =	ssyncadd.s32 $0xFFFFE000  }
0x7e: {  	[spmem:s16] =	stream.indirect.scatter.add.f32 [tilespmem:s31], [sflag:$0x3], $0x80, s17, s3, $0xb8;
	[tilespmem:$0x1D000] =	vst v63  }
0x7f: {  	_ =	swait.ge [sflag:s7], $0x2000  }
0x80: {  	[sflag:s7] =	ssyncset.done $0x0  }
0x81: {  	s17 =	sadd.s32 $0x16880, s15;
	[sflag:s7] =	ssyncadd.s32 $0xFFFFE000  }
0x82: {  	[spmem:s16] =	stream.indirect.scatter.add.f32 [tilespmem:s5], [sflag:$0x4], $0x80, s17, s3, $0xb8;
	[tilespmem:$0x1D000] =	vst v63  }
0x83: {  	_ =	swait.ge [sflag:s8], $0x2000  }
0x84: {  	[sflag:s8] =	ssyncset.done $0x0  }
.Ltmp1:
0x85: {  	s17 =	sadd.s32 $0x14100, s15;
	[sflag:s8] =	ssyncadd.s32 $0xFFFFE000;
	(pc) =	sbr.rel @p0 .LBB2_4-.Ltmp1, $4  }
0x86: {  	[tilespmem:s31], [sflag:$0x1] =	stream.indirect.gather [hbm4b:s18+s3], $0x80, s17, s3, $0xb8;
	[tilespmem:$0x1D000] =	vst v63  }
0x87: {  	_ =	swait.ge [sflag:s9], $0x2000  }
0x88: {  	[sflag:s9] =	ssyncset.done $0x0  }
0x89: {  	s15 =	sadd.s32 $0x14180, s15;
	[sflag:s9] =	ssyncadd.s32 $0xFFFFE000  }
0x8a: {  	[tilespmem:s5], [sflag:$0x2] =	stream.indirect.gather [hbm4b:s18+s3], $0x80, s15, s3, $0xb8;
	[tilespmem:$0x1D000] =	vst v63  }
0x8b: {  	_ =	swait.ge [sflag:s6], $0x2000  }
0x8c: {  	[sflag:s6] =	ssyncset.done $0x0  }
0x8d: {  	[sflag:s6] =	ssyncadd.s32 $0xFFFFE000  }
0x8e: {  	[spmem:s16] =	stream.indirect.scatter.add.f32 [tilespmem:s31], [sflag:$0x3], $0x80, s10, s3, $0xb8;
	[tilespmem:$0x1D000] =	vst v63  }
0x8f: {  	_ =	swait.ge [sflag:s7], $0x2000  }
0x90: {  	[sflag:s7] =	ssyncset.done $0x0  }
0x91: {  	[sflag:s7] =	ssyncadd.s32 $0xFFFFE000  }
0x92: {  	[spmem:s16] =	stream.indirect.scatter.add.f32 [tilespmem:s5], [sflag:$0x4], $0x80, s11, s3, $0xb8;
	[tilespmem:$0x1D000] =	vst v63  }
0x93: {  	_ =	swait.ge [sflag:s8], $0x2000  }
0x94: {  	[sflag:s8] =	ssyncset.done $0x0  }
0x95: {  	[sflag:s8] =	ssyncadd.s32 $0xFFFFE000  }
0x96: {  	_ =	swait.ge [sflag:s9], $0x2000  }
0x97: {  	[sflag:s9] =	ssyncset.done $0x0  }
0x98: {  	s13 =	simm.s32 $0x0;
	s17 =	rddreg [dreg:$0x5];
	[sflag:s9] =	ssyncadd.s32 $0xFFFFE000  }
0x99: {  	[tilespmem:s0], [sflag:$0x5] =	stream.linear.gather [hbm4b:s17+s13], $0x2800, $0x38;
	[tilespmem:$0x1D000] =	vst v63  }
0x9a: {  	_ =	swait.ge [sflag:s14], $0x2800  }
0x9b: {  	[sflag:s14] =	ssyncset.done $0x0  }
0x9c: {  	s17 =	rddreg [dreg:$0x6];
	[sflag:s14] =	ssyncadd.s32 $0xFFFFD800  }
0x9d: {  	[tilespmem:s2], [sflag:$0x5] =	stream.linear.gather [hbm4b:s17+s13], $0x2800, $0x38;
	[tilespmem:$0x1D000] =	vst v63  }
0x9e: {  	_ =	swait.ge [sflag:s14], $0x2800  }
0x9f: {  	[sflag:s14] =	ssyncset.done $0x0  }
0xa0: {  	[sflag:s14] =	ssyncadd.s32 $0xFFFFD800  }
0xa1: {  	[tilespmem:s31], [sflag:$0x1] =	stream.indirect.gather [hbm4b:s18+s3], $0x80, s0, s3, $0xb8;
	[tilespmem:$0x1D000] =	vst v63  }
0xa2: {  	_ = 	snop  }
0xa3: {  	[tilespmem:s5], [sflag:$0x2] =	stream.indirect.gather [hbm4b:s18+s3], $0x80, s4, s3, $0xb8;
	[tilespmem:$0x1D000] =	vst v63  }
0xa4: {  	_ =	swait.ge [sflag:s6], $0x2000  }
0xa5: {  	[sflag:s6] =	ssyncset.done $0x0  }
0xa6: {  	s17 =	simm.s32 $0x16800;
	[sflag:s6] =	ssyncadd.s32 $0xFFFFE000  }
0xa7: {  	[spmem:s16] =	stream.indirect.scatter.add.f32 [tilespmem:s31], [sflag:$0x3], $0x80, s17, s3, $0xb8;
	[tilespmem:$0x1D000] =	vst v63  }
0xa8: {  	_ =	swait.ge [sflag:s7], $0x2000  }
0xa9: {  	[sflag:s7] =	ssyncset.done $0x0  }
0xaa: {  	s15 =	simm.s32 $0x16880;
	[sflag:s7] =	ssyncadd.s32 $0xFFFFE000  }
0xab: {  	[spmem:s16] =	stream.indirect.scatter.add.f32 [tilespmem:s5], [sflag:$0x4], $0x80, s15, s3, $0xb8;
	[tilespmem:$0x1D000] =	vst v63  }
0xac: {  	_ =	swait.ge [sflag:s8], $0x2000  }
0xad: {  	[sflag:s8] =	ssyncset.done $0x0  }
0xae: {  	s17 =	simm.s32 $0x14100;
	[sflag:s8] =	ssyncadd.s32 $0xFFFFE000  }
0xaf: {  	[tilespmem:s31], [sflag:$0x1] =	stream.indirect.gather [hbm4b:s18+s3], $0x80, s17, s3, $0xb8;
	[tilespmem:$0x1D000] =	vst v63  }
0xb0: {  	_ =	swait.ge [sflag:s9], $0x2000  }
0xb1: {  	[sflag:s9] =	ssyncset.done $0x0  }
0xb2: {  	s13 =	simm.s32 $0x400;
	s15 =	simm.s32 $0x14180;
	[sflag:s9] =	ssyncadd.s32 $0xFFFFE000  }
.LBB2_6:
0xb3: {  	[tilespmem:s5], [sflag:$0x2] =	stream.indirect.gather [hbm4b:s18+s3], $0x80, s15, s3, $0xb8;
	[tilespmem:$0x1D000] =	vst v63  }
0xb4: {  	s15 =	smov.u32 s13  }
0xb5: {  	p0 =	sne.s32 s13, $0x9800;
	s13 =	sadd.s32 $0x400, s13;
	_ =	swait.ge [sflag:s6], $0x2000  }
0xb6: {  	s15 =	sshra.s32 s15, $0x2;
	[sflag:s6] =	ssyncset.done $0x0  }
0xb7: {  	s17 =	sadd.s32 $0x16800, s15;
	[sflag:s6] =	ssyncadd.s32 $0xFFFFE000  }
0xb8: {  	[spmem:s16] =	stream.indirect.scatter.add.f32 [tilespmem:s31], [sflag:$0x3], $0x80, s17, s3, $0xb8;
	[tilespmem:$0x1D000] =	vst v63  }
0xb9: {  	_ =	swait.ge [sflag:s7], $0x2000  }
0xba: {  	[sflag:s7] =	ssyncset.done $0x0  }
0xbb: {  	s17 =	sadd.s32 $0x16880, s15;
	[sflag:s7] =	ssyncadd.s32 $0xFFFFE000  }
0xbc: {  	[spmem:s16] =	stream.indirect.scatter.add.f32 [tilespmem:s5], [sflag:$0x4], $0x80, s17, s3, $0xb8;
	[tilespmem:$0x1D000] =	vst v63  }
0xbd: {  	_ =	swait.ge [sflag:s8], $0x2000  }
0xbe: {  	[sflag:s8] =	ssyncset.done $0x0  }
.Ltmp2:
0xbf: {  	s17 =	sadd.s32 $0x14100, s15;
	[sflag:s8] =	ssyncadd.s32 $0xFFFFE000;
	(pc) =	sbr.rel @p0 .LBB2_6-.Ltmp2, $4  }
0xc0: {  	[tilespmem:s31], [sflag:$0x1] =	stream.indirect.gather [hbm4b:s18+s3], $0x80, s17, s3, $0xb8;
	[tilespmem:$0x1D000] =	vst v63  }
0xc1: {  	_ =	swait.ge [sflag:s9], $0x2000  }
0xc2: {  	[sflag:s9] =	ssyncset.done $0x0  }
0xc3: {  	s15 =	sadd.s32 $0x14180, s15;
	[sflag:s9] =	ssyncadd.s32 $0xFFFFE000  }
0xc4: {  	[tilespmem:s5], [sflag:$0x2] =	stream.indirect.gather [hbm4b:s18+s3], $0x80, s15, s3, $0xb8;
	[tilespmem:$0x1D000] =	vst v63  }
0xc5: {  	_ =	swait.ge [sflag:s6], $0x2000  }
0xc6: {  	[sflag:s6] =	ssyncset.done $0x0  }
0xc7: {  	[sflag:s6] =	ssyncadd.s32 $0xFFFFE000  }
0xc8: {  	[spmem:s16] =	stream.indirect.scatter.add.f32 [tilespmem:s31], [sflag:$0x3], $0x80, s10, s3, $0xb8;
	[tilespmem:$0x1D000] =	vst v63  }
0xc9: {  	_ =	swait.ge [sflag:s7], $0x2000  }
0xca: {  	[sflag:s7] =	ssyncset.done $0x0  }
0xcb: {  	[sflag:s7] =	ssyncadd.s32 $0xFFFFE000  }
0xcc: {  	[spmem:s16] =	stream.indirect.scatter.add.f32 [tilespmem:s5], [sflag:$0x4], $0x80, s11, s3, $0xb8;
	[tilespmem:$0x1D000] =	vst v63  }
0xcd: {  	_ =	swait.ge [sflag:s8], $0x2000  }
0xce: {  	[sflag:s8] =	ssyncset.done $0x0  }
0xcf: {  	[sflag:s8] =	ssyncadd.s32 $0xFFFFE000  }
0xd0: {  	_ =	swait.ge [sflag:s9], $0x2000  }
0xd1: {  	[sflag:s9] =	ssyncset.done $0x0  }
0xd2: {  	[sflag:s9] =	ssyncadd.s32 $0xFFFFE000  }
0xd3: {  	[bflag:$0x0] =	sbarrier.arrive $0xFFFF  }
0xd4: {  	[tilespmem:s31], [sflag:$0x5] =	stream.linear.gather [spmem:s19], $0x2000, $0x38;
	[tilespmem:$0x1D000] =	vst v63  }
0xd5: {  	_ =	swait.ge [sflag:s14], $0x2000  }
0xd6: {  	[sflag:s14] =	ssyncset.done $0x0  }
0xd7: {  	s13 =	rddreg [dreg:$0x7];
	[sflag:s14] =	ssyncadd.s32 $0xFFFFE000  }
0xd8: {  	[hbm4b:s13+s1] =	stream.linear.scatter [tilespmem:s31], [sflag:$0x5], $0x2000, $0x38;
	[tilespmem:$0x1D000] =	vst v63  }
0xd9: {  	_ =	swait.ge [sflag:s14], $0x2000  }
0xda: {  	[sflag:s14] =	ssyncset.done $0x0  }
0xdb: {  	[sflag:s14] =	ssyncadd.s32 $0xFFFFE000  }
0xdc: {  	[tilespmem:s31], [sflag:$0x5] =	stream.linear.gather [spmem:s20], $0x2000, $0x38;
	[tilespmem:$0x1D000] =	vst v63  }
0xdd: {  	_ =	swait.ge [sflag:s14], $0x2000  }
0xde: {  	[sflag:s14] =	ssyncset.done $0x0  }
0xdf: {  	s17 =	rddreg [dreg:$0x8];
	[sflag:s14] =	ssyncadd.s32 $0xFFFFE000  }
0xe0: {  	[hbm4b:s17+s1] =	stream.linear.scatter [tilespmem:s31], [sflag:$0x5], $0x2000, $0x38;
	[tilespmem:$0x1D000] =	vst v63  }
0xe1: {  	_ =	swait.ge [sflag:s14], $0x2000  }
0xe2: {  	[sflag:s14] =	ssyncset.done $0x0  }
0xe3: {  	[sflag:s14] =	ssyncadd.s32 $0xFFFFE000  }
0xe4: {  	[tilespmem:s31], [sflag:$0x5] =	stream.linear.gather [spmem:s21], $0x2000, $0x38;
	[tilespmem:$0x1D000] =	vst v63  }
0xe5: {  	_ =	swait.ge [sflag:s14], $0x2000  }
0xe6: {  	[sflag:s14] =	ssyncset.done $0x0  }
0xe7: {  	s15 =	rddreg [dreg:$0x9];
	[sflag:s14] =	ssyncadd.s32 $0xFFFFE000  }
0xe8: {  	[hbm4b:s15+s1] =	stream.linear.scatter [tilespmem:s31], [sflag:$0x5], $0x2000, $0x38;
	[tilespmem:$0x1D000] =	vst v63  }
0xe9: {  	_ =	swait.ge [sflag:s14], $0x2000  }
0xea: {  	[sflag:s14] =	ssyncset.done $0x0  }
0xeb: {  	[sflag:s14] =	ssyncadd.s32 $0xFFFFE000  }
0xec: {  	[tilespmem:s31], [sflag:$0x5] =	stream.linear.gather [spmem:s22], $0x2000, $0x38;
	[tilespmem:$0x1D000] =	vst v63  }
0xed: {  	_ =	swait.ge [sflag:s14], $0x2000  }
0xee: {  	[sflag:s14] =	ssyncset.done $0x0  }
0xef: {  	s17 =	rddreg [dreg:$0xa];
	[sflag:s14] =	ssyncadd.s32 $0xFFFFE000  }
0xf0: {  	[hbm4b:s17+s1] =	stream.linear.scatter [tilespmem:s31], [sflag:$0x5], $0x2000, $0x38;
	[tilespmem:$0x1D000] =	vst v63  }
0xf1: {  	_ =	swait.ge [sflag:s14], $0x2000  }
0xf2: {  	[sflag:s14] =	ssyncset.done $0x0  }
0xf3: {  	[sflag:s14] =	ssyncadd.s32 $0xFFFFE000  }
0xf4: {  	[tilespmem:s31], [sflag:$0x5] =	stream.linear.gather [spmem:s23], $0x2000, $0x38;
	[tilespmem:$0x1D000] =	vst v63  }
0xf5: {  	_ =	swait.ge [sflag:s14], $0x2000  }
0xf6: {  	[sflag:s14] =	ssyncset.done $0x0  }
0xf7: {  	s15 =	rddreg [dreg:$0xb];
	[sflag:s14] =	ssyncadd.s32 $0xFFFFE000  }
0xf8: {  	[hbm4b:s15+s1] =	stream.linear.scatter [tilespmem:s31], [sflag:$0x5], $0x2000, $0x38;
	[tilespmem:$0x1D000] =	vst v63  }
0xf9: {  	_ =	swait.ge [sflag:s14], $0x2000  }
0xfa: {  	[sflag:s14] =	ssyncset.done $0x0  }
0xfb: {  	[sflag:s14] =	ssyncadd.s32 $0xFFFFE000  }
0xfc: {  	[tilespmem:s31], [sflag:$0x5] =	stream.linear.gather [spmem:s24], $0x2000, $0x38;
	[tilespmem:$0x1D000] =	vst v63  }
0xfd: {  	_ =	swait.ge [sflag:s14], $0x2000  }
0xfe: {  	[sflag:s14] =	ssyncset.done $0x0  }
0xff: {  	s17 =	rddreg [dreg:$0xc];
	[sflag:s14] =	ssyncadd.s32 $0xFFFFE000  }
0x100: {  	[hbm4b:s17+s1] =	stream.linear.scatter [tilespmem:s31], [sflag:$0x5], $0x2000, $0x38;
	[tilespmem:$0x1D000] =	vst v63  }
0x101: {  	_ =	swait.ge [sflag:s14], $0x2000  }
0x102: {  	[sflag:s14] =	ssyncset.done $0x0  }
0x103: {  	[sflag:s14] =	ssyncadd.s32 $0xFFFFE000  }
0x104: {  	[tilespmem:s31], [sflag:$0x5] =	stream.linear.gather [spmem:s25], $0x2000, $0x38;
	[tilespmem:$0x1D000] =	vst v63  }
0x105: {  	_ =	swait.ge [sflag:s14], $0x2000  }
0x106: {  	[sflag:s14] =	ssyncset.done $0x0  }
0x107: {  	s15 =	rddreg [dreg:$0xd];
	[sflag:s14] =	ssyncadd.s32 $0xFFFFE000  }
0x108: {  	[hbm4b:s15+s1] =	stream.linear.scatter [tilespmem:s31], [sflag:$0x5], $0x2000, $0x38;
	[tilespmem:$0x1D000] =	vst v63  }
0x109: {  	_ =	swait.ge [sflag:s14], $0x2000  }
0x10a: {  	[sflag:s14] =	ssyncset.done $0x0  }
0x10b: {  	[sflag:s14] =	ssyncadd.s32 $0xFFFFE000  }
0x10c: {  	[tilespmem:s31], [sflag:$0x5] =	stream.linear.gather [spmem:s26], $0x2000, $0x38;
	[tilespmem:$0x1D000] =	vst v63  }
0x10d: {  	_ =	swait.ge [sflag:s14], $0x2000  }
0x10e: {  	[sflag:s14] =	ssyncset.done $0x0  }
0x10f: {  	s17 =	rddreg [dreg:$0xe];
	[sflag:s14] =	ssyncadd.s32 $0xFFFFE000  }
0x110: {  	[hbm4b:s17+s1] =	stream.linear.scatter [tilespmem:s31], [sflag:$0x5], $0x2000, $0x38;
	[tilespmem:$0x1D000] =	vst v63  }
0x111: {  	_ =	swait.ge [sflag:s14], $0x2000  }
0x112: {  	[sflag:s14] =	ssyncset.done $0x0  }
0x113: {  	[sflag:s14] =	ssyncadd.s32 $0xFFFFE000  }
0x114: {  	[tilespmem:s31], [sflag:$0x5] =	stream.linear.gather [spmem:s28], $0x2000, $0x38;
	[tilespmem:$0x1D000] =	vst v63  }
0x115: {  	_ =	swait.ge [sflag:s14], $0x2000  }
0x116: {  	[sflag:s14] =	ssyncset.done $0x0  }
0x117: {  	s15 =	rddreg [dreg:$0xf];
	[sflag:s14] =	ssyncadd.s32 $0xFFFFE000  }
0x118: {  	[hbm4b:s15+s1] =	stream.linear.scatter [tilespmem:s31], [sflag:$0x5], $0x2000, $0x38;
	[tilespmem:$0x1D000] =	vst v63  }
0x119: {  	_ =	swait.ge [sflag:s14], $0x2000  }
0x11a: {  	[sflag:s14] =	ssyncset.done $0x0  }
0x11b: {  	[sflag:s14] =	ssyncadd.s32 $0xFFFFE000  }
0x11c: {  	[tilespmem:s31], [sflag:$0x5] =	stream.linear.gather [spmem:s29], $0x2000, $0x38;
	[tilespmem:$0x1D000] =	vst v63  }
0x11d: {  	s12 =	sadd.s32 $0x1, s12;
	_ =	swait.ge [sflag:s14], $0x2000  }
0x11e: {  	p0 =	sne.s32 s12, s30;
	[sflag:s14] =	ssyncset.done $0x0  }
.Ltmp3:
0x11f: {  	s17 =	rddreg [dreg:$0x10];
	[sflag:s14] =	ssyncadd.s32 $0xFFFFE000;
	(pc) =	sbr.rel @p0 .LBB2_1-.Ltmp3, $4  }
0x120: {  	[hbm4b:s17+s1] =	stream.linear.scatter [tilespmem:s31], [sflag:$0x5], $0x2000, $0x38;
	[tilespmem:$0x1D000] =	vst v63  }
0x121: {  	_ =	swait.ge [sflag:s14], $0x2000  }
0x122: {  	[sflag:s14] =	ssyncset.done $0x0  }
0x123: {  	[sflag:s14] =	ssyncadd.s32 $0xFFFFE000  }
0x124: {  	_ =	sfence.sel $0x180000  }
0x125: {  	[bflag:$0x0] =	sbarrier.arrive $0xFFFF  }
0x126: {  	_ =	strace $0x9000004D  }
0x127: {  	s0 =	stileid.u32;
	[bflag:$0x2] =	sbarrier.arrive $0xFFFF  }
0x128: {  	p0 =	sne.s32 s0, $0x0;
	s0 =	rddreg [dreg:$0x2]  }
0x129: {  	s0 =	sadd.s32 @!p0 $0x100000, s0  }
0x12a: {  	[sflag:s0] =	ssyncadd.tile.s32 @!p0 $0x1;
	_ =	shalt  }
.Lfunc_end2:
_tile_overlayer_lowered:
.L_overlay_start_2:
0x12b: {  	(tag) =	ssettag $0x2  }
0x12c: {  	s0 =	rddreg [dreg:$0x0];
	s2 =	stileid.u32  }
0x12d: {  	s1 =	rddreg [dreg:$0x1];
	p0 =	sne.s32 s2, $0x0  }
0x12e: {  	s3 =	rddreg [dreg:$0x2];
	[bflag:$0x3] =	sbarrier.arrive $0xFFFF;
	s2 =	simm.s32 @!p0 $0x1C05  }
0x12f: {  	[timem:s3], [sflag:s2] =	dma.local @!p0 [hbm:s0], s1  }
0x130: {  	s0 =	simm.s32 @!p0 $0x5  }
0x131: {  	_ =	swait.ge @!p0 [sflag:s0], s1  }
0x132: {  	s1 =	ssub.s32 @!p0 $0x0, s1;
	[sflag:s0] =	ssyncset.done @!p0 $0x0  }
0x133: {  	[sflag:s0] =	ssyncadd.s32 @!p0 s1  }
0x134: {  	[bflag:$0x3] =	sbarrier.arrive $0xFFFF  }
0x135: {  	_ =	shalt  }

// kernel: kernel.8.cloned.1.call-start
scs
__scs_entry_jumppad:
0x0: {  	(pc) =	sbr.rel $0x88, $3  }
0x1: {  	(tag) =	ssettag $0x0;
	lr =	simm.s32 $0x1  }
0x2: {  	[smem:$0x3F94] =	sst lr;
	_ =	strace $0xD0000000  }
0x3: {  	_ = 	snop  }
0x4: {  	_ = 	snop  }
0x5: {  	_ = 	snop  }
0x6: {  	_ = 	snop  }
0x7: {  	_ = 	snop  }
__scs_overlays_trampoline_lowered:
0x8: {  	[smem:$0x3FA3] =	sst s0  }
0x9: {  	[smem:$0x3FA4] =	sst s1  }
0xa: {  	[smem:$0x3FA5] =	sst s2  }
0xb: {  	[smem:$0x3FA6] =	sst s3  }
0xc: {  	[smem:$0x3FA7] =	sst s4  }
0xd: {  	[smem:$0x3FA8] =	sst s5  }
0xe: {  	[smem:$0x3FA9] =	sst s6  }
0xf: {  	[smem:$0x3FAA] =	sst s7  }
0x10: {  	[smem:$0x3FAB] =	sst s8  }
0x11: {  	[smem:$0x3FAC] =	sst s9;
	s0 =	simm.s32 @!p0 $0x0  }
0x12: {  	s1 =	sld [smem:$0x3F92];
	s0 =	simm.s32 @p0 $0x1  }
0x13: {  	[smem:$0x3FAD] =	sst s0;
	s0 =	simm.s32 @!p1 $0x0  }
0x14: {  	s2 =	sld [smem:$0x3F91];
	s0 =	simm.s32 @p1 $0x1  }
0x15: {  	[smem:$0x3FAE] =	sst s0;
	s0 =	simm.s32 @!p2 $0x0  }
0x16: {  	s3 =	sld [smem:$0x3FDB];
	s0 =	simm.s32 @p2 $0x1  }
0x17: {  	s4 =	simm.s32 $0x1BF5;
	[smem:$0x3FB0] =	sst s0  }
0x18: {  	s0 =	sld [smem:$0x3F93];
	_ =	swait.ge [sflag:s4], $0x0  }
0x19: {  	s7 =	sld [smem:$0x3F94]  }
0x1a: {  	s8 =	sadd.s32 $0xFFFFE003, lr  }
0x1b: {  	s9 =	sadd.s32 $0xFFFFFEF7, lr;
	s5 =	simm.s32 $0xFFFFFFFF;
	p2 =	slt.u32 s8, $0xFFFFF086  }
0x1c: {  	p1 =	slt.u32 s9, $0xF7A;
	s5 =	simm.s32 @!p2 $0x0  }
0x1d: {  	s5 =	simm.s32 @p1 $0x1;
	p0 =	seq.s32 s7, s2  }
0x1e: {  	s7 =	smul.u32 @!p0 $0xF7A, s2;
	p2 =	seq.s32 @!p0 s5, $0x0  }
0x1f: {  	s9 =	smul.u32 $0xF7A, s1;
	s8 =	simm.s32 @!p0 $0x1BF5;
	p2 =	por !p2, p0  }
0x20: {  	[sflag:s8] =	ssyncset.s32 @!p0 $0xFFFFF086;
	s6 =	sadd.s32 @!p0 s3, s7;
	s7 =	simm.s32 @!p0 $0x108  }
0x21: {  	s3 =	sadd.s32 s3, s9;
	s6 =	sadd.s32 @!p0 $0x88, s6;
	s7 =	simm.s32 @p2 $0x1082  }
0x22: {  	[simem:s7], [sflag:s8] =	dma.local @!p0 [hbm:s6], $0xF7A  }
0x23: {  	s9 =	sor.u32 $0xD0000000, s2;
	s6 =	simm.s32 $0x108;
	_ =	swait.ge @!p0 [sflag:s8], $0x0  }
0x24: {  	s3 =	sadd.s32 $0x88, s3;
	s6 =	simm.s32 @!p1 $0x1082;
	[sflag:s4] =	ssyncset.s32 $0xFFFFF086  }
0x25: {  	[simem:s6], [sflag:s4] =	dma.local [hbm:s3], $0xF7A  }
0x26: {  	[smem:$0x3F94] =	sst s1;
	(tag) =	ssettag s2;
	_ =	strace s9  }
0x27: {  	s1 =	sld [smem:$0x3FA4]  }
0x28: {  	s2 =	sld [smem:$0x3FA5]  }
0x29: {  	s4 =	sld [smem:$0x3FA7]  }
0x2a: {  	p0 =	seq.s32 s5, $0x0;
	s5 =	sld [smem:$0x3FA8]  }
0x2b: {  	s6 =	sld [smem:$0x3FA9]  }
0x2c: {  	s7 =	sld [smem:$0x3FAA]  }
0x2d: {  	s3 =	simm.s32 $0x108;
	s8 =	sld [smem:$0x3FAB]  }
0x2e: {  	s3 =	simm.s32 @!p0 $0x1082;
	s9 =	sld [smem:$0x3FAC]  }
0x2f: {  	lr =	sadd.s32 s0, s3;
	s0 =	sld [smem:$0x3FA3]  }
0x30: {  	s3 =	sld [smem:$0x3FA6]  }
0x31: {  	[smem:$0x3FAF] =	sst s10  }
0x32: {  	s10 =	sld [smem:$0x3FAD];
	_ =	sdelay $0x3  }
0x33: {  	p0 =	seq.s32 s10, $0x1;
	s10 =	sld [smem:$0x3FAF];
	_ =	sdelay $0x3  }
0x34: {  	[smem:$0x3FAF] =	sst s10  }
0x35: {  	s10 =	sld [smem:$0x3FAE];
	_ =	sdelay $0x3  }
0x36: {  	p1 =	seq.s32 s10, $0x1;
	s10 =	sld [smem:$0x3FAF];
	_ =	sdelay $0x3  }
0x37: {  	[smem:$0x3FAF] =	sst s10  }
0x38: {  	s10 =	sld [smem:$0x3FB0]  }
0x39: {  	_ = 	snop;
	(pc) =	sbr.ind lr, $3  }
0x3a: {  	_ = 	snop  }
0x3b: {  	_ = 	snop  }
0x3c: {  	p2 =	seq.s32 s10, $0x1;
	s10 =	sld [smem:$0x3FAF]  }
0x3d: {  	_ =	shalt  }
0x3e: {  	_ =	shalt  }
0x3f: {  	_ =	shalt  }
0x40: {  	_ =	shalt  }
0x41: {  	_ =	shalt  }
0x42: {  	_ =	shalt  }
0x43: {  	_ =	shalt  }
0x44: {  	_ =	shalt  }
0x45: {  	_ =	shalt  }
0x46: {  	_ =	shalt  }
0x47: {  	_ =	shalt  }
0x48: {  	_ =	shalt  }
0x49: {  	_ =	shalt  }
0x4a: {  	_ =	shalt  }
0x4b: {  	_ =	shalt  }
0x4c: {  	_ =	shalt  }
0x4d: {  	_ =	shalt  }
0x4e: {  	_ =	shalt  }
0x4f: {  	_ =	shalt  }
0x50: {  	_ =	shalt  }
0x51: {  	_ =	shalt  }
0x52: {  	_ =	shalt  }
0x53: {  	_ =	shalt  }
0x54: {  	_ =	shalt  }
0x55: {  	_ =	shalt  }
0x56: {  	_ =	shalt  }
0x57: {  	_ =	shalt  }
0x58: {  	_ =	shalt  }
0x59: {  	_ =	shalt  }
0x5a: {  	_ =	shalt  }
0x5b: {  	_ =	shalt  }
0x5c: {  	_ =	shalt  }
0x5d: {  	_ =	shalt  }
0x5e: {  	_ =	shalt  }
0x5f: {  	_ =	shalt  }
0x60: {  	_ =	shalt  }
0x61: {  	_ =	shalt  }
0x62: {  	_ =	shalt  }
0x63: {  	_ =	shalt  }
0x64: {  	_ =	shalt  }
0x65: {  	_ =	shalt  }
0x66: {  	_ =	shalt  }
0x67: {  	_ =	shalt  }
0x68: {  	_ =	shalt  }
0x69: {  	_ =	shalt  }
0x6a: {  	_ =	shalt  }
0x6b: {  	_ =	shalt  }
0x6c: {  	_ =	shalt  }
0x6d: {  	_ =	shalt  }
0x6e: {  	_ =	shalt  }
0x6f: {  	_ =	shalt  }
0x70: {  	_ =	shalt  }
0x71: {  	_ =	shalt  }
0x72: {  	_ =	shalt  }
0x73: {  	_ =	shalt  }
0x74: {  	_ =	shalt  }
0x75: {  	_ =	shalt  }
0x76: {  	_ =	shalt  }
0x77: {  	_ =	shalt  }
0x78: {  	_ =	shalt  }
0x79: {  	_ =	shalt  }
0x7a: {  	_ =	shalt  }
0x7b: {  	_ =	shalt  }
0x7c: {  	_ =	shalt  }
0x7d: {  	_ =	shalt  }
0x7e: {  	_ =	shalt  }
0x7f: {  	_ =	shalt  }
0x80: {  	_ =	shalt  }
0x81: {  	_ =	shalt  }
0x82: {  	_ =	shalt  }
0x83: {  	_ =	shalt  }
0x84: {  	_ =	shalt  }
0x85: {  	_ =	shalt  }
0x86: {  	_ =	shalt  }
0x87: {  	_ =	shalt  }
.Lfunc_end0:
.L_simem_size_0:
called_computation_lowered:
.L_overlay_start_0:
0x88: {  	s2 =	sld [smem:$0x3FD9]  }
0x89: {  	s3 =	sld [smem:$0x3FFE];
	_ =	sdelay $0x1  }
0x8a: {  	s1 =	srdreg.scid  }
0x8b: {  	s0 =	sand.u32 $0x1, s1  }
0x8c: {  	s16 =	sshll.u32 s0, $0xA;
	s2 =	sadd.s32 s3, s2  }
0x8d: {  	s2 =	sadd.s32 s2, s16  }
0x8e: {  	[smem:$0x3FBB] =	sst s2  }
0x8f: {  	_ = 	snop  }
0x90: {  	(tm) =	ssettm $0x1  }
0x91: {  	s17 =	sld [smem:$0x3FFB];
	_ =	sdelay $0x3  }
0x92: {  	_ =	strace s17  }
0x93: {  	s2 =	sld [smem:$0x3FFC];
	_ =	sdelay $0x3  }
0x94: {  	_ =	strace s2  }
0x95: {  	s2 =	sld [smem:$0x3FFD];
	_ =	sdelay $0x3  }
0x96: {  	_ =	strace s2  }
0x97: {  	_ =	strace $0x8FFFFFFF  }
0x98: {  	s18 =	sld [smem:$0x3FDB];
	_ =	sdelay $0x1  }
0x99: {  	s19 =	simm.s32 $_scs_section_size  }
0x9a: {  	s4 =	simm.s32 $_size__tile_overlayer_lowered;
	s5 =	simm.s32 $_tile_overlayer_lowered  }
0x9b: {  	s22 =	simm.s32 $0x1BFF;
	s21 =	sshll.u32 s5, $0x1;
	s2 =	sadd.s32 s19, s18  }
0x9c: {  	s6 =	simm.s32 $0x0;
	s20 =	sshll.u32 s4, $0x1;
	s4 =	sadd.s32 s21, s2  }
0x9d: {  	[timem:s6], [sflag:s22] =	dma.local [hbm:s4], s20  }
0x9e: {  	_ =	swait.ge [sflag:s22], s20  }
0x9f: {  	s3 =	ssub.s32 $0x0, s20;
	[sflag:s22] =	ssyncset.done $0x0  }
0xa0: {  	[sflag:s22] =	ssyncadd.s32 s3;
	_ =	sdelay $0x1  }
0xa1: {  	s23 =	simm.s32 $0x1B8B  }
0xa2: {  	_ =	swait.ge [sflag:s23], $0x1  }
0xa3: {  	[sflag:s23] =	ssyncset.done $0x0  }
0xa4: {  	s25 =	simm.s32 $0x1B8E;
	s24 =	sld [smem:$0x3FFE];
	[sflag:s23] =	ssyncadd.s32 $0xFFFFFFFF  }
0xa5: {  	s26 =	simm.s32 $execute0_lowered;
	[smem:$0x3FD2] =	sst s25  }
0xa6: {  	s4 =	sshll.u32 s26, $0x1;
	_ =	strace $0x80000046;
	[dreg:$0x1] =	wrdreg $0xFFFFFFFF  }
0xa7: {  	s28 =	simm.s32 $_size_execute0_lowered;
	s2 =	sadd.s32 s2, s4;
	[dreg:$0x0] =	wrdreg $0x0  }
0xa8: {  	s4 =	sshll.u32 s28, $0x1;
	[dreg:$0x2] =	wrdreg s2  }
0xa9: {  	[dreg:$0x3] =	wrdreg s4  }
0xaa: {  	[dreg:$0x4] =	wrdreg $0xC0  }
0xab: {  	_ =	task [dreg:s6], $0x5FFFF  }
0xac: {  	[dreg:$0x1] =	wrdreg $0xFFFFFFFF  }
0xad: {  	[dreg:$0x0] =	wrdreg $0x60  }
0xae: {  	[dreg:$0x2] =	wrdreg s24  }
0xaf: {  	[dreg:$0x3] =	wrdreg $0x0  }
0xb0: {  	[dreg:$0x4] =	wrdreg $0x9  }
0xb1: {  	_ =	task.clear_ibuf [dreg:s6], $0x5FFFF;
	_ =	strace $0x90000046  }
0xb2: {  	s29 =	simm.s32 $0x9;
	_ =	strace $0x80000048  }
0xb3: {  	_ =	swait.ge [sflag:s29], $0x1  }
0xb4: {  	[sflag:s29] =	ssyncadd.s32 $0xFFFFFFFF  }
0xb5: {  	_ =	strace $0x90000048  }
0xb6: {  	_ =	sfence  }
0xb7: {  	s30 =	sld [smem:$0x0];
	_ =	sdelay $0x2  }
0xb8: {  	s31 =	sshll.u32 s1, $0xD;
	s1 =	sshrl.u32 s1, $0x2  }
0xb9: {  	s3 =	sand.u32 $0x4000, s31;
	s1 =	sadd.s32 s1, s30  }
0xba: {  	s0 =	sor.u32 s3, s0;
	s1 =	sshll.u32 s1, $0x11  }
0xbb: {  	s0 =	sor.u32 s1, s0  }
0xbc: {  	s0 =	sadd.s32 $0x8F2B, s0  }
0xbd: {  	[sflag:s0] =	ssyncadd.remote.s32 $0x1  }
0xbe: {  	_ =	sfence.sel $0xFFFF  }
0xbf: {  	[dreg:$0x0] =	wrdreg $0xFFFFFFFF;
	(pc) =	sbr.abs _section_cstart, $3  }
0xc0: {  	[dreg:$0x1] =	wrdreg $0xFFFFFFFF  }
0xc1: {  	_ =	task.clear_ibuf [dreg:s6], $0x2FFFF;
	_ =	strace $0x9FFFFFFF  }
0xc2: {  	(tm) =	ssettm $0x7FFFFFFF  }
0xc3: {  	_ =	shalt  }
tec
execute0_lowered:
.L_overlay_start_1:
0x0: {  	(tag) =	ssettag $0x1  }
0x1: {  	s1 =	srdreg.scid;
	s4 =	rddreg [dreg:$0x0]  }
0x2: {  	s0 =	stileid.u32;
	s2 =	rddreg [dreg:$0x1];
	s3 =	simm.s32 $0x0  }
0x3: {  	s10 =	simm.s32 $0x280;
	s11 =	simm.s32 $0x80;
	s12 =	simm.s32 $0x2A80  }
0x4: {  	s13 =	simm.s32 $0x1;
	s5 =	sand.u32 $0x1, s1;
	s6 =	smul.u32 $0x280, s0  }
0x5: {  	s1 =	rddreg [dreg:$0x2];
	s7 =	sshll.u32 s5, $0x4;
	s8 =	smul.u32 $0x2800, s5  }
0x6: {  	s14 =	simm.s32 $0x0;
	[smem:$0x7FF] =	sst s3;
	s7 =	sor.u32 s0, s7  }
0x7: {  	s5 =	ssub.s32 $0x2, s5;
	s7 =	smul.u32 $0x500, s7;
	s8 =	sadd.s32 s6, s8  }
0x8: {  	_ =	strace $0x80000047;
	s31 =	sshrl.u32 s5, $0x1;
	s8 =	sshrl.u32 s8, $0x3  }
0x9: {  	s9 =	ssub.s32 s5, s31;
	s7 =	sadd.s32 s7, s4;
	s8 =	sadd.s32 s8, s4  }
0xa: {  	s4 =	sadd.s32 s6, s2;
	s5 =	sadd.s32 $0x2C00, s7;
	s6 =	sadd.s32 $0xCC00, s8  }
0xb: {  	v0 =	vimm.f32 $0.0e+00;
	v1 =	vimm.f32 $1.000000000e+00;
	s7 =	smax.u32 s9, $0x1;
	s8 =	simm.s32 $0x2B00;
	s9 =	simm.s32 $0x2  }
.LBB2_1:
0xc: {  	[tilespmem:$0x2B00] =	vst v0  }
0xd: {  	[tilespmem:$0x2B10] =	vst v0  }
0xe: {  	[tilespmem:$0x2B20] =	vst v0  }
0xf: {  	[tilespmem:$0x2B30] =	vst v0  }
0x10: {  	[tilespmem:$0x2B40] =	vst v0  }
0x11: {  	[tilespmem:$0x2B50] =	vst v0  }
0x12: {  	[tilespmem:$0x2B60] =	vst v0  }
0x13: {  	[tilespmem:$0x2B70] =	vst v0  }
0x14: {  	[tilespmem:$0x2B80] =	vst v0  }
0x15: {  	[tilespmem:$0x2B90] =	vst v0  }
0x16: {  	[tilespmem:$0x2BA0] =	vst v0  }
0x17: {  	[tilespmem:$0x2BB0] =	vst v0  }
0x18: {  	[tilespmem:$0x2BC0] =	vst v0  }
0x19: {  	[tilespmem:$0x2BD0] =	vst v0  }
0x1a: {  	[tilespmem:$0x2BE0] =	vst v0  }
0x1b: {  	[tilespmem:$0x2BF0] =	vst v0  }
0x1c: {  	[tilespmem:$0x2C00] =	vst v0  }
0x1d: {  	[tilespmem:$0x2C10] =	vst v0  }
0x1e: {  	[tilespmem:$0x2C20] =	vst v0  }
0x1f: {  	[tilespmem:$0x2C30] =	vst v0  }
0x20: {  	[tilespmem:$0x2C40] =	vst v0  }
0x21: {  	[tilespmem:$0x2C50] =	vst v0  }
0x22: {  	[tilespmem:$0x2C60] =	vst v0  }
0x23: {  	[tilespmem:$0x2C70] =	vst v0  }
0x24: {  	[tilespmem:$0x2C80] =	vst v0  }
0x25: {  	[tilespmem:$0x2C90] =	vst v0  }
0x26: {  	[tilespmem:$0x2CA0] =	vst v0  }
0x27: {  	[tilespmem:$0x2CB0] =	vst v0  }
0x28: {  	[tilespmem:$0x2CC0] =	vst v0  }
0x29: {  	[tilespmem:$0x2CD0] =	vst v0  }
0x2a: {  	[tilespmem:$0x2CE0] =	vst v0  }
0x2b: {  	[tilespmem:$0x2CF0] =	vst v0  }
0x2c: {  	[tilespmem:$0x2D00] =	vst v0  }
0x2d: {  	[tilespmem:$0x2D10] =	vst v0  }
0x2e: {  	[tilespmem:$0x2D20] =	vst v0  }
0x2f: {  	[tilespmem:$0x2D30] =	vst v0  }
0x30: {  	[tilespmem:$0x2D40] =	vst v0  }
0x31: {  	[tilespmem:$0x2D50] =	vst v0  }
0x32: {  	[tilespmem:$0x2D60] =	vst v0  }
0x33: {  	[tilespmem:$0x2D70] =	vst v0  }
0x34: {  	[spmem:s4] =	stream.linear.scatter [tilespmem:s8], [sflag:$0x2], $0x280, $0x38;
	[tilespmem:$0x2D80] =	vst v63  }
0x35: {  	_ =	swait.ge [sflag:s9], $0x280  }
0x36: {  	[sflag:s9] =	ssyncset.done $0x0  }
0x37: {  	[sflag:s9] =	ssyncadd.s32 $0xFFFFFD80  }
0x38: {  	[tilespmem:s10], [sflag:$0x2] =	stream.linear.gather [hbm4b:s5+s3], $0x2800, $0x38;
	[tilespmem:$0x2D80] =	vst v63  }
0x39: {  	_ =	swait.ge [sflag:s9], $0x2800  }
0x3a: {  	[sflag:s9] =	ssyncset.done $0x0  }
0x3b: {  	[sflag:s9] =	ssyncadd.s32 $0xFFFFD800  }
0x3c: {  	[tilespmem:$0x2A80] =	vst v1  }
0x3d: {  	[tilespmem:$0x2A90] =	vst v1  }
0x3e: {  	[tilespmem:$0x2AA0] =	vst v1  }
0x3f: {  	[tilespmem:$0x2AB0] =	vst v1  }
0x40: {  	[tilespmem:$0x2AC0] =	vst v1  }
0x41: {  	[tilespmem:$0x2AD0] =	vst v1  }
0x42: {  	[tilespmem:$0x2AE0] =	vst v1  }
0x43: {  	[tilespmem:$0x2AF0] =	vst v1  }
0x44: {  	s15 =	simm.s32 $0x280;
	[bflag:$0x0] =	sbarrier.arrive $0xFFFF  }
0x45: {  	[spmem:s2] =	stream.indirect.scatter.add.f32 [tilespmem:s12], [sflag:$0x1], $0x1, s15, s11, $0xb8;
	[tilespmem:$0x2D80] =	vst v63  }
0x46: {  	s24 =	simm.s32 $0x300  }
0x47: {  	[spmem:s2] =	stream.indirect.scatter.add.f32 [tilespmem:s12], [sflag:$0x1], $0x1, s24, s11, $0xb8;
	[tilespmem:$0x2D80] =	vst v63  }
0x48: {  	s25 =	simm.s32 $0x380  }
0x49: {  	[spmem:s2] =	stream.indirect.scatter.add.f32 [tilespmem:s12], [sflag:$0x1], $0x1, s25, s11, $0xb8;
	[tilespmem:$0x2D80] =	vst v63  }
0x4a: {  	s26 =	simm.s32 $0x400  }
0x4b: {  	[spmem:s2] =	stream.indirect.scatter.add.f32 [tilespmem:s12], [sflag:$0x1], $0x1, s26, s11, $0xb8;
	[tilespmem:$0x2D80] =	vst v63  }
0x4c: {  	s28 =	simm.s32 $0x480  }
0x4d: {  	[spmem:s2] =	stream.indirect.scatter.add.f32 [tilespmem:s12], [sflag:$0x1], $0x1, s28, s11, $0xb8;
	[tilespmem:$0x2D80] =	vst v63  }
0x4e: {  	s29 =	simm.s32 $0x500  }
0x4f: {  	[spmem:s2] =	stream.indirect.scatter.add.f32 [tilespmem:s12], [sflag:$0x1], $0x1, s29, s11, $0xb8;
	[tilespmem:$0x2D80] =	vst v63  }
0x50: {  	s30 =	simm.s32 $0x580  }
0x51: {  	[spmem:s2] =	stream.indirect.scatter.add.f32 [tilespmem:s12], [sflag:$0x1], $0x1, s30, s11, $0xb8;
	[tilespmem:$0x2D80] =	vst v63  }
0x52: {  	s31 =	simm.s32 $0x600  }
0x53: {  	[spmem:s2] =	stream.indirect.scatter.add.f32 [tilespmem:s12], [sflag:$0x1], $0x1, s31, s11, $0xb8;
	[tilespmem:$0x2D80] =	vst v63  }
0x54: {  	_ =	swait.ge [sflag:s13], $0x80  }
0x55: {  	[sflag:s13] =	ssyncset.done $0x0  }
0x56: {  	[sflag:s13] =	ssyncadd.s32 $0xFFFFFF80  }
0x57: {  	_ =	swait.ge [sflag:s13], $0x80  }
0x58: {  	[sflag:s13] =	ssyncset.done $0x0  }
0x59: {  	[sflag:s13] =	ssyncadd.s32 $0xFFFFFF80  }
0x5a: {  	_ =	swait.ge [sflag:s13], $0x80  }
0x5b: {  	[sflag:s13] =	ssyncset.done $0x0  }
0x5c: {  	[sflag:s13] =	ssyncadd.s32 $0xFFFFFF80  }
0x5d: {  	_ =	swait.ge [sflag:s13], $0x80  }
0x5e: {  	[sflag:s13] =	ssyncset.done $0x0  }
0x5f: {  	[sflag:s13] =	ssyncadd.s32 $0xFFFFFF80  }
0x60: {  	_ =	swait.ge [sflag:s13], $0x80  }
0x61: {  	[sflag:s13] =	ssyncset.done $0x0  }
0x62: {  	[sflag:s13] =	ssyncadd.s32 $0xFFFFFF80  }
0x63: {  	_ =	swait.ge [sflag:s13], $0x80  }
0x64: {  	[sflag:s13] =	ssyncset.done $0x0  }
0x65: {  	[sflag:s13] =	ssyncadd.s32 $0xFFFFFF80  }
0x66: {  	_ =	swait.ge [sflag:s13], $0x80  }
0x67: {  	[sflag:s13] =	ssyncset.done $0x0  }
0x68: {  	[sflag:s13] =	ssyncadd.s32 $0xFFFFFF80  }
0x69: {  	_ =	swait.ge [sflag:s13], $0x80  }
0x6a: {  	s18 =	simm.s32 $0x2000;
	s17 =	simm.s32 $0x400;
	[sflag:s13] =	ssyncset.done $0x0  }
.LBB2_2:
0x6b: {  	s19 =	sadd.s32 $0x280, s17  }
0x6c: {  	[sflag:s13] =	ssyncadd.s32 $0xFFFFFF80;
	s16 =	smov.u32 s18;
	s15 =	sadd.s32 $0x1000, s18  }
0x6d: {  	[spmem:s2] =	stream.indirect.scatter.add.f32 [tilespmem:s12], [sflag:$0x1], $0x1, s19, s11, $0xb8;
	[tilespmem:$0x2D80] =	vst v63  }
0x6e: {  	p0 =	sne.s32 s18, $0x9000;
	s18 =	sadd.s32 $0x300, s17  }
0x6f: {  	[spmem:s2] =	stream.indirect.scatter.add.f32 [tilespmem:s12], [sflag:$0x1], $0x1, s18, s11, $0xb8;
	[tilespmem:$0x2D80] =	vst v63  }
0x70: {  	s18 =	sadd.s32 $0x380, s17  }
0x71: {  	[spmem:s2] =	stream.indirect.scatter.add.f32 [tilespmem:s12], [sflag:$0x1], $0x1, s18, s11, $0xb8;
	[tilespmem:$0x2D80] =	vst v63  }
0x72: {  	s18 =	sadd.s32 $0x400, s17  }
0x73: {  	[spmem:s2] =	stream.indirect.scatter.add.f32 [tilespmem:s12], [sflag:$0x1], $0x1, s18, s11, $0xb8;
	[tilespmem:$0x2D80] =	vst v63  }
0x74: {  	s18 =	sadd.s32 $0x480, s17  }
0x75: {  	[spmem:s2] =	stream.indirect.scatter.add.f32 [tilespmem:s12], [sflag:$0x1], $0x1, s18, s11, $0xb8;
	[tilespmem:$0x2D80] =	vst v63  }
0x76: {  	s18 =	sadd.s32 $0x500, s17  }
0x77: {  	[spmem:s2] =	stream.indirect.scatter.add.f32 [tilespmem:s12], [sflag:$0x1], $0x1, s18, s11, $0xb8;
	[tilespmem:$0x2D80] =	vst v63  }
0x78: {  	s18 =	sadd.s32 $0x580, s17  }
0x79: {  	[spmem:s2] =	stream.indirect.scatter.add.f32 [tilespmem:s12], [sflag:$0x1], $0x1, s18, s11, $0xb8;
	[tilespmem:$0x2D80] =	vst v63  }
0x7a: {  	s17 =	sadd.s32 $0x600, s17  }
0x7b: {  	[spmem:s2] =	stream.indirect.scatter.add.f32 [tilespmem:s12], [sflag:$0x1], $0x1, s17, s11, $0xb8;
	[tilespmem:$0x2D80] =	vst v63  }
0x7c: {  	_ =	swait.ge [sflag:s13], $0x80  }
0x7d: {  	[sflag:s13] =	ssyncset.done $0x0  }
0x7e: {  	[sflag:s13] =	ssyncadd.s32 $0xFFFFFF80  }
0x7f: {  	_ =	swait.ge [sflag:s13], $0x80  }
0x80: {  	[sflag:s13] =	ssyncset.done $0x0  }
0x81: {  	[sflag:s13] =	ssyncadd.s32 $0xFFFFFF80  }
0x82: {  	_ =	swait.ge [sflag:s13], $0x80  }
0x83: {  	[sflag:s13] =	ssyncset.done $0x0  }
0x84: {  	[sflag:s13] =	ssyncadd.s32 $0xFFFFFF80  }
0x85: {  	_ =	swait.ge [sflag:s13], $0x80  }
0x86: {  	[sflag:s13] =	ssyncset.done $0x0  }
0x87: {  	[sflag:s13] =	ssyncadd.s32 $0xFFFFFF80  }
0x88: {  	_ =	swait.ge [sflag:s13], $0x80  }
0x89: {  	[sflag:s13] =	ssyncset.done $0x0  }
0x8a: {  	[sflag:s13] =	ssyncadd.s32 $0xFFFFFF80  }
0x8b: {  	_ =	swait.ge [sflag:s13], $0x80  }
0x8c: {  	[sflag:s13] =	ssyncset.done $0x0  }
0x8d: {  	[sflag:s13] =	ssyncadd.s32 $0xFFFFFF80  }
.Ltmp0:
0x8e: {  	_ =	swait.ge [sflag:s13], $0x80;
	(pc) =	sbr.rel @p0 .LBB2_2-.Ltmp0, $4  }
0x8f: {  	[sflag:s13] =	ssyncset.done $0x0  }
0x90: {  	[sflag:s13] =	ssyncadd.s32 $0xFFFFFF80  }
0x91: {  	_ =	swait.ge [sflag:s13], $0x80  }
0x92: {  	s18 =	smov.u32 s15;
	s17 =	sshra.s32 s16, $0x2;
	[sflag:s13] =	ssyncset.done $0x0  }
0x93: {  	s15 =	sadd.s32 $0x280, s17;
	[sflag:s13] =	ssyncadd.s32 $0xFFFFFF80  }
0x94: {  	[spmem:s2] =	stream.indirect.scatter.add.f32 [tilespmem:s12], [sflag:$0x1], $0x1, s15, s11, $0xb8;
	[tilespmem:$0x2D80] =	vst v63  }
0x95: {  	s24 =	sadd.s32 $0x300, s17  }
0x96: {  	[spmem:s2] =	stream.indirect.scatter.add.f32 [tilespmem:s12], [sflag:$0x1], $0x1, s24, s11, $0xb8;
	[tilespmem:$0x2D80] =	vst v63  }
0x97: {  	s25 =	sadd.s32 $0x380, s17  }
0x98: {  	[spmem:s2] =	stream.indirect.scatter.add.f32 [tilespmem:s12], [sflag:$0x1], $0x1, s25, s11, $0xb8;
	[tilespmem:$0x2D80] =	vst v63  }
0x99: {  	s26 =	sadd.s32 $0x400, s17  }
0x9a: {  	[spmem:s2] =	stream.indirect.scatter.add.f32 [tilespmem:s12], [sflag:$0x1], $0x1, s26, s11, $0xb8;
	[tilespmem:$0x2D80] =	vst v63  }
0x9b: {  	s28 =	sadd.s32 $0x480, s17  }
0x9c: {  	[spmem:s2] =	stream.indirect.scatter.add.f32 [tilespmem:s12], [sflag:$0x1], $0x1, s28, s11, $0xb8;
	[tilespmem:$0x2D80] =	vst v63  }
0x9d: {  	s29 =	sadd.s32 $0x500, s17  }
0x9e: {  	[spmem:s2] =	stream.indirect.scatter.add.f32 [tilespmem:s12], [sflag:$0x1], $0x1, s29, s11, $0xb8;
	[tilespmem:$0x2D80] =	vst v63  }
0x9f: {  	s30 =	sadd.s32 $0x580, s17  }
0xa0: {  	[spmem:s2] =	stream.indirect.scatter.add.f32 [tilespmem:s12], [sflag:$0x1], $0x1, s30, s11, $0xb8;
	[tilespmem:$0x2D80] =	vst v63  }
0xa1: {  	s31 =	sadd.s32 $0x600, s17  }
0xa2: {  	[spmem:s2] =	stream.indirect.scatter.add.f32 [tilespmem:s12], [sflag:$0x1], $0x1, s31, s11, $0xb8;
	[tilespmem:$0x2D80] =	vst v63  }
0xa3: {  	_ =	swait.ge [sflag:s13], $0x80  }
0xa4: {  	[sflag:s13] =	ssyncset.done $0x0  }
0xa5: {  	[sflag:s13] =	ssyncadd.s32 $0xFFFFFF80  }
0xa6: {  	_ =	swait.ge [sflag:s13], $0x80  }
0xa7: {  	[sflag:s13] =	ssyncset.done $0x0  }
0xa8: {  	[sflag:s13] =	ssyncadd.s32 $0xFFFFFF80  }
0xa9: {  	_ =	swait.ge [sflag:s13], $0x80  }
0xaa: {  	[sflag:s13] =	ssyncset.done $0x0  }
0xab: {  	[sflag:s13] =	ssyncadd.s32 $0xFFFFFF80  }
0xac: {  	_ =	swait.ge [sflag:s13], $0x80  }
0xad: {  	[sflag:s13] =	ssyncset.done $0x0  }
0xae: {  	[sflag:s13] =	ssyncadd.s32 $0xFFFFFF80  }
0xaf: {  	_ =	swait.ge [sflag:s13], $0x80  }
0xb0: {  	[sflag:s13] =	ssyncset.done $0x0  }
0xb1: {  	[sflag:s13] =	ssyncadd.s32 $0xFFFFFF80  }
0xb2: {  	_ =	swait.ge [sflag:s13], $0x80  }
0xb3: {  	[sflag:s13] =	ssyncset.done $0x0  }
0xb4: {  	[sflag:s13] =	ssyncadd.s32 $0xFFFFFF80  }
0xb5: {  	_ =	swait.ge [sflag:s13], $0x80  }
0xb6: {  	[sflag:s13] =	ssyncset.done $0x0  }
0xb7: {  	[sflag:s13] =	ssyncadd.s32 $0xFFFFFF80  }
0xb8: {  	_ =	swait.ge [sflag:s13], $0x80  }
0xb9: {  	[sflag:s13] =	ssyncset.done $0x0  }
0xba: {  	[sflag:s13] =	ssyncadd.s32 $0xFFFFFF80  }
0xbb: {  	[bflag:$0x0] =	sbarrier.arrive $0xFFFF  }
0xbc: {  	[tilespmem:s8], [sflag:$0x2] =	stream.linear.gather [spmem:s4], $0x280, $0x38;
	[tilespmem:$0x2D80] =	vst v63  }
0xbd: {  	s14 =	sadd.s32 $0x1, s14;
	_ =	swait.ge [sflag:s9], $0x280  }
0xbe: {  	p0 =	sne.s32 s14, s7;
	[sflag:s9] =	ssyncset.done $0x0  }
.Ltmp1:
0xbf: {  	[sflag:s9] =	ssyncadd.s32 $0xFFFFFD80;
	(pc) =	sbr.rel @p0 .LBB2_1-.Ltmp1, $4  }
0xc0: {  	[hbm4b:s6+s3] =	stream.linear.scatter [tilespmem:s8], [sflag:$0x2], $0x280, $0x38;
	[tilespmem:$0x2D80] =	vst v63  }
0xc1: {  	_ =	swait.ge [sflag:s9], $0x280  }
0xc2: {  	[sflag:s9] =	ssyncset.done $0x0  }
0xc3: {  	[sflag:s9] =	ssyncadd.s32 $0xFFFFFD80  }
0xc4: {  	_ =	sfence.sel $0x180000  }
0xc5: {  	[bflag:$0x0] =	sbarrier.arrive $0xFFFF  }
0xc6: {  	p0 =	sne.s32 s0, $0x0;
	_ =	strace $0x90000047  }
0xc7: {  	s0 =	sadd.s32 @!p0 $0x100000, s1;
	[bflag:$0x2] =	sbarrier.arrive $0xFFFF  }
0xc8: {  	[sflag:s0] =	ssyncadd.tile.s32 @!p0 $0x1;
	_ =	shalt  }
.Lfunc_end2:
_tile_overlayer_lowered:
.L_overlay_start_2:
0xc9: {  	(tag) =	ssettag $0x2  }
0xca: {  	s0 =	rddreg [dreg:$0x0];
	s2 =	stileid.u32  }
0xcb: {  	s1 =	rddreg [dreg:$0x1];
	p0 =	sne.s32 s2, $0x0  }
0xcc: {  	s3 =	rddreg [dreg:$0x2];
	[bflag:$0x3] =	sbarrier.arrive $0xFFFF;
	s2 =	simm.s32 @!p0 $0x1C02  }
0xcd: {  	[timem:s3], [sflag:s2] =	dma.local @!p0 [hbm:s0], s1  }
0xce: {  	s0 =	simm.s32 @!p0 $0x2  }
0xcf: {  	_ =	swait.ge @!p0 [sflag:s0], s1  }
0xd0: {  	s1 =	ssub.s32 @!p0 $0x0, s1;
	[sflag:s0] =	ssyncset.done @!p0 $0x0  }
0xd1: {  	[sflag:s0] =	ssyncadd.s32 @!p0 s1  }
0xd2: {  	[bflag:$0x3] =	sbarrier.arrive $0xFFFF  }
0xd3: {  	_ =	shalt  }

</sc_bundles>
